<compile_context>
chip_gen: v7x
topology: tpu7x:2x2x1
jax: 0.10.2.dev20260603
libtpu: 0.0.44.dev20260713+nightly
codegen_flags: <defaults>
</compile_context>

<pallas_src>
import functools

import jax
import jax.numpy as jnp
from jax import lax
from jax.experimental import pallas as pl
from jax.experimental.pallas import tpu as pltpu
from jax.experimental.pallas import tpu_sc as plsc

_V = 1000000
_D = 64
_HID = 128
_B = 4096
_L = 50
_N = _B * 2 * _L
_NSUB = 16
_NT = _N // _NSUB
_TPF = _NT // 128
_DPC = _D // 2

def _sc_gather_body(tt_hbm, x_hbm, out_hbm, stripe_sh, idx_v, vals_v,
                    gsem, wsem):
    cid = lax.axis_index("c")
    sid = lax.axis_index("s")
    d_base = cid * _DPC

    pltpu.sync_copy(x_hbm.at[sid], idx_v)

    def stage_stripe(d):
        @pl.when(sid == d % _NSUB)
        def _():
            pltpu.sync_copy(tt_hbm.at[d_base + d, :], stripe_sh)

    for d in range(_DPC):
        stage_stripe(d)
        plsc.subcore_barrier()
        if d >= 1:
            pltpu.make_async_copy(
                vals_v,
                out_hbm.at[d_base + d - 1, pl.ds(sid * _NT, _NT)],
                wsem).wait()
        pltpu.async_copy(stripe_sh.at[idx_v], vals_v, gsem).wait()
        plsc.subcore_barrier()
        pltpu.make_async_copy(
            vals_v,
            out_hbm.at[d_base + d, pl.ds(sid * _NT, _NT)],
            wsem).start()

    pltpu.make_async_copy(
        vals_v,
        out_hbm.at[d_base + _DPC - 1, pl.ds(sid * _NT, _NT)],
        wsem).wait()


def _sc_gather(tt, x_grouped):
    k = functools.partial(
        pl.kernel,
        out_type=jax.ShapeDtypeStruct((_D, _N), jnp.float32),
        mesh=plsc.VectorSubcoreMesh(core_axis_name="c", subcore_axis_name="s"),
        scratch_types=[
            pltpu.VMEM_SHARED((_V,), jnp.float32),
            pltpu.VMEM((_NT,), jnp.int32),
            pltpu.VMEM((_NT,), jnp.float32),
            pltpu.SemaphoreType.DMA,
            pltpu.SemaphoreType.DMA,
        ],
    )(_sc_gather_body)
    return k(tt, x_grouped)


_RB = 200
_JB = _RB * 128
_GB = _JB // _L
_SUB = 4
_JS = _JB // _SUB


def _tc_body(g_ref, phi_wt_ref, phi_bc_ref, rho_wt_ref, rho_bc_ref,
             u_ref, out_ref):
    g = g_ref[...]
    e = jnp.maximum(g, 0.0)
    h = jnp.maximum(
        jnp.dot(phi_wt_ref[...], e, preferred_element_type=jnp.float32)
        + phi_bc_ref[...], 0.0)
    j_ids = lax.broadcasted_iota(jnp.int32, (_JS, _GB // _SUB), 0) // _L
    g_ids = lax.broadcasted_iota(jnp.int32, (_JS, _GB // _SUB), 1)
    pool = (j_ids == g_ids).astype(jnp.float32)
    parts = []
    for s in range(_SUB):
        hs = h[:, s * _JS:(s + 1) * _JS]
        parts.append(jnp.dot(hs, pool, preferred_element_type=jnp.float32))
    hp = jnp.concatenate(parts, axis=1)
    sN = jnp.maximum(
        jnp.dot(rho_wt_ref[...], hp, preferred_element_type=jnp.float32)
        + rho_bc_ref[...], 0.0)
    out_ref[...] = jnp.dot(
        u_ref[...], sN, preferred_element_type=jnp.float32)


def _tc_dense(g2, phi_wt, phi_bc, rho_wt, rho_bc, u, interpret=False):
    grid = _N // _JB
    return pl.pallas_call(
        _tc_body,
        grid=(grid,),
        in_specs=[
            pl.BlockSpec((_D, _JB), lambda i: (0, i)),
            pl.BlockSpec((_HID, _D), lambda i: (0, 0)),
            pl.BlockSpec((_HID, 1), lambda i: (0, 0)),
            pl.BlockSpec((_HID, _HID), lambda i: (0, 0)),
            pl.BlockSpec((_HID, 1), lambda i: (0, 0)),
            pl.BlockSpec((4, _HID), lambda i: (0, 0)),
        ],
        out_specs=pl.BlockSpec((4, _GB), lambda i: (0, i)),
        out_shape=jax.ShapeDtypeStruct((4, 2 * _B), jnp.float32),
        interpret=interpret,
    )(g2, phi_wt, phi_bc, rho_wt, rho_bc, u)


def kernel(x, embed_table, phi_w, phi_b, rho_w, rho_b, fc_w, fc_b):
    tt = embed_table.T
    x_grouped = x.reshape(_NSUB, _NT)
    g2 = _sc_gather(tt, x_grouped)

    u = jnp.concatenate([fc_w[:_HID].T, fc_w[_HID:].T], axis=0)
    t4 = _tc_dense(
        g2,
        phi_w.T,
        phi_b.reshape(_HID, 1),
        rho_w.T,
        rho_b.reshape(_HID, 1),
        u,
    )
    t4r = t4.reshape(4, _B, 2)
    out_t = t4r[0:2, :, 0] + t4r[2:4, :, 1]
    return out_t.T + fc_b[None, :]

# --- scband reference (transcript-rebuilt; emitter-appended) ---
"""Pipeline reference for scband-baseline-embed-deep-sets-32427003085481 (READ-ONLY COPY).

The authoritative reference and input builder live on the scoring server;
editing this copy changes nothing except your own understanding.
"""

import jax, jax.numpy as jnp
import numpy as np

NEMBED = 1000000
EMBED_DIM = 64
HID_DIM = 128
NUM_CLASSES = 2
BATCH = 4096
SET_LEN = 50


def setup_inputs(seed: int = 0) -> dict:
    key = jax.random.key(seed)
    ks = jax.random.split(key, 8)
    x = jax.random.randint(ks[0], (BATCH, 2, SET_LEN), 0, NEMBED, dtype=jnp.int64 if jax.config.jax_enable_x64 else jnp.int32)
    x = x.astype(jnp.int32)
    embed_table = jax.random.normal(ks[1], (NEMBED, EMBED_DIM), dtype=jnp.float32) * 0.02
    phi_w = jax.random.normal(ks[2], (EMBED_DIM, HID_DIM), dtype=jnp.float32) * (1.0 / np.sqrt(EMBED_DIM))
    phi_b = jnp.zeros((HID_DIM,), dtype=jnp.float32)
    rho_w = jax.random.normal(ks[3], (HID_DIM, HID_DIM), dtype=jnp.float32) * (1.0 / np.sqrt(HID_DIM))
    rho_b = jnp.zeros((HID_DIM,), dtype=jnp.float32)
    fc_w = jax.random.normal(ks[4], (2 * HID_DIM, NUM_CLASSES), dtype=jnp.float32) * (1.0 / np.sqrt(2 * HID_DIM))
    fc_b = jnp.zeros((NUM_CLASSES,), dtype=jnp.float32)
    return {"x": x, "embed_table": embed_table, "phi_w": phi_w, "phi_b": phi_b, "rho_w": rho_w, "rho_b": rho_b, "fc_w": fc_w, "fc_b": fc_b}


def _deepsets(e, phi_w, phi_b, rho_w, rho_b):
    # phi: per-element MLP, sum-pool over set axis, rho: post-pool linear
    h = jax.nn.relu(e @ phi_w + phi_b)          # [B, L, hid]
    s = jnp.sum(h, axis=1)                       # [B, hid]
    return s @ rho_w + rho_b                     # [B, hid]


def reference(x, embed_table, phi_w, phi_b, rho_w, rho_b, fc_w, fc_b):
    x1 = x[:, 0]                                 # [B, L]
    x2 = x[:, 1]                                 # [B, L]
    embed1 = jax.nn.relu(jnp.take(embed_table, x1, axis=0))  # [B, L, d]
    embed2 = jax.nn.relu(jnp.take(embed_table, x2, axis=0))  # [B, L, d]
    # NOTE: original torch forward uses set_embed1 for BOTH branches (set_embed2 unused)
    set1 = jax.nn.relu(_deepsets(embed1, phi_w, phi_b, rho_w, rho_b))
    set2 = jax.nn.relu(_deepsets(embed2, phi_w, phi_b, rho_w, rho_b))
    sets = jnp.concatenate([set1, set2], axis=1)  # [B, 2*hid]
    return sets @ fc_w + fc_b                     # [B, num_classes]

if __name__ == "__main__":
    import jax
    _d = setup_inputs()
    print(jax.jit(kernel)(*tuple(_d.values())))

</pallas_src>

<mosaic_0001>
#map = affine_map<(d0, d1) -> (0, 0)>
module attributes {stable_mosaic.version = 14 : i64} {
  func.func @_sc_gather_body(%arg0: i32, %arg1: i32, %arg2: memref<64x1000000xf32, #tpu.memory_space<hbm>>, %arg3: memref<16x25600xi32, #tpu.memory_space<hbm>>, %arg4: memref<64x409600xf32, #tpu.memory_space<hbm>>, %arg5: memref<1000000xf32, #tpu.memory_space<vmem_shared>>, %arg6: memref<25600xi32, #tpu.memory_space<vmem>>, %arg7: memref<25600xf32, #tpu.memory_space<vmem>>, %arg8: memref<!tpu.dma_semaphore, #tpu.memory_space<semaphore_mem>>, %arg9: memref<!tpu.dma_semaphore, #tpu.memory_space<semaphore_mem>>) attributes {dimension_semantics = [#tpu.dimension_semantics<core_parallel>, #tpu.dimension_semantics<subcore_parallel>], iteration_bounds = array<i64: 2, 16>, scalar_prefetch = 0 : i64, scratch_operands = 5 : i64, tpu.core_type = #tpu.core_type<sc_vector_subcore>, window_params = [{transform_indices = #map}, {transform_indices = #map}, {transform_indices = #map}]} {
    %mul3A = arith.constant 32 : i32
    %mul3A_0 = arith.muli %arg0, %mul3A : i32
    "tpu.region"() ({
      %run_scoped3A = tpu.sem_alloc : memref<!tpu.dma_semaphore, #tpu.memory_space<semaphore_mem>>
      %dma_start3A_921 = arith.constant 0 : i32
      %dma_start3A_922 = tpu.memref_slice %arg3[%arg1, %dma_start3A_921] : memref<16x25600xi32, #tpu.memory_space<hbm>> -> memref<1x25600xi32, #tpu.memory_space<hbm>>
      %dma_start3A_923 = tpu.memref_squeeze %dma_start3A_922 : memref<1x25600xi32, #tpu.memory_space<hbm>> -> memref<25600xi32, #tpu.memory_space<hbm>>
      %dma_start3A_924 = arith.constant 0 : i32
      %dma_start3A_925 = tpu.memref_slice %arg3[%arg1, %dma_start3A_924] : memref<16x25600xi32, #tpu.memory_space<hbm>> -> memref<1x25600xi32, #tpu.memory_space<hbm>>
      %dma_start3A_926 = tpu.memref_squeeze %dma_start3A_925 : memref<1x25600xi32, #tpu.memory_space<hbm>> -> memref<25600xi32, #tpu.memory_space<hbm>>
      tpu.enqueue_dma source(%dma_start3A_926 : memref<25600xi32, #tpu.memory_space<hbm>>) target(%arg6 : memref<25600xi32, #tpu.memory_space<vmem>>) target_semaphore(%run_scoped3A : memref<!tpu.dma_semaphore, #tpu.memory_space<semaphore_mem>>)
      %dma_wait3A_927 = arith.constant 0 : i32
      %dma_wait3A_928 = tpu.memref_slice %arg3[%arg1, %dma_wait3A_927] : memref<16x25600xi32, #tpu.memory_space<hbm>> -> memref<1x25600xi32, #tpu.memory_space<hbm>>
      %dma_wait3A_929 = tpu.memref_squeeze %dma_wait3A_928 : memref<1x25600xi32, #tpu.memory_space<hbm>> -> memref<25600xi32, #tpu.memory_space<hbm>>
      %dma_wait3A_930 = arith.constant 0 : i32
      %dma_wait3A_931 = tpu.memref_slice %arg3[%arg1, %dma_wait3A_930] : memref<16x25600xi32, #tpu.memory_space<hbm>> -> memref<1x25600xi32, #tpu.memory_space<hbm>>
      %dma_wait3A_932 = tpu.memref_squeeze %dma_wait3A_931 : memref<1x25600xi32, #tpu.memory_space<hbm>> -> memref<25600xi32, #tpu.memory_space<hbm>>
      tpu.wait_dma2 semaphore(%run_scoped3A : memref<!tpu.dma_semaphore, #tpu.memory_space<semaphore_mem>>) src(%dma_wait3A_932 : memref<25600xi32, #tpu.memory_space<hbm>>) dst(%arg6 : memref<25600xi32, #tpu.memory_space<vmem>>)
      tpu.yield
    }) : () -> ()
    %eq3A = arith.constant 0 : i32
    %eq3A_1 = arith.cmpi eq, %arg1, %eq3A : i32
    %convert_element_type3A = arith.extui %eq3A_1 : i1 to i32
    %cond3A = arith.constant 0 : i32
    %cond3A_2 = arith.cmpi ne, %convert_element_type3A, %cond3A : i32
    scf.if %cond3A_2 {
      %add3A_921 = arith.constant 0 : i32
      %add3A_922 = arith.addi %mul3A_0, %add3A_921 : i32
      "tpu.region"() ({
        %run_scoped3A = tpu.sem_alloc : memref<!tpu.dma_semaphore, #tpu.memory_space<semaphore_mem>>
        %dma_start3A_923 = arith.constant 0 : i32
        %dma_start3A_924 = tpu.memref_slice %arg2[%add3A_922, %dma_start3A_923] : memref<64x1000000xf32, #tpu.memory_space<hbm>> -> memref<1x1000000xf32, #tpu.memory_space<hbm>>
        %dma_start3A_925 = tpu.memref_squeeze %dma_start3A_924 : memref<1x1000000xf32, #tpu.memory_space<hbm>> -> memref<1000000xf32, #tpu.memory_space<hbm>>
        tpu.enqueue_dma source(%dma_start3A_925 : memref<1000000xf32, #tpu.memory_space<hbm>>) target(%arg5 : memref<1000000xf32, #tpu.memory_space<vmem_shared>>) target_semaphore(%run_scoped3A : memref<!tpu.dma_semaphore, #tpu.memory_space<semaphore_mem>>)
        %dma_wait3A_926 = arith.constant 0 : i32
        %dma_wait3A_927 = tpu.memref_slice %arg2[%add3A_922, %dma_wait3A_926] : memref<64x1000000xf32, #tpu.memory_space<hbm>> -> memref<1x1000000xf32, #tpu.memory_space<hbm>>
        %dma_wait3A_928 = tpu.memref_squeeze %dma_wait3A_927 : memref<1x1000000xf32, #tpu.memory_space<hbm>> -> memref<1000000xf32, #tpu.memory_space<hbm>>
        tpu.wait_dma2 semaphore(%run_scoped3A : memref<!tpu.dma_semaphore, #tpu.memory_space<semaphore_mem>>) src(%dma_wait3A_928 : memref<1000000xf32, #tpu.memory_space<hbm>>) dst(%arg5 : memref<1000000xf32, #tpu.memory_space<vmem_shared>>)
        tpu.yield
      }) : () -> ()
    } else {
    }
    %barrier3A = arith.constant 0 : index
    tpu.barrier barrier_id(%barrier3A)
    %dma_start3A = arith.constant 0 : i32
    %dma_start3A_3 = tpu.memref_slice %arg5[%dma_start3A] : memref<1000000xf32, #tpu.memory_space<vmem_shared>> -> memref<1000000xf32, #tpu.memory_space<vmem_shared>>
    tpu.enqueue_indirect_dma source(%dma_start3A_3 : memref<1000000xf32, #tpu.memory_space<vmem_shared>>) target(%arg7 : memref<25600xf32, #tpu.memory_space<vmem>>) offsets(%arg6 : memref<25600xi32, #tpu.memory_space<vmem>>) semaphore(%arg8 : memref<!tpu.dma_semaphore, #tpu.memory_space<semaphore_mem>>)
    %dma_wait3A = arith.constant 0 : i32
    %dma_wait3A_4 = tpu.memref_slice %arg5[%dma_wait3A] : memref<1000000xf32, #tpu.memory_space<vmem_shared>> -> memref<1000000xf32, #tpu.memory_space<vmem_shared>>
    tpu.wait_indirect_dma semaphore(%arg8 : memref<!tpu.dma_semaphore, #tpu.memory_space<semaphore_mem>>) src(%dma_wait3A_4 : memref<1000000xf32, #tpu.memory_space<vmem_shared>>) dst(%arg7 : memref<25600xf32, #tpu.memory_space<vmem>>)
    %barrier3A_5 = arith.constant 0 : index
    tpu.barrier barrier_id(%barrier3A_5)
    %add3A = arith.constant 0 : i32
    %add3A_6 = arith.addi %mul3A_0, %add3A : i32
    %mul3A_7 = arith.constant 25600 : i32
    %mul3A_8 = arith.muli %arg1, %mul3A_7 : i32
    %dma_start3A_9 = tpu.memref_slice %arg4[%add3A_6, %mul3A_8] : memref<64x409600xf32, #tpu.memory_space<hbm>> -> memref<1x25600xf32, #tpu.memory_space<hbm>>
    %dma_start3A_10 = tpu.memref_squeeze %dma_start3A_9 : memref<1x25600xf32, #tpu.memory_space<hbm>> -> memref<25600xf32, #tpu.memory_space<hbm>>
    %dma_start3A_11 = tpu.memref_slice %arg4[%add3A_6, %mul3A_8] : memref<64x409600xf32, #tpu.memory_space<hbm>> -> memref<1x25600xf32, #tpu.memory_space<hbm>>
    %dma_start3A_12 = tpu.memref_squeeze %dma_start3A_11 : memref<1x25600xf32, #tpu.memory_space<hbm>> -> memref<25600xf32, #tpu.memory_space<hbm>>
    tpu.enqueue_dma source(%arg7 : memref<25600xf32, #tpu.memory_space<vmem>>) target(%dma_start3A_12 : memref<25600xf32, #tpu.memory_space<hbm>>) target_semaphore(%arg9 : memref<!tpu.dma_semaphore, #tpu.memory_space<semaphore_mem>>)
    %eq3A_13 = arith.constant 1 : i32
    %eq3A_14 = arith.cmpi eq, %arg1, %eq3A_13 : i32
    %convert_element_type3A_15 = arith.extui %eq3A_14 : i1 to i32
    %cond3A_16 = arith.constant 0 : i32
    %cond3A_17 = arith.cmpi ne, %convert_element_type3A_15, %cond3A_16 : i32
    scf.if %cond3A_17 {
      %add3A_921 = arith.constant 1 : i32
      %add3A_922 = arith.addi %mul3A_0, %add3A_921 : i32
      "tpu.region"() ({
        %run_scoped3A = tpu.sem_alloc : memref<!tpu.dma_semaphore, #tpu.memory_space<semaphore_mem>>
        %dma_start3A_923 = arith.constant 0 : i32
        %dma_start3A_924 = tpu.memref_slice %arg2[%add3A_922, %dma_start3A_923] : memref<64x1000000xf32, #tpu.memory_space<hbm>> -> memref<1x1000000xf32, #tpu.memory_space<hbm>>
        %dma_start3A_925 = tpu.memref_squeeze %dma_start3A_924 : memref<1x1000000xf32, #tpu.memory_space<hbm>> -> memref<1000000xf32, #tpu.memory_space<hbm>>
        tpu.enqueue_dma source(%dma_start3A_925 : memref<1000000xf32, #tpu.memory_space<hbm>>) target(%arg5 : memref<1000000xf32, #tpu.memory_space<vmem_shared>>) target_semaphore(%run_scoped3A : memref<!tpu.dma_semaphore, #tpu.memory_space<semaphore_mem>>)
        %dma_wait3A_926 = arith.constant 0 : i32
        %dma_wait3A_927 = tpu.memref_slice %arg2[%add3A_922, %dma_wait3A_926] : memref<64x1000000xf32, #tpu.memory_space<hbm>> -> memref<1x1000000xf32, #tpu.memory_space<hbm>>
        %dma_wait3A_928 = tpu.memref_squeeze %dma_wait3A_927 : memref<1x1000000xf32, #tpu.memory_space<hbm>> -> memref<1000000xf32, #tpu.memory_space<hbm>>
        tpu.wait_dma2 semaphore(%run_scoped3A : memref<!tpu.dma_semaphore, #tpu.memory_space<semaphore_mem>>) src(%dma_wait3A_928 : memref<1000000xf32, #tpu.memory_space<hbm>>) dst(%arg5 : memref<1000000xf32, #tpu.memory_space<vmem_shared>>)
        tpu.yield
      }) : () -> ()
    } else {
    }
    %barrier3A_18 = arith.constant 0 : index
    tpu.barrier barrier_id(%barrier3A_18)
    %add3A_19 = arith.constant 1 : i32
    %add3A_20 = arith.addi %mul3A_0, %add3A_19 : i32
    %sub3A = arith.constant 1 : i32
    %sub3A_21 = arith.subi %add3A_20, %sub3A : i32
    %mul3A_22 = arith.constant 25600 : i32
    %mul3A_23 = arith.muli %arg1, %mul3A_22 : i32
    %dma_wait3A_24 = tpu.memref_slice %arg4[%sub3A_21, %mul3A_23] : memref<64x409600xf32, #tpu.memory_space<hbm>> -> memref<1x25600xf32, #tpu.memory_space<hbm>>
    %dma_wait3A_25 = tpu.memref_squeeze %dma_wait3A_24 : memref<1x25600xf32, #tpu.memory_space<hbm>> -> memref<25600xf32, #tpu.memory_space<hbm>>
    %dma_wait3A_26 = tpu.memref_slice %arg4[%sub3A_21, %mul3A_23] : memref<64x409600xf32, #tpu.memory_space<hbm>> -> memref<1x25600xf32, #tpu.memory_space<hbm>>
    %dma_wait3A_27 = tpu.memref_squeeze %dma_wait3A_26 : memref<1x25600xf32, #tpu.memory_space<hbm>> -> memref<25600xf32, #tpu.memory_space<hbm>>
    tpu.wait_dma2 semaphore(%arg9 : memref<!tpu.dma_semaphore, #tpu.memory_space<semaphore_mem>>) src(%arg7 : memref<25600xf32, #tpu.memory_space<vmem>>) dst(%dma_wait3A_27 : memref<25600xf32, #tpu.memory_space<hbm>>)
    %dma_start3A_28 = arith.constant 0 : i32
    %dma_start3A_29 = tpu.memref_slice %arg5[%dma_start3A_28] : memref<1000000xf32, #tpu.memory_space<vmem_shared>> -> memref<1000000xf32, #tpu.memory_space<vmem_shared>>
    tpu.enqueue_indirect_dma source(%dma_start3A_29 : memref<1000000xf32, #tpu.memory_space<vmem_shared>>) target(%arg7 : memref<25600xf32, #tpu.memory_space<vmem>>) offsets(%arg6 : memref<25600xi32, #tpu.memory_space<vmem>>) semaphore(%arg8 : memref<!tpu.dma_semaphore, #tpu.memory_space<semaphore_mem>>)
    %dma_wait3A_30 = arith.constant 0 : i32
    %dma_wait3A_31 = tpu.memref_slice %arg5[%dma_wait3A_30] : memref<1000000xf32, #tpu.memory_space<vmem_shared>> -> memref<1000000xf32, #tpu.memory_space<vmem_shared>>
    tpu.wait_indirect_dma semaphore(%arg8 : memref<!tpu.dma_semaphore, #tpu.memory_space<semaphore_mem>>) src(%dma_wait3A_31 : memref<1000000xf32, #tpu.memory_space<vmem_shared>>) dst(%arg7 : memref<25600xf32, #tpu.memory_space<vmem>>)
    %barrier3A_32 = arith.constant 0 : index
    tpu.barrier barrier_id(%barrier3A_32)
    %add3A_33 = arith.constant 1 : i32
    %add3A_34 = arith.addi %mul3A_0, %add3A_33 : i32
    %mul3A_35 = arith.constant 25600 : i32
    %mul3A_36 = arith.muli %arg1, %mul3A_35 : i32
    %dma_start3A_37 = tpu.memref_slice %arg4[%add3A_34, %mul3A_36] : memref<64x409600xf32, #tpu.memory_space<hbm>> -> memref<1x25600xf32, #tpu.memory_space<hbm>>
    %dma_start3A_38 = tpu.memref_squeeze %dma_start3A_37 : memref<1x25600xf32, #tpu.memory_space<hbm>> -> memref<25600xf32, #tpu.memory_space<hbm>>
    %dma_start3A_39 = tpu.memref_slice %arg4[%add3A_34, %mul3A_36] : memref<64x409600xf32, #tpu.memory_space<hbm>> -> memref<1x25600xf32, #tpu.memory_space<hbm>>
    %dma_start3A_40 = tpu.memref_squeeze %dma_start3A_39 : memref<1x25600xf32, #tpu.memory_space<hbm>> -> memref<25600xf32, #tpu.memory_space<hbm>>
    tpu.enqueue_dma source(%arg7 : memref<25600xf32, #tpu.memory_space<vmem>>) target(%dma_start3A_40 : memref<25600xf32, #tpu.memory_space<hbm>>) target_semaphore(%arg9 : memref<!tpu.dma_semaphore, #tpu.memory_space<semaphore_mem>>)
    %eq3A_41 = arith.constant 2 : i32
    %eq3A_42 = arith.cmpi eq, %arg1, %eq3A_41 : i32
    %convert_element_type3A_43 = arith.extui %eq3A_42 : i1 to i32
    %cond3A_44 = arith.constant 0 : i32
    %cond3A_45 = arith.cmpi ne, %convert_element_type3A_43, %cond3A_44 : i32
    scf.if %cond3A_45 {
      %add3A_921 = arith.constant 2 : i32
      %add3A_922 = arith.addi %mul3A_0, %add3A_921 : i32
      "tpu.region"() ({
        %run_scoped3A = tpu.sem_alloc : memref<!tpu.dma_semaphore, #tpu.memory_space<semaphore_mem>>
        %dma_start3A_923 = arith.constant 0 : i32
        %dma_start3A_924 = tpu.memref_slice %arg2[%add3A_922, %dma_start3A_923] : memref<64x1000000xf32, #tpu.memory_space<hbm>> -> memref<1x1000000xf32, #tpu.memory_space<hbm>>
        %dma_start3A_925 = tpu.memref_squeeze %dma_start3A_924 : memref<1x1000000xf32, #tpu.memory_space<hbm>> -> memref<1000000xf32, #tpu.memory_space<hbm>>
        tpu.enqueue_dma source(%dma_start3A_925 : memref<1000000xf32, #tpu.memory_space<hbm>>) target(%arg5 : memref<1000000xf32, #tpu.memory_space<vmem_shared>>) target_semaphore(%run_scoped3A : memref<!tpu.dma_semaphore, #tpu.memory_space<semaphore_mem>>)
        %dma_wait3A_926 = arith.constant 0 : i32
        %dma_wait3A_927 = tpu.memref_slice %arg2[%add3A_922, %dma_wait3A_926] : memref<64x1000000xf32, #tpu.memory_space<hbm>> -> memref<1x1000000xf32, #tpu.memory_space<hbm>>
        %dma_wait3A_928 = tpu.memref_squeeze %dma_wait3A_927 : memref<1x1000000xf32, #tpu.memory_space<hbm>> -> memref<1000000xf32, #tpu.memory_space<hbm>>
        tpu.wait_dma2 semaphore(%run_scoped3A : memref<!tpu.dma_semaphore, #tpu.memory_space<semaphore_mem>>) src(%dma_wait3A_928 : memref<1000000xf32, #tpu.memory_space<hbm>>) dst(%arg5 : memref<1000000xf32, #tpu.memory_space<vmem_shared>>)
        tpu.yield
      }) : () -> ()
    } else {
    }
    %barrier3A_46 = arith.constant 0 : index
    tpu.barrier barrier_id(%barrier3A_46)
    %add3A_47 = arith.constant 2 : i32
    %add3A_48 = arith.addi %mul3A_0, %add3A_47 : i32
    %sub3A_49 = arith.constant 1 : i32
    %sub3A_50 = arith.subi %add3A_48, %sub3A_49 : i32
    %mul3A_51 = arith.constant 25600 : i32
    %mul3A_52 = arith.muli %arg1, %mul3A_51 : i32
    %dma_wait3A_53 = tpu.memref_slice %arg4[%sub3A_50, %mul3A_52] : memref<64x409600xf32, #tpu.memory_space<hbm>> -> memref<1x25600xf32, #tpu.memory_space<hbm>>
    %dma_wait3A_54 = tpu.memref_squeeze %dma_wait3A_53 : memref<1x25600xf32, #tpu.memory_space<hbm>> -> memref<25600xf32, #tpu.memory_space<hbm>>
    %dma_wait3A_55 = tpu.memref_slice %arg4[%sub3A_50, %mul3A_52] : memref<64x409600xf32, #tpu.memory_space<hbm>> -> memref<1x25600xf32, #tpu.memory_space<hbm>>
    %dma_wait3A_56 = tpu.memref_squeeze %dma_wait3A_55 : memref<1x25600xf32, #tpu.memory_space<hbm>> -> memref<25600xf32, #tpu.memory_space<hbm>>
    tpu.wait_dma2 semaphore(%arg9 : memref<!tpu.dma_semaphore, #tpu.memory_space<semaphore_mem>>) src(%arg7 : memref<25600xf32, #tpu.memory_space<vmem>>) dst(%dma_wait3A_56 : memref<25600xf32, #tpu.memory_space<hbm>>)
    %dma_start3A_57 = arith.constant 0 : i32
    %dma_start3A_58 = tpu.memref_slice %arg5[%dma_start3A_57] : memref<1000000xf32, #tpu.memory_space<vmem_shared>> -> memref<1000000xf32, #tpu.memory_space<vmem_shared>>
    tpu.enqueue_indirect_dma source(%dma_start3A_58 : memref<1000000xf32, #tpu.memory_space<vmem_shared>>) target(%arg7 : memref<25600xf32, #tpu.memory_space<vmem>>) offsets(%arg6 : memref<25600xi32, #tpu.memory_space<vmem>>) semaphore(%arg8 : memref<!tpu.dma_semaphore, #tpu.memory_space<semaphore_mem>>)
    %dma_wait3A_59 = arith.constant 0 : i32
    %dma_wait3A_60 = tpu.memref_slice %arg5[%dma_wait3A_59] : memref<1000000xf32, #tpu.memory_space<vmem_shared>> -> memref<1000000xf32, #tpu.memory_space<vmem_shared>>
    tpu.wait_indirect_dma semaphore(%arg8 : memref<!tpu.dma_semaphore, #tpu.memory_space<semaphore_mem>>) src(%dma_wait3A_60 : memref<1000000xf32, #tpu.memory_space<vmem_shared>>) dst(%arg7 : memref<25600xf32, #tpu.memory_space<vmem>>)
    %barrier3A_61 = arith.constant 0 : index
    tpu.barrier barrier_id(%barrier3A_61)
    %add3A_62 = arith.constant 2 : i32
    %add3A_63 = arith.addi %mul3A_0, %add3A_62 : i32
    %mul3A_64 = arith.constant 25600 : i32
    %mul3A_65 = arith.muli %arg1, %mul3A_64 : i32
    %dma_start3A_66 = tpu.memref_slice %arg4[%add3A_63, %mul3A_65] : memref<64x409600xf32, #tpu.memory_space<hbm>> -> memref<1x25600xf32, #tpu.memory_space<hbm>>
    %dma_start3A_67 = tpu.memref_squeeze %dma_start3A_66 : memref<1x25600xf32, #tpu.memory_space<hbm>> -> memref<25600xf32, #tpu.memory_space<hbm>>
    %dma_start3A_68 = tpu.memref_slice %arg4[%add3A_63, %mul3A_65] : memref<64x409600xf32, #tpu.memory_space<hbm>> -> memref<1x25600xf32, #tpu.memory_space<hbm>>
    %dma_start3A_69 = tpu.memref_squeeze %dma_start3A_68 : memref<1x25600xf32, #tpu.memory_space<hbm>> -> memref<25600xf32, #tpu.memory_space<hbm>>
    tpu.enqueue_dma source(%arg7 : memref<25600xf32, #tpu.memory_space<vmem>>) target(%dma_start3A_69 : memref<25600xf32, #tpu.memory_space<hbm>>) target_semaphore(%arg9 : memref<!tpu.dma_semaphore, #tpu.memory_space<semaphore_mem>>)
    %eq3A_70 = arith.constant 3 : i32
    %eq3A_71 = arith.cmpi eq, %arg1, %eq3A_70 : i32
    %convert_element_type3A_72 = arith.extui %eq3A_71 : i1 to i32
    %cond3A_73 = arith.constant 0 : i32
    %cond3A_74 = arith.cmpi ne, %convert_element_type3A_72, %cond3A_73 : i32
    scf.if %cond3A_74 {
      %add3A_921 = arith.constant 3 : i32
      %add3A_922 = arith.addi %mul3A_0, %add3A_921 : i32
      "tpu.region"() ({
        %run_scoped3A = tpu.sem_alloc : memref<!tpu.dma_semaphore, #tpu.memory_space<semaphore_mem>>
        %dma_start3A_923 = arith.constant 0 : i32
        %dma_start3A_924 = tpu.memref_slice %arg2[%add3A_922, %dma_start3A_923] : memref<64x1000000xf32, #tpu.memory_space<hbm>> -> memref<1x1000000xf32, #tpu.memory_space<hbm>>
        %dma_start3A_925 = tpu.memref_squeeze %dma_start3A_924 : memref<1x1000000xf32, #tpu.memory_space<hbm>> -> memref<1000000xf32, #tpu.memory_space<hbm>>
        tpu.enqueue_dma source(%dma_start3A_925 : memref<1000000xf32, #tpu.memory_space<hbm>>) target(%arg5 : memref<1000000xf32, #tpu.memory_space<vmem_shared>>) target_semaphore(%run_scoped3A : memref<!tpu.dma_semaphore, #tpu.memory_space<semaphore_mem>>)
        %dma_wait3A_926 = arith.constant 0 : i32
        %dma_wait3A_927 = tpu.memref_slice %arg2[%add3A_922, %dma_wait3A_926] : memref<64x1000000xf32, #tpu.memory_space<hbm>> -> memref<1x1000000xf32, #tpu.memory_space<hbm>>
        %dma_wait3A_928 = tpu.memref_squeeze %dma_wait3A_927 : memref<1x1000000xf32, #tpu.memory_space<hbm>> -> memref<1000000xf32, #tpu.memory_space<hbm>>
        tpu.wait_dma2 semaphore(%run_scoped3A : memref<!tpu.dma_semaphore, #tpu.memory_space<semaphore_mem>>) src(%dma_wait3A_928 : memref<1000000xf32, #tpu.memory_space<hbm>>) dst(%arg5 : memref<1000000xf32, #tpu.memory_space<vmem_shared>>)
        tpu.yield
      }) : () -> ()
    } else {
    }
    %barrier3A_75 = arith.constant 0 : index
    tpu.barrier barrier_id(%barrier3A_75)
    %add3A_76 = arith.constant 3 : i32
    %add3A_77 = arith.addi %mul3A_0, %add3A_76 : i32
    %sub3A_78 = arith.constant 1 : i32
    %sub3A_79 = arith.subi %add3A_77, %sub3A_78 : i32
    %mul3A_80 = arith.constant 25600 : i32
    %mul3A_81 = arith.muli %arg1, %mul3A_80 : i32
    %dma_wait3A_82 = tpu.memref_slice %arg4[%sub3A_79, %mul3A_81] : memref<64x409600xf32, #tpu.memory_space<hbm>> -> memref<1x25600xf32, #tpu.memory_space<hbm>>
    %dma_wait3A_83 = tpu.memref_squeeze %dma_wait3A_82 : memref<1x25600xf32, #tpu.memory_space<hbm>> -> memref<25600xf32, #tpu.memory_space<hbm>>
    %dma_wait3A_84 = tpu.memref_slice %arg4[%sub3A_79, %mul3A_81] : memref<64x409600xf32, #tpu.memory_space<hbm>> -> memref<1x25600xf32, #tpu.memory_space<hbm>>
    %dma_wait3A_85 = tpu.memref_squeeze %dma_wait3A_84 : memref<1x25600xf32, #tpu.memory_space<hbm>> -> memref<25600xf32, #tpu.memory_space<hbm>>
    tpu.wait_dma2 semaphore(%arg9 : memref<!tpu.dma_semaphore, #tpu.memory_space<semaphore_mem>>) src(%arg7 : memref<25600xf32, #tpu.memory_space<vmem>>) dst(%dma_wait3A_85 : memref<25600xf32, #tpu.memory_space<hbm>>)
    %dma_start3A_86 = arith.constant 0 : i32
    %dma_start3A_87 = tpu.memref_slice %arg5[%dma_start3A_86] : memref<1000000xf32, #tpu.memory_space<vmem_shared>> -> memref<1000000xf32, #tpu.memory_space<vmem_shared>>
    tpu.enqueue_indirect_dma source(%dma_start3A_87 : memref<1000000xf32, #tpu.memory_space<vmem_shared>>) target(%arg7 : memref<25600xf32, #tpu.memory_space<vmem>>) offsets(%arg6 : memref<25600xi32, #tpu.memory_space<vmem>>) semaphore(%arg8 : memref<!tpu.dma_semaphore, #tpu.memory_space<semaphore_mem>>)
    %dma_wait3A_88 = arith.constant 0 : i32
    %dma_wait3A_89 = tpu.memref_slice %arg5[%dma_wait3A_88] : memref<1000000xf32, #tpu.memory_space<vmem_shared>> -> memref<1000000xf32, #tpu.memory_space<vmem_shared>>
    tpu.wait_indirect_dma semaphore(%arg8 : memref<!tpu.dma_semaphore, #tpu.memory_space<semaphore_mem>>) src(%dma_wait3A_89 : memref<1000000xf32, #tpu.memory_space<vmem_shared>>) dst(%arg7 : memref<25600xf32, #tpu.memory_space<vmem>>)
    %barrier3A_90 = arith.constant 0 : index
    tpu.barrier barrier_id(%barrier3A_90)
    %add3A_91 = arith.constant 3 : i32
    %add3A_92 = arith.addi %mul3A_0, %add3A_91 : i32
    %mul3A_93 = arith.constant 25600 : i32
    %mul3A_94 = arith.muli %arg1, %mul3A_93 : i32
    %dma_start3A_95 = tpu.memref_slice %arg4[%add3A_92, %mul3A_94] : memref<64x409600xf32, #tpu.memory_space<hbm>> -> memref<1x25600xf32, #tpu.memory_space<hbm>>
    %dma_start3A_96 = tpu.memref_squeeze %dma_start3A_95 : memref<1x25600xf32, #tpu.memory_space<hbm>> -> memref<25600xf32, #tpu.memory_space<hbm>>
    %dma_start3A_97 = tpu.memref_slice %arg4[%add3A_92, %mul3A_94] : memref<64x409600xf32, #tpu.memory_space<hbm>> -> memref<1x25600xf32, #tpu.memory_space<hbm>>
    %dma_start3A_98 = tpu.memref_squeeze %dma_start3A_97 : memref<1x25600xf32, #tpu.memory_space<hbm>> -> memref<25600xf32, #tpu.memory_space<hbm>>
    tpu.enqueue_dma source(%arg7 : memref<25600xf32, #tpu.memory_space<vmem>>) target(%dma_start3A_98 : memref<25600xf32, #tpu.memory_space<hbm>>) target_semaphore(%arg9 : memref<!tpu.dma_semaphore, #tpu.memory_space<semaphore_mem>>)
    %eq3A_99 = arith.constant 4 : i32
    %eq3A_100 = arith.cmpi eq, %arg1, %eq3A_99 : i32
    %convert_element_type3A_101 = arith.extui %eq3A_100 : i1 to i32
    %cond3A_102 = arith.constant 0 : i32
    %cond3A_103 = arith.cmpi ne, %convert_element_type3A_101, %cond3A_102 : i32
    scf.if %cond3A_103 {
      %add3A_921 = arith.constant 4 : i32
      %add3A_922 = arith.addi %mul3A_0, %add3A_921 : i32
      "tpu.region"() ({
        %run_scoped3A = tpu.sem_alloc : memref<!tpu.dma_semaphore, #tpu.memory_space<semaphore_mem>>
        %dma_start3A_923 = arith.constant 0 : i32
        %dma_start3A_924 = tpu.memref_slice %arg2[%add3A_922, %dma_start3A_923] : memref<64x1000000xf32, #tpu.memory_space<hbm>> -> memref<1x1000000xf32, #tpu.memory_space<hbm>>
        %dma_start3A_925 = tpu.memref_squeeze %dma_start3A_924 : memref<1x1000000xf32, #tpu.memory_space<hbm>> -> memref<1000000xf32, #tpu.memory_space<hbm>>
        tpu.enqueue_dma source(%dma_start3A_925 : memref<1000000xf32, #tpu.memory_space<hbm>>) target(%arg5 : memref<1000000xf32, #tpu.memory_space<vmem_shared>>) target_semaphore(%run_scoped3A : memref<!tpu.dma_semaphore, #tpu.memory_space<semaphore_mem>>)
        %dma_wait3A_926 = arith.constant 0 : i32
        %dma_wait3A_927 = tpu.memref_slice %arg2[%add3A_922, %dma_wait3A_926] : memref<64x1000000xf32, #tpu.memory_space<hbm>> -> memref<1x1000000xf32, #tpu.memory_space<hbm>>
        %dma_wait3A_928 = tpu.memref_squeeze %dma_wait3A_927 : memref<1x1000000xf32, #tpu.memory_space<hbm>> -> memref<1000000xf32, #tpu.memory_space<hbm>>
        tpu.wait_dma2 semaphore(%run_scoped3A : memref<!tpu.dma_semaphore, #tpu.memory_space<semaphore_mem>>) src(%dma_wait3A_928 : memref<1000000xf32, #tpu.memory_space<hbm>>) dst(%arg5 : memref<1000000xf32, #tpu.memory_space<vmem_shared>>)
        tpu.yield
      }) : () -> ()
    } else {
    }
    %barrier3A_104 = arith.constant 0 : index
    tpu.barrier barrier_id(%barrier3A_104)
    %add3A_105 = arith.constant 4 : i32
    %add3A_106 = arith.addi %mul3A_0, %add3A_105 : i32
    %sub3A_107 = arith.constant 1 : i32
    %sub3A_108 = arith.subi %add3A_106, %sub3A_107 : i32
    %mul3A_109 = arith.constant 25600 : i32
    %mul3A_110 = arith.muli %arg1, %mul3A_109 : i32
    %dma_wait3A_111 = tpu.memref_slice %arg4[%sub3A_108, %mul3A_110] : memref<64x409600xf32, #tpu.memory_space<hbm>> -> memref<1x25600xf32, #tpu.memory_space<hbm>>
    %dma_wait3A_112 = tpu.memref_squeeze %dma_wait3A_111 : memref<1x25600xf32, #tpu.memory_space<hbm>> -> memref<25600xf32, #tpu.memory_space<hbm>>
    %dma_wait3A_113 = tpu.memref_slice %arg4[%sub3A_108, %mul3A_110] : memref<64x409600xf32, #tpu.memory_space<hbm>> -> memref<1x25600xf32, #tpu.memory_space<hbm>>
    %dma_wait3A_114 = tpu.memref_squeeze %dma_wait3A_113 : memref<1x25600xf32, #tpu.memory_space<hbm>> -> memref<25600xf32, #tpu.memory_space<hbm>>
    tpu.wait_dma2 semaphore(%arg9 : memref<!tpu.dma_semaphore, #tpu.memory_space<semaphore_mem>>) src(%arg7 : memref<25600xf32, #tpu.memory_space<vmem>>) dst(%dma_wait3A_114 : memref<25600xf32, #tpu.memory_space<hbm>>)
    %dma_start3A_115 = arith.constant 0 : i32
    %dma_start3A_116 = tpu.memref_slice %arg5[%dma_start3A_115] : memref<1000000xf32, #tpu.memory_space<vmem_shared>> -> memref<1000000xf32, #tpu.memory_space<vmem_shared>>
    tpu.enqueue_indirect_dma source(%dma_start3A_116 : memref<1000000xf32, #tpu.memory_space<vmem_shared>>) target(%arg7 : memref<25600xf32, #tpu.memory_space<vmem>>) offsets(%arg6 : memref<25600xi32, #tpu.memory_space<vmem>>) semaphore(%arg8 : memref<!tpu.dma_semaphore, #tpu.memory_space<semaphore_mem>>)
    %dma_wait3A_117 = arith.constant 0 : i32
    %dma_wait3A_118 = tpu.memref_slice %arg5[%dma_wait3A_117] : memref<1000000xf32, #tpu.memory_space<vmem_shared>> -> memref<1000000xf32, #tpu.memory_space<vmem_shared>>
    tpu.wait_indirect_dma semaphore(%arg8 : memref<!tpu.dma_semaphore, #tpu.memory_space<semaphore_mem>>) src(%dma_wait3A_118 : memref<1000000xf32, #tpu.memory_space<vmem_shared>>) dst(%arg7 : memref<25600xf32, #tpu.memory_space<vmem>>)
    %barrier3A_119 = arith.constant 0 : index
    tpu.barrier barrier_id(%barrier3A_119)
    %add3A_120 = arith.constant 4 : i32
    %add3A_121 = arith.addi %mul3A_0, %add3A_120 : i32
    %mul3A_122 = arith.constant 25600 : i32
    %mul3A_123 = arith.muli %arg1, %mul3A_122 : i32
    %dma_start3A_124 = tpu.memref_slice %arg4[%add3A_121, %mul3A_123] : memref<64x409600xf32, #tpu.memory_space<hbm>> -> memref<1x25600xf32, #tpu.memory_space<hbm>>
    %dma_start3A_125 = tpu.memref_squeeze %dma_start3A_124 : memref<1x25600xf32, #tpu.memory_space<hbm>> -> memref<25600xf32, #tpu.memory_space<hbm>>
    %dma_start3A_126 = tpu.memref_slice %arg4[%add3A_121, %mul3A_123] : memref<64x409600xf32, #tpu.memory_space<hbm>> -> memref<1x25600xf32, #tpu.memory_space<hbm>>
    %dma_start3A_127 = tpu.memref_squeeze %dma_start3A_126 : memref<1x25600xf32, #tpu.memory_space<hbm>> -> memref<25600xf32, #tpu.memory_space<hbm>>
    tpu.enqueue_dma source(%arg7 : memref<25600xf32, #tpu.memory_space<vmem>>) target(%dma_start3A_127 : memref<25600xf32, #tpu.memory_space<hbm>>) target_semaphore(%arg9 : memref<!tpu.dma_semaphore, #tpu.memory_space<semaphore_mem>>)
    %eq3A_128 = arith.constant 5 : i32
    %eq3A_129 = arith.cmpi eq, %arg1, %eq3A_128 : i32
    %convert_element_type3A_130 = arith.extui %eq3A_129 : i1 to i32
    %cond3A_131 = arith.constant 0 : i32
    %cond3A_132 = arith.cmpi ne, %convert_element_type3A_130, %cond3A_131 : i32
    scf.if %cond3A_132 {
      %add3A_921 = arith.constant 5 : i32
      %add3A_922 = arith.addi %mul3A_0, %add3A_921 : i32
      "tpu.region"() ({
        %run_scoped3A = tpu.sem_alloc : memref<!tpu.dma_semaphore, #tpu.memory_space<semaphore_mem>>
        %dma_start3A_923 = arith.constant 0 : i32
        %dma_start3A_924 = tpu.memref_slice %arg2[%add3A_922, %dma_start3A_923] : memref<64x1000000xf32, #tpu.memory_space<hbm>> -> memref<1x1000000xf32, #tpu.memory_space<hbm>>
        %dma_start3A_925 = tpu.memref_squeeze %dma_start3A_924 : memref<1x1000000xf32, #tpu.memory_space<hbm>> -> memref<1000000xf32, #tpu.memory_space<hbm>>
        tpu.enqueue_dma source(%dma_start3A_925 : memref<1000000xf32, #tpu.memory_space<hbm>>) target(%arg5 : memref<1000000xf32, #tpu.memory_space<vmem_shared>>) target_semaphore(%run_scoped3A : memref<!tpu.dma_semaphore, #tpu.memory_space<semaphore_mem>>)
        %dma_wait3A_926 = arith.constant 0 : i32
        %dma_wait3A_927 = tpu.memref_slice %arg2[%add3A_922, %dma_wait3A_926] : memref<64x1000000xf32, #tpu.memory_space<hbm>> -> memref<1x1000000xf32, #tpu.memory_space<hbm>>
        %dma_wait3A_928 = tpu.memref_squeeze %dma_wait3A_927 : memref<1x1000000xf32, #tpu.memory_space<hbm>> -> memref<1000000xf32, #tpu.memory_space<hbm>>
        tpu.wait_dma2 semaphore(%run_scoped3A : memref<!tpu.dma_semaphore, #tpu.memory_space<semaphore_mem>>) src(%dma_wait3A_928 : memref<1000000xf32, #tpu.memory_space<hbm>>) dst(%arg5 : memref<1000000xf32, #tpu.memory_space<vmem_shared>>)
        tpu.yield
      }) : () -> ()
    } else {
    }
    %barrier3A_133 = arith.constant 0 : index
    tpu.barrier barrier_id(%barrier3A_133)
    %add3A_134 = arith.constant 5 : i32
    %add3A_135 = arith.addi %mul3A_0, %add3A_134 : i32
    %sub3A_136 = arith.constant 1 : i32
    %sub3A_137 = arith.subi %add3A_135, %sub3A_136 : i32
    %mul3A_138 = arith.constant 25600 : i32
    %mul3A_139 = arith.muli %arg1, %mul3A_138 : i32
    %dma_wait3A_140 = tpu.memref_slice %arg4[%sub3A_137, %mul3A_139] : memref<64x409600xf32, #tpu.memory_space<hbm>> -> memref<1x25600xf32, #tpu.memory_space<hbm>>
    %dma_wait3A_141 = tpu.memref_squeeze %dma_wait3A_140 : memref<1x25600xf32, #tpu.memory_space<hbm>> -> memref<25600xf32, #tpu.memory_space<hbm>>
    %dma_wait3A_142 = tpu.memref_slice %arg4[%sub3A_137, %mul3A_139] : memref<64x409600xf32, #tpu.memory_space<hbm>> -> memref<1x25600xf32, #tpu.memory_space<hbm>>
    %dma_wait3A_143 = tpu.memref_squeeze %dma_wait3A_142 : memref<1x25600xf32, #tpu.memory_space<hbm>> -> memref<25600xf32, #tpu.memory_space<hbm>>
    tpu.wait_dma2 semaphore(%arg9 : memref<!tpu.dma_semaphore, #tpu.memory_space<semaphore_mem>>) src(%arg7 : memref<25600xf32, #tpu.memory_space<vmem>>) dst(%dma_wait3A_143 : memref<25600xf32, #tpu.memory_space<hbm>>)
    %dma_start3A_144 = arith.constant 0 : i32
    %dma_start3A_145 = tpu.memref_slice %arg5[%dma_start3A_144] : memref<1000000xf32, #tpu.memory_space<vmem_shared>> -> memref<1000000xf32, #tpu.memory_space<vmem_shared>>
    tpu.enqueue_indirect_dma source(%dma_start3A_145 : memref<1000000xf32, #tpu.memory_space<vmem_shared>>) target(%arg7 : memref<25600xf32, #tpu.memory_space<vmem>>) offsets(%arg6 : memref<25600xi32, #tpu.memory_space<vmem>>) semaphore(%arg8 : memref<!tpu.dma_semaphore, #tpu.memory_space<semaphore_mem>>)
    %dma_wait3A_146 = arith.constant 0 : i32
    %dma_wait3A_147 = tpu.memref_slice %arg5[%dma_wait3A_146] : memref<1000000xf32, #tpu.memory_space<vmem_shared>> -> memref<1000000xf32, #tpu.memory_space<vmem_shared>>
    tpu.wait_indirect_dma semaphore(%arg8 : memref<!tpu.dma_semaphore, #tpu.memory_space<semaphore_mem>>) src(%dma_wait3A_147 : memref<1000000xf32, #tpu.memory_space<vmem_shared>>) dst(%arg7 : memref<25600xf32, #tpu.memory_space<vmem>>)
    %barrier3A_148 = arith.constant 0 : index
    tpu.barrier barrier_id(%barrier3A_148)
    %add3A_149 = arith.constant 5 : i32
    %add3A_150 = arith.addi %mul3A_0, %add3A_149 : i32
    %mul3A_151 = arith.constant 25600 : i32
    %mul3A_152 = arith.muli %arg1, %mul3A_151 : i32
    %dma_start3A_153 = tpu.memref_slice %arg4[%add3A_150, %mul3A_152] : memref<64x409600xf32, #tpu.memory_space<hbm>> -> memref<1x25600xf32, #tpu.memory_space<hbm>>
    %dma_start3A_154 = tpu.memref_squeeze %dma_start3A_153 : memref<1x25600xf32, #tpu.memory_space<hbm>> -> memref<25600xf32, #tpu.memory_space<hbm>>
    %dma_start3A_155 = tpu.memref_slice %arg4[%add3A_150, %mul3A_152] : memref<64x409600xf32, #tpu.memory_space<hbm>> -> memref<1x25600xf32, #tpu.memory_space<hbm>>
    %dma_start3A_156 = tpu.memref_squeeze %dma_start3A_155 : memref<1x25600xf32, #tpu.memory_space<hbm>> -> memref<25600xf32, #tpu.memory_space<hbm>>
    tpu.enqueue_dma source(%arg7 : memref<25600xf32, #tpu.memory_space<vmem>>) target(%dma_start3A_156 : memref<25600xf32, #tpu.memory_space<hbm>>) target_semaphore(%arg9 : memref<!tpu.dma_semaphore, #tpu.memory_space<semaphore_mem>>)
    %eq3A_157 = arith.constant 6 : i32
    %eq3A_158 = arith.cmpi eq, %arg1, %eq3A_157 : i32
    %convert_element_type3A_159 = arith.extui %eq3A_158 : i1 to i32
    %cond3A_160 = arith.constant 0 : i32
    %cond3A_161 = arith.cmpi ne, %convert_element_type3A_159, %cond3A_160 : i32
    scf.if %cond3A_161 {
      %add3A_921 = arith.constant 6 : i32
      %add3A_922 = arith.addi %mul3A_0, %add3A_921 : i32
      "tpu.region"() ({
        %run_scoped3A = tpu.sem_alloc : memref<!tpu.dma_semaphore, #tpu.memory_space<semaphore_mem>>
        %dma_start3A_923 = arith.constant 0 : i32
        %dma_start3A_924 = tpu.memref_slice %arg2[%add3A_922, %dma_start3A_923] : memref<64x1000000xf32, #tpu.memory_space<hbm>> -> memref<1x1000000xf32, #tpu.memory_space<hbm>>
        %dma_start3A_925 = tpu.memref_squeeze %dma_start3A_924 : memref<1x1000000xf32, #tpu.memory_space<hbm>> -> memref<1000000xf32, #tpu.memory_space<hbm>>
        tpu.enqueue_dma source(%dma_start3A_925 : memref<1000000xf32, #tpu.memory_space<hbm>>) target(%arg5 : memref<1000000xf32, #tpu.memory_space<vmem_shared>>) target_semaphore(%run_scoped3A : memref<!tpu.dma_semaphore, #tpu.memory_space<semaphore_mem>>)
        %dma_wait3A_926 = arith.constant 0 : i32
        %dma_wait3A_927 = tpu.memref_slice %arg2[%add3A_922, %dma_wait3A_926] : memref<64x1000000xf32, #tpu.memory_space<hbm>> -> memref<1x1000000xf32, #tpu.memory_space<hbm>>
        %dma_wait3A_928 = tpu.memref_squeeze %dma_wait3A_927 : memref<1x1000000xf32, #tpu.memory_space<hbm>> -> memref<1000000xf32, #tpu.memory_space<hbm>>
        tpu.wait_dma2 semaphore(%run_scoped3A : memref<!tpu.dma_semaphore, #tpu.memory_space<semaphore_mem>>) src(%dma_wait3A_928 : memref<1000000xf32, #tpu.memory_space<hbm>>) dst(%arg5 : memref<1000000xf32, #tpu.memory_space<vmem_shared>>)
        tpu.yield
      }) : () -> ()
    } else {
    }
    %barrier3A_162 = arith.constant 0 : index
    tpu.barrier barrier_id(%barrier3A_162)
    %add3A_163 = arith.constant 6 : i32
    %add3A_164 = arith.addi %mul3A_0, %add3A_163 : i32
    %sub3A_165 = arith.constant 1 : i32
    %sub3A_166 = arith.subi %add3A_164, %sub3A_165 : i32
    %mul3A_167 = arith.constant 25600 : i32
    %mul3A_168 = arith.muli %arg1, %mul3A_167 : i32
    %dma_wait3A_169 = tpu.memref_slice %arg4[%sub3A_166, %mul3A_168] : memref<64x409600xf32, #tpu.memory_space<hbm>> -> memref<1x25600xf32, #tpu.memory_space<hbm>>
    %dma_wait3A_170 = tpu.memref_squeeze %dma_wait3A_169 : memref<1x25600xf32, #tpu.memory_space<hbm>> -> memref<25600xf32, #tpu.memory_space<hbm>>
    %dma_wait3A_171 = tpu.memref_slice %arg4[%sub3A_166, %mul3A_168] : memref<64x409600xf32, #tpu.memory_space<hbm>> -> memref<1x25600xf32, #tpu.memory_space<hbm>>
    %dma_wait3A_172 = tpu.memref_squeeze %dma_wait3A_171 : memref<1x25600xf32, #tpu.memory_space<hbm>> -> memref<25600xf32, #tpu.memory_space<hbm>>
    tpu.wait_dma2 semaphore(%arg9 : memref<!tpu.dma_semaphore, #tpu.memory_space<semaphore_mem>>) src(%arg7 : memref<25600xf32, #tpu.memory_space<vmem>>) dst(%dma_wait3A_172 : memref<25600xf32, #tpu.memory_space<hbm>>)
    %dma_start3A_173 = arith.constant 0 : i32
    %dma_start3A_174 = tpu.memref_slice %arg5[%dma_start3A_173] : memref<1000000xf32, #tpu.memory_space<vmem_shared>> -> memref<1000000xf32, #tpu.memory_space<vmem_shared>>
    tpu.enqueue_indirect_dma source(%dma_start3A_174 : memref<1000000xf32, #tpu.memory_space<vmem_shared>>) target(%arg7 : memref<25600xf32, #tpu.memory_space<vmem>>) offsets(%arg6 : memref<25600xi32, #tpu.memory_space<vmem>>) semaphore(%arg8 : memref<!tpu.dma_semaphore, #tpu.memory_space<semaphore_mem>>)
    %dma_wait3A_175 = arith.constant 0 : i32
    %dma_wait3A_176 = tpu.memref_slice %arg5[%dma_wait3A_175] : memref<1000000xf32, #tpu.memory_space<vmem_shared>> -> memref<1000000xf32, #tpu.memory_space<vmem_shared>>
    tpu.wait_indirect_dma semaphore(%arg8 : memref<!tpu.dma_semaphore, #tpu.memory_space<semaphore_mem>>) src(%dma_wait3A_176 : memref<1000000xf32, #tpu.memory_space<vmem_shared>>) dst(%arg7 : memref<25600xf32, #tpu.memory_space<vmem>>)
    %barrier3A_177 = arith.constant 0 : index
    tpu.barrier barrier_id(%barrier3A_177)
    %add3A_178 = arith.constant 6 : i32
    %add3A_179 = arith.addi %mul3A_0, %add3A_178 : i32
    %mul3A_180 = arith.constant 25600 : i32
    %mul3A_181 = arith.muli %arg1, %mul3A_180 : i32
    %dma_start3A_182 = tpu.memref_slice %arg4[%add3A_179, %mul3A_181] : memref<64x409600xf32, #tpu.memory_space<hbm>> -> memref<1x25600xf32, #tpu.memory_space<hbm>>
    %dma_start3A_183 = tpu.memref_squeeze %dma_start3A_182 : memref<1x25600xf32, #tpu.memory_space<hbm>> -> memref<25600xf32, #tpu.memory_space<hbm>>
    %dma_start3A_184 = tpu.memref_slice %arg4[%add3A_179, %mul3A_181] : memref<64x409600xf32, #tpu.memory_space<hbm>> -> memref<1x25600xf32, #tpu.memory_space<hbm>>
    %dma_start3A_185 = tpu.memref_squeeze %dma_start3A_184 : memref<1x25600xf32, #tpu.memory_space<hbm>> -> memref<25600xf32, #tpu.memory_space<hbm>>
    tpu.enqueue_dma source(%arg7 : memref<25600xf32, #tpu.memory_space<vmem>>) target(%dma_start3A_185 : memref<25600xf32, #tpu.memory_space<hbm>>) target_semaphore(%arg9 : memref<!tpu.dma_semaphore, #tpu.memory_space<semaphore_mem>>)
    %eq3A_186 = arith.constant 7 : i32
    %eq3A_187 = arith.cmpi eq, %arg1, %eq3A_186 : i32
    %convert_element_type3A_188 = arith.extui %eq3A_187 : i1 to i32
    %cond3A_189 = arith.constant 0 : i32
    %cond3A_190 = arith.cmpi ne, %convert_element_type3A_188, %cond3A_189 : i32
    scf.if %cond3A_190 {
      %add3A_921 = arith.constant 7 : i32
      %add3A_922 = arith.addi %mul3A_0, %add3A_921 : i32
      "tpu.region"() ({
        %run_scoped3A = tpu.sem_alloc : memref<!tpu.dma_semaphore, #tpu.memory_space<semaphore_mem>>
        %dma_start3A_923 = arith.constant 0 : i32
        %dma_start3A_924 = tpu.memref_slice %arg2[%add3A_922, %dma_start3A_923] : memref<64x1000000xf32, #tpu.memory_space<hbm>> -> memref<1x1000000xf32, #tpu.memory_space<hbm>>
        %dma_start3A_925 = tpu.memref_squeeze %dma_start3A_924 : memref<1x1000000xf32, #tpu.memory_space<hbm>> -> memref<1000000xf32, #tpu.memory_space<hbm>>
        tpu.enqueue_dma source(%dma_start3A_925 : memref<1000000xf32, #tpu.memory_space<hbm>>) target(%arg5 : memref<1000000xf32, #tpu.memory_space<vmem_shared>>) target_semaphore(%run_scoped3A : memref<!tpu.dma_semaphore, #tpu.memory_space<semaphore_mem>>)
        %dma_wait3A_926 = arith.constant 0 : i32
        %dma_wait3A_927 = tpu.memref_slice %arg2[%add3A_922, %dma_wait3A_926] : memref<64x1000000xf32, #tpu.memory_space<hbm>> -> memref<1x1000000xf32, #tpu.memory_space<hbm>>
        %dma_wait3A_928 = tpu.memref_squeeze %dma_wait3A_927 : memref<1x1000000xf32, #tpu.memory_space<hbm>> -> memref<1000000xf32, #tpu.memory_space<hbm>>
        tpu.wait_dma2 semaphore(%run_scoped3A : memref<!tpu.dma_semaphore, #tpu.memory_space<semaphore_mem>>) src(%dma_wait3A_928 : memref<1000000xf32, #tpu.memory_space<hbm>>) dst(%arg5 : memref<1000000xf32, #tpu.memory_space<vmem_shared>>)
        tpu.yield
      }) : () -> ()
    } else {
    }
    %barrier3A_191 = arith.constant 0 : index
    tpu.barrier barrier_id(%barrier3A_191)
    %add3A_192 = arith.constant 7 : i32
    %add3A_193 = arith.addi %mul3A_0, %add3A_192 : i32
    %sub3A_194 = arith.constant 1 : i32
    %sub3A_195 = arith.subi %add3A_193, %sub3A_194 : i32
    %mul3A_196 = arith.constant 25600 : i32
    %mul3A_197 = arith.muli %arg1, %mul3A_196 : i32
    %dma_wait3A_198 = tpu.memref_slice %arg4[%sub3A_195, %mul3A_197] : memref<64x409600xf32, #tpu.memory_space<hbm>> -> memref<1x25600xf32, #tpu.memory_space<hbm>>
    %dma_wait3A_199 = tpu.memref_squeeze %dma_wait3A_198 : memref<1x25600xf32, #tpu.memory_space<hbm>> -> memref<25600xf32, #tpu.memory_space<hbm>>
    %dma_wait3A_200 = tpu.memref_slice %arg4[%sub3A_195, %mul3A_197] : memref<64x409600xf32, #tpu.memory_space<hbm>> -> memref<1x25600xf32, #tpu.memory_space<hbm>>
    %dma_wait3A_201 = tpu.memref_squeeze %dma_wait3A_200 : memref<1x25600xf32, #tpu.memory_space<hbm>> -> memref<25600xf32, #tpu.memory_space<hbm>>
    tpu.wait_dma2 semaphore(%arg9 : memref<!tpu.dma_semaphore, #tpu.memory_space<semaphore_mem>>) src(%arg7 : memref<25600xf32, #tpu.memory_space<vmem>>) dst(%dma_wait3A_201 : memref<25600xf32, #tpu.memory_space<hbm>>)
    %dma_start3A_202 = arith.constant 0 : i32
    %dma_start3A_203 = tpu.memref_slice %arg5[%dma_start3A_202] : memref<1000000xf32, #tpu.memory_space<vmem_shared>> -> memref<1000000xf32, #tpu.memory_space<vmem_shared>>
    tpu.enqueue_indirect_dma source(%dma_start3A_203 : memref<1000000xf32, #tpu.memory_space<vmem_shared>>) target(%arg7 : memref<25600xf32, #tpu.memory_space<vmem>>) offsets(%arg6 : memref<25600xi32, #tpu.memory_space<vmem>>) semaphore(%arg8 : memref<!tpu.dma_semaphore, #tpu.memory_space<semaphore_mem>>)
    %dma_wait3A_204 = arith.constant 0 : i32
    %dma_wait3A_205 = tpu.memref_slice %arg5[%dma_wait3A_204] : memref<1000000xf32, #tpu.memory_space<vmem_shared>> -> memref<1000000xf32, #tpu.memory_space<vmem_shared>>
    tpu.wait_indirect_dma semaphore(%arg8 : memref<!tpu.dma_semaphore, #tpu.memory_space<semaphore_mem>>) src(%dma_wait3A_205 : memref<1000000xf32, #tpu.memory_space<vmem_shared>>) dst(%arg7 : memref<25600xf32, #tpu.memory_space<vmem>>)
    %barrier3A_206 = arith.constant 0 : index
    tpu.barrier barrier_id(%barrier3A_206)
    %add3A_207 = arith.constant 7 : i32
    %add3A_208 = arith.addi %mul3A_0, %add3A_207 : i32
    %mul3A_209 = arith.constant 25600 : i32
    %mul3A_210 = arith.muli %arg1, %mul3A_209 : i32
    %dma_start3A_211 = tpu.memref_slice %arg4[%add3A_208, %mul3A_210] : memref<64x409600xf32, #tpu.memory_space<hbm>> -> memref<1x25600xf32, #tpu.memory_space<hbm>>
    %dma_start3A_212 = tpu.memref_squeeze %dma_start3A_211 : memref<1x25600xf32, #tpu.memory_space<hbm>> -> memref<25600xf32, #tpu.memory_space<hbm>>
    %dma_start3A_213 = tpu.memref_slice %arg4[%add3A_208, %mul3A_210] : memref<64x409600xf32, #tpu.memory_space<hbm>> -> memref<1x25600xf32, #tpu.memory_space<hbm>>
    %dma_start3A_214 = tpu.memref_squeeze %dma_start3A_213 : memref<1x25600xf32, #tpu.memory_space<hbm>> -> memref<25600xf32, #tpu.memory_space<hbm>>
    tpu.enqueue_dma source(%arg7 : memref<25600xf32, #tpu.memory_space<vmem>>) target(%dma_start3A_214 : memref<25600xf32, #tpu.memory_space<hbm>>) target_semaphore(%arg9 : memref<!tpu.dma_semaphore, #tpu.memory_space<semaphore_mem>>)
    %eq3A_215 = arith.constant 8 : i32
    %eq3A_216 = arith.cmpi eq, %arg1, %eq3A_215 : i32
    %convert_element_type3A_217 = arith.extui %eq3A_216 : i1 to i32
    %cond3A_218 = arith.constant 0 : i32
    %cond3A_219 = arith.cmpi ne, %convert_element_type3A_217, %cond3A_218 : i32
    scf.if %cond3A_219 {
      %add3A_921 = arith.constant 8 : i32
      %add3A_922 = arith.addi %mul3A_0, %add3A_921 : i32
      "tpu.region"() ({
        %run_scoped3A = tpu.sem_alloc : memref<!tpu.dma_semaphore, #tpu.memory_space<semaphore_mem>>
        %dma_start3A_923 = arith.constant 0 : i32
        %dma_start3A_924 = tpu.memref_slice %arg2[%add3A_922, %dma_start3A_923] : memref<64x1000000xf32, #tpu.memory_space<hbm>> -> memref<1x1000000xf32, #tpu.memory_space<hbm>>
        %dma_start3A_925 = tpu.memref_squeeze %dma_start3A_924 : memref<1x1000000xf32, #tpu.memory_space<hbm>> -> memref<1000000xf32, #tpu.memory_space<hbm>>
        tpu.enqueue_dma source(%dma_start3A_925 : memref<1000000xf32, #tpu.memory_space<hbm>>) target(%arg5 : memref<1000000xf32, #tpu.memory_space<vmem_shared>>) target_semaphore(%run_scoped3A : memref<!tpu.dma_semaphore, #tpu.memory_space<semaphore_mem>>)
        %dma_wait3A_926 = arith.constant 0 : i32
        %dma_wait3A_927 = tpu.memref_slice %arg2[%add3A_922, %dma_wait3A_926] : memref<64x1000000xf32, #tpu.memory_space<hbm>> -> memref<1x1000000xf32, #tpu.memory_space<hbm>>
        %dma_wait3A_928 = tpu.memref_squeeze %dma_wait3A_927 : memref<1x1000000xf32, #tpu.memory_space<hbm>> -> memref<1000000xf32, #tpu.memory_space<hbm>>
        tpu.wait_dma2 semaphore(%run_scoped3A : memref<!tpu.dma_semaphore, #tpu.memory_space<semaphore_mem>>) src(%dma_wait3A_928 : memref<1000000xf32, #tpu.memory_space<hbm>>) dst(%arg5 : memref<1000000xf32, #tpu.memory_space<vmem_shared>>)
        tpu.yield
      }) : () -> ()
    } else {
    }
    %barrier3A_220 = arith.constant 0 : index
    tpu.barrier barrier_id(%barrier3A_220)
    %add3A_221 = arith.constant 8 : i32
    %add3A_222 = arith.addi %mul3A_0, %add3A_221 : i32
    %sub3A_223 = arith.constant 1 : i32
    %sub3A_224 = arith.subi %add3A_222, %sub3A_223 : i32
    %mul3A_225 = arith.constant 25600 : i32
    %mul3A_226 = arith.muli %arg1, %mul3A_225 : i32
    %dma_wait3A_227 = tpu.memref_slice %arg4[%sub3A_224, %mul3A_226] : memref<64x409600xf32, #tpu.memory_space<hbm>> -> memref<1x25600xf32, #tpu.memory_space<hbm>>
    %dma_wait3A_228 = tpu.memref_squeeze %dma_wait3A_227 : memref<1x25600xf32, #tpu.memory_space<hbm>> -> memref<25600xf32, #tpu.memory_space<hbm>>
    %dma_wait3A_229 = tpu.memref_slice %arg4[%sub3A_224, %mul3A_226] : memref<64x409600xf32, #tpu.memory_space<hbm>> -> memref<1x25600xf32, #tpu.memory_space<hbm>>
    %dma_wait3A_230 = tpu.memref_squeeze %dma_wait3A_229 : memref<1x25600xf32, #tpu.memory_space<hbm>> -> memref<25600xf32, #tpu.memory_space<hbm>>
    tpu.wait_dma2 semaphore(%arg9 : memref<!tpu.dma_semaphore, #tpu.memory_space<semaphore_mem>>) src(%arg7 : memref<25600xf32, #tpu.memory_space<vmem>>) dst(%dma_wait3A_230 : memref<25600xf32, #tpu.memory_space<hbm>>)
    %dma_start3A_231 = arith.constant 0 : i32
    %dma_start3A_232 = tpu.memref_slice %arg5[%dma_start3A_231] : memref<1000000xf32, #tpu.memory_space<vmem_shared>> -> memref<1000000xf32, #tpu.memory_space<vmem_shared>>
    tpu.enqueue_indirect_dma source(%dma_start3A_232 : memref<1000000xf32, #tpu.memory_space<vmem_shared>>) target(%arg7 : memref<25600xf32, #tpu.memory_space<vmem>>) offsets(%arg6 : memref<25600xi32, #tpu.memory_space<vmem>>) semaphore(%arg8 : memref<!tpu.dma_semaphore, #tpu.memory_space<semaphore_mem>>)
    %dma_wait3A_233 = arith.constant 0 : i32
    %dma_wait3A_234 = tpu.memref_slice %arg5[%dma_wait3A_233] : memref<1000000xf32, #tpu.memory_space<vmem_shared>> -> memref<1000000xf32, #tpu.memory_space<vmem_shared>>
    tpu.wait_indirect_dma semaphore(%arg8 : memref<!tpu.dma_semaphore, #tpu.memory_space<semaphore_mem>>) src(%dma_wait3A_234 : memref<1000000xf32, #tpu.memory_space<vmem_shared>>) dst(%arg7 : memref<25600xf32, #tpu.memory_space<vmem>>)
    %barrier3A_235 = arith.constant 0 : index
    tpu.barrier barrier_id(%barrier3A_235)
    %add3A_236 = arith.constant 8 : i32
    %add3A_237 = arith.addi %mul3A_0, %add3A_236 : i32
    %mul3A_238 = arith.constant 25600 : i32
    %mul3A_239 = arith.muli %arg1, %mul3A_238 : i32
    %dma_start3A_240 = tpu.memref_slice %arg4[%add3A_237, %mul3A_239] : memref<64x409600xf32, #tpu.memory_space<hbm>> -> memref<1x25600xf32, #tpu.memory_space<hbm>>
    %dma_start3A_241 = tpu.memref_squeeze %dma_start3A_240 : memref<1x25600xf32, #tpu.memory_space<hbm>> -> memref<25600xf32, #tpu.memory_space<hbm>>
    %dma_start3A_242 = tpu.memref_slice %arg4[%add3A_237, %mul3A_239] : memref<64x409600xf32, #tpu.memory_space<hbm>> -> memref<1x25600xf32, #tpu.memory_space<hbm>>
    %dma_start3A_243 = tpu.memref_squeeze %dma_start3A_242 : memref<1x25600xf32, #tpu.memory_space<hbm>> -> memref<25600xf32, #tpu.memory_space<hbm>>
    tpu.enqueue_dma source(%arg7 : memref<25600xf32, #tpu.memory_space<vmem>>) target(%dma_start3A_243 : memref<25600xf32, #tpu.memory_space<hbm>>) target_semaphore(%arg9 : memref<!tpu.dma_semaphore, #tpu.memory_space<semaphore_mem>>)
    %eq3A_244 = arith.constant 9 : i32
    %eq3A_245 = arith.cmpi eq, %arg1, %eq3A_244 : i32
    %convert_element_type3A_246 = arith.extui %eq3A_245 : i1 to i32
    %cond3A_247 = arith.constant 0 : i32
    %cond3A_248 = arith.cmpi ne, %convert_element_type3A_246, %cond3A_247 : i32
    scf.if %cond3A_248 {
      %add3A_921 = arith.constant 9 : i32
      %add3A_922 = arith.addi %mul3A_0, %add3A_921 : i32
      "tpu.region"() ({
        %run_scoped3A = tpu.sem_alloc : memref<!tpu.dma_semaphore, #tpu.memory_space<semaphore_mem>>
        %dma_start3A_923 = arith.constant 0 : i32
        %dma_start3A_924 = tpu.memref_slice %arg2[%add3A_922, %dma_start3A_923] : memref<64x1000000xf32, #tpu.memory_space<hbm>> -> memref<1x1000000xf32, #tpu.memory_space<hbm>>
        %dma_start3A_925 = tpu.memref_squeeze %dma_start3A_924 : memref<1x1000000xf32, #tpu.memory_space<hbm>> -> memref<1000000xf32, #tpu.memory_space<hbm>>
        tpu.enqueue_dma source(%dma_start3A_925 : memref<1000000xf32, #tpu.memory_space<hbm>>) target(%arg5 : memref<1000000xf32, #tpu.memory_space<vmem_shared>>) target_semaphore(%run_scoped3A : memref<!tpu.dma_semaphore, #tpu.memory_space<semaphore_mem>>)
        %dma_wait3A_926 = arith.constant 0 : i32
        %dma_wait3A_927 = tpu.memref_slice %arg2[%add3A_922, %dma_wait3A_926] : memref<64x1000000xf32, #tpu.memory_space<hbm>> -> memref<1x1000000xf32, #tpu.memory_space<hbm>>
        %dma_wait3A_928 = tpu.memref_squeeze %dma_wait3A_927 : memref<1x1000000xf32, #tpu.memory_space<hbm>> -> memref<1000000xf32, #tpu.memory_space<hbm>>
        tpu.wait_dma2 semaphore(%run_scoped3A : memref<!tpu.dma_semaphore, #tpu.memory_space<semaphore_mem>>) src(%dma_wait3A_928 : memref<1000000xf32, #tpu.memory_space<hbm>>) dst(%arg5 : memref<1000000xf32, #tpu.memory_space<vmem_shared>>)
        tpu.yield
      }) : () -> ()
    } else {
    }
    %barrier3A_249 = arith.constant 0 : index
    tpu.barrier barrier_id(%barrier3A_249)
    %add3A_250 = arith.constant 9 : i32
    %add3A_251 = arith.addi %mul3A_0, %add3A_250 : i32
    %sub3A_252 = arith.constant 1 : i32
    %sub3A_253 = arith.subi %add3A_251, %sub3A_252 : i32
    %mul3A_254 = arith.constant 25600 : i32
    %mul3A_255 = arith.muli %arg1, %mul3A_254 : i32
    %dma_wait3A_256 = tpu.memref_slice %arg4[%sub3A_253, %mul3A_255] : memref<64x409600xf32, #tpu.memory_space<hbm>> -> memref<1x25600xf32, #tpu.memory_space<hbm>>
    %dma_wait3A_257 = tpu.memref_squeeze %dma_wait3A_256 : memref<1x25600xf32, #tpu.memory_space<hbm>> -> memref<25600xf32, #tpu.memory_space<hbm>>
    %dma_wait3A_258 = tpu.memref_slice %arg4[%sub3A_253, %mul3A_255] : memref<64x409600xf32, #tpu.memory_space<hbm>> -> memref<1x25600xf32, #tpu.memory_space<hbm>>
    %dma_wait3A_259 = tpu.memref_squeeze %dma_wait3A_258 : memref<1x25600xf32, #tpu.memory_space<hbm>> -> memref<25600xf32, #tpu.memory_space<hbm>>
    tpu.wait_dma2 semaphore(%arg9 : memref<!tpu.dma_semaphore, #tpu.memory_space<semaphore_mem>>) src(%arg7 : memref<25600xf32, #tpu.memory_space<vmem>>) dst(%dma_wait3A_259 : memref<25600xf32, #tpu.memory_space<hbm>>)
    %dma_start3A_260 = arith.constant 0 : i32
    %dma_start3A_261 = tpu.memref_slice %arg5[%dma_start3A_260] : memref<1000000xf32, #tpu.memory_space<vmem_shared>> -> memref<1000000xf32, #tpu.memory_space<vmem_shared>>
    tpu.enqueue_indirect_dma source(%dma_start3A_261 : memref<1000000xf32, #tpu.memory_space<vmem_shared>>) target(%arg7 : memref<25600xf32, #tpu.memory_space<vmem>>) offsets(%arg6 : memref<25600xi32, #tpu.memory_space<vmem>>) semaphore(%arg8 : memref<!tpu.dma_semaphore, #tpu.memory_space<semaphore_mem>>)
    %dma_wait3A_262 = arith.constant 0 : i32
    %dma_wait3A_263 = tpu.memref_slice %arg5[%dma_wait3A_262] : memref<1000000xf32, #tpu.memory_space<vmem_shared>> -> memref<1000000xf32, #tpu.memory_space<vmem_shared>>
    tpu.wait_indirect_dma semaphore(%arg8 : memref<!tpu.dma_semaphore, #tpu.memory_space<semaphore_mem>>) src(%dma_wait3A_263 : memref<1000000xf32, #tpu.memory_space<vmem_shared>>) dst(%arg7 : memref<25600xf32, #tpu.memory_space<vmem>>)
    %barrier3A_264 = arith.constant 0 : index
    tpu.barrier barrier_id(%barrier3A_264)
    %add3A_265 = arith.constant 9 : i32
    %add3A_266 = arith.addi %mul3A_0, %add3A_265 : i32
    %mul3A_267 = arith.constant 25600 : i32
    %mul3A_268 = arith.muli %arg1, %mul3A_267 : i32
    %dma_start3A_269 = tpu.memref_slice %arg4[%add3A_266, %mul3A_268] : memref<64x409600xf32, #tpu.memory_space<hbm>> -> memref<1x25600xf32, #tpu.memory_space<hbm>>
    %dma_start3A_270 = tpu.memref_squeeze %dma_start3A_269 : memref<1x25600xf32, #tpu.memory_space<hbm>> -> memref<25600xf32, #tpu.memory_space<hbm>>
    %dma_start3A_271 = tpu.memref_slice %arg4[%add3A_266, %mul3A_268] : memref<64x409600xf32, #tpu.memory_space<hbm>> -> memref<1x25600xf32, #tpu.memory_space<hbm>>
    %dma_start3A_272 = tpu.memref_squeeze %dma_start3A_271 : memref<1x25600xf32, #tpu.memory_space<hbm>> -> memref<25600xf32, #tpu.memory_space<hbm>>
    tpu.enqueue_dma source(%arg7 : memref<25600xf32, #tpu.memory_space<vmem>>) target(%dma_start3A_272 : memref<25600xf32, #tpu.memory_space<hbm>>) target_semaphore(%arg9 : memref<!tpu.dma_semaphore, #tpu.memory_space<semaphore_mem>>)
    %eq3A_273 = arith.constant 10 : i32
    %eq3A_274 = arith.cmpi eq, %arg1, %eq3A_273 : i32
    %convert_element_type3A_275 = arith.extui %eq3A_274 : i1 to i32
    %cond3A_276 = arith.constant 0 : i32
    %cond3A_277 = arith.cmpi ne, %convert_element_type3A_275, %cond3A_276 : i32
    scf.if %cond3A_277 {
      %add3A_921 = arith.constant 10 : i32
      %add3A_922 = arith.addi %mul3A_0, %add3A_921 : i32
      "tpu.region"() ({
        %run_scoped3A = tpu.sem_alloc : memref<!tpu.dma_semaphore, #tpu.memory_space<semaphore_mem>>
        %dma_start3A_923 = arith.constant 0 : i32
        %dma_start3A_924 = tpu.memref_slice %arg2[%add3A_922, %dma_start3A_923] : memref<64x1000000xf32, #tpu.memory_space<hbm>> -> memref<1x1000000xf32, #tpu.memory_space<hbm>>
        %dma_start3A_925 = tpu.memref_squeeze %dma_start3A_924 : memref<1x1000000xf32, #tpu.memory_space<hbm>> -> memref<1000000xf32, #tpu.memory_space<hbm>>
        tpu.enqueue_dma source(%dma_start3A_925 : memref<1000000xf32, #tpu.memory_space<hbm>>) target(%arg5 : memref<1000000xf32, #tpu.memory_space<vmem_shared>>) target_semaphore(%run_scoped3A : memref<!tpu.dma_semaphore, #tpu.memory_space<semaphore_mem>>)
        %dma_wait3A_926 = arith.constant 0 : i32
        %dma_wait3A_927 = tpu.memref_slice %arg2[%add3A_922, %dma_wait3A_926] : memref<64x1000000xf32, #tpu.memory_space<hbm>> -> memref<1x1000000xf32, #tpu.memory_space<hbm>>
        %dma_wait3A_928 = tpu.memref_squeeze %dma_wait3A_927 : memref<1x1000000xf32, #tpu.memory_space<hbm>> -> memref<1000000xf32, #tpu.memory_space<hbm>>
        tpu.wait_dma2 semaphore(%run_scoped3A : memref<!tpu.dma_semaphore, #tpu.memory_space<semaphore_mem>>) src(%dma_wait3A_928 : memref<1000000xf32, #tpu.memory_space<hbm>>) dst(%arg5 : memref<1000000xf32, #tpu.memory_space<vmem_shared>>)
        tpu.yield
      }) : () -> ()
    } else {
    }
    %barrier3A_278 = arith.constant 0 : index
    tpu.barrier barrier_id(%barrier3A_278)
    %add3A_279 = arith.constant 10 : i32
    %add3A_280 = arith.addi %mul3A_0, %add3A_279 : i32
    %sub3A_281 = arith.constant 1 : i32
    %sub3A_282 = arith.subi %add3A_280, %sub3A_281 : i32
    %mul3A_283 = arith.constant 25600 : i32
    %mul3A_284 = arith.muli %arg1, %mul3A_283 : i32
    %dma_wait3A_285 = tpu.memref_slice %arg4[%sub3A_282, %mul3A_284] : memref<64x409600xf32, #tpu.memory_space<hbm>> -> memref<1x25600xf32, #tpu.memory_space<hbm>>
    %dma_wait3A_286 = tpu.memref_squeeze %dma_wait3A_285 : memref<1x25600xf32, #tpu.memory_space<hbm>> -> memref<25600xf32, #tpu.memory_space<hbm>>
    %dma_wait3A_287 = tpu.memref_slice %arg4[%sub3A_282, %mul3A_284] : memref<64x409600xf32, #tpu.memory_space<hbm>> -> memref<1x25600xf32, #tpu.memory_space<hbm>>
    %dma_wait3A_288 = tpu.memref_squeeze %dma_wait3A_287 : memref<1x25600xf32, #tpu.memory_space<hbm>> -> memref<25600xf32, #tpu.memory_space<hbm>>
    tpu.wait_dma2 semaphore(%arg9 : memref<!tpu.dma_semaphore, #tpu.memory_space<semaphore_mem>>) src(%arg7 : memref<25600xf32, #tpu.memory_space<vmem>>) dst(%dma_wait3A_288 : memref<25600xf32, #tpu.memory_space<hbm>>)
    %dma_start3A_289 = arith.constant 0 : i32
    %dma_start3A_290 = tpu.memref_slice %arg5[%dma_start3A_289] : memref<1000000xf32, #tpu.memory_space<vmem_shared>> -> memref<1000000xf32, #tpu.memory_space<vmem_shared>>
    tpu.enqueue_indirect_dma source(%dma_start3A_290 : memref<1000000xf32, #tpu.memory_space<vmem_shared>>) target(%arg7 : memref<25600xf32, #tpu.memory_space<vmem>>) offsets(%arg6 : memref<25600xi32, #tpu.memory_space<vmem>>) semaphore(%arg8 : memref<!tpu.dma_semaphore, #tpu.memory_space<semaphore_mem>>)
    %dma_wait3A_291 = arith.constant 0 : i32
    %dma_wait3A_292 = tpu.memref_slice %arg5[%dma_wait3A_291] : memref<1000000xf32, #tpu.memory_space<vmem_shared>> -> memref<1000000xf32, #tpu.memory_space<vmem_shared>>
    tpu.wait_indirect_dma semaphore(%arg8 : memref<!tpu.dma_semaphore, #tpu.memory_space<semaphore_mem>>) src(%dma_wait3A_292 : memref<1000000xf32, #tpu.memory_space<vmem_shared>>) dst(%arg7 : memref<25600xf32, #tpu.memory_space<vmem>>)
    %barrier3A_293 = arith.constant 0 : index
    tpu.barrier barrier_id(%barrier3A_293)
    %add3A_294 = arith.constant 10 : i32
    %add3A_295 = arith.addi %mul3A_0, %add3A_294 : i32
    %mul3A_296 = arith.constant 25600 : i32
    %mul3A_297 = arith.muli %arg1, %mul3A_296 : i32
    %dma_start3A_298 = tpu.memref_slice %arg4[%add3A_295, %mul3A_297] : memref<64x409600xf32, #tpu.memory_space<hbm>> -> memref<1x25600xf32, #tpu.memory_space<hbm>>
    %dma_start3A_299 = tpu.memref_squeeze %dma_start3A_298 : memref<1x25600xf32, #tpu.memory_space<hbm>> -> memref<25600xf32, #tpu.memory_space<hbm>>
    %dma_start3A_300 = tpu.memref_slice %arg4[%add3A_295, %mul3A_297] : memref<64x409600xf32, #tpu.memory_space<hbm>> -> memref<1x25600xf32, #tpu.memory_space<hbm>>
    %dma_start3A_301 = tpu.memref_squeeze %dma_start3A_300 : memref<1x25600xf32, #tpu.memory_space<hbm>> -> memref<25600xf32, #tpu.memory_space<hbm>>
    tpu.enqueue_dma source(%arg7 : memref<25600xf32, #tpu.memory_space<vmem>>) target(%dma_start3A_301 : memref<25600xf32, #tpu.memory_space<hbm>>) target_semaphore(%arg9 : memref<!tpu.dma_semaphore, #tpu.memory_space<semaphore_mem>>)
    %eq3A_302 = arith.constant 11 : i32
    %eq3A_303 = arith.cmpi eq, %arg1, %eq3A_302 : i32
    %convert_element_type3A_304 = arith.extui %eq3A_303 : i1 to i32
    %cond3A_305 = arith.constant 0 : i32
    %cond3A_306 = arith.cmpi ne, %convert_element_type3A_304, %cond3A_305 : i32
    scf.if %cond3A_306 {
      %add3A_921 = arith.constant 11 : i32
      %add3A_922 = arith.addi %mul3A_0, %add3A_921 : i32
      "tpu.region"() ({
        %run_scoped3A = tpu.sem_alloc : memref<!tpu.dma_semaphore, #tpu.memory_space<semaphore_mem>>
        %dma_start3A_923 = arith.constant 0 : i32
        %dma_start3A_924 = tpu.memref_slice %arg2[%add3A_922, %dma_start3A_923] : memref<64x1000000xf32, #tpu.memory_space<hbm>> -> memref<1x1000000xf32, #tpu.memory_space<hbm>>
        %dma_start3A_925 = tpu.memref_squeeze %dma_start3A_924 : memref<1x1000000xf32, #tpu.memory_space<hbm>> -> memref<1000000xf32, #tpu.memory_space<hbm>>
        tpu.enqueue_dma source(%dma_start3A_925 : memref<1000000xf32, #tpu.memory_space<hbm>>) target(%arg5 : memref<1000000xf32, #tpu.memory_space<vmem_shared>>) target_semaphore(%run_scoped3A : memref<!tpu.dma_semaphore, #tpu.memory_space<semaphore_mem>>)
        %dma_wait3A_926 = arith.constant 0 : i32
        %dma_wait3A_927 = tpu.memref_slice %arg2[%add3A_922, %dma_wait3A_926] : memref<64x1000000xf32, #tpu.memory_space<hbm>> -> memref<1x1000000xf32, #tpu.memory_space<hbm>>
        %dma_wait3A_928 = tpu.memref_squeeze %dma_wait3A_927 : memref<1x1000000xf32, #tpu.memory_space<hbm>> -> memref<1000000xf32, #tpu.memory_space<hbm>>
        tpu.wait_dma2 semaphore(%run_scoped3A : memref<!tpu.dma_semaphore, #tpu.memory_space<semaphore_mem>>) src(%dma_wait3A_928 : memref<1000000xf32, #tpu.memory_space<hbm>>) dst(%arg5 : memref<1000000xf32, #tpu.memory_space<vmem_shared>>)
        tpu.yield
      }) : () -> ()
    } else {
    }
    %barrier3A_307 = arith.constant 0 : index
    tpu.barrier barrier_id(%barrier3A_307)
    %add3A_308 = arith.constant 11 : i32
    %add3A_309 = arith.addi %mul3A_0, %add3A_308 : i32
    %sub3A_310 = arith.constant 1 : i32
    %sub3A_311 = arith.subi %add3A_309, %sub3A_310 : i32
    %mul3A_312 = arith.constant 25600 : i32
    %mul3A_313 = arith.muli %arg1, %mul3A_312 : i32
    %dma_wait3A_314 = tpu.memref_slice %arg4[%sub3A_311, %mul3A_313] : memref<64x409600xf32, #tpu.memory_space<hbm>> -> memref<1x25600xf32, #tpu.memory_space<hbm>>
    %dma_wait3A_315 = tpu.memref_squeeze %dma_wait3A_314 : memref<1x25600xf32, #tpu.memory_space<hbm>> -> memref<25600xf32, #tpu.memory_space<hbm>>
    %dma_wait3A_316 = tpu.memref_slice %arg4[%sub3A_311, %mul3A_313] : memref<64x409600xf32, #tpu.memory_space<hbm>> -> memref<1x25600xf32, #tpu.memory_space<hbm>>
    %dma_wait3A_317 = tpu.memref_squeeze %dma_wait3A_316 : memref<1x25600xf32, #tpu.memory_space<hbm>> -> memref<25600xf32, #tpu.memory_space<hbm>>
    tpu.wait_dma2 semaphore(%arg9 : memref<!tpu.dma_semaphore, #tpu.memory_space<semaphore_mem>>) src(%arg7 : memref<25600xf32, #tpu.memory_space<vmem>>) dst(%dma_wait3A_317 : memref<25600xf32, #tpu.memory_space<hbm>>)
    %dma_start3A_318 = arith.constant 0 : i32
    %dma_start3A_319 = tpu.memref_slice %arg5[%dma_start3A_318] : memref<1000000xf32, #tpu.memory_space<vmem_shared>> -> memref<1000000xf32, #tpu.memory_space<vmem_shared>>
    tpu.enqueue_indirect_dma source(%dma_start3A_319 : memref<1000000xf32, #tpu.memory_space<vmem_shared>>) target(%arg7 : memref<25600xf32, #tpu.memory_space<vmem>>) offsets(%arg6 : memref<25600xi32, #tpu.memory_space<vmem>>) semaphore(%arg8 : memref<!tpu.dma_semaphore, #tpu.memory_space<semaphore_mem>>)
    %dma_wait3A_320 = arith.constant 0 : i32
    %dma_wait3A_321 = tpu.memref_slice %arg5[%dma_wait3A_320] : memref<1000000xf32, #tpu.memory_space<vmem_shared>> -> memref<1000000xf32, #tpu.memory_space<vmem_shared>>
    tpu.wait_indirect_dma semaphore(%arg8 : memref<!tpu.dma_semaphore, #tpu.memory_space<semaphore_mem>>) src(%dma_wait3A_321 : memref<1000000xf32, #tpu.memory_space<vmem_shared>>) dst(%arg7 : memref<25600xf32, #tpu.memory_space<vmem>>)
    %barrier3A_322 = arith.constant 0 : index
    tpu.barrier barrier_id(%barrier3A_322)
    %add3A_323 = arith.constant 11 : i32
    %add3A_324 = arith.addi %mul3A_0, %add3A_323 : i32
    %mul3A_325 = arith.constant 25600 : i32
    %mul3A_326 = arith.muli %arg1, %mul3A_325 : i32
    %dma_start3A_327 = tpu.memref_slice %arg4[%add3A_324, %mul3A_326] : memref<64x409600xf32, #tpu.memory_space<hbm>> -> memref<1x25600xf32, #tpu.memory_space<hbm>>
    %dma_start3A_328 = tpu.memref_squeeze %dma_start3A_327 : memref<1x25600xf32, #tpu.memory_space<hbm>> -> memref<25600xf32, #tpu.memory_space<hbm>>
    %dma_start3A_329 = tpu.memref_slice %arg4[%add3A_324, %mul3A_326] : memref<64x409600xf32, #tpu.memory_space<hbm>> -> memref<1x25600xf32, #tpu.memory_space<hbm>>
    %dma_start3A_330 = tpu.memref_squeeze %dma_start3A_329 : memref<1x25600xf32, #tpu.memory_space<hbm>> -> memref<25600xf32, #tpu.memory_space<hbm>>
    tpu.enqueue_dma source(%arg7 : memref<25600xf32, #tpu.memory_space<vmem>>) target(%dma_start3A_330 : memref<25600xf32, #tpu.memory_space<hbm>>) target_semaphore(%arg9 : memref<!tpu.dma_semaphore, #tpu.memory_space<semaphore_mem>>)
    %eq3A_331 = arith.constant 12 : i32
    %eq3A_332 = arith.cmpi eq, %arg1, %eq3A_331 : i32
    %convert_element_type3A_333 = arith.extui %eq3A_332 : i1 to i32
    %cond3A_334 = arith.constant 0 : i32
    %cond3A_335 = arith.cmpi ne, %convert_element_type3A_333, %cond3A_334 : i32
    scf.if %cond3A_335 {
      %add3A_921 = arith.constant 12 : i32
      %add3A_922 = arith.addi %mul3A_0, %add3A_921 : i32
      "tpu.region"() ({
        %run_scoped3A = tpu.sem_alloc : memref<!tpu.dma_semaphore, #tpu.memory_space<semaphore_mem>>
        %dma_start3A_923 = arith.constant 0 : i32
        %dma_start3A_924 = tpu.memref_slice %arg2[%add3A_922, %dma_start3A_923] : memref<64x1000000xf32, #tpu.memory_space<hbm>> -> memref<1x1000000xf32, #tpu.memory_space<hbm>>
        %dma_start3A_925 = tpu.memref_squeeze %dma_start3A_924 : memref<1x1000000xf32, #tpu.memory_space<hbm>> -> memref<1000000xf32, #tpu.memory_space<hbm>>
        tpu.enqueue_dma source(%dma_start3A_925 : memref<1000000xf32, #tpu.memory_space<hbm>>) target(%arg5 : memref<1000000xf32, #tpu.memory_space<vmem_shared>>) target_semaphore(%run_scoped3A : memref<!tpu.dma_semaphore, #tpu.memory_space<semaphore_mem>>)
        %dma_wait3A_926 = arith.constant 0 : i32
        %dma_wait3A_927 = tpu.memref_slice %arg2[%add3A_922, %dma_wait3A_926] : memref<64x1000000xf32, #tpu.memory_space<hbm>> -> memref<1x1000000xf32, #tpu.memory_space<hbm>>
        %dma_wait3A_928 = tpu.memref_squeeze %dma_wait3A_927 : memref<1x1000000xf32, #tpu.memory_space<hbm>> -> memref<1000000xf32, #tpu.memory_space<hbm>>
        tpu.wait_dma2 semaphore(%run_scoped3A : memref<!tpu.dma_semaphore, #tpu.memory_space<semaphore_mem>>) src(%dma_wait3A_928 : memref<1000000xf32, #tpu.memory_space<hbm>>) dst(%arg5 : memref<1000000xf32, #tpu.memory_space<vmem_shared>>)
        tpu.yield
      }) : () -> ()
    } else {
    }
    %barrier3A_336 = arith.constant 0 : index
    tpu.barrier barrier_id(%barrier3A_336)
    %add3A_337 = arith.constant 12 : i32
    %add3A_338 = arith.addi %mul3A_0, %add3A_337 : i32
    %sub3A_339 = arith.constant 1 : i32
    %sub3A_340 = arith.subi %add3A_338, %sub3A_339 : i32
    %mul3A_341 = arith.constant 25600 : i32
    %mul3A_342 = arith.muli %arg1, %mul3A_341 : i32
    %dma_wait3A_343 = tpu.memref_slice %arg4[%sub3A_340, %mul3A_342] : memref<64x409600xf32, #tpu.memory_space<hbm>> -> memref<1x25600xf32, #tpu.memory_space<hbm>>
    %dma_wait3A_344 = tpu.memref_squeeze %dma_wait3A_343 : memref<1x25600xf32, #tpu.memory_space<hbm>> -> memref<25600xf32, #tpu.memory_space<hbm>>
    %dma_wait3A_345 = tpu.memref_slice %arg4[%sub3A_340, %mul3A_342] : memref<64x409600xf32, #tpu.memory_space<hbm>> -> memref<1x25600xf32, #tpu.memory_space<hbm>>
    %dma_wait3A_346 = tpu.memref_squeeze %dma_wait3A_345 : memref<1x25600xf32, #tpu.memory_space<hbm>> -> memref<25600xf32, #tpu.memory_space<hbm>>
    tpu.wait_dma2 semaphore(%arg9 : memref<!tpu.dma_semaphore, #tpu.memory_space<semaphore_mem>>) src(%arg7 : memref<25600xf32, #tpu.memory_space<vmem>>) dst(%dma_wait3A_346 : memref<25600xf32, #tpu.memory_space<hbm>>)
    %dma_start3A_347 = arith.constant 0 : i32
    %dma_start3A_348 = tpu.memref_slice %arg5[%dma_start3A_347] : memref<1000000xf32, #tpu.memory_space<vmem_shared>> -> memref<1000000xf32, #tpu.memory_space<vmem_shared>>
    tpu.enqueue_indirect_dma source(%dma_start3A_348 : memref<1000000xf32, #tpu.memory_space<vmem_shared>>) target(%arg7 : memref<25600xf32, #tpu.memory_space<vmem>>) offsets(%arg6 : memref<25600xi32, #tpu.memory_space<vmem>>) semaphore(%arg8 : memref<!tpu.dma_semaphore, #tpu.memory_space<semaphore_mem>>)
    %dma_wait3A_349 = arith.constant 0 : i32
    %dma_wait3A_350 = tpu.memref_slice %arg5[%dma_wait3A_349] : memref<1000000xf32, #tpu.memory_space<vmem_shared>> -> memref<1000000xf32, #tpu.memory_space<vmem_shared>>
    tpu.wait_indirect_dma semaphore(%arg8 : memref<!tpu.dma_semaphore, #tpu.memory_space<semaphore_mem>>) src(%dma_wait3A_350 : memref<1000000xf32, #tpu.memory_space<vmem_shared>>) dst(%arg7 : memref<25600xf32, #tpu.memory_space<vmem>>)
    %barrier3A_351 = arith.constant 0 : index
    tpu.barrier barrier_id(%barrier3A_351)
    %add3A_352 = arith.constant 12 : i32
    %add3A_353 = arith.addi %mul3A_0, %add3A_352 : i32
    %mul3A_354 = arith.constant 25600 : i32
    %mul3A_355 = arith.muli %arg1, %mul3A_354 : i32
    %dma_start3A_356 = tpu.memref_slice %arg4[%add3A_353, %mul3A_355] : memref<64x409600xf32, #tpu.memory_space<hbm>> -> memref<1x25600xf32, #tpu.memory_space<hbm>>
    %dma_start3A_357 = tpu.memref_squeeze %dma_start3A_356 : memref<1x25600xf32, #tpu.memory_space<hbm>> -> memref<25600xf32, #tpu.memory_space<hbm>>
    %dma_start3A_358 = tpu.memref_slice %arg4[%add3A_353, %mul3A_355] : memref<64x409600xf32, #tpu.memory_space<hbm>> -> memref<1x25600xf32, #tpu.memory_space<hbm>>
    %dma_start3A_359 = tpu.memref_squeeze %dma_start3A_358 : memref<1x25600xf32, #tpu.memory_space<hbm>> -> memref<25600xf32, #tpu.memory_space<hbm>>
    tpu.enqueue_dma source(%arg7 : memref<25600xf32, #tpu.memory_space<vmem>>) target(%dma_start3A_359 : memref<25600xf32, #tpu.memory_space<hbm>>) target_semaphore(%arg9 : memref<!tpu.dma_semaphore, #tpu.memory_space<semaphore_mem>>)
    %eq3A_360 = arith.constant 13 : i32
    %eq3A_361 = arith.cmpi eq, %arg1, %eq3A_360 : i32
    %convert_element_type3A_362 = arith.extui %eq3A_361 : i1 to i32
    %cond3A_363 = arith.constant 0 : i32
    %cond3A_364 = arith.cmpi ne, %convert_element_type3A_362, %cond3A_363 : i32
    scf.if %cond3A_364 {
      %add3A_921 = arith.constant 13 : i32
      %add3A_922 = arith.addi %mul3A_0, %add3A_921 : i32
      "tpu.region"() ({
        %run_scoped3A = tpu.sem_alloc : memref<!tpu.dma_semaphore, #tpu.memory_space<semaphore_mem>>
        %dma_start3A_923 = arith.constant 0 : i32
        %dma_start3A_924 = tpu.memref_slice %arg2[%add3A_922, %dma_start3A_923] : memref<64x1000000xf32, #tpu.memory_space<hbm>> -> memref<1x1000000xf32, #tpu.memory_space<hbm>>
        %dma_start3A_925 = tpu.memref_squeeze %dma_start3A_924 : memref<1x1000000xf32, #tpu.memory_space<hbm>> -> memref<1000000xf32, #tpu.memory_space<hbm>>
        tpu.enqueue_dma source(%dma_start3A_925 : memref<1000000xf32, #tpu.memory_space<hbm>>) target(%arg5 : memref<1000000xf32, #tpu.memory_space<vmem_shared>>) target_semaphore(%run_scoped3A : memref<!tpu.dma_semaphore, #tpu.memory_space<semaphore_mem>>)
        %dma_wait3A_926 = arith.constant 0 : i32
        %dma_wait3A_927 = tpu.memref_slice %arg2[%add3A_922, %dma_wait3A_926] : memref<64x1000000xf32, #tpu.memory_space<hbm>> -> memref<1x1000000xf32, #tpu.memory_space<hbm>>
        %dma_wait3A_928 = tpu.memref_squeeze %dma_wait3A_927 : memref<1x1000000xf32, #tpu.memory_space<hbm>> -> memref<1000000xf32, #tpu.memory_space<hbm>>
        tpu.wait_dma2 semaphore(%run_scoped3A : memref<!tpu.dma_semaphore, #tpu.memory_space<semaphore_mem>>) src(%dma_wait3A_928 : memref<1000000xf32, #tpu.memory_space<hbm>>) dst(%arg5 : memref<1000000xf32, #tpu.memory_space<vmem_shared>>)
        tpu.yield
      }) : () -> ()
    } else {
    }
    %barrier3A_365 = arith.constant 0 : index
    tpu.barrier barrier_id(%barrier3A_365)
    %add3A_366 = arith.constant 13 : i32
    %add3A_367 = arith.addi %mul3A_0, %add3A_366 : i32
    %sub3A_368 = arith.constant 1 : i32
    %sub3A_369 = arith.subi %add3A_367, %sub3A_368 : i32
    %mul3A_370 = arith.constant 25600 : i32
    %mul3A_371 = arith.muli %arg1, %mul3A_370 : i32
    %dma_wait3A_372 = tpu.memref_slice %arg4[%sub3A_369, %mul3A_371] : memref<64x409600xf32, #tpu.memory_space<hbm>> -> memref<1x25600xf32, #tpu.memory_space<hbm>>
    %dma_wait3A_373 = tpu.memref_squeeze %dma_wait3A_372 : memref<1x25600xf32, #tpu.memory_space<hbm>> -> memref<25600xf32, #tpu.memory_space<hbm>>
    %dma_wait3A_374 = tpu.memref_slice %arg4[%sub3A_369, %mul3A_371] : memref<64x409600xf32, #tpu.memory_space<hbm>> -> memref<1x25600xf32, #tpu.memory_space<hbm>>
    %dma_wait3A_375 = tpu.memref_squeeze %dma_wait3A_374 : memref<1x25600xf32, #tpu.memory_space<hbm>> -> memref<25600xf32, #tpu.memory_space<hbm>>
    tpu.wait_dma2 semaphore(%arg9 : memref<!tpu.dma_semaphore, #tpu.memory_space<semaphore_mem>>) src(%arg7 : memref<25600xf32, #tpu.memory_space<vmem>>) dst(%dma_wait3A_375 : memref<25600xf32, #tpu.memory_space<hbm>>)
    %dma_start3A_376 = arith.constant 0 : i32
    %dma_start3A_377 = tpu.memref_slice %arg5[%dma_start3A_376] : memref<1000000xf32, #tpu.memory_space<vmem_shared>> -> memref<1000000xf32, #tpu.memory_space<vmem_shared>>
    tpu.enqueue_indirect_dma source(%dma_start3A_377 : memref<1000000xf32, #tpu.memory_space<vmem_shared>>) target(%arg7 : memref<25600xf32, #tpu.memory_space<vmem>>) offsets(%arg6 : memref<25600xi32, #tpu.memory_space<vmem>>) semaphore(%arg8 : memref<!tpu.dma_semaphore, #tpu.memory_space<semaphore_mem>>)
    %dma_wait3A_378 = arith.constant 0 : i32
    %dma_wait3A_379 = tpu.memref_slice %arg5[%dma_wait3A_378] : memref<1000000xf32, #tpu.memory_space<vmem_shared>> -> memref<1000000xf32, #tpu.memory_space<vmem_shared>>
    tpu.wait_indirect_dma semaphore(%arg8 : memref<!tpu.dma_semaphore, #tpu.memory_space<semaphore_mem>>) src(%dma_wait3A_379 : memref<1000000xf32, #tpu.memory_space<vmem_shared>>) dst(%arg7 : memref<25600xf32, #tpu.memory_space<vmem>>)
    %barrier3A_380 = arith.constant 0 : index
    tpu.barrier barrier_id(%barrier3A_380)
    %add3A_381 = arith.constant 13 : i32
    %add3A_382 = arith.addi %mul3A_0, %add3A_381 : i32
    %mul3A_383 = arith.constant 25600 : i32
    %mul3A_384 = arith.muli %arg1, %mul3A_383 : i32
    %dma_start3A_385 = tpu.memref_slice %arg4[%add3A_382, %mul3A_384] : memref<64x409600xf32, #tpu.memory_space<hbm>> -> memref<1x25600xf32, #tpu.memory_space<hbm>>
    %dma_start3A_386 = tpu.memref_squeeze %dma_start3A_385 : memref<1x25600xf32, #tpu.memory_space<hbm>> -> memref<25600xf32, #tpu.memory_space<hbm>>
    %dma_start3A_387 = tpu.memref_slice %arg4[%add3A_382, %mul3A_384] : memref<64x409600xf32, #tpu.memory_space<hbm>> -> memref<1x25600xf32, #tpu.memory_space<hbm>>
    %dma_start3A_388 = tpu.memref_squeeze %dma_start3A_387 : memref<1x25600xf32, #tpu.memory_space<hbm>> -> memref<25600xf32, #tpu.memory_space<hbm>>
    tpu.enqueue_dma source(%arg7 : memref<25600xf32, #tpu.memory_space<vmem>>) target(%dma_start3A_388 : memref<25600xf32, #tpu.memory_space<hbm>>) target_semaphore(%arg9 : memref<!tpu.dma_semaphore, #tpu.memory_space<semaphore_mem>>)
    %eq3A_389 = arith.constant 14 : i32
    %eq3A_390 = arith.cmpi eq, %arg1, %eq3A_389 : i32
    %convert_element_type3A_391 = arith.extui %eq3A_390 : i1 to i32
    %cond3A_392 = arith.constant 0 : i32
    %cond3A_393 = arith.cmpi ne, %convert_element_type3A_391, %cond3A_392 : i32
    scf.if %cond3A_393 {
      %add3A_921 = arith.constant 14 : i32
      %add3A_922 = arith.addi %mul3A_0, %add3A_921 : i32
      "tpu.region"() ({
        %run_scoped3A = tpu.sem_alloc : memref<!tpu.dma_semaphore, #tpu.memory_space<semaphore_mem>>
        %dma_start3A_923 = arith.constant 0 : i32
        %dma_start3A_924 = tpu.memref_slice %arg2[%add3A_922, %dma_start3A_923] : memref<64x1000000xf32, #tpu.memory_space<hbm>> -> memref<1x1000000xf32, #tpu.memory_space<hbm>>
        %dma_start3A_925 = tpu.memref_squeeze %dma_start3A_924 : memref<1x1000000xf32, #tpu.memory_space<hbm>> -> memref<1000000xf32, #tpu.memory_space<hbm>>
        tpu.enqueue_dma source(%dma_start3A_925 : memref<1000000xf32, #tpu.memory_space<hbm>>) target(%arg5 : memref<1000000xf32, #tpu.memory_space<vmem_shared>>) target_semaphore(%run_scoped3A : memref<!tpu.dma_semaphore, #tpu.memory_space<semaphore_mem>>)
        %dma_wait3A_926 = arith.constant 0 : i32
        %dma_wait3A_927 = tpu.memref_slice %arg2[%add3A_922, %dma_wait3A_926] : memref<64x1000000xf32, #tpu.memory_space<hbm>> -> memref<1x1000000xf32, #tpu.memory_space<hbm>>
        %dma_wait3A_928 = tpu.memref_squeeze %dma_wait3A_927 : memref<1x1000000xf32, #tpu.memory_space<hbm>> -> memref<1000000xf32, #tpu.memory_space<hbm>>
        tpu.wait_dma2 semaphore(%run_scoped3A : memref<!tpu.dma_semaphore, #tpu.memory_space<semaphore_mem>>) src(%dma_wait3A_928 : memref<1000000xf32, #tpu.memory_space<hbm>>) dst(%arg5 : memref<1000000xf32, #tpu.memory_space<vmem_shared>>)
        tpu.yield
      }) : () -> ()
    } else {
    }
    %barrier3A_394 = arith.constant 0 : index
    tpu.barrier barrier_id(%barrier3A_394)
    %add3A_395 = arith.constant 14 : i32
    %add3A_396 = arith.addi %mul3A_0, %add3A_395 : i32
    %sub3A_397 = arith.constant 1 : i32
    %sub3A_398 = arith.subi %add3A_396, %sub3A_397 : i32
    %mul3A_399 = arith.constant 25600 : i32
    %mul3A_400 = arith.muli %arg1, %mul3A_399 : i32
    %dma_wait3A_401 = tpu.memref_slice %arg4[%sub3A_398, %mul3A_400] : memref<64x409600xf32, #tpu.memory_space<hbm>> -> memref<1x25600xf32, #tpu.memory_space<hbm>>
    %dma_wait3A_402 = tpu.memref_squeeze %dma_wait3A_401 : memref<1x25600xf32, #tpu.memory_space<hbm>> -> memref<25600xf32, #tpu.memory_space<hbm>>
    %dma_wait3A_403 = tpu.memref_slice %arg4[%sub3A_398, %mul3A_400] : memref<64x409600xf32, #tpu.memory_space<hbm>> -> memref<1x25600xf32, #tpu.memory_space<hbm>>
    %dma_wait3A_404 = tpu.memref_squeeze %dma_wait3A_403 : memref<1x25600xf32, #tpu.memory_space<hbm>> -> memref<25600xf32, #tpu.memory_space<hbm>>
    tpu.wait_dma2 semaphore(%arg9 : memref<!tpu.dma_semaphore, #tpu.memory_space<semaphore_mem>>) src(%arg7 : memref<25600xf32, #tpu.memory_space<vmem>>) dst(%dma_wait3A_404 : memref<25600xf32, #tpu.memory_space<hbm>>)
    %dma_start3A_405 = arith.constant 0 : i32
    %dma_start3A_406 = tpu.memref_slice %arg5[%dma_start3A_405] : memref<1000000xf32, #tpu.memory_space<vmem_shared>> -> memref<1000000xf32, #tpu.memory_space<vmem_shared>>
    tpu.enqueue_indirect_dma source(%dma_start3A_406 : memref<1000000xf32, #tpu.memory_space<vmem_shared>>) target(%arg7 : memref<25600xf32, #tpu.memory_space<vmem>>) offsets(%arg6 : memref<25600xi32, #tpu.memory_space<vmem>>) semaphore(%arg8 : memref<!tpu.dma_semaphore, #tpu.memory_space<semaphore_mem>>)
    %dma_wait3A_407 = arith.constant 0 : i32
    %dma_wait3A_408 = tpu.memref_slice %arg5[%dma_wait3A_407] : memref<1000000xf32, #tpu.memory_space<vmem_shared>> -> memref<1000000xf32, #tpu.memory_space<vmem_shared>>
    tpu.wait_indirect_dma semaphore(%arg8 : memref<!tpu.dma_semaphore, #tpu.memory_space<semaphore_mem>>) src(%dma_wait3A_408 : memref<1000000xf32, #tpu.memory_space<vmem_shared>>) dst(%arg7 : memref<25600xf32, #tpu.memory_space<vmem>>)
    %barrier3A_409 = arith.constant 0 : index
    tpu.barrier barrier_id(%barrier3A_409)
    %add3A_410 = arith.constant 14 : i32
    %add3A_411 = arith.addi %mul3A_0, %add3A_410 : i32
    %mul3A_412 = arith.constant 25600 : i32
    %mul3A_413 = arith.muli %arg1, %mul3A_412 : i32
    %dma_start3A_414 = tpu.memref_slice %arg4[%add3A_411, %mul3A_413] : memref<64x409600xf32, #tpu.memory_space<hbm>> -> memref<1x25600xf32, #tpu.memory_space<hbm>>
    %dma_start3A_415 = tpu.memref_squeeze %dma_start3A_414 : memref<1x25600xf32, #tpu.memory_space<hbm>> -> memref<25600xf32, #tpu.memory_space<hbm>>
    %dma_start3A_416 = tpu.memref_slice %arg4[%add3A_411, %mul3A_413] : memref<64x409600xf32, #tpu.memory_space<hbm>> -> memref<1x25600xf32, #tpu.memory_space<hbm>>
    %dma_start3A_417 = tpu.memref_squeeze %dma_start3A_416 : memref<1x25600xf32, #tpu.memory_space<hbm>> -> memref<25600xf32, #tpu.memory_space<hbm>>
    tpu.enqueue_dma source(%arg7 : memref<25600xf32, #tpu.memory_space<vmem>>) target(%dma_start3A_417 : memref<25600xf32, #tpu.memory_space<hbm>>) target_semaphore(%arg9 : memref<!tpu.dma_semaphore, #tpu.memory_space<semaphore_mem>>)
    %eq3A_418 = arith.constant 15 : i32
    %eq3A_419 = arith.cmpi eq, %arg1, %eq3A_418 : i32
    %convert_element_type3A_420 = arith.extui %eq3A_419 : i1 to i32
    %cond3A_421 = arith.constant 0 : i32
    %cond3A_422 = arith.cmpi ne, %convert_element_type3A_420, %cond3A_421 : i32
    scf.if %cond3A_422 {
      %add3A_921 = arith.constant 15 : i32
      %add3A_922 = arith.addi %mul3A_0, %add3A_921 : i32
      "tpu.region"() ({
        %run_scoped3A = tpu.sem_alloc : memref<!tpu.dma_semaphore, #tpu.memory_space<semaphore_mem>>
        %dma_start3A_923 = arith.constant 0 : i32
        %dma_start3A_924 = tpu.memref_slice %arg2[%add3A_922, %dma_start3A_923] : memref<64x1000000xf32, #tpu.memory_space<hbm>> -> memref<1x1000000xf32, #tpu.memory_space<hbm>>
        %dma_start3A_925 = tpu.memref_squeeze %dma_start3A_924 : memref<1x1000000xf32, #tpu.memory_space<hbm>> -> memref<1000000xf32, #tpu.memory_space<hbm>>
        tpu.enqueue_dma source(%dma_start3A_925 : memref<1000000xf32, #tpu.memory_space<hbm>>) target(%arg5 : memref<1000000xf32, #tpu.memory_space<vmem_shared>>) target_semaphore(%run_scoped3A : memref<!tpu.dma_semaphore, #tpu.memory_space<semaphore_mem>>)
        %dma_wait3A_926 = arith.constant 0 : i32
        %dma_wait3A_927 = tpu.memref_slice %arg2[%add3A_922, %dma_wait3A_926] : memref<64x1000000xf32, #tpu.memory_space<hbm>> -> memref<1x1000000xf32, #tpu.memory_space<hbm>>
        %dma_wait3A_928 = tpu.memref_squeeze %dma_wait3A_927 : memref<1x1000000xf32, #tpu.memory_space<hbm>> -> memref<1000000xf32, #tpu.memory_space<hbm>>
        tpu.wait_dma2 semaphore(%run_scoped3A : memref<!tpu.dma_semaphore, #tpu.memory_space<semaphore_mem>>) src(%dma_wait3A_928 : memref<1000000xf32, #tpu.memory_space<hbm>>) dst(%arg5 : memref<1000000xf32, #tpu.memory_space<vmem_shared>>)
        tpu.yield
      }) : () -> ()
    } else {
    }
    %barrier3A_423 = arith.constant 0 : index
    tpu.barrier barrier_id(%barrier3A_423)
    %add3A_424 = arith.constant 15 : i32
    %add3A_425 = arith.addi %mul3A_0, %add3A_424 : i32
    %sub3A_426 = arith.constant 1 : i32
    %sub3A_427 = arith.subi %add3A_425, %sub3A_426 : i32
    %mul3A_428 = arith.constant 25600 : i32
    %mul3A_429 = arith.muli %arg1, %mul3A_428 : i32
    %dma_wait3A_430 = tpu.memref_slice %arg4[%sub3A_427, %mul3A_429] : memref<64x409600xf32, #tpu.memory_space<hbm>> -> memref<1x25600xf32, #tpu.memory_space<hbm>>
    %dma_wait3A_431 = tpu.memref_squeeze %dma_wait3A_430 : memref<1x25600xf32, #tpu.memory_space<hbm>> -> memref<25600xf32, #tpu.memory_space<hbm>>
    %dma_wait3A_432 = tpu.memref_slice %arg4[%sub3A_427, %mul3A_429] : memref<64x409600xf32, #tpu.memory_space<hbm>> -> memref<1x25600xf32, #tpu.memory_space<hbm>>
    %dma_wait3A_433 = tpu.memref_squeeze %dma_wait3A_432 : memref<1x25600xf32, #tpu.memory_space<hbm>> -> memref<25600xf32, #tpu.memory_space<hbm>>
    tpu.wait_dma2 semaphore(%arg9 : memref<!tpu.dma_semaphore, #tpu.memory_space<semaphore_mem>>) src(%arg7 : memref<25600xf32, #tpu.memory_space<vmem>>) dst(%dma_wait3A_433 : memref<25600xf32, #tpu.memory_space<hbm>>)
    %dma_start3A_434 = arith.constant 0 : i32
    %dma_start3A_435 = tpu.memref_slice %arg5[%dma_start3A_434] : memref<1000000xf32, #tpu.memory_space<vmem_shared>> -> memref<1000000xf32, #tpu.memory_space<vmem_shared>>
    tpu.enqueue_indirect_dma source(%dma_start3A_435 : memref<1000000xf32, #tpu.memory_space<vmem_shared>>) target(%arg7 : memref<25600xf32, #tpu.memory_space<vmem>>) offsets(%arg6 : memref<25600xi32, #tpu.memory_space<vmem>>) semaphore(%arg8 : memref<!tpu.dma_semaphore, #tpu.memory_space<semaphore_mem>>)
    %dma_wait3A_436 = arith.constant 0 : i32
    %dma_wait3A_437 = tpu.memref_slice %arg5[%dma_wait3A_436] : memref<1000000xf32, #tpu.memory_space<vmem_shared>> -> memref<1000000xf32, #tpu.memory_space<vmem_shared>>
    tpu.wait_indirect_dma semaphore(%arg8 : memref<!tpu.dma_semaphore, #tpu.memory_space<semaphore_mem>>) src(%dma_wait3A_437 : memref<1000000xf32, #tpu.memory_space<vmem_shared>>) dst(%arg7 : memref<25600xf32, #tpu.memory_space<vmem>>)
    %barrier3A_438 = arith.constant 0 : index
    tpu.barrier barrier_id(%barrier3A_438)
    %add3A_439 = arith.constant 15 : i32
    %add3A_440 = arith.addi %mul3A_0, %add3A_439 : i32
    %mul3A_441 = arith.constant 25600 : i32
    %mul3A_442 = arith.muli %arg1, %mul3A_441 : i32
    %dma_start3A_443 = tpu.memref_slice %arg4[%add3A_440, %mul3A_442] : memref<64x409600xf32, #tpu.memory_space<hbm>> -> memref<1x25600xf32, #tpu.memory_space<hbm>>
    %dma_start3A_444 = tpu.memref_squeeze %dma_start3A_443 : memref<1x25600xf32, #tpu.memory_space<hbm>> -> memref<25600xf32, #tpu.memory_space<hbm>>
    %dma_start3A_445 = tpu.memref_slice %arg4[%add3A_440, %mul3A_442] : memref<64x409600xf32, #tpu.memory_space<hbm>> -> memref<1x25600xf32, #tpu.memory_space<hbm>>
    %dma_start3A_446 = tpu.memref_squeeze %dma_start3A_445 : memref<1x25600xf32, #tpu.memory_space<hbm>> -> memref<25600xf32, #tpu.memory_space<hbm>>
    tpu.enqueue_dma source(%arg7 : memref<25600xf32, #tpu.memory_space<vmem>>) target(%dma_start3A_446 : memref<25600xf32, #tpu.memory_space<hbm>>) target_semaphore(%arg9 : memref<!tpu.dma_semaphore, #tpu.memory_space<semaphore_mem>>)
    %eq3A_447 = arith.constant 0 : i32
    %eq3A_448 = arith.cmpi eq, %arg1, %eq3A_447 : i32
    %convert_element_type3A_449 = arith.extui %eq3A_448 : i1 to i32
    %cond3A_450 = arith.constant 0 : i32
    %cond3A_451 = arith.cmpi ne, %convert_element_type3A_449, %cond3A_450 : i32
    scf.if %cond3A_451 {
      %add3A_921 = arith.constant 16 : i32
      %add3A_922 = arith.addi %mul3A_0, %add3A_921 : i32
      "tpu.region"() ({
        %run_scoped3A = tpu.sem_alloc : memref<!tpu.dma_semaphore, #tpu.memory_space<semaphore_mem>>
        %dma_start3A_923 = arith.constant 0 : i32
        %dma_start3A_924 = tpu.memref_slice %arg2[%add3A_922, %dma_start3A_923] : memref<64x1000000xf32, #tpu.memory_space<hbm>> -> memref<1x1000000xf32, #tpu.memory_space<hbm>>
        %dma_start3A_925 = tpu.memref_squeeze %dma_start3A_924 : memref<1x1000000xf32, #tpu.memory_space<hbm>> -> memref<1000000xf32, #tpu.memory_space<hbm>>
        tpu.enqueue_dma source(%dma_start3A_925 : memref<1000000xf32, #tpu.memory_space<hbm>>) target(%arg5 : memref<1000000xf32, #tpu.memory_space<vmem_shared>>) target_semaphore(%run_scoped3A : memref<!tpu.dma_semaphore, #tpu.memory_space<semaphore_mem>>)
        %dma_wait3A_926 = arith.constant 0 : i32
        %dma_wait3A_927 = tpu.memref_slice %arg2[%add3A_922, %dma_wait3A_926] : memref<64x1000000xf32, #tpu.memory_space<hbm>> -> memref<1x1000000xf32, #tpu.memory_space<hbm>>
        %dma_wait3A_928 = tpu.memref_squeeze %dma_wait3A_927 : memref<1x1000000xf32, #tpu.memory_space<hbm>> -> memref<1000000xf32, #tpu.memory_space<hbm>>
        tpu.wait_dma2 semaphore(%run_scoped3A : memref<!tpu.dma_semaphore, #tpu.memory_space<semaphore_mem>>) src(%dma_wait3A_928 : memref<1000000xf32, #tpu.memory_space<hbm>>) dst(%arg5 : memref<1000000xf32, #tpu.memory_space<vmem_shared>>)
        tpu.yield
      }) : () -> ()
    } else {
    }
    %barrier3A_452 = arith.constant 0 : index
    tpu.barrier barrier_id(%barrier3A_452)
    %add3A_453 = arith.constant 16 : i32
    %add3A_454 = arith.addi %mul3A_0, %add3A_453 : i32
    %sub3A_455 = arith.constant 1 : i32
    %sub3A_456 = arith.subi %add3A_454, %sub3A_455 : i32
    %mul3A_457 = arith.constant 25600 : i32
    %mul3A_458 = arith.muli %arg1, %mul3A_457 : i32
    %dma_wait3A_459 = tpu.memref_slice %arg4[%sub3A_456, %mul3A_458] : memref<64x409600xf32, #tpu.memory_space<hbm>> -> memref<1x25600xf32, #tpu.memory_space<hbm>>
    %dma_wait3A_460 = tpu.memref_squeeze %dma_wait3A_459 : memref<1x25600xf32, #tpu.memory_space<hbm>> -> memref<25600xf32, #tpu.memory_space<hbm>>
    %dma_wait3A_461 = tpu.memref_slice %arg4[%sub3A_456, %mul3A_458] : memref<64x409600xf32, #tpu.memory_space<hbm>> -> memref<1x25600xf32, #tpu.memory_space<hbm>>
    %dma_wait3A_462 = tpu.memref_squeeze %dma_wait3A_461 : memref<1x25600xf32, #tpu.memory_space<hbm>> -> memref<25600xf32, #tpu.memory_space<hbm>>
    tpu.wait_dma2 semaphore(%arg9 : memref<!tpu.dma_semaphore, #tpu.memory_space<semaphore_mem>>) src(%arg7 : memref<25600xf32, #tpu.memory_space<vmem>>) dst(%dma_wait3A_462 : memref<25600xf32, #tpu.memory_space<hbm>>)
    %dma_start3A_463 = arith.constant 0 : i32
    %dma_start3A_464 = tpu.memref_slice %arg5[%dma_start3A_463] : memref<1000000xf32, #tpu.memory_space<vmem_shared>> -> memref<1000000xf32, #tpu.memory_space<vmem_shared>>
    tpu.enqueue_indirect_dma source(%dma_start3A_464 : memref<1000000xf32, #tpu.memory_space<vmem_shared>>) target(%arg7 : memref<25600xf32, #tpu.memory_space<vmem>>) offsets(%arg6 : memref<25600xi32, #tpu.memory_space<vmem>>) semaphore(%arg8 : memref<!tpu.dma_semaphore, #tpu.memory_space<semaphore_mem>>)
    %dma_wait3A_465 = arith.constant 0 : i32
    %dma_wait3A_466 = tpu.memref_slice %arg5[%dma_wait3A_465] : memref<1000000xf32, #tpu.memory_space<vmem_shared>> -> memref<1000000xf32, #tpu.memory_space<vmem_shared>>
    tpu.wait_indirect_dma semaphore(%arg8 : memref<!tpu.dma_semaphore, #tpu.memory_space<semaphore_mem>>) src(%dma_wait3A_466 : memref<1000000xf32, #tpu.memory_space<vmem_shared>>) dst(%arg7 : memref<25600xf32, #tpu.memory_space<vmem>>)
    %barrier3A_467 = arith.constant 0 : index
    tpu.barrier barrier_id(%barrier3A_467)
    %add3A_468 = arith.constant 16 : i32
    %add3A_469 = arith.addi %mul3A_0, %add3A_468 : i32
    %mul3A_470 = arith.constant 25600 : i32
    %mul3A_471 = arith.muli %arg1, %mul3A_470 : i32
    %dma_start3A_472 = tpu.memref_slice %arg4[%add3A_469, %mul3A_471] : memref<64x409600xf32, #tpu.memory_space<hbm>> -> memref<1x25600xf32, #tpu.memory_space<hbm>>
    %dma_start3A_473 = tpu.memref_squeeze %dma_start3A_472 : memref<1x25600xf32, #tpu.memory_space<hbm>> -> memref<25600xf32, #tpu.memory_space<hbm>>
    %dma_start3A_474 = tpu.memref_slice %arg4[%add3A_469, %mul3A_471] : memref<64x409600xf32, #tpu.memory_space<hbm>> -> memref<1x25600xf32, #tpu.memory_space<hbm>>
    %dma_start3A_475 = tpu.memref_squeeze %dma_start3A_474 : memref<1x25600xf32, #tpu.memory_space<hbm>> -> memref<25600xf32, #tpu.memory_space<hbm>>
    tpu.enqueue_dma source(%arg7 : memref<25600xf32, #tpu.memory_space<vmem>>) target(%dma_start3A_475 : memref<25600xf32, #tpu.memory_space<hbm>>) target_semaphore(%arg9 : memref<!tpu.dma_semaphore, #tpu.memory_space<semaphore_mem>>)
    %eq3A_476 = arith.constant 1 : i32
    %eq3A_477 = arith.cmpi eq, %arg1, %eq3A_476 : i32
    %convert_element_type3A_478 = arith.extui %eq3A_477 : i1 to i32
    %cond3A_479 = arith.constant 0 : i32
    %cond3A_480 = arith.cmpi ne, %convert_element_type3A_478, %cond3A_479 : i32
    scf.if %cond3A_480 {
      %add3A_921 = arith.constant 17 : i32
      %add3A_922 = arith.addi %mul3A_0, %add3A_921 : i32
      "tpu.region"() ({
        %run_scoped3A = tpu.sem_alloc : memref<!tpu.dma_semaphore, #tpu.memory_space<semaphore_mem>>
        %dma_start3A_923 = arith.constant 0 : i32
        %dma_start3A_924 = tpu.memref_slice %arg2[%add3A_922, %dma_start3A_923] : memref<64x1000000xf32, #tpu.memory_space<hbm>> -> memref<1x1000000xf32, #tpu.memory_space<hbm>>
        %dma_start3A_925 = tpu.memref_squeeze %dma_start3A_924 : memref<1x1000000xf32, #tpu.memory_space<hbm>> -> memref<1000000xf32, #tpu.memory_space<hbm>>
        tpu.enqueue_dma source(%dma_start3A_925 : memref<1000000xf32, #tpu.memory_space<hbm>>) target(%arg5 : memref<1000000xf32, #tpu.memory_space<vmem_shared>>) target_semaphore(%run_scoped3A : memref<!tpu.dma_semaphore, #tpu.memory_space<semaphore_mem>>)
        %dma_wait3A_926 = arith.constant 0 : i32
        %dma_wait3A_927 = tpu.memref_slice %arg2[%add3A_922, %dma_wait3A_926] : memref<64x1000000xf32, #tpu.memory_space<hbm>> -> memref<1x1000000xf32, #tpu.memory_space<hbm>>
        %dma_wait3A_928 = tpu.memref_squeeze %dma_wait3A_927 : memref<1x1000000xf32, #tpu.memory_space<hbm>> -> memref<1000000xf32, #tpu.memory_space<hbm>>
        tpu.wait_dma2 semaphore(%run_scoped3A : memref<!tpu.dma_semaphore, #tpu.memory_space<semaphore_mem>>) src(%dma_wait3A_928 : memref<1000000xf32, #tpu.memory_space<hbm>>) dst(%arg5 : memref<1000000xf32, #tpu.memory_space<vmem_shared>>)
        tpu.yield
      }) : () -> ()
    } else {
    }
    %barrier3A_481 = arith.constant 0 : index
    tpu.barrier barrier_id(%barrier3A_481)
    %add3A_482 = arith.constant 17 : i32
    %add3A_483 = arith.addi %mul3A_0, %add3A_482 : i32
    %sub3A_484 = arith.constant 1 : i32
    %sub3A_485 = arith.subi %add3A_483, %sub3A_484 : i32
    %mul3A_486 = arith.constant 25600 : i32
    %mul3A_487 = arith.muli %arg1, %mul3A_486 : i32
    %dma_wait3A_488 = tpu.memref_slice %arg4[%sub3A_485, %mul3A_487] : memref<64x409600xf32, #tpu.memory_space<hbm>> -> memref<1x25600xf32, #tpu.memory_space<hbm>>
    %dma_wait3A_489 = tpu.memref_squeeze %dma_wait3A_488 : memref<1x25600xf32, #tpu.memory_space<hbm>> -> memref<25600xf32, #tpu.memory_space<hbm>>
    %dma_wait3A_490 = tpu.memref_slice %arg4[%sub3A_485, %mul3A_487] : memref<64x409600xf32, #tpu.memory_space<hbm>> -> memref<1x25600xf32, #tpu.memory_space<hbm>>
    %dma_wait3A_491 = tpu.memref_squeeze %dma_wait3A_490 : memref<1x25600xf32, #tpu.memory_space<hbm>> -> memref<25600xf32, #tpu.memory_space<hbm>>
    tpu.wait_dma2 semaphore(%arg9 : memref<!tpu.dma_semaphore, #tpu.memory_space<semaphore_mem>>) src(%arg7 : memref<25600xf32, #tpu.memory_space<vmem>>) dst(%dma_wait3A_491 : memref<25600xf32, #tpu.memory_space<hbm>>)
    %dma_start3A_492 = arith.constant 0 : i32
    %dma_start3A_493 = tpu.memref_slice %arg5[%dma_start3A_492] : memref<1000000xf32, #tpu.memory_space<vmem_shared>> -> memref<1000000xf32, #tpu.memory_space<vmem_shared>>
    tpu.enqueue_indirect_dma source(%dma_start3A_493 : memref<1000000xf32, #tpu.memory_space<vmem_shared>>) target(%arg7 : memref<25600xf32, #tpu.memory_space<vmem>>) offsets(%arg6 : memref<25600xi32, #tpu.memory_space<vmem>>) semaphore(%arg8 : memref<!tpu.dma_semaphore, #tpu.memory_space<semaphore_mem>>)
    %dma_wait3A_494 = arith.constant 0 : i32
    %dma_wait3A_495 = tpu.memref_slice %arg5[%dma_wait3A_494] : memref<1000000xf32, #tpu.memory_space<vmem_shared>> -> memref<1000000xf32, #tpu.memory_space<vmem_shared>>
    tpu.wait_indirect_dma semaphore(%arg8 : memref<!tpu.dma_semaphore, #tpu.memory_space<semaphore_mem>>) src(%dma_wait3A_495 : memref<1000000xf32, #tpu.memory_space<vmem_shared>>) dst(%arg7 : memref<25600xf32, #tpu.memory_space<vmem>>)
    %barrier3A_496 = arith.constant 0 : index
    tpu.barrier barrier_id(%barrier3A_496)
    %add3A_497 = arith.constant 17 : i32
    %add3A_498 = arith.addi %mul3A_0, %add3A_497 : i32
    %mul3A_499 = arith.constant 25600 : i32
    %mul3A_500 = arith.muli %arg1, %mul3A_499 : i32
    %dma_start3A_501 = tpu.memref_slice %arg4[%add3A_498, %mul3A_500] : memref<64x409600xf32, #tpu.memory_space<hbm>> -> memref<1x25600xf32, #tpu.memory_space<hbm>>
    %dma_start3A_502 = tpu.memref_squeeze %dma_start3A_501 : memref<1x25600xf32, #tpu.memory_space<hbm>> -> memref<25600xf32, #tpu.memory_space<hbm>>
    %dma_start3A_503 = tpu.memref_slice %arg4[%add3A_498, %mul3A_500] : memref<64x409600xf32, #tpu.memory_space<hbm>> -> memref<1x25600xf32, #tpu.memory_space<hbm>>
    %dma_start3A_504 = tpu.memref_squeeze %dma_start3A_503 : memref<1x25600xf32, #tpu.memory_space<hbm>> -> memref<25600xf32, #tpu.memory_space<hbm>>
    tpu.enqueue_dma source(%arg7 : memref<25600xf32, #tpu.memory_space<vmem>>) target(%dma_start3A_504 : memref<25600xf32, #tpu.memory_space<hbm>>) target_semaphore(%arg9 : memref<!tpu.dma_semaphore, #tpu.memory_space<semaphore_mem>>)
    %eq3A_505 = arith.constant 2 : i32
    %eq3A_506 = arith.cmpi eq, %arg1, %eq3A_505 : i32
    %convert_element_type3A_507 = arith.extui %eq3A_506 : i1 to i32
    %cond3A_508 = arith.constant 0 : i32
    %cond3A_509 = arith.cmpi ne, %convert_element_type3A_507, %cond3A_508 : i32
    scf.if %cond3A_509 {
      %add3A_921 = arith.constant 18 : i32
      %add3A_922 = arith.addi %mul3A_0, %add3A_921 : i32
      "tpu.region"() ({
        %run_scoped3A = tpu.sem_alloc : memref<!tpu.dma_semaphore, #tpu.memory_space<semaphore_mem>>
        %dma_start3A_923 = arith.constant 0 : i32
        %dma_start3A_924 = tpu.memref_slice %arg2[%add3A_922, %dma_start3A_923] : memref<64x1000000xf32, #tpu.memory_space<hbm>> -> memref<1x1000000xf32, #tpu.memory_space<hbm>>
        %dma_start3A_925 = tpu.memref_squeeze %dma_start3A_924 : memref<1x1000000xf32, #tpu.memory_space<hbm>> -> memref<1000000xf32, #tpu.memory_space<hbm>>
        tpu.enqueue_dma source(%dma_start3A_925 : memref<1000000xf32, #tpu.memory_space<hbm>>) target(%arg5 : memref<1000000xf32, #tpu.memory_space<vmem_shared>>) target_semaphore(%run_scoped3A : memref<!tpu.dma_semaphore, #tpu.memory_space<semaphore_mem>>)
        %dma_wait3A_926 = arith.constant 0 : i32
        %dma_wait3A_927 = tpu.memref_slice %arg2[%add3A_922, %dma_wait3A_926] : memref<64x1000000xf32, #tpu.memory_space<hbm>> -> memref<1x1000000xf32, #tpu.memory_space<hbm>>
        %dma_wait3A_928 = tpu.memref_squeeze %dma_wait3A_927 : memref<1x1000000xf32, #tpu.memory_space<hbm>> -> memref<1000000xf32, #tpu.memory_space<hbm>>
        tpu.wait_dma2 semaphore(%run_scoped3A : memref<!tpu.dma_semaphore, #tpu.memory_space<semaphore_mem>>) src(%dma_wait3A_928 : memref<1000000xf32, #tpu.memory_space<hbm>>) dst(%arg5 : memref<1000000xf32, #tpu.memory_space<vmem_shared>>)
        tpu.yield
      }) : () -> ()
    } else {
    }
    %barrier3A_510 = arith.constant 0 : index
    tpu.barrier barrier_id(%barrier3A_510)
    %add3A_511 = arith.constant 18 : i32
    %add3A_512 = arith.addi %mul3A_0, %add3A_511 : i32
    %sub3A_513 = arith.constant 1 : i32
    %sub3A_514 = arith.subi %add3A_512, %sub3A_513 : i32
    %mul3A_515 = arith.constant 25600 : i32
    %mul3A_516 = arith.muli %arg1, %mul3A_515 : i32
    %dma_wait3A_517 = tpu.memref_slice %arg4[%sub3A_514, %mul3A_516] : memref<64x409600xf32, #tpu.memory_space<hbm>> -> memref<1x25600xf32, #tpu.memory_space<hbm>>
    %dma_wait3A_518 = tpu.memref_squeeze %dma_wait3A_517 : memref<1x25600xf32, #tpu.memory_space<hbm>> -> memref<25600xf32, #tpu.memory_space<hbm>>
    %dma_wait3A_519 = tpu.memref_slice %arg4[%sub3A_514, %mul3A_516] : memref<64x409600xf32, #tpu.memory_space<hbm>> -> memref<1x25600xf32, #tpu.memory_space<hbm>>
    %dma_wait3A_520 = tpu.memref_squeeze %dma_wait3A_519 : memref<1x25600xf32, #tpu.memory_space<hbm>> -> memref<25600xf32, #tpu.memory_space<hbm>>
    tpu.wait_dma2 semaphore(%arg9 : memref<!tpu.dma_semaphore, #tpu.memory_space<semaphore_mem>>) src(%arg7 : memref<25600xf32, #tpu.memory_space<vmem>>) dst(%dma_wait3A_520 : memref<25600xf32, #tpu.memory_space<hbm>>)
    %dma_start3A_521 = arith.constant 0 : i32
    %dma_start3A_522 = tpu.memref_slice %arg5[%dma_start3A_521] : memref<1000000xf32, #tpu.memory_space<vmem_shared>> -> memref<1000000xf32, #tpu.memory_space<vmem_shared>>
    tpu.enqueue_indirect_dma source(%dma_start3A_522 : memref<1000000xf32, #tpu.memory_space<vmem_shared>>) target(%arg7 : memref<25600xf32, #tpu.memory_space<vmem>>) offsets(%arg6 : memref<25600xi32, #tpu.memory_space<vmem>>) semaphore(%arg8 : memref<!tpu.dma_semaphore, #tpu.memory_space<semaphore_mem>>)
    %dma_wait3A_523 = arith.constant 0 : i32
    %dma_wait3A_524 = tpu.memref_slice %arg5[%dma_wait3A_523] : memref<1000000xf32, #tpu.memory_space<vmem_shared>> -> memref<1000000xf32, #tpu.memory_space<vmem_shared>>
    tpu.wait_indirect_dma semaphore(%arg8 : memref<!tpu.dma_semaphore, #tpu.memory_space<semaphore_mem>>) src(%dma_wait3A_524 : memref<1000000xf32, #tpu.memory_space<vmem_shared>>) dst(%arg7 : memref<25600xf32, #tpu.memory_space<vmem>>)
    %barrier3A_525 = arith.constant 0 : index
    tpu.barrier barrier_id(%barrier3A_525)
    %add3A_526 = arith.constant 18 : i32
    %add3A_527 = arith.addi %mul3A_0, %add3A_526 : i32
    %mul3A_528 = arith.constant 25600 : i32
    %mul3A_529 = arith.muli %arg1, %mul3A_528 : i32
    %dma_start3A_530 = tpu.memref_slice %arg4[%add3A_527, %mul3A_529] : memref<64x409600xf32, #tpu.memory_space<hbm>> -> memref<1x25600xf32, #tpu.memory_space<hbm>>
    %dma_start3A_531 = tpu.memref_squeeze %dma_start3A_530 : memref<1x25600xf32, #tpu.memory_space<hbm>> -> memref<25600xf32, #tpu.memory_space<hbm>>
    %dma_start3A_532 = tpu.memref_slice %arg4[%add3A_527, %mul3A_529] : memref<64x409600xf32, #tpu.memory_space<hbm>> -> memref<1x25600xf32, #tpu.memory_space<hbm>>
    %dma_start3A_533 = tpu.memref_squeeze %dma_start3A_532 : memref<1x25600xf32, #tpu.memory_space<hbm>> -> memref<25600xf32, #tpu.memory_space<hbm>>
    tpu.enqueue_dma source(%arg7 : memref<25600xf32, #tpu.memory_space<vmem>>) target(%dma_start3A_533 : memref<25600xf32, #tpu.memory_space<hbm>>) target_semaphore(%arg9 : memref<!tpu.dma_semaphore, #tpu.memory_space<semaphore_mem>>)
    %eq3A_534 = arith.constant 3 : i32
    %eq3A_535 = arith.cmpi eq, %arg1, %eq3A_534 : i32
    %convert_element_type3A_536 = arith.extui %eq3A_535 : i1 to i32
    %cond3A_537 = arith.constant 0 : i32
    %cond3A_538 = arith.cmpi ne, %convert_element_type3A_536, %cond3A_537 : i32
    scf.if %cond3A_538 {
      %add3A_921 = arith.constant 19 : i32
      %add3A_922 = arith.addi %mul3A_0, %add3A_921 : i32
      "tpu.region"() ({
        %run_scoped3A = tpu.sem_alloc : memref<!tpu.dma_semaphore, #tpu.memory_space<semaphore_mem>>
        %dma_start3A_923 = arith.constant 0 : i32
        %dma_start3A_924 = tpu.memref_slice %arg2[%add3A_922, %dma_start3A_923] : memref<64x1000000xf32, #tpu.memory_space<hbm>> -> memref<1x1000000xf32, #tpu.memory_space<hbm>>
        %dma_start3A_925 = tpu.memref_squeeze %dma_start3A_924 : memref<1x1000000xf32, #tpu.memory_space<hbm>> -> memref<1000000xf32, #tpu.memory_space<hbm>>
        tpu.enqueue_dma source(%dma_start3A_925 : memref<1000000xf32, #tpu.memory_space<hbm>>) target(%arg5 : memref<1000000xf32, #tpu.memory_space<vmem_shared>>) target_semaphore(%run_scoped3A : memref<!tpu.dma_semaphore, #tpu.memory_space<semaphore_mem>>)
        %dma_wait3A_926 = arith.constant 0 : i32
        %dma_wait3A_927 = tpu.memref_slice %arg2[%add3A_922, %dma_wait3A_926] : memref<64x1000000xf32, #tpu.memory_space<hbm>> -> memref<1x1000000xf32, #tpu.memory_space<hbm>>
        %dma_wait3A_928 = tpu.memref_squeeze %dma_wait3A_927 : memref<1x1000000xf32, #tpu.memory_space<hbm>> -> memref<1000000xf32, #tpu.memory_space<hbm>>
        tpu.wait_dma2 semaphore(%run_scoped3A : memref<!tpu.dma_semaphore, #tpu.memory_space<semaphore_mem>>) src(%dma_wait3A_928 : memref<1000000xf32, #tpu.memory_space<hbm>>) dst(%arg5 : memref<1000000xf32, #tpu.memory_space<vmem_shared>>)
        tpu.yield
      }) : () -> ()
    } else {
    }
    %barrier3A_539 = arith.constant 0 : index
    tpu.barrier barrier_id(%barrier3A_539)
    %add3A_540 = arith.constant 19 : i32
    %add3A_541 = arith.addi %mul3A_0, %add3A_540 : i32
    %sub3A_542 = arith.constant 1 : i32
    %sub3A_543 = arith.subi %add3A_541, %sub3A_542 : i32
    %mul3A_544 = arith.constant 25600 : i32
    %mul3A_545 = arith.muli %arg1, %mul3A_544 : i32
    %dma_wait3A_546 = tpu.memref_slice %arg4[%sub3A_543, %mul3A_545] : memref<64x409600xf32, #tpu.memory_space<hbm>> -> memref<1x25600xf32, #tpu.memory_space<hbm>>
    %dma_wait3A_547 = tpu.memref_squeeze %dma_wait3A_546 : memref<1x25600xf32, #tpu.memory_space<hbm>> -> memref<25600xf32, #tpu.memory_space<hbm>>
    %dma_wait3A_548 = tpu.memref_slice %arg4[%sub3A_543, %mul3A_545] : memref<64x409600xf32, #tpu.memory_space<hbm>> -> memref<1x25600xf32, #tpu.memory_space<hbm>>
    %dma_wait3A_549 = tpu.memref_squeeze %dma_wait3A_548 : memref<1x25600xf32, #tpu.memory_space<hbm>> -> memref<25600xf32, #tpu.memory_space<hbm>>
    tpu.wait_dma2 semaphore(%arg9 : memref<!tpu.dma_semaphore, #tpu.memory_space<semaphore_mem>>) src(%arg7 : memref<25600xf32, #tpu.memory_space<vmem>>) dst(%dma_wait3A_549 : memref<25600xf32, #tpu.memory_space<hbm>>)
    %dma_start3A_550 = arith.constant 0 : i32
    %dma_start3A_551 = tpu.memref_slice %arg5[%dma_start3A_550] : memref<1000000xf32, #tpu.memory_space<vmem_shared>> -> memref<1000000xf32, #tpu.memory_space<vmem_shared>>
    tpu.enqueue_indirect_dma source(%dma_start3A_551 : memref<1000000xf32, #tpu.memory_space<vmem_shared>>) target(%arg7 : memref<25600xf32, #tpu.memory_space<vmem>>) offsets(%arg6 : memref<25600xi32, #tpu.memory_space<vmem>>) semaphore(%arg8 : memref<!tpu.dma_semaphore, #tpu.memory_space<semaphore_mem>>)
    %dma_wait3A_552 = arith.constant 0 : i32
    %dma_wait3A_553 = tpu.memref_slice %arg5[%dma_wait3A_552] : memref<1000000xf32, #tpu.memory_space<vmem_shared>> -> memref<1000000xf32, #tpu.memory_space<vmem_shared>>
    tpu.wait_indirect_dma semaphore(%arg8 : memref<!tpu.dma_semaphore, #tpu.memory_space<semaphore_mem>>) src(%dma_wait3A_553 : memref<1000000xf32, #tpu.memory_space<vmem_shared>>) dst(%arg7 : memref<25600xf32, #tpu.memory_space<vmem>>)
    %barrier3A_554 = arith.constant 0 : index
    tpu.barrier barrier_id(%barrier3A_554)
    %add3A_555 = arith.constant 19 : i32
    %add3A_556 = arith.addi %mul3A_0, %add3A_555 : i32
    %mul3A_557 = arith.constant 25600 : i32
    %mul3A_558 = arith.muli %arg1, %mul3A_557 : i32
    %dma_start3A_559 = tpu.memref_slice %arg4[%add3A_556, %mul3A_558] : memref<64x409600xf32, #tpu.memory_space<hbm>> -> memref<1x25600xf32, #tpu.memory_space<hbm>>
    %dma_start3A_560 = tpu.memref_squeeze %dma_start3A_559 : memref<1x25600xf32, #tpu.memory_space<hbm>> -> memref<25600xf32, #tpu.memory_space<hbm>>
    %dma_start3A_561 = tpu.memref_slice %arg4[%add3A_556, %mul3A_558] : memref<64x409600xf32, #tpu.memory_space<hbm>> -> memref<1x25600xf32, #tpu.memory_space<hbm>>
    %dma_start3A_562 = tpu.memref_squeeze %dma_start3A_561 : memref<1x25600xf32, #tpu.memory_space<hbm>> -> memref<25600xf32, #tpu.memory_space<hbm>>
    tpu.enqueue_dma source(%arg7 : memref<25600xf32, #tpu.memory_space<vmem>>) target(%dma_start3A_562 : memref<25600xf32, #tpu.memory_space<hbm>>) target_semaphore(%arg9 : memref<!tpu.dma_semaphore, #tpu.memory_space<semaphore_mem>>)
    %eq3A_563 = arith.constant 4 : i32
    %eq3A_564 = arith.cmpi eq, %arg1, %eq3A_563 : i32
    %convert_element_type3A_565 = arith.extui %eq3A_564 : i1 to i32
    %cond3A_566 = arith.constant 0 : i32
    %cond3A_567 = arith.cmpi ne, %convert_element_type3A_565, %cond3A_566 : i32
    scf.if %cond3A_567 {
      %add3A_921 = arith.constant 20 : i32
      %add3A_922 = arith.addi %mul3A_0, %add3A_921 : i32
      "tpu.region"() ({
        %run_scoped3A = tpu.sem_alloc : memref<!tpu.dma_semaphore, #tpu.memory_space<semaphore_mem>>
        %dma_start3A_923 = arith.constant 0 : i32
        %dma_start3A_924 = tpu.memref_slice %arg2[%add3A_922, %dma_start3A_923] : memref<64x1000000xf32, #tpu.memory_space<hbm>> -> memref<1x1000000xf32, #tpu.memory_space<hbm>>
        %dma_start3A_925 = tpu.memref_squeeze %dma_start3A_924 : memref<1x1000000xf32, #tpu.memory_space<hbm>> -> memref<1000000xf32, #tpu.memory_space<hbm>>
        tpu.enqueue_dma source(%dma_start3A_925 : memref<1000000xf32, #tpu.memory_space<hbm>>) target(%arg5 : memref<1000000xf32, #tpu.memory_space<vmem_shared>>) target_semaphore(%run_scoped3A : memref<!tpu.dma_semaphore, #tpu.memory_space<semaphore_mem>>)
        %dma_wait3A_926 = arith.constant 0 : i32
        %dma_wait3A_927 = tpu.memref_slice %arg2[%add3A_922, %dma_wait3A_926] : memref<64x1000000xf32, #tpu.memory_space<hbm>> -> memref<1x1000000xf32, #tpu.memory_space<hbm>>
        %dma_wait3A_928 = tpu.memref_squeeze %dma_wait3A_927 : memref<1x1000000xf32, #tpu.memory_space<hbm>> -> memref<1000000xf32, #tpu.memory_space<hbm>>
        tpu.wait_dma2 semaphore(%run_scoped3A : memref<!tpu.dma_semaphore, #tpu.memory_space<semaphore_mem>>) src(%dma_wait3A_928 : memref<1000000xf32, #tpu.memory_space<hbm>>) dst(%arg5 : memref<1000000xf32, #tpu.memory_space<vmem_shared>>)
        tpu.yield
      }) : () -> ()
    } else {
    }
    %barrier3A_568 = arith.constant 0 : index
    tpu.barrier barrier_id(%barrier3A_568)
    %add3A_569 = arith.constant 20 : i32
    %add3A_570 = arith.addi %mul3A_0, %add3A_569 : i32
    %sub3A_571 = arith.constant 1 : i32
    %sub3A_572 = arith.subi %add3A_570, %sub3A_571 : i32
    %mul3A_573 = arith.constant 25600 : i32
    %mul3A_574 = arith.muli %arg1, %mul3A_573 : i32
    %dma_wait3A_575 = tpu.memref_slice %arg4[%sub3A_572, %mul3A_574] : memref<64x409600xf32, #tpu.memory_space<hbm>> -> memref<1x25600xf32, #tpu.memory_space<hbm>>
    %dma_wait3A_576 = tpu.memref_squeeze %dma_wait3A_575 : memref<1x25600xf32, #tpu.memory_space<hbm>> -> memref<25600xf32, #tpu.memory_space<hbm>>
    %dma_wait3A_577 = tpu.memref_slice %arg4[%sub3A_572, %mul3A_574] : memref<64x409600xf32, #tpu.memory_space<hbm>> -> memref<1x25600xf32, #tpu.memory_space<hbm>>
    %dma_wait3A_578 = tpu.memref_squeeze %dma_wait3A_577 : memref<1x25600xf32, #tpu.memory_space<hbm>> -> memref<25600xf32, #tpu.memory_space<hbm>>
    tpu.wait_dma2 semaphore(%arg9 : memref<!tpu.dma_semaphore, #tpu.memory_space<semaphore_mem>>) src(%arg7 : memref<25600xf32, #tpu.memory_space<vmem>>) dst(%dma_wait3A_578 : memref<25600xf32, #tpu.memory_space<hbm>>)
    %dma_start3A_579 = arith.constant 0 : i32
    %dma_start3A_580 = tpu.memref_slice %arg5[%dma_start3A_579] : memref<1000000xf32, #tpu.memory_space<vmem_shared>> -> memref<1000000xf32, #tpu.memory_space<vmem_shared>>
    tpu.enqueue_indirect_dma source(%dma_start3A_580 : memref<1000000xf32, #tpu.memory_space<vmem_shared>>) target(%arg7 : memref<25600xf32, #tpu.memory_space<vmem>>) offsets(%arg6 : memref<25600xi32, #tpu.memory_space<vmem>>) semaphore(%arg8 : memref<!tpu.dma_semaphore, #tpu.memory_space<semaphore_mem>>)
    %dma_wait3A_581 = arith.constant 0 : i32
    %dma_wait3A_582 = tpu.memref_slice %arg5[%dma_wait3A_581] : memref<1000000xf32, #tpu.memory_space<vmem_shared>> -> memref<1000000xf32, #tpu.memory_space<vmem_shared>>
    tpu.wait_indirect_dma semaphore(%arg8 : memref<!tpu.dma_semaphore, #tpu.memory_space<semaphore_mem>>) src(%dma_wait3A_582 : memref<1000000xf32, #tpu.memory_space<vmem_shared>>) dst(%arg7 : memref<25600xf32, #tpu.memory_space<vmem>>)
    %barrier3A_583 = arith.constant 0 : index
    tpu.barrier barrier_id(%barrier3A_583)
    %add3A_584 = arith.constant 20 : i32
    %add3A_585 = arith.addi %mul3A_0, %add3A_584 : i32
    %mul3A_586 = arith.constant 25600 : i32
    %mul3A_587 = arith.muli %arg1, %mul3A_586 : i32
    %dma_start3A_588 = tpu.memref_slice %arg4[%add3A_585, %mul3A_587] : memref<64x409600xf32, #tpu.memory_space<hbm>> -> memref<1x25600xf32, #tpu.memory_space<hbm>>
    %dma_start3A_589 = tpu.memref_squeeze %dma_start3A_588 : memref<1x25600xf32, #tpu.memory_space<hbm>> -> memref<25600xf32, #tpu.memory_space<hbm>>
    %dma_start3A_590 = tpu.memref_slice %arg4[%add3A_585, %mul3A_587] : memref<64x409600xf32, #tpu.memory_space<hbm>> -> memref<1x25600xf32, #tpu.memory_space<hbm>>
    %dma_start3A_591 = tpu.memref_squeeze %dma_start3A_590 : memref<1x25600xf32, #tpu.memory_space<hbm>> -> memref<25600xf32, #tpu.memory_space<hbm>>
    tpu.enqueue_dma source(%arg7 : memref<25600xf32, #tpu.memory_space<vmem>>) target(%dma_start3A_591 : memref<25600xf32, #tpu.memory_space<hbm>>) target_semaphore(%arg9 : memref<!tpu.dma_semaphore, #tpu.memory_space<semaphore_mem>>)
    %eq3A_592 = arith.constant 5 : i32
    %eq3A_593 = arith.cmpi eq, %arg1, %eq3A_592 : i32
    %convert_element_type3A_594 = arith.extui %eq3A_593 : i1 to i32
    %cond3A_595 = arith.constant 0 : i32
    %cond3A_596 = arith.cmpi ne, %convert_element_type3A_594, %cond3A_595 : i32
    scf.if %cond3A_596 {
      %add3A_921 = arith.constant 21 : i32
      %add3A_922 = arith.addi %mul3A_0, %add3A_921 : i32
      "tpu.region"() ({
        %run_scoped3A = tpu.sem_alloc : memref<!tpu.dma_semaphore, #tpu.memory_space<semaphore_mem>>
        %dma_start3A_923 = arith.constant 0 : i32
        %dma_start3A_924 = tpu.memref_slice %arg2[%add3A_922, %dma_start3A_923] : memref<64x1000000xf32, #tpu.memory_space<hbm>> -> memref<1x1000000xf32, #tpu.memory_space<hbm>>
        %dma_start3A_925 = tpu.memref_squeeze %dma_start3A_924 : memref<1x1000000xf32, #tpu.memory_space<hbm>> -> memref<1000000xf32, #tpu.memory_space<hbm>>
        tpu.enqueue_dma source(%dma_start3A_925 : memref<1000000xf32, #tpu.memory_space<hbm>>) target(%arg5 : memref<1000000xf32, #tpu.memory_space<vmem_shared>>) target_semaphore(%run_scoped3A : memref<!tpu.dma_semaphore, #tpu.memory_space<semaphore_mem>>)
        %dma_wait3A_926 = arith.constant 0 : i32
        %dma_wait3A_927 = tpu.memref_slice %arg2[%add3A_922, %dma_wait3A_926] : memref<64x1000000xf32, #tpu.memory_space<hbm>> -> memref<1x1000000xf32, #tpu.memory_space<hbm>>
        %dma_wait3A_928 = tpu.memref_squeeze %dma_wait3A_927 : memref<1x1000000xf32, #tpu.memory_space<hbm>> -> memref<1000000xf32, #tpu.memory_space<hbm>>
        tpu.wait_dma2 semaphore(%run_scoped3A : memref<!tpu.dma_semaphore, #tpu.memory_space<semaphore_mem>>) src(%dma_wait3A_928 : memref<1000000xf32, #tpu.memory_space<hbm>>) dst(%arg5 : memref<1000000xf32, #tpu.memory_space<vmem_shared>>)
        tpu.yield
      }) : () -> ()
    } else {
    }
    %barrier3A_597 = arith.constant 0 : index
    tpu.barrier barrier_id(%barrier3A_597)
    %add3A_598 = arith.constant 21 : i32
    %add3A_599 = arith.addi %mul3A_0, %add3A_598 : i32
    %sub3A_600 = arith.constant 1 : i32
    %sub3A_601 = arith.subi %add3A_599, %sub3A_600 : i32
    %mul3A_602 = arith.constant 25600 : i32
    %mul3A_603 = arith.muli %arg1, %mul3A_602 : i32
    %dma_wait3A_604 = tpu.memref_slice %arg4[%sub3A_601, %mul3A_603] : memref<64x409600xf32, #tpu.memory_space<hbm>> -> memref<1x25600xf32, #tpu.memory_space<hbm>>
    %dma_wait3A_605 = tpu.memref_squeeze %dma_wait3A_604 : memref<1x25600xf32, #tpu.memory_space<hbm>> -> memref<25600xf32, #tpu.memory_space<hbm>>
    %dma_wait3A_606 = tpu.memref_slice %arg4[%sub3A_601, %mul3A_603] : memref<64x409600xf32, #tpu.memory_space<hbm>> -> memref<1x25600xf32, #tpu.memory_space<hbm>>
    %dma_wait3A_607 = tpu.memref_squeeze %dma_wait3A_606 : memref<1x25600xf32, #tpu.memory_space<hbm>> -> memref<25600xf32, #tpu.memory_space<hbm>>
    tpu.wait_dma2 semaphore(%arg9 : memref<!tpu.dma_semaphore, #tpu.memory_space<semaphore_mem>>) src(%arg7 : memref<25600xf32, #tpu.memory_space<vmem>>) dst(%dma_wait3A_607 : memref<25600xf32, #tpu.memory_space<hbm>>)
    %dma_start3A_608 = arith.constant 0 : i32
    %dma_start3A_609 = tpu.memref_slice %arg5[%dma_start3A_608] : memref<1000000xf32, #tpu.memory_space<vmem_shared>> -> memref<1000000xf32, #tpu.memory_space<vmem_shared>>
    tpu.enqueue_indirect_dma source(%dma_start3A_609 : memref<1000000xf32, #tpu.memory_space<vmem_shared>>) target(%arg7 : memref<25600xf32, #tpu.memory_space<vmem>>) offsets(%arg6 : memref<25600xi32, #tpu.memory_space<vmem>>) semaphore(%arg8 : memref<!tpu.dma_semaphore, #tpu.memory_space<semaphore_mem>>)
    %dma_wait3A_610 = arith.constant 0 : i32
    %dma_wait3A_611 = tpu.memref_slice %arg5[%dma_wait3A_610] : memref<1000000xf32, #tpu.memory_space<vmem_shared>> -> memref<1000000xf32, #tpu.memory_space<vmem_shared>>
    tpu.wait_indirect_dma semaphore(%arg8 : memref<!tpu.dma_semaphore, #tpu.memory_space<semaphore_mem>>) src(%dma_wait3A_611 : memref<1000000xf32, #tpu.memory_space<vmem_shared>>) dst(%arg7 : memref<25600xf32, #tpu.memory_space<vmem>>)
    %barrier3A_612 = arith.constant 0 : index
    tpu.barrier barrier_id(%barrier3A_612)
    %add3A_613 = arith.constant 21 : i32
    %add3A_614 = arith.addi %mul3A_0, %add3A_613 : i32
    %mul3A_615 = arith.constant 25600 : i32
    %mul3A_616 = arith.muli %arg1, %mul3A_615 : i32
    %dma_start3A_617 = tpu.memref_slice %arg4[%add3A_614, %mul3A_616] : memref<64x409600xf32, #tpu.memory_space<hbm>> -> memref<1x25600xf32, #tpu.memory_space<hbm>>
    %dma_start3A_618 = tpu.memref_squeeze %dma_start3A_617 : memref<1x25600xf32, #tpu.memory_space<hbm>> -> memref<25600xf32, #tpu.memory_space<hbm>>
    %dma_start3A_619 = tpu.memref_slice %arg4[%add3A_614, %mul3A_616] : memref<64x409600xf32, #tpu.memory_space<hbm>> -> memref<1x25600xf32, #tpu.memory_space<hbm>>
    %dma_start3A_620 = tpu.memref_squeeze %dma_start3A_619 : memref<1x25600xf32, #tpu.memory_space<hbm>> -> memref<25600xf32, #tpu.memory_space<hbm>>
    tpu.enqueue_dma source(%arg7 : memref<25600xf32, #tpu.memory_space<vmem>>) target(%dma_start3A_620 : memref<25600xf32, #tpu.memory_space<hbm>>) target_semaphore(%arg9 : memref<!tpu.dma_semaphore, #tpu.memory_space<semaphore_mem>>)
    %eq3A_621 = arith.constant 6 : i32
    %eq3A_622 = arith.cmpi eq, %arg1, %eq3A_621 : i32
    %convert_element_type3A_623 = arith.extui %eq3A_622 : i1 to i32
    %cond3A_624 = arith.constant 0 : i32
    %cond3A_625 = arith.cmpi ne, %convert_element_type3A_623, %cond3A_624 : i32
    scf.if %cond3A_625 {
      %add3A_921 = arith.constant 22 : i32
      %add3A_922 = arith.addi %mul3A_0, %add3A_921 : i32
      "tpu.region"() ({
        %run_scoped3A = tpu.sem_alloc : memref<!tpu.dma_semaphore, #tpu.memory_space<semaphore_mem>>
        %dma_start3A_923 = arith.constant 0 : i32
        %dma_start3A_924 = tpu.memref_slice %arg2[%add3A_922, %dma_start3A_923] : memref<64x1000000xf32, #tpu.memory_space<hbm>> -> memref<1x1000000xf32, #tpu.memory_space<hbm>>
        %dma_start3A_925 = tpu.memref_squeeze %dma_start3A_924 : memref<1x1000000xf32, #tpu.memory_space<hbm>> -> memref<1000000xf32, #tpu.memory_space<hbm>>
        tpu.enqueue_dma source(%dma_start3A_925 : memref<1000000xf32, #tpu.memory_space<hbm>>) target(%arg5 : memref<1000000xf32, #tpu.memory_space<vmem_shared>>) target_semaphore(%run_scoped3A : memref<!tpu.dma_semaphore, #tpu.memory_space<semaphore_mem>>)
        %dma_wait3A_926 = arith.constant 0 : i32
        %dma_wait3A_927 = tpu.memref_slice %arg2[%add3A_922, %dma_wait3A_926] : memref<64x1000000xf32, #tpu.memory_space<hbm>> -> memref<1x1000000xf32, #tpu.memory_space<hbm>>
        %dma_wait3A_928 = tpu.memref_squeeze %dma_wait3A_927 : memref<1x1000000xf32, #tpu.memory_space<hbm>> -> memref<1000000xf32, #tpu.memory_space<hbm>>
        tpu.wait_dma2 semaphore(%run_scoped3A : memref<!tpu.dma_semaphore, #tpu.memory_space<semaphore_mem>>) src(%dma_wait3A_928 : memref<1000000xf32, #tpu.memory_space<hbm>>) dst(%arg5 : memref<1000000xf32, #tpu.memory_space<vmem_shared>>)
        tpu.yield
      }) : () -> ()
    } else {
    }
    %barrier3A_626 = arith.constant 0 : index
    tpu.barrier barrier_id(%barrier3A_626)
    %add3A_627 = arith.constant 22 : i32
    %add3A_628 = arith.addi %mul3A_0, %add3A_627 : i32
    %sub3A_629 = arith.constant 1 : i32
    %sub3A_630 = arith.subi %add3A_628, %sub3A_629 : i32
    %mul3A_631 = arith.constant 25600 : i32
    %mul3A_632 = arith.muli %arg1, %mul3A_631 : i32
    %dma_wait3A_633 = tpu.memref_slice %arg4[%sub3A_630, %mul3A_632] : memref<64x409600xf32, #tpu.memory_space<hbm>> -> memref<1x25600xf32, #tpu.memory_space<hbm>>
    %dma_wait3A_634 = tpu.memref_squeeze %dma_wait3A_633 : memref<1x25600xf32, #tpu.memory_space<hbm>> -> memref<25600xf32, #tpu.memory_space<hbm>>
    %dma_wait3A_635 = tpu.memref_slice %arg4[%sub3A_630, %mul3A_632] : memref<64x409600xf32, #tpu.memory_space<hbm>> -> memref<1x25600xf32, #tpu.memory_space<hbm>>
    %dma_wait3A_636 = tpu.memref_squeeze %dma_wait3A_635 : memref<1x25600xf32, #tpu.memory_space<hbm>> -> memref<25600xf32, #tpu.memory_space<hbm>>
    tpu.wait_dma2 semaphore(%arg9 : memref<!tpu.dma_semaphore, #tpu.memory_space<semaphore_mem>>) src(%arg7 : memref<25600xf32, #tpu.memory_space<vmem>>) dst(%dma_wait3A_636 : memref<25600xf32, #tpu.memory_space<hbm>>)
    %dma_start3A_637 = arith.constant 0 : i32
    %dma_start3A_638 = tpu.memref_slice %arg5[%dma_start3A_637] : memref<1000000xf32, #tpu.memory_space<vmem_shared>> -> memref<1000000xf32, #tpu.memory_space<vmem_shared>>
    tpu.enqueue_indirect_dma source(%dma_start3A_638 : memref<1000000xf32, #tpu.memory_space<vmem_shared>>) target(%arg7 : memref<25600xf32, #tpu.memory_space<vmem>>) offsets(%arg6 : memref<25600xi32, #tpu.memory_space<vmem>>) semaphore(%arg8 : memref<!tpu.dma_semaphore, #tpu.memory_space<semaphore_mem>>)
    %dma_wait3A_639 = arith.constant 0 : i32
    %dma_wait3A_640 = tpu.memref_slice %arg5[%dma_wait3A_639] : memref<1000000xf32, #tpu.memory_space<vmem_shared>> -> memref<1000000xf32, #tpu.memory_space<vmem_shared>>
    tpu.wait_indirect_dma semaphore(%arg8 : memref<!tpu.dma_semaphore, #tpu.memory_space<semaphore_mem>>) src(%dma_wait3A_640 : memref<1000000xf32, #tpu.memory_space<vmem_shared>>) dst(%arg7 : memref<25600xf32, #tpu.memory_space<vmem>>)
    %barrier3A_641 = arith.constant 0 : index
    tpu.barrier barrier_id(%barrier3A_641)
    %add3A_642 = arith.constant 22 : i32
    %add3A_643 = arith.addi %mul3A_0, %add3A_642 : i32
    %mul3A_644 = arith.constant 25600 : i32
    %mul3A_645 = arith.muli %arg1, %mul3A_644 : i32
    %dma_start3A_646 = tpu.memref_slice %arg4[%add3A_643, %mul3A_645] : memref<64x409600xf32, #tpu.memory_space<hbm>> -> memref<1x25600xf32, #tpu.memory_space<hbm>>
    %dma_start3A_647 = tpu.memref_squeeze %dma_start3A_646 : memref<1x25600xf32, #tpu.memory_space<hbm>> -> memref<25600xf32, #tpu.memory_space<hbm>>
    %dma_start3A_648 = tpu.memref_slice %arg4[%add3A_643, %mul3A_645] : memref<64x409600xf32, #tpu.memory_space<hbm>> -> memref<1x25600xf32, #tpu.memory_space<hbm>>
    %dma_start3A_649 = tpu.memref_squeeze %dma_start3A_648 : memref<1x25600xf32, #tpu.memory_space<hbm>> -> memref<25600xf32, #tpu.memory_space<hbm>>
    tpu.enqueue_dma source(%arg7 : memref<25600xf32, #tpu.memory_space<vmem>>) target(%dma_start3A_649 : memref<25600xf32, #tpu.memory_space<hbm>>) target_semaphore(%arg9 : memref<!tpu.dma_semaphore, #tpu.memory_space<semaphore_mem>>)
    %eq3A_650 = arith.constant 7 : i32
    %eq3A_651 = arith.cmpi eq, %arg1, %eq3A_650 : i32
    %convert_element_type3A_652 = arith.extui %eq3A_651 : i1 to i32
    %cond3A_653 = arith.constant 0 : i32
    %cond3A_654 = arith.cmpi ne, %convert_element_type3A_652, %cond3A_653 : i32
    scf.if %cond3A_654 {
      %add3A_921 = arith.constant 23 : i32
      %add3A_922 = arith.addi %mul3A_0, %add3A_921 : i32
      "tpu.region"() ({
        %run_scoped3A = tpu.sem_alloc : memref<!tpu.dma_semaphore, #tpu.memory_space<semaphore_mem>>
        %dma_start3A_923 = arith.constant 0 : i32
        %dma_start3A_924 = tpu.memref_slice %arg2[%add3A_922, %dma_start3A_923] : memref<64x1000000xf32, #tpu.memory_space<hbm>> -> memref<1x1000000xf32, #tpu.memory_space<hbm>>
        %dma_start3A_925 = tpu.memref_squeeze %dma_start3A_924 : memref<1x1000000xf32, #tpu.memory_space<hbm>> -> memref<1000000xf32, #tpu.memory_space<hbm>>
        tpu.enqueue_dma source(%dma_start3A_925 : memref<1000000xf32, #tpu.memory_space<hbm>>) target(%arg5 : memref<1000000xf32, #tpu.memory_space<vmem_shared>>) target_semaphore(%run_scoped3A : memref<!tpu.dma_semaphore, #tpu.memory_space<semaphore_mem>>)
        %dma_wait3A_926 = arith.constant 0 : i32
        %dma_wait3A_927 = tpu.memref_slice %arg2[%add3A_922, %dma_wait3A_926] : memref<64x1000000xf32, #tpu.memory_space<hbm>> -> memref<1x1000000xf32, #tpu.memory_space<hbm>>
        %dma_wait3A_928 = tpu.memref_squeeze %dma_wait3A_927 : memref<1x1000000xf32, #tpu.memory_space<hbm>> -> memref<1000000xf32, #tpu.memory_space<hbm>>
        tpu.wait_dma2 semaphore(%run_scoped3A : memref<!tpu.dma_semaphore, #tpu.memory_space<semaphore_mem>>) src(%dma_wait3A_928 : memref<1000000xf32, #tpu.memory_space<hbm>>) dst(%arg5 : memref<1000000xf32, #tpu.memory_space<vmem_shared>>)
        tpu.yield
      }) : () -> ()
    } else {
    }
    %barrier3A_655 = arith.constant 0 : index
    tpu.barrier barrier_id(%barrier3A_655)
    %add3A_656 = arith.constant 23 : i32
    %add3A_657 = arith.addi %mul3A_0, %add3A_656 : i32
    %sub3A_658 = arith.constant 1 : i32
    %sub3A_659 = arith.subi %add3A_657, %sub3A_658 : i32
    %mul3A_660 = arith.constant 25600 : i32
    %mul3A_661 = arith.muli %arg1, %mul3A_660 : i32
    %dma_wait3A_662 = tpu.memref_slice %arg4[%sub3A_659, %mul3A_661] : memref<64x409600xf32, #tpu.memory_space<hbm>> -> memref<1x25600xf32, #tpu.memory_space<hbm>>
    %dma_wait3A_663 = tpu.memref_squeeze %dma_wait3A_662 : memref<1x25600xf32, #tpu.memory_space<hbm>> -> memref<25600xf32, #tpu.memory_space<hbm>>
    %dma_wait3A_664 = tpu.memref_slice %arg4[%sub3A_659, %mul3A_661] : memref<64x409600xf32, #tpu.memory_space<hbm>> -> memref<1x25600xf32, #tpu.memory_space<hbm>>
    %dma_wait3A_665 = tpu.memref_squeeze %dma_wait3A_664 : memref<1x25600xf32, #tpu.memory_space<hbm>> -> memref<25600xf32, #tpu.memory_space<hbm>>
    tpu.wait_dma2 semaphore(%arg9 : memref<!tpu.dma_semaphore, #tpu.memory_space<semaphore_mem>>) src(%arg7 : memref<25600xf32, #tpu.memory_space<vmem>>) dst(%dma_wait3A_665 : memref<25600xf32, #tpu.memory_space<hbm>>)
    %dma_start3A_666 = arith.constant 0 : i32
    %dma_start3A_667 = tpu.memref_slice %arg5[%dma_start3A_666] : memref<1000000xf32, #tpu.memory_space<vmem_shared>> -> memref<1000000xf32, #tpu.memory_space<vmem_shared>>
    tpu.enqueue_indirect_dma source(%dma_start3A_667 : memref<1000000xf32, #tpu.memory_space<vmem_shared>>) target(%arg7 : memref<25600xf32, #tpu.memory_space<vmem>>) offsets(%arg6 : memref<25600xi32, #tpu.memory_space<vmem>>) semaphore(%arg8 : memref<!tpu.dma_semaphore, #tpu.memory_space<semaphore_mem>>)
    %dma_wait3A_668 = arith.constant 0 : i32
    %dma_wait3A_669 = tpu.memref_slice %arg5[%dma_wait3A_668] : memref<1000000xf32, #tpu.memory_space<vmem_shared>> -> memref<1000000xf32, #tpu.memory_space<vmem_shared>>
    tpu.wait_indirect_dma semaphore(%arg8 : memref<!tpu.dma_semaphore, #tpu.memory_space<semaphore_mem>>) src(%dma_wait3A_669 : memref<1000000xf32, #tpu.memory_space<vmem_shared>>) dst(%arg7 : memref<25600xf32, #tpu.memory_space<vmem>>)
    %barrier3A_670 = arith.constant 0 : index
    tpu.barrier barrier_id(%barrier3A_670)
    %add3A_671 = arith.constant 23 : i32
    %add3A_672 = arith.addi %mul3A_0, %add3A_671 : i32
    %mul3A_673 = arith.constant 25600 : i32
    %mul3A_674 = arith.muli %arg1, %mul3A_673 : i32
    %dma_start3A_675 = tpu.memref_slice %arg4[%add3A_672, %mul3A_674] : memref<64x409600xf32, #tpu.memory_space<hbm>> -> memref<1x25600xf32, #tpu.memory_space<hbm>>
    %dma_start3A_676 = tpu.memref_squeeze %dma_start3A_675 : memref<1x25600xf32, #tpu.memory_space<hbm>> -> memref<25600xf32, #tpu.memory_space<hbm>>
    %dma_start3A_677 = tpu.memref_slice %arg4[%add3A_672, %mul3A_674] : memref<64x409600xf32, #tpu.memory_space<hbm>> -> memref<1x25600xf32, #tpu.memory_space<hbm>>
    %dma_start3A_678 = tpu.memref_squeeze %dma_start3A_677 : memref<1x25600xf32, #tpu.memory_space<hbm>> -> memref<25600xf32, #tpu.memory_space<hbm>>
    tpu.enqueue_dma source(%arg7 : memref<25600xf32, #tpu.memory_space<vmem>>) target(%dma_start3A_678 : memref<25600xf32, #tpu.memory_space<hbm>>) target_semaphore(%arg9 : memref<!tpu.dma_semaphore, #tpu.memory_space<semaphore_mem>>)
    %eq3A_679 = arith.constant 8 : i32
    %eq3A_680 = arith.cmpi eq, %arg1, %eq3A_679 : i32
    %convert_element_type3A_681 = arith.extui %eq3A_680 : i1 to i32
    %cond3A_682 = arith.constant 0 : i32
    %cond3A_683 = arith.cmpi ne, %convert_element_type3A_681, %cond3A_682 : i32
    scf.if %cond3A_683 {
      %add3A_921 = arith.constant 24 : i32
      %add3A_922 = arith.addi %mul3A_0, %add3A_921 : i32
      "tpu.region"() ({
        %run_scoped3A = tpu.sem_alloc : memref<!tpu.dma_semaphore, #tpu.memory_space<semaphore_mem>>
        %dma_start3A_923 = arith.constant 0 : i32
        %dma_start3A_924 = tpu.memref_slice %arg2[%add3A_922, %dma_start3A_923] : memref<64x1000000xf32, #tpu.memory_space<hbm>> -> memref<1x1000000xf32, #tpu.memory_space<hbm>>
        %dma_start3A_925 = tpu.memref_squeeze %dma_start3A_924 : memref<1x1000000xf32, #tpu.memory_space<hbm>> -> memref<1000000xf32, #tpu.memory_space<hbm>>
        tpu.enqueue_dma source(%dma_start3A_925 : memref<1000000xf32, #tpu.memory_space<hbm>>) target(%arg5 : memref<1000000xf32, #tpu.memory_space<vmem_shared>>) target_semaphore(%run_scoped3A : memref<!tpu.dma_semaphore, #tpu.memory_space<semaphore_mem>>)
        %dma_wait3A_926 = arith.constant 0 : i32
        %dma_wait3A_927 = tpu.memref_slice %arg2[%add3A_922, %dma_wait3A_926] : memref<64x1000000xf32, #tpu.memory_space<hbm>> -> memref<1x1000000xf32, #tpu.memory_space<hbm>>
        %dma_wait3A_928 = tpu.memref_squeeze %dma_wait3A_927 : memref<1x1000000xf32, #tpu.memory_space<hbm>> -> memref<1000000xf32, #tpu.memory_space<hbm>>
        tpu.wait_dma2 semaphore(%run_scoped3A : memref<!tpu.dma_semaphore, #tpu.memory_space<semaphore_mem>>) src(%dma_wait3A_928 : memref<1000000xf32, #tpu.memory_space<hbm>>) dst(%arg5 : memref<1000000xf32, #tpu.memory_space<vmem_shared>>)
        tpu.yield
      }) : () -> ()
    } else {
    }
    %barrier3A_684 = arith.constant 0 : index
    tpu.barrier barrier_id(%barrier3A_684)
    %add3A_685 = arith.constant 24 : i32
    %add3A_686 = arith.addi %mul3A_0, %add3A_685 : i32
    %sub3A_687 = arith.constant 1 : i32
    %sub3A_688 = arith.subi %add3A_686, %sub3A_687 : i32
    %mul3A_689 = arith.constant 25600 : i32
    %mul3A_690 = arith.muli %arg1, %mul3A_689 : i32
    %dma_wait3A_691 = tpu.memref_slice %arg4[%sub3A_688, %mul3A_690] : memref<64x409600xf32, #tpu.memory_space<hbm>> -> memref<1x25600xf32, #tpu.memory_space<hbm>>
    %dma_wait3A_692 = tpu.memref_squeeze %dma_wait3A_691 : memref<1x25600xf32, #tpu.memory_space<hbm>> -> memref<25600xf32, #tpu.memory_space<hbm>>
    %dma_wait3A_693 = tpu.memref_slice %arg4[%sub3A_688, %mul3A_690] : memref<64x409600xf32, #tpu.memory_space<hbm>> -> memref<1x25600xf32, #tpu.memory_space<hbm>>
    %dma_wait3A_694 = tpu.memref_squeeze %dma_wait3A_693 : memref<1x25600xf32, #tpu.memory_space<hbm>> -> memref<25600xf32, #tpu.memory_space<hbm>>
    tpu.wait_dma2 semaphore(%arg9 : memref<!tpu.dma_semaphore, #tpu.memory_space<semaphore_mem>>) src(%arg7 : memref<25600xf32, #tpu.memory_space<vmem>>) dst(%dma_wait3A_694 : memref<25600xf32, #tpu.memory_space<hbm>>)
    %dma_start3A_695 = arith.constant 0 : i32
    %dma_start3A_696 = tpu.memref_slice %arg5[%dma_start3A_695] : memref<1000000xf32, #tpu.memory_space<vmem_shared>> -> memref<1000000xf32, #tpu.memory_space<vmem_shared>>
    tpu.enqueue_indirect_dma source(%dma_start3A_696 : memref<1000000xf32, #tpu.memory_space<vmem_shared>>) target(%arg7 : memref<25600xf32, #tpu.memory_space<vmem>>) offsets(%arg6 : memref<25600xi32, #tpu.memory_space<vmem>>) semaphore(%arg8 : memref<!tpu.dma_semaphore, #tpu.memory_space<semaphore_mem>>)
    %dma_wait3A_697 = arith.constant 0 : i32
    %dma_wait3A_698 = tpu.memref_slice %arg5[%dma_wait3A_697] : memref<1000000xf32, #tpu.memory_space<vmem_shared>> -> memref<1000000xf32, #tpu.memory_space<vmem_shared>>
    tpu.wait_indirect_dma semaphore(%arg8 : memref<!tpu.dma_semaphore, #tpu.memory_space<semaphore_mem>>) src(%dma_wait3A_698 : memref<1000000xf32, #tpu.memory_space<vmem_shared>>) dst(%arg7 : memref<25600xf32, #tpu.memory_space<vmem>>)
    %barrier3A_699 = arith.constant 0 : index
    tpu.barrier barrier_id(%barrier3A_699)
    %add3A_700 = arith.constant 24 : i32
    %add3A_701 = arith.addi %mul3A_0, %add3A_700 : i32
    %mul3A_702 = arith.constant 25600 : i32
    %mul3A_703 = arith.muli %arg1, %mul3A_702 : i32
    %dma_start3A_704 = tpu.memref_slice %arg4[%add3A_701, %mul3A_703] : memref<64x409600xf32, #tpu.memory_space<hbm>> -> memref<1x25600xf32, #tpu.memory_space<hbm>>
    %dma_start3A_705 = tpu.memref_squeeze %dma_start3A_704 : memref<1x25600xf32, #tpu.memory_space<hbm>> -> memref<25600xf32, #tpu.memory_space<hbm>>
    %dma_start3A_706 = tpu.memref_slice %arg4[%add3A_701, %mul3A_703] : memref<64x409600xf32, #tpu.memory_space<hbm>> -> memref<1x25600xf32, #tpu.memory_space<hbm>>
    %dma_start3A_707 = tpu.memref_squeeze %dma_start3A_706 : memref<1x25600xf32, #tpu.memory_space<hbm>> -> memref<25600xf32, #tpu.memory_space<hbm>>
    tpu.enqueue_dma source(%arg7 : memref<25600xf32, #tpu.memory_space<vmem>>) target(%dma_start3A_707 : memref<25600xf32, #tpu.memory_space<hbm>>) target_semaphore(%arg9 : memref<!tpu.dma_semaphore, #tpu.memory_space<semaphore_mem>>)
    %eq3A_708 = arith.constant 9 : i32
    %eq3A_709 = arith.cmpi eq, %arg1, %eq3A_708 : i32
    %convert_element_type3A_710 = arith.extui %eq3A_709 : i1 to i32
    %cond3A_711 = arith.constant 0 : i32
    %cond3A_712 = arith.cmpi ne, %convert_element_type3A_710, %cond3A_711 : i32
    scf.if %cond3A_712 {
      %add3A_921 = arith.constant 25 : i32
      %add3A_922 = arith.addi %mul3A_0, %add3A_921 : i32
      "tpu.region"() ({
        %run_scoped3A = tpu.sem_alloc : memref<!tpu.dma_semaphore, #tpu.memory_space<semaphore_mem>>
        %dma_start3A_923 = arith.constant 0 : i32
        %dma_start3A_924 = tpu.memref_slice %arg2[%add3A_922, %dma_start3A_923] : memref<64x1000000xf32, #tpu.memory_space<hbm>> -> memref<1x1000000xf32, #tpu.memory_space<hbm>>
        %dma_start3A_925 = tpu.memref_squeeze %dma_start3A_924 : memref<1x1000000xf32, #tpu.memory_space<hbm>> -> memref<1000000xf32, #tpu.memory_space<hbm>>
        tpu.enqueue_dma source(%dma_start3A_925 : memref<1000000xf32, #tpu.memory_space<hbm>>) target(%arg5 : memref<1000000xf32, #tpu.memory_space<vmem_shared>>) target_semaphore(%run_scoped3A : memref<!tpu.dma_semaphore, #tpu.memory_space<semaphore_mem>>)
        %dma_wait3A_926 = arith.constant 0 : i32
        %dma_wait3A_927 = tpu.memref_slice %arg2[%add3A_922, %dma_wait3A_926] : memref<64x1000000xf32, #tpu.memory_space<hbm>> -> memref<1x1000000xf32, #tpu.memory_space<hbm>>
        %dma_wait3A_928 = tpu.memref_squeeze %dma_wait3A_927 : memref<1x1000000xf32, #tpu.memory_space<hbm>> -> memref<1000000xf32, #tpu.memory_space<hbm>>
        tpu.wait_dma2 semaphore(%run_scoped3A : memref<!tpu.dma_semaphore, #tpu.memory_space<semaphore_mem>>) src(%dma_wait3A_928 : memref<1000000xf32, #tpu.memory_space<hbm>>) dst(%arg5 : memref<1000000xf32, #tpu.memory_space<vmem_shared>>)
        tpu.yield
      }) : () -> ()
    } else {
    }
    %barrier3A_713 = arith.constant 0 : index
    tpu.barrier barrier_id(%barrier3A_713)
    %add3A_714 = arith.constant 25 : i32
    %add3A_715 = arith.addi %mul3A_0, %add3A_714 : i32
    %sub3A_716 = arith.constant 1 : i32
    %sub3A_717 = arith.subi %add3A_715, %sub3A_716 : i32
    %mul3A_718 = arith.constant 25600 : i32
    %mul3A_719 = arith.muli %arg1, %mul3A_718 : i32
    %dma_wait3A_720 = tpu.memref_slice %arg4[%sub3A_717, %mul3A_719] : memref<64x409600xf32, #tpu.memory_space<hbm>> -> memref<1x25600xf32, #tpu.memory_space<hbm>>
    %dma_wait3A_721 = tpu.memref_squeeze %dma_wait3A_720 : memref<1x25600xf32, #tpu.memory_space<hbm>> -> memref<25600xf32, #tpu.memory_space<hbm>>
    %dma_wait3A_722 = tpu.memref_slice %arg4[%sub3A_717, %mul3A_719] : memref<64x409600xf32, #tpu.memory_space<hbm>> -> memref<1x25600xf32, #tpu.memory_space<hbm>>
    %dma_wait3A_723 = tpu.memref_squeeze %dma_wait3A_722 : memref<1x25600xf32, #tpu.memory_space<hbm>> -> memref<25600xf32, #tpu.memory_space<hbm>>
    tpu.wait_dma2 semaphore(%arg9 : memref<!tpu.dma_semaphore, #tpu.memory_space<semaphore_mem>>) src(%arg7 : memref<25600xf32, #tpu.memory_space<vmem>>) dst(%dma_wait3A_723 : memref<25600xf32, #tpu.memory_space<hbm>>)
    %dma_start3A_724 = arith.constant 0 : i32
    %dma_start3A_725 = tpu.memref_slice %arg5[%dma_start3A_724] : memref<1000000xf32, #tpu.memory_space<vmem_shared>> -> memref<1000000xf32, #tpu.memory_space<vmem_shared>>
    tpu.enqueue_indirect_dma source(%dma_start3A_725 : memref<1000000xf32, #tpu.memory_space<vmem_shared>>) target(%arg7 : memref<25600xf32, #tpu.memory_space<vmem>>) offsets(%arg6 : memref<25600xi32, #tpu.memory_space<vmem>>) semaphore(%arg8 : memref<!tpu.dma_semaphore, #tpu.memory_space<semaphore_mem>>)
    %dma_wait3A_726 = arith.constant 0 : i32
    %dma_wait3A_727 = tpu.memref_slice %arg5[%dma_wait3A_726] : memref<1000000xf32, #tpu.memory_space<vmem_shared>> -> memref<1000000xf32, #tpu.memory_space<vmem_shared>>
    tpu.wait_indirect_dma semaphore(%arg8 : memref<!tpu.dma_semaphore, #tpu.memory_space<semaphore_mem>>) src(%dma_wait3A_727 : memref<1000000xf32, #tpu.memory_space<vmem_shared>>) dst(%arg7 : memref<25600xf32, #tpu.memory_space<vmem>>)
    %barrier3A_728 = arith.constant 0 : index
    tpu.barrier barrier_id(%barrier3A_728)
    %add3A_729 = arith.constant 25 : i32
    %add3A_730 = arith.addi %mul3A_0, %add3A_729 : i32
    %mul3A_731 = arith.constant 25600 : i32
    %mul3A_732 = arith.muli %arg1, %mul3A_731 : i32
    %dma_start3A_733 = tpu.memref_slice %arg4[%add3A_730, %mul3A_732] : memref<64x409600xf32, #tpu.memory_space<hbm>> -> memref<1x25600xf32, #tpu.memory_space<hbm>>
    %dma_start3A_734 = tpu.memref_squeeze %dma_start3A_733 : memref<1x25600xf32, #tpu.memory_space<hbm>> -> memref<25600xf32, #tpu.memory_space<hbm>>
    %dma_start3A_735 = tpu.memref_slice %arg4[%add3A_730, %mul3A_732] : memref<64x409600xf32, #tpu.memory_space<hbm>> -> memref<1x25600xf32, #tpu.memory_space<hbm>>
    %dma_start3A_736 = tpu.memref_squeeze %dma_start3A_735 : memref<1x25600xf32, #tpu.memory_space<hbm>> -> memref<25600xf32, #tpu.memory_space<hbm>>
    tpu.enqueue_dma source(%arg7 : memref<25600xf32, #tpu.memory_space<vmem>>) target(%dma_start3A_736 : memref<25600xf32, #tpu.memory_space<hbm>>) target_semaphore(%arg9 : memref<!tpu.dma_semaphore, #tpu.memory_space<semaphore_mem>>)
    %eq3A_737 = arith.constant 10 : i32
    %eq3A_738 = arith.cmpi eq, %arg1, %eq3A_737 : i32
    %convert_element_type3A_739 = arith.extui %eq3A_738 : i1 to i32
    %cond3A_740 = arith.constant 0 : i32
    %cond3A_741 = arith.cmpi ne, %convert_element_type3A_739, %cond3A_740 : i32
    scf.if %cond3A_741 {
      %add3A_921 = arith.constant 26 : i32
      %add3A_922 = arith.addi %mul3A_0, %add3A_921 : i32
      "tpu.region"() ({
        %run_scoped3A = tpu.sem_alloc : memref<!tpu.dma_semaphore, #tpu.memory_space<semaphore_mem>>
        %dma_start3A_923 = arith.constant 0 : i32
        %dma_start3A_924 = tpu.memref_slice %arg2[%add3A_922, %dma_start3A_923] : memref<64x1000000xf32, #tpu.memory_space<hbm>> -> memref<1x1000000xf32, #tpu.memory_space<hbm>>
        %dma_start3A_925 = tpu.memref_squeeze %dma_start3A_924 : memref<1x1000000xf32, #tpu.memory_space<hbm>> -> memref<1000000xf32, #tpu.memory_space<hbm>>
        tpu.enqueue_dma source(%dma_start3A_925 : memref<1000000xf32, #tpu.memory_space<hbm>>) target(%arg5 : memref<1000000xf32, #tpu.memory_space<vmem_shared>>) target_semaphore(%run_scoped3A : memref<!tpu.dma_semaphore, #tpu.memory_space<semaphore_mem>>)
        %dma_wait3A_926 = arith.constant 0 : i32
        %dma_wait3A_927 = tpu.memref_slice %arg2[%add3A_922, %dma_wait3A_926] : memref<64x1000000xf32, #tpu.memory_space<hbm>> -> memref<1x1000000xf32, #tpu.memory_space<hbm>>
        %dma_wait3A_928 = tpu.memref_squeeze %dma_wait3A_927 : memref<1x1000000xf32, #tpu.memory_space<hbm>> -> memref<1000000xf32, #tpu.memory_space<hbm>>
        tpu.wait_dma2 semaphore(%run_scoped3A : memref<!tpu.dma_semaphore, #tpu.memory_space<semaphore_mem>>) src(%dma_wait3A_928 : memref<1000000xf32, #tpu.memory_space<hbm>>) dst(%arg5 : memref<1000000xf32, #tpu.memory_space<vmem_shared>>)
        tpu.yield
      }) : () -> ()
    } else {
    }
    %barrier3A_742 = arith.constant 0 : index
    tpu.barrier barrier_id(%barrier3A_742)
    %add3A_743 = arith.constant 26 : i32
    %add3A_744 = arith.addi %mul3A_0, %add3A_743 : i32
    %sub3A_745 = arith.constant 1 : i32
    %sub3A_746 = arith.subi %add3A_744, %sub3A_745 : i32
    %mul3A_747 = arith.constant 25600 : i32
    %mul3A_748 = arith.muli %arg1, %mul3A_747 : i32
    %dma_wait3A_749 = tpu.memref_slice %arg4[%sub3A_746, %mul3A_748] : memref<64x409600xf32, #tpu.memory_space<hbm>> -> memref<1x25600xf32, #tpu.memory_space<hbm>>
    %dma_wait3A_750 = tpu.memref_squeeze %dma_wait3A_749 : memref<1x25600xf32, #tpu.memory_space<hbm>> -> memref<25600xf32, #tpu.memory_space<hbm>>
    %dma_wait3A_751 = tpu.memref_slice %arg4[%sub3A_746, %mul3A_748] : memref<64x409600xf32, #tpu.memory_space<hbm>> -> memref<1x25600xf32, #tpu.memory_space<hbm>>
    %dma_wait3A_752 = tpu.memref_squeeze %dma_wait3A_751 : memref<1x25600xf32, #tpu.memory_space<hbm>> -> memref<25600xf32, #tpu.memory_space<hbm>>
    tpu.wait_dma2 semaphore(%arg9 : memref<!tpu.dma_semaphore, #tpu.memory_space<semaphore_mem>>) src(%arg7 : memref<25600xf32, #tpu.memory_space<vmem>>) dst(%dma_wait3A_752 : memref<25600xf32, #tpu.memory_space<hbm>>)
    %dma_start3A_753 = arith.constant 0 : i32
    %dma_start3A_754 = tpu.memref_slice %arg5[%dma_start3A_753] : memref<1000000xf32, #tpu.memory_space<vmem_shared>> -> memref<1000000xf32, #tpu.memory_space<vmem_shared>>
    tpu.enqueue_indirect_dma source(%dma_start3A_754 : memref<1000000xf32, #tpu.memory_space<vmem_shared>>) target(%arg7 : memref<25600xf32, #tpu.memory_space<vmem>>) offsets(%arg6 : memref<25600xi32, #tpu.memory_space<vmem>>) semaphore(%arg8 : memref<!tpu.dma_semaphore, #tpu.memory_space<semaphore_mem>>)
    %dma_wait3A_755 = arith.constant 0 : i32
    %dma_wait3A_756 = tpu.memref_slice %arg5[%dma_wait3A_755] : memref<1000000xf32, #tpu.memory_space<vmem_shared>> -> memref<1000000xf32, #tpu.memory_space<vmem_shared>>
    tpu.wait_indirect_dma semaphore(%arg8 : memref<!tpu.dma_semaphore, #tpu.memory_space<semaphore_mem>>) src(%dma_wait3A_756 : memref<1000000xf32, #tpu.memory_space<vmem_shared>>) dst(%arg7 : memref<25600xf32, #tpu.memory_space<vmem>>)
    %barrier3A_757 = arith.constant 0 : index
    tpu.barrier barrier_id(%barrier3A_757)
    %add3A_758 = arith.constant 26 : i32
    %add3A_759 = arith.addi %mul3A_0, %add3A_758 : i32
    %mul3A_760 = arith.constant 25600 : i32
    %mul3A_761 = arith.muli %arg1, %mul3A_760 : i32
    %dma_start3A_762 = tpu.memref_slice %arg4[%add3A_759, %mul3A_761] : memref<64x409600xf32, #tpu.memory_space<hbm>> -> memref<1x25600xf32, #tpu.memory_space<hbm>>
    %dma_start3A_763 = tpu.memref_squeeze %dma_start3A_762 : memref<1x25600xf32, #tpu.memory_space<hbm>> -> memref<25600xf32, #tpu.memory_space<hbm>>
    %dma_start3A_764 = tpu.memref_slice %arg4[%add3A_759, %mul3A_761] : memref<64x409600xf32, #tpu.memory_space<hbm>> -> memref<1x25600xf32, #tpu.memory_space<hbm>>
    %dma_start3A_765 = tpu.memref_squeeze %dma_start3A_764 : memref<1x25600xf32, #tpu.memory_space<hbm>> -> memref<25600xf32, #tpu.memory_space<hbm>>
    tpu.enqueue_dma source(%arg7 : memref<25600xf32, #tpu.memory_space<vmem>>) target(%dma_start3A_765 : memref<25600xf32, #tpu.memory_space<hbm>>) target_semaphore(%arg9 : memref<!tpu.dma_semaphore, #tpu.memory_space<semaphore_mem>>)
    %eq3A_766 = arith.constant 11 : i32
    %eq3A_767 = arith.cmpi eq, %arg1, %eq3A_766 : i32
    %convert_element_type3A_768 = arith.extui %eq3A_767 : i1 to i32
    %cond3A_769 = arith.constant 0 : i32
    %cond3A_770 = arith.cmpi ne, %convert_element_type3A_768, %cond3A_769 : i32
    scf.if %cond3A_770 {
      %add3A_921 = arith.constant 27 : i32
      %add3A_922 = arith.addi %mul3A_0, %add3A_921 : i32
      "tpu.region"() ({
        %run_scoped3A = tpu.sem_alloc : memref<!tpu.dma_semaphore, #tpu.memory_space<semaphore_mem>>
        %dma_start3A_923 = arith.constant 0 : i32
        %dma_start3A_924 = tpu.memref_slice %arg2[%add3A_922, %dma_start3A_923] : memref<64x1000000xf32, #tpu.memory_space<hbm>> -> memref<1x1000000xf32, #tpu.memory_space<hbm>>
        %dma_start3A_925 = tpu.memref_squeeze %dma_start3A_924 : memref<1x1000000xf32, #tpu.memory_space<hbm>> -> memref<1000000xf32, #tpu.memory_space<hbm>>
        tpu.enqueue_dma source(%dma_start3A_925 : memref<1000000xf32, #tpu.memory_space<hbm>>) target(%arg5 : memref<1000000xf32, #tpu.memory_space<vmem_shared>>) target_semaphore(%run_scoped3A : memref<!tpu.dma_semaphore, #tpu.memory_space<semaphore_mem>>)
        %dma_wait3A_926 = arith.constant 0 : i32
        %dma_wait3A_927 = tpu.memref_slice %arg2[%add3A_922, %dma_wait3A_926] : memref<64x1000000xf32, #tpu.memory_space<hbm>> -> memref<1x1000000xf32, #tpu.memory_space<hbm>>
        %dma_wait3A_928 = tpu.memref_squeeze %dma_wait3A_927 : memref<1x1000000xf32, #tpu.memory_space<hbm>> -> memref<1000000xf32, #tpu.memory_space<hbm>>
        tpu.wait_dma2 semaphore(%run_scoped3A : memref<!tpu.dma_semaphore, #tpu.memory_space<semaphore_mem>>) src(%dma_wait3A_928 : memref<1000000xf32, #tpu.memory_space<hbm>>) dst(%arg5 : memref<1000000xf32, #tpu.memory_space<vmem_shared>>)
        tpu.yield
      }) : () -> ()
    } else {
    }
    %barrier3A_771 = arith.constant 0 : index
    tpu.barrier barrier_id(%barrier3A_771)
    %add3A_772 = arith.constant 27 : i32
    %add3A_773 = arith.addi %mul3A_0, %add3A_772 : i32
    %sub3A_774 = arith.constant 1 : i32
    %sub3A_775 = arith.subi %add3A_773, %sub3A_774 : i32
    %mul3A_776 = arith.constant 25600 : i32
    %mul3A_777 = arith.muli %arg1, %mul3A_776 : i32
    %dma_wait3A_778 = tpu.memref_slice %arg4[%sub3A_775, %mul3A_777] : memref<64x409600xf32, #tpu.memory_space<hbm>> -> memref<1x25600xf32, #tpu.memory_space<hbm>>
    %dma_wait3A_779 = tpu.memref_squeeze %dma_wait3A_778 : memref<1x25600xf32, #tpu.memory_space<hbm>> -> memref<25600xf32, #tpu.memory_space<hbm>>
    %dma_wait3A_780 = tpu.memref_slice %arg4[%sub3A_775, %mul3A_777] : memref<64x409600xf32, #tpu.memory_space<hbm>> -> memref<1x25600xf32, #tpu.memory_space<hbm>>
    %dma_wait3A_781 = tpu.memref_squeeze %dma_wait3A_780 : memref<1x25600xf32, #tpu.memory_space<hbm>> -> memref<25600xf32, #tpu.memory_space<hbm>>
    tpu.wait_dma2 semaphore(%arg9 : memref<!tpu.dma_semaphore, #tpu.memory_space<semaphore_mem>>) src(%arg7 : memref<25600xf32, #tpu.memory_space<vmem>>) dst(%dma_wait3A_781 : memref<25600xf32, #tpu.memory_space<hbm>>)
    %dma_start3A_782 = arith.constant 0 : i32
    %dma_start3A_783 = tpu.memref_slice %arg5[%dma_start3A_782] : memref<1000000xf32, #tpu.memory_space<vmem_shared>> -> memref<1000000xf32, #tpu.memory_space<vmem_shared>>
    tpu.enqueue_indirect_dma source(%dma_start3A_783 : memref<1000000xf32, #tpu.memory_space<vmem_shared>>) target(%arg7 : memref<25600xf32, #tpu.memory_space<vmem>>) offsets(%arg6 : memref<25600xi32, #tpu.memory_space<vmem>>) semaphore(%arg8 : memref<!tpu.dma_semaphore, #tpu.memory_space<semaphore_mem>>)
    %dma_wait3A_784 = arith.constant 0 : i32
    %dma_wait3A_785 = tpu.memref_slice %arg5[%dma_wait3A_784] : memref<1000000xf32, #tpu.memory_space<vmem_shared>> -> memref<1000000xf32, #tpu.memory_space<vmem_shared>>
    tpu.wait_indirect_dma semaphore(%arg8 : memref<!tpu.dma_semaphore, #tpu.memory_space<semaphore_mem>>) src(%dma_wait3A_785 : memref<1000000xf32, #tpu.memory_space<vmem_shared>>) dst(%arg7 : memref<25600xf32, #tpu.memory_space<vmem>>)
    %barrier3A_786 = arith.constant 0 : index
    tpu.barrier barrier_id(%barrier3A_786)
    %add3A_787 = arith.constant 27 : i32
    %add3A_788 = arith.addi %mul3A_0, %add3A_787 : i32
    %mul3A_789 = arith.constant 25600 : i32
    %mul3A_790 = arith.muli %arg1, %mul3A_789 : i32
    %dma_start3A_791 = tpu.memref_slice %arg4[%add3A_788, %mul3A_790] : memref<64x409600xf32, #tpu.memory_space<hbm>> -> memref<1x25600xf32, #tpu.memory_space<hbm>>
    %dma_start3A_792 = tpu.memref_squeeze %dma_start3A_791 : memref<1x25600xf32, #tpu.memory_space<hbm>> -> memref<25600xf32, #tpu.memory_space<hbm>>
    %dma_start3A_793 = tpu.memref_slice %arg4[%add3A_788, %mul3A_790] : memref<64x409600xf32, #tpu.memory_space<hbm>> -> memref<1x25600xf32, #tpu.memory_space<hbm>>
    %dma_start3A_794 = tpu.memref_squeeze %dma_start3A_793 : memref<1x25600xf32, #tpu.memory_space<hbm>> -> memref<25600xf32, #tpu.memory_space<hbm>>
    tpu.enqueue_dma source(%arg7 : memref<25600xf32, #tpu.memory_space<vmem>>) target(%dma_start3A_794 : memref<25600xf32, #tpu.memory_space<hbm>>) target_semaphore(%arg9 : memref<!tpu.dma_semaphore, #tpu.memory_space<semaphore_mem>>)
    %eq3A_795 = arith.constant 12 : i32
    %eq3A_796 = arith.cmpi eq, %arg1, %eq3A_795 : i32
    %convert_element_type3A_797 = arith.extui %eq3A_796 : i1 to i32
    %cond3A_798 = arith.constant 0 : i32
    %cond3A_799 = arith.cmpi ne, %convert_element_type3A_797, %cond3A_798 : i32
    scf.if %cond3A_799 {
      %add3A_921 = arith.constant 28 : i32
      %add3A_922 = arith.addi %mul3A_0, %add3A_921 : i32
      "tpu.region"() ({
        %run_scoped3A = tpu.sem_alloc : memref<!tpu.dma_semaphore, #tpu.memory_space<semaphore_mem>>
        %dma_start3A_923 = arith.constant 0 : i32
        %dma_start3A_924 = tpu.memref_slice %arg2[%add3A_922, %dma_start3A_923] : memref<64x1000000xf32, #tpu.memory_space<hbm>> -> memref<1x1000000xf32, #tpu.memory_space<hbm>>
        %dma_start3A_925 = tpu.memref_squeeze %dma_start3A_924 : memref<1x1000000xf32, #tpu.memory_space<hbm>> -> memref<1000000xf32, #tpu.memory_space<hbm>>
        tpu.enqueue_dma source(%dma_start3A_925 : memref<1000000xf32, #tpu.memory_space<hbm>>) target(%arg5 : memref<1000000xf32, #tpu.memory_space<vmem_shared>>) target_semaphore(%run_scoped3A : memref<!tpu.dma_semaphore, #tpu.memory_space<semaphore_mem>>)
        %dma_wait3A_926 = arith.constant 0 : i32
        %dma_wait3A_927 = tpu.memref_slice %arg2[%add3A_922, %dma_wait3A_926] : memref<64x1000000xf32, #tpu.memory_space<hbm>> -> memref<1x1000000xf32, #tpu.memory_space<hbm>>
        %dma_wait3A_928 = tpu.memref_squeeze %dma_wait3A_927 : memref<1x1000000xf32, #tpu.memory_space<hbm>> -> memref<1000000xf32, #tpu.memory_space<hbm>>
        tpu.wait_dma2 semaphore(%run_scoped3A : memref<!tpu.dma_semaphore, #tpu.memory_space<semaphore_mem>>) src(%dma_wait3A_928 : memref<1000000xf32, #tpu.memory_space<hbm>>) dst(%arg5 : memref<1000000xf32, #tpu.memory_space<vmem_shared>>)
        tpu.yield
      }) : () -> ()
    } else {
    }
    %barrier3A_800 = arith.constant 0 : index
    tpu.barrier barrier_id(%barrier3A_800)
    %add3A_801 = arith.constant 28 : i32
    %add3A_802 = arith.addi %mul3A_0, %add3A_801 : i32
    %sub3A_803 = arith.constant 1 : i32
    %sub3A_804 = arith.subi %add3A_802, %sub3A_803 : i32
    %mul3A_805 = arith.constant 25600 : i32
    %mul3A_806 = arith.muli %arg1, %mul3A_805 : i32
    %dma_wait3A_807 = tpu.memref_slice %arg4[%sub3A_804, %mul3A_806] : memref<64x409600xf32, #tpu.memory_space<hbm>> -> memref<1x25600xf32, #tpu.memory_space<hbm>>
    %dma_wait3A_808 = tpu.memref_squeeze %dma_wait3A_807 : memref<1x25600xf32, #tpu.memory_space<hbm>> -> memref<25600xf32, #tpu.memory_space<hbm>>
    %dma_wait3A_809 = tpu.memref_slice %arg4[%sub3A_804, %mul3A_806] : memref<64x409600xf32, #tpu.memory_space<hbm>> -> memref<1x25600xf32, #tpu.memory_space<hbm>>
    %dma_wait3A_810 = tpu.memref_squeeze %dma_wait3A_809 : memref<1x25600xf32, #tpu.memory_space<hbm>> -> memref<25600xf32, #tpu.memory_space<hbm>>
    tpu.wait_dma2 semaphore(%arg9 : memref<!tpu.dma_semaphore, #tpu.memory_space<semaphore_mem>>) src(%arg7 : memref<25600xf32, #tpu.memory_space<vmem>>) dst(%dma_wait3A_810 : memref<25600xf32, #tpu.memory_space<hbm>>)
    %dma_start3A_811 = arith.constant 0 : i32
    %dma_start3A_812 = tpu.memref_slice %arg5[%dma_start3A_811] : memref<1000000xf32, #tpu.memory_space<vmem_shared>> -> memref<1000000xf32, #tpu.memory_space<vmem_shared>>
    tpu.enqueue_indirect_dma source(%dma_start3A_812 : memref<1000000xf32, #tpu.memory_space<vmem_shared>>) target(%arg7 : memref<25600xf32, #tpu.memory_space<vmem>>) offsets(%arg6 : memref<25600xi32, #tpu.memory_space<vmem>>) semaphore(%arg8 : memref<!tpu.dma_semaphore, #tpu.memory_space<semaphore_mem>>)
    %dma_wait3A_813 = arith.constant 0 : i32
    %dma_wait3A_814 = tpu.memref_slice %arg5[%dma_wait3A_813] : memref<1000000xf32, #tpu.memory_space<vmem_shared>> -> memref<1000000xf32, #tpu.memory_space<vmem_shared>>
    tpu.wait_indirect_dma semaphore(%arg8 : memref<!tpu.dma_semaphore, #tpu.memory_space<semaphore_mem>>) src(%dma_wait3A_814 : memref<1000000xf32, #tpu.memory_space<vmem_shared>>) dst(%arg7 : memref<25600xf32, #tpu.memory_space<vmem>>)
    %barrier3A_815 = arith.constant 0 : index
    tpu.barrier barrier_id(%barrier3A_815)
    %add3A_816 = arith.constant 28 : i32
    %add3A_817 = arith.addi %mul3A_0, %add3A_816 : i32
    %mul3A_818 = arith.constant 25600 : i32
    %mul3A_819 = arith.muli %arg1, %mul3A_818 : i32
    %dma_start3A_820 = tpu.memref_slice %arg4[%add3A_817, %mul3A_819] : memref<64x409600xf32, #tpu.memory_space<hbm>> -> memref<1x25600xf32, #tpu.memory_space<hbm>>
    %dma_start3A_821 = tpu.memref_squeeze %dma_start3A_820 : memref<1x25600xf32, #tpu.memory_space<hbm>> -> memref<25600xf32, #tpu.memory_space<hbm>>
    %dma_start3A_822 = tpu.memref_slice %arg4[%add3A_817, %mul3A_819] : memref<64x409600xf32, #tpu.memory_space<hbm>> -> memref<1x25600xf32, #tpu.memory_space<hbm>>
    %dma_start3A_823 = tpu.memref_squeeze %dma_start3A_822 : memref<1x25600xf32, #tpu.memory_space<hbm>> -> memref<25600xf32, #tpu.memory_space<hbm>>
    tpu.enqueue_dma source(%arg7 : memref<25600xf32, #tpu.memory_space<vmem>>) target(%dma_start3A_823 : memref<25600xf32, #tpu.memory_space<hbm>>) target_semaphore(%arg9 : memref<!tpu.dma_semaphore, #tpu.memory_space<semaphore_mem>>)
    %eq3A_824 = arith.constant 13 : i32
    %eq3A_825 = arith.cmpi eq, %arg1, %eq3A_824 : i32
    %convert_element_type3A_826 = arith.extui %eq3A_825 : i1 to i32
    %cond3A_827 = arith.constant 0 : i32
    %cond3A_828 = arith.cmpi ne, %convert_element_type3A_826, %cond3A_827 : i32
    scf.if %cond3A_828 {
      %add3A_921 = arith.constant 29 : i32
      %add3A_922 = arith.addi %mul3A_0, %add3A_921 : i32
      "tpu.region"() ({
        %run_scoped3A = tpu.sem_alloc : memref<!tpu.dma_semaphore, #tpu.memory_space<semaphore_mem>>
        %dma_start3A_923 = arith.constant 0 : i32
        %dma_start3A_924 = tpu.memref_slice %arg2[%add3A_922, %dma_start3A_923] : memref<64x1000000xf32, #tpu.memory_space<hbm>> -> memref<1x1000000xf32, #tpu.memory_space<hbm>>
        %dma_start3A_925 = tpu.memref_squeeze %dma_start3A_924 : memref<1x1000000xf32, #tpu.memory_space<hbm>> -> memref<1000000xf32, #tpu.memory_space<hbm>>
        tpu.enqueue_dma source(%dma_start3A_925 : memref<1000000xf32, #tpu.memory_space<hbm>>) target(%arg5 : memref<1000000xf32, #tpu.memory_space<vmem_shared>>) target_semaphore(%run_scoped3A : memref<!tpu.dma_semaphore, #tpu.memory_space<semaphore_mem>>)
        %dma_wait3A_926 = arith.constant 0 : i32
        %dma_wait3A_927 = tpu.memref_slice %arg2[%add3A_922, %dma_wait3A_926] : memref<64x1000000xf32, #tpu.memory_space<hbm>> -> memref<1x1000000xf32, #tpu.memory_space<hbm>>
        %dma_wait3A_928 = tpu.memref_squeeze %dma_wait3A_927 : memref<1x1000000xf32, #tpu.memory_space<hbm>> -> memref<1000000xf32, #tpu.memory_space<hbm>>
        tpu.wait_dma2 semaphore(%run_scoped3A : memref<!tpu.dma_semaphore, #tpu.memory_space<semaphore_mem>>) src(%dma_wait3A_928 : memref<1000000xf32, #tpu.memory_space<hbm>>) dst(%arg5 : memref<1000000xf32, #tpu.memory_space<vmem_shared>>)
        tpu.yield
      }) : () -> ()
    } else {
    }
    %barrier3A_829 = arith.constant 0 : index
    tpu.barrier barrier_id(%barrier3A_829)
    %add3A_830 = arith.constant 29 : i32
    %add3A_831 = arith.addi %mul3A_0, %add3A_830 : i32
    %sub3A_832 = arith.constant 1 : i32
    %sub3A_833 = arith.subi %add3A_831, %sub3A_832 : i32
    %mul3A_834 = arith.constant 25600 : i32
    %mul3A_835 = arith.muli %arg1, %mul3A_834 : i32
    %dma_wait3A_836 = tpu.memref_slice %arg4[%sub3A_833, %mul3A_835] : memref<64x409600xf32, #tpu.memory_space<hbm>> -> memref<1x25600xf32, #tpu.memory_space<hbm>>
    %dma_wait3A_837 = tpu.memref_squeeze %dma_wait3A_836 : memref<1x25600xf32, #tpu.memory_space<hbm>> -> memref<25600xf32, #tpu.memory_space<hbm>>
    %dma_wait3A_838 = tpu.memref_slice %arg4[%sub3A_833, %mul3A_835] : memref<64x409600xf32, #tpu.memory_space<hbm>> -> memref<1x25600xf32, #tpu.memory_space<hbm>>
    %dma_wait3A_839 = tpu.memref_squeeze %dma_wait3A_838 : memref<1x25600xf32, #tpu.memory_space<hbm>> -> memref<25600xf32, #tpu.memory_space<hbm>>
    tpu.wait_dma2 semaphore(%arg9 : memref<!tpu.dma_semaphore, #tpu.memory_space<semaphore_mem>>) src(%arg7 : memref<25600xf32, #tpu.memory_space<vmem>>) dst(%dma_wait3A_839 : memref<25600xf32, #tpu.memory_space<hbm>>)
    %dma_start3A_840 = arith.constant 0 : i32
    %dma_start3A_841 = tpu.memref_slice %arg5[%dma_start3A_840] : memref<1000000xf32, #tpu.memory_space<vmem_shared>> -> memref<1000000xf32, #tpu.memory_space<vmem_shared>>
    tpu.enqueue_indirect_dma source(%dma_start3A_841 : memref<1000000xf32, #tpu.memory_space<vmem_shared>>) target(%arg7 : memref<25600xf32, #tpu.memory_space<vmem>>) offsets(%arg6 : memref<25600xi32, #tpu.memory_space<vmem>>) semaphore(%arg8 : memref<!tpu.dma_semaphore, #tpu.memory_space<semaphore_mem>>)
    %dma_wait3A_842 = arith.constant 0 : i32
    %dma_wait3A_843 = tpu.memref_slice %arg5[%dma_wait3A_842] : memref<1000000xf32, #tpu.memory_space<vmem_shared>> -> memref<1000000xf32, #tpu.memory_space<vmem_shared>>
    tpu.wait_indirect_dma semaphore(%arg8 : memref<!tpu.dma_semaphore, #tpu.memory_space<semaphore_mem>>) src(%dma_wait3A_843 : memref<1000000xf32, #tpu.memory_space<vmem_shared>>) dst(%arg7 : memref<25600xf32, #tpu.memory_space<vmem>>)
    %barrier3A_844 = arith.constant 0 : index
    tpu.barrier barrier_id(%barrier3A_844)
    %add3A_845 = arith.constant 29 : i32
    %add3A_846 = arith.addi %mul3A_0, %add3A_845 : i32
    %mul3A_847 = arith.constant 25600 : i32
    %mul3A_848 = arith.muli %arg1, %mul3A_847 : i32
    %dma_start3A_849 = tpu.memref_slice %arg4[%add3A_846, %mul3A_848] : memref<64x409600xf32, #tpu.memory_space<hbm>> -> memref<1x25600xf32, #tpu.memory_space<hbm>>
    %dma_start3A_850 = tpu.memref_squeeze %dma_start3A_849 : memref<1x25600xf32, #tpu.memory_space<hbm>> -> memref<25600xf32, #tpu.memory_space<hbm>>
    %dma_start3A_851 = tpu.memref_slice %arg4[%add3A_846, %mul3A_848] : memref<64x409600xf32, #tpu.memory_space<hbm>> -> memref<1x25600xf32, #tpu.memory_space<hbm>>
    %dma_start3A_852 = tpu.memref_squeeze %dma_start3A_851 : memref<1x25600xf32, #tpu.memory_space<hbm>> -> memref<25600xf32, #tpu.memory_space<hbm>>
    tpu.enqueue_dma source(%arg7 : memref<25600xf32, #tpu.memory_space<vmem>>) target(%dma_start3A_852 : memref<25600xf32, #tpu.memory_space<hbm>>) target_semaphore(%arg9 : memref<!tpu.dma_semaphore, #tpu.memory_space<semaphore_mem>>)
    %eq3A_853 = arith.constant 14 : i32
    %eq3A_854 = arith.cmpi eq, %arg1, %eq3A_853 : i32
    %convert_element_type3A_855 = arith.extui %eq3A_854 : i1 to i32
    %cond3A_856 = arith.constant 0 : i32
    %cond3A_857 = arith.cmpi ne, %convert_element_type3A_855, %cond3A_856 : i32
    scf.if %cond3A_857 {
      %add3A_921 = arith.constant 30 : i32
      %add3A_922 = arith.addi %mul3A_0, %add3A_921 : i32
      "tpu.region"() ({
        %run_scoped3A = tpu.sem_alloc : memref<!tpu.dma_semaphore, #tpu.memory_space<semaphore_mem>>
        %dma_start3A_923 = arith.constant 0 : i32
        %dma_start3A_924 = tpu.memref_slice %arg2[%add3A_922, %dma_start3A_923] : memref<64x1000000xf32, #tpu.memory_space<hbm>> -> memref<1x1000000xf32, #tpu.memory_space<hbm>>
        %dma_start3A_925 = tpu.memref_squeeze %dma_start3A_924 : memref<1x1000000xf32, #tpu.memory_space<hbm>> -> memref<1000000xf32, #tpu.memory_space<hbm>>
        tpu.enqueue_dma source(%dma_start3A_925 : memref<1000000xf32, #tpu.memory_space<hbm>>) target(%arg5 : memref<1000000xf32, #tpu.memory_space<vmem_shared>>) target_semaphore(%run_scoped3A : memref<!tpu.dma_semaphore, #tpu.memory_space<semaphore_mem>>)
        %dma_wait3A_926 = arith.constant 0 : i32
        %dma_wait3A_927 = tpu.memref_slice %arg2[%add3A_922, %dma_wait3A_926] : memref<64x1000000xf32, #tpu.memory_space<hbm>> -> memref<1x1000000xf32, #tpu.memory_space<hbm>>
        %dma_wait3A_928 = tpu.memref_squeeze %dma_wait3A_927 : memref<1x1000000xf32, #tpu.memory_space<hbm>> -> memref<1000000xf32, #tpu.memory_space<hbm>>
        tpu.wait_dma2 semaphore(%run_scoped3A : memref<!tpu.dma_semaphore, #tpu.memory_space<semaphore_mem>>) src(%dma_wait3A_928 : memref<1000000xf32, #tpu.memory_space<hbm>>) dst(%arg5 : memref<1000000xf32, #tpu.memory_space<vmem_shared>>)
        tpu.yield
      }) : () -> ()
    } else {
    }
    %barrier3A_858 = arith.constant 0 : index
    tpu.barrier barrier_id(%barrier3A_858)
    %add3A_859 = arith.constant 30 : i32
    %add3A_860 = arith.addi %mul3A_0, %add3A_859 : i32
    %sub3A_861 = arith.constant 1 : i32
    %sub3A_862 = arith.subi %add3A_860, %sub3A_861 : i32
    %mul3A_863 = arith.constant 25600 : i32
    %mul3A_864 = arith.muli %arg1, %mul3A_863 : i32
    %dma_wait3A_865 = tpu.memref_slice %arg4[%sub3A_862, %mul3A_864] : memref<64x409600xf32, #tpu.memory_space<hbm>> -> memref<1x25600xf32, #tpu.memory_space<hbm>>
    %dma_wait3A_866 = tpu.memref_squeeze %dma_wait3A_865 : memref<1x25600xf32, #tpu.memory_space<hbm>> -> memref<25600xf32, #tpu.memory_space<hbm>>
    %dma_wait3A_867 = tpu.memref_slice %arg4[%sub3A_862, %mul3A_864] : memref<64x409600xf32, #tpu.memory_space<hbm>> -> memref<1x25600xf32, #tpu.memory_space<hbm>>
    %dma_wait3A_868 = tpu.memref_squeeze %dma_wait3A_867 : memref<1x25600xf32, #tpu.memory_space<hbm>> -> memref<25600xf32, #tpu.memory_space<hbm>>
    tpu.wait_dma2 semaphore(%arg9 : memref<!tpu.dma_semaphore, #tpu.memory_space<semaphore_mem>>) src(%arg7 : memref<25600xf32, #tpu.memory_space<vmem>>) dst(%dma_wait3A_868 : memref<25600xf32, #tpu.memory_space<hbm>>)
    %dma_start3A_869 = arith.constant 0 : i32
    %dma_start3A_870 = tpu.memref_slice %arg5[%dma_start3A_869] : memref<1000000xf32, #tpu.memory_space<vmem_shared>> -> memref<1000000xf32, #tpu.memory_space<vmem_shared>>
    tpu.enqueue_indirect_dma source(%dma_start3A_870 : memref<1000000xf32, #tpu.memory_space<vmem_shared>>) target(%arg7 : memref<25600xf32, #tpu.memory_space<vmem>>) offsets(%arg6 : memref<25600xi32, #tpu.memory_space<vmem>>) semaphore(%arg8 : memref<!tpu.dma_semaphore, #tpu.memory_space<semaphore_mem>>)
    %dma_wait3A_871 = arith.constant 0 : i32
    %dma_wait3A_872 = tpu.memref_slice %arg5[%dma_wait3A_871] : memref<1000000xf32, #tpu.memory_space<vmem_shared>> -> memref<1000000xf32, #tpu.memory_space<vmem_shared>>
    tpu.wait_indirect_dma semaphore(%arg8 : memref<!tpu.dma_semaphore, #tpu.memory_space<semaphore_mem>>) src(%dma_wait3A_872 : memref<1000000xf32, #tpu.memory_space<vmem_shared>>) dst(%arg7 : memref<25600xf32, #tpu.memory_space<vmem>>)
    %barrier3A_873 = arith.constant 0 : index
    tpu.barrier barrier_id(%barrier3A_873)
    %add3A_874 = arith.constant 30 : i32
    %add3A_875 = arith.addi %mul3A_0, %add3A_874 : i32
    %mul3A_876 = arith.constant 25600 : i32
    %mul3A_877 = arith.muli %arg1, %mul3A_876 : i32
    %dma_start3A_878 = tpu.memref_slice %arg4[%add3A_875, %mul3A_877] : memref<64x409600xf32, #tpu.memory_space<hbm>> -> memref<1x25600xf32, #tpu.memory_space<hbm>>
    %dma_start3A_879 = tpu.memref_squeeze %dma_start3A_878 : memref<1x25600xf32, #tpu.memory_space<hbm>> -> memref<25600xf32, #tpu.memory_space<hbm>>
    %dma_start3A_880 = tpu.memref_slice %arg4[%add3A_875, %mul3A_877] : memref<64x409600xf32, #tpu.memory_space<hbm>> -> memref<1x25600xf32, #tpu.memory_space<hbm>>
    %dma_start3A_881 = tpu.memref_squeeze %dma_start3A_880 : memref<1x25600xf32, #tpu.memory_space<hbm>> -> memref<25600xf32, #tpu.memory_space<hbm>>
    tpu.enqueue_dma source(%arg7 : memref<25600xf32, #tpu.memory_space<vmem>>) target(%dma_start3A_881 : memref<25600xf32, #tpu.memory_space<hbm>>) target_semaphore(%arg9 : memref<!tpu.dma_semaphore, #tpu.memory_space<semaphore_mem>>)
    %eq3A_882 = arith.constant 15 : i32
    %eq3A_883 = arith.cmpi eq, %arg1, %eq3A_882 : i32
    %convert_element_type3A_884 = arith.extui %eq3A_883 : i1 to i32
    %cond3A_885 = arith.constant 0 : i32
    %cond3A_886 = arith.cmpi ne, %convert_element_type3A_884, %cond3A_885 : i32
    scf.if %cond3A_886 {
      %add3A_921 = arith.constant 31 : i32
      %add3A_922 = arith.addi %mul3A_0, %add3A_921 : i32
      "tpu.region"() ({
        %run_scoped3A = tpu.sem_alloc : memref<!tpu.dma_semaphore, #tpu.memory_space<semaphore_mem>>
        %dma_start3A_923 = arith.constant 0 : i32
        %dma_start3A_924 = tpu.memref_slice %arg2[%add3A_922, %dma_start3A_923] : memref<64x1000000xf32, #tpu.memory_space<hbm>> -> memref<1x1000000xf32, #tpu.memory_space<hbm>>
        %dma_start3A_925 = tpu.memref_squeeze %dma_start3A_924 : memref<1x1000000xf32, #tpu.memory_space<hbm>> -> memref<1000000xf32, #tpu.memory_space<hbm>>
        tpu.enqueue_dma source(%dma_start3A_925 : memref<1000000xf32, #tpu.memory_space<hbm>>) target(%arg5 : memref<1000000xf32, #tpu.memory_space<vmem_shared>>) target_semaphore(%run_scoped3A : memref<!tpu.dma_semaphore, #tpu.memory_space<semaphore_mem>>)
        %dma_wait3A_926 = arith.constant 0 : i32
        %dma_wait3A_927 = tpu.memref_slice %arg2[%add3A_922, %dma_wait3A_926] : memref<64x1000000xf32, #tpu.memory_space<hbm>> -> memref<1x1000000xf32, #tpu.memory_space<hbm>>
        %dma_wait3A_928 = tpu.memref_squeeze %dma_wait3A_927 : memref<1x1000000xf32, #tpu.memory_space<hbm>> -> memref<1000000xf32, #tpu.memory_space<hbm>>
        tpu.wait_dma2 semaphore(%run_scoped3A : memref<!tpu.dma_semaphore, #tpu.memory_space<semaphore_mem>>) src(%dma_wait3A_928 : memref<1000000xf32, #tpu.memory_space<hbm>>) dst(%arg5 : memref<1000000xf32, #tpu.memory_space<vmem_shared>>)
        tpu.yield
      }) : () -> ()
    } else {
    }
    %barrier3A_887 = arith.constant 0 : index
    tpu.barrier barrier_id(%barrier3A_887)
    %add3A_888 = arith.constant 31 : i32
    %add3A_889 = arith.addi %mul3A_0, %add3A_888 : i32
    %sub3A_890 = arith.constant 1 : i32
    %sub3A_891 = arith.subi %add3A_889, %sub3A_890 : i32
    %mul3A_892 = arith.constant 25600 : i32
    %mul3A_893 = arith.muli %arg1, %mul3A_892 : i32
    %dma_wait3A_894 = tpu.memref_slice %arg4[%sub3A_891, %mul3A_893] : memref<64x409600xf32, #tpu.memory_space<hbm>> -> memref<1x25600xf32, #tpu.memory_space<hbm>>
    %dma_wait3A_895 = tpu.memref_squeeze %dma_wait3A_894 : memref<1x25600xf32, #tpu.memory_space<hbm>> -> memref<25600xf32, #tpu.memory_space<hbm>>
    %dma_wait3A_896 = tpu.memref_slice %arg4[%sub3A_891, %mul3A_893] : memref<64x409600xf32, #tpu.memory_space<hbm>> -> memref<1x25600xf32, #tpu.memory_space<hbm>>
    %dma_wait3A_897 = tpu.memref_squeeze %dma_wait3A_896 : memref<1x25600xf32, #tpu.memory_space<hbm>> -> memref<25600xf32, #tpu.memory_space<hbm>>
    tpu.wait_dma2 semaphore(%arg9 : memref<!tpu.dma_semaphore, #tpu.memory_space<semaphore_mem>>) src(%arg7 : memref<25600xf32, #tpu.memory_space<vmem>>) dst(%dma_wait3A_897 : memref<25600xf32, #tpu.memory_space<hbm>>)
    %dma_start3A_898 = arith.constant 0 : i32
    %dma_start3A_899 = tpu.memref_slice %arg5[%dma_start3A_898] : memref<1000000xf32, #tpu.memory_space<vmem_shared>> -> memref<1000000xf32, #tpu.memory_space<vmem_shared>>
    tpu.enqueue_indirect_dma source(%dma_start3A_899 : memref<1000000xf32, #tpu.memory_space<vmem_shared>>) target(%arg7 : memref<25600xf32, #tpu.memory_space<vmem>>) offsets(%arg6 : memref<25600xi32, #tpu.memory_space<vmem>>) semaphore(%arg8 : memref<!tpu.dma_semaphore, #tpu.memory_space<semaphore_mem>>)
    %dma_wait3A_900 = arith.constant 0 : i32
    %dma_wait3A_901 = tpu.memref_slice %arg5[%dma_wait3A_900] : memref<1000000xf32, #tpu.memory_space<vmem_shared>> -> memref<1000000xf32, #tpu.memory_space<vmem_shared>>
    tpu.wait_indirect_dma semaphore(%arg8 : memref<!tpu.dma_semaphore, #tpu.memory_space<semaphore_mem>>) src(%dma_wait3A_901 : memref<1000000xf32, #tpu.memory_space<vmem_shared>>) dst(%arg7 : memref<25600xf32, #tpu.memory_space<vmem>>)
    %barrier3A_902 = arith.constant 0 : index
    tpu.barrier barrier_id(%barrier3A_902)
    %add3A_903 = arith.constant 31 : i32
    %add3A_904 = arith.addi %mul3A_0, %add3A_903 : i32
    %mul3A_905 = arith.constant 25600 : i32
    %mul3A_906 = arith.muli %arg1, %mul3A_905 : i32
    %dma_start3A_907 = tpu.memref_slice %arg4[%add3A_904, %mul3A_906] : memref<64x409600xf32, #tpu.memory_space<hbm>> -> memref<1x25600xf32, #tpu.memory_space<hbm>>
    %dma_start3A_908 = tpu.memref_squeeze %dma_start3A_907 : memref<1x25600xf32, #tpu.memory_space<hbm>> -> memref<25600xf32, #tpu.memory_space<hbm>>
    %dma_start3A_909 = tpu.memref_slice %arg4[%add3A_904, %mul3A_906] : memref<64x409600xf32, #tpu.memory_space<hbm>> -> memref<1x25600xf32, #tpu.memory_space<hbm>>
    %dma_start3A_910 = tpu.memref_squeeze %dma_start3A_909 : memref<1x25600xf32, #tpu.memory_space<hbm>> -> memref<25600xf32, #tpu.memory_space<hbm>>
    tpu.enqueue_dma source(%arg7 : memref<25600xf32, #tpu.memory_space<vmem>>) target(%dma_start3A_910 : memref<25600xf32, #tpu.memory_space<hbm>>) target_semaphore(%arg9 : memref<!tpu.dma_semaphore, #tpu.memory_space<semaphore_mem>>)
    %add3A_911 = arith.constant 32 : i32
    %add3A_912 = arith.addi %mul3A_0, %add3A_911 : i32
    %sub3A_913 = arith.constant 1 : i32
    %sub3A_914 = arith.subi %add3A_912, %sub3A_913 : i32
    %mul3A_915 = arith.constant 25600 : i32
    %mul3A_916 = arith.muli %arg1, %mul3A_915 : i32
    %dma_wait3A_917 = tpu.memref_slice %arg4[%sub3A_914, %mul3A_916] : memref<64x409600xf32, #tpu.memory_space<hbm>> -> memref<1x25600xf32, #tpu.memory_space<hbm>>
    %dma_wait3A_918 = tpu.memref_squeeze %dma_wait3A_917 : memref<1x25600xf32, #tpu.memory_space<hbm>> -> memref<25600xf32, #tpu.memory_space<hbm>>
    %dma_wait3A_919 = tpu.memref_slice %arg4[%sub3A_914, %mul3A_916] : memref<64x409600xf32, #tpu.memory_space<hbm>> -> memref<1x25600xf32, #tpu.memory_space<hbm>>
    %dma_wait3A_920 = tpu.memref_squeeze %dma_wait3A_919 : memref<1x25600xf32, #tpu.memory_space<hbm>> -> memref<25600xf32, #tpu.memory_space<hbm>>
    tpu.wait_dma2 semaphore(%arg9 : memref<!tpu.dma_semaphore, #tpu.memory_space<semaphore_mem>>) src(%arg7 : memref<25600xf32, #tpu.memory_space<vmem>>) dst(%dma_wait3A_920 : memref<25600xf32, #tpu.memory_space<hbm>>)
    return
  }
}

module attributes {stable_mosaic.version = 14 : i64} {
  func.func @_tc_body(%arg0: i32, %arg1: memref<64x25600xf32, #tpu.memory_space<vmem>>, %arg2: memref<128x64xf32, #tpu.memory_space<vmem>>, %arg3: memref<128x1xf32, #tpu.memory_space<vmem>>, %arg4: memref<128x128xf32, #tpu.memory_space<vmem>>, %arg5: memref<128x1xf32, #tpu.memory_space<vmem>>, %arg6: memref<4x128xf32, #tpu.memory_space<vmem>>, %arg7: memref<4x512xf32, #tpu.memory_space<vmem>>) attributes {dimension_semantics = [#tpu.dimension_semantics<arbitrary>], iteration_bounds = array<i64: 16>, scalar_prefetch = 0 : i64, scratch_operands = 0 : i64, tpu.core_type = #tpu.core_type<tc>, window_params = [{transform_indices = @transform_0, window_bounds = array<i64: 64, 25600>}, {pipeline_mode = #tpu.pipeline_mode<synchronous>, transform_indices = @transform_1, window_bounds = array<i64: 128, 64>}, {pipeline_mode = #tpu.pipeline_mode<synchronous>, transform_indices = @transform_2, window_bounds = array<i64: 128, 1>}, {pipeline_mode = #tpu.pipeline_mode<synchronous>, transform_indices = @transform_3, window_bounds = array<i64: 128, 128>}, {pipeline_mode = #tpu.pipeline_mode<synchronous>, transform_indices = @transform_4, window_bounds = array<i64: 128, 1>}, {pipeline_mode = #tpu.pipeline_mode<synchronous>, transform_indices = @transform_5, window_bounds = array<i64: 4, 128>}, {transform_indices = @transform_6, window_bounds = array<i64: 4, 512>}]} {
    %get3A = arith.constant 0 : index
    %get3A_0 = arith.constant 0 : index
    %get3A_1 = vector.load %arg1[%get3A, %get3A_0] : memref<64x25600xf32, #tpu.memory_space<vmem>>, vector<64x25600xf32>
    %max3A = arith.constant 0.000000e+00 : f32
    %max3A_2 = vector.broadcast %max3A : f32 to vector<64x25600xf32>
    %max3A_3 = arith.maximumf %get3A_1, %max3A_2 : vector<64x25600xf32>
    %get3A_4 = arith.constant 0 : index
    %get3A_5 = arith.constant 0 : index
    %get3A_6 = vector.load %arg2[%get3A_4, %get3A_5] : memref<128x64xf32, #tpu.memory_space<vmem>>, vector<128x64xf32>
    %dot_general3A = arith.constant dense<0.000000e+00> : vector<128x25600xf32>
    %dot_general3A_7 = tpu.matmul %get3A_6, %max3A_3, %dot_general3A {dimension_numbers = #tpu.dot_dimension_numbers<[1], [0], [0], [1], [0, 0, 1, 1], [], []>, transpose_lhs_hint = false} : vector<128x64xf32>, vector<64x25600xf32>, vector<128x25600xf32> -> vector<128x25600xf32>
    %get3A_8 = arith.constant 0 : index
    %get3A_9 = arith.constant 0 : index
    %get3A_10 = vector.load %arg3[%get3A_8, %get3A_9] : memref<128x1xf32, #tpu.memory_space<vmem>>, vector<128x1xf32>
    %add3A = vector.broadcast %get3A_10 : vector<128x1xf32> to vector<128x25600xf32>
    %add3A_11 = arith.addf %dot_general3A_7, %add3A : vector<128x25600xf32>
    %max3A_12 = arith.constant 0.000000e+00 : f32
    %max3A_13 = vector.broadcast %max3A_12 : f32 to vector<128x25600xf32>
    %max3A_14 = arith.maximumf %add3A_11, %max3A_13 : vector<128x25600xf32>
    %iota3A = tpu.iota {dimensions = array<i32: 0>} : vector<6400x128xi32>
    %jit3A = arith.constant 50 : i32
    %div3A = vector.broadcast %jit3A : i32 to vector<6400x128xi32>
    %div3A_15 = arith.divsi %iota3A, %div3A : vector<6400x128xi32>
    %sign3A = arith.constant 0 : i32
    %sign3A_16 = vector.broadcast %sign3A : i32 to vector<6400x128xi32>
    %sign3A_17 = arith.cmpi sgt, %iota3A, %sign3A_16 : vector<6400x128xi32>
    %sign3A_18 = arith.extui %sign3A_17 : vector<6400x128xi1> to vector<6400x128xi32>
    %sign3A_19 = arith.constant 0 : i32
    %sign3A_20 = vector.broadcast %sign3A_19 : i32 to vector<6400x128xi32>
    %sign3A_21 = arith.cmpi slt, %iota3A, %sign3A_20 : vector<6400x128xi32>
    %sign3A_22 = arith.extui %sign3A_21 : vector<6400x128xi1> to vector<6400x128xi32>
    %sign3A_23 = arith.subi %sign3A_18, %sign3A_22 : vector<6400x128xi32>
    %sign3A_24 = arith.constant 0 : i32
    %sign3A_25 = arith.cmpi sgt, %jit3A, %sign3A_24 : i32
    %sign3A_26 = arith.extui %sign3A_25 : i1 to i32
    %sign3A_27 = arith.constant 0 : i32
    %sign3A_28 = arith.cmpi slt, %jit3A, %sign3A_27 : i32
    %sign3A_29 = arith.extui %sign3A_28 : i1 to i32
    %sign3A_30 = arith.subi %sign3A_26, %sign3A_29 : i32
    %ne3A = vector.broadcast %sign3A_30 : i32 to vector<6400x128xi32>
    %ne3A_31 = arith.cmpi ne, %sign3A_23, %ne3A : vector<6400x128xi32>
    %rem3A = vector.broadcast %jit3A : i32 to vector<6400x128xi32>
    %rem3A_32 = arith.remsi %iota3A, %rem3A : vector<6400x128xi32>
    %ne3A_33 = arith.constant 0 : i32
    %ne3A_34 = vector.broadcast %ne3A_33 : i32 to vector<6400x128xi32>
    %ne3A_35 = arith.cmpi ne, %rem3A_32, %ne3A_34 : vector<6400x128xi32>
    %and3A = arith.andi %ne3A_31, %ne3A_35 : vector<6400x128xi1>
    %sub3A = arith.constant 1 : i32
    %sub3A_36 = vector.broadcast %sub3A : i32 to vector<6400x128xi32>
    %sub3A_37 = arith.subi %div3A_15, %sub3A_36 : vector<6400x128xi32>
    %select_n3A = arith.select %and3A, %sub3A_37, %div3A_15 : vector<6400x128xi1>, vector<6400x128xi32>
    %iota3A_38 = tpu.iota {dimensions = array<i32: 1>} : vector<6400x128xi32>
    %eq3A = arith.cmpi eq, %select_n3A, %iota3A_38 : vector<6400x128xi32>
    %convert_element_type3A = arith.extui %eq3A : vector<6400x128xi1> to vector<6400x128xi32>
    %convert_element_type3A_39 = arith.sitofp %convert_element_type3A : vector<6400x128xi32> to vector<6400x128xf32>
    %slice3A = vector.extract_strided_slice %max3A_14 {offsets = [0, 0], sizes = [128, 6400], strides = [1, 1]} : vector<128x25600xf32> to vector<128x6400xf32>
    %dot_general3A_40 = arith.constant dense<0.000000e+00> : vector<128x128xf32>
    %dot_general3A_41 = tpu.matmul %slice3A, %convert_element_type3A_39, %dot_general3A_40 {dimension_numbers = #tpu.dot_dimension_numbers<[1], [0], [0], [1], [0, 0, 1, 1], [], []>, transpose_lhs_hint = false} : vector<128x6400xf32>, vector<6400x128xf32>, vector<128x128xf32> -> vector<128x128xf32>
    %slice3A_42 = vector.extract_strided_slice %max3A_14 {offsets = [0, 6400], sizes = [128, 6400], strides = [1, 1]} : vector<128x25600xf32> to vector<128x6400xf32>
    %dot_general3A_43 = arith.constant dense<0.000000e+00> : vector<128x128xf32>
    %dot_general3A_44 = tpu.matmul %slice3A_42, %convert_element_type3A_39, %dot_general3A_43 {dimension_numbers = #tpu.dot_dimension_numbers<[1], [0], [0], [1], [0, 0, 1, 1], [], []>, transpose_lhs_hint = false} : vector<128x6400xf32>, vector<6400x128xf32>, vector<128x128xf32> -> vector<128x128xf32>
    %slice3A_45 = vector.extract_strided_slice %max3A_14 {offsets = [0, 12800], sizes = [128, 6400], strides = [1, 1]} : vector<128x25600xf32> to vector<128x6400xf32>
    %dot_general3A_46 = arith.constant dense<0.000000e+00> : vector<128x128xf32>
    %dot_general3A_47 = tpu.matmul %slice3A_45, %convert_element_type3A_39, %dot_general3A_46 {dimension_numbers = #tpu.dot_dimension_numbers<[1], [0], [0], [1], [0, 0, 1, 1], [], []>, transpose_lhs_hint = false} : vector<128x6400xf32>, vector<6400x128xf32>, vector<128x128xf32> -> vector<128x128xf32>
    %slice3A_48 = vector.extract_strided_slice %max3A_14 {offsets = [0, 19200], sizes = [128, 6400], strides = [1, 1]} : vector<128x25600xf32> to vector<128x6400xf32>
    %dot_general3A_49 = arith.constant dense<0.000000e+00> : vector<128x128xf32>
    %dot_general3A_50 = tpu.matmul %slice3A_48, %convert_element_type3A_39, %dot_general3A_49 {dimension_numbers = #tpu.dot_dimension_numbers<[1], [0], [0], [1], [0, 0, 1, 1], [], []>, transpose_lhs_hint = false} : vector<128x6400xf32>, vector<6400x128xf32>, vector<128x128xf32> -> vector<128x128xf32>
    %concatenate3A = tpu.concatenate %dot_general3A_41, %dot_general3A_44, %dot_general3A_47, %dot_general3A_50 in 1 : vector<128x128xf32>, vector<128x128xf32>, vector<128x128xf32>, vector<128x128xf32> -> vector<128x512xf32>
    %get3A_51 = arith.constant 0 : index
    %get3A_52 = arith.constant 0 : index
    %get3A_53 = vector.load %arg4[%get3A_51, %get3A_52] : memref<128x128xf32, #tpu.memory_space<vmem>>, vector<128x128xf32>
    %dot_general3A_54 = arith.constant dense<0.000000e+00> : vector<128x512xf32>
    %dot_general3A_55 = tpu.matmul %get3A_53, %concatenate3A, %dot_general3A_54 {dimension_numbers = #tpu.dot_dimension_numbers<[1], [0], [0], [1], [0, 0, 1, 1], [], []>, transpose_lhs_hint = false} : vector<128x128xf32>, vector<128x512xf32>, vector<128x512xf32> -> vector<128x512xf32>
    %get3A_56 = arith.constant 0 : index
    %get3A_57 = arith.constant 0 : index
    %get3A_58 = vector.load %arg5[%get3A_56, %get3A_57] : memref<128x1xf32, #tpu.memory_space<vmem>>, vector<128x1xf32>
    %add3A_59 = vector.broadcast %get3A_58 : vector<128x1xf32> to vector<128x512xf32>
    %add3A_60 = arith.addf %dot_general3A_55, %add3A_59 : vector<128x512xf32>
    %max3A_61 = arith.constant 0.000000e+00 : f32
    %max3A_62 = vector.broadcast %max3A_61 : f32 to vector<128x512xf32>
    %max3A_63 = arith.maximumf %add3A_60, %max3A_62 : vector<128x512xf32>
    %get3A_64 = arith.constant 0 : index
    %get3A_65 = arith.constant 0 : index
    %get3A_66 = vector.load %arg6[%get3A_64, %get3A_65] : memref<4x128xf32, #tpu.memory_space<vmem>>, vector<4x128xf32>
    %dot_general3A_67 = arith.constant dense<0.000000e+00> : vector<4x512xf32>
    %dot_general3A_68 = tpu.matmul %get3A_66, %max3A_63, %dot_general3A_67 {dimension_numbers = #tpu.dot_dimension_numbers<[1], [0], [0], [1], [0, 0, 1, 1], [], []>, transpose_lhs_hint = false} : vector<4x128xf32>, vector<128x512xf32>, vector<4x512xf32> -> vector<4x512xf32>
    %swap3A = arith.constant 0 : index
    %swap3A_69 = arith.constant 0 : index
    %swap3A_70 = vector.load %arg7[%swap3A, %swap3A_69] : memref<4x512xf32, #tpu.memory_space<vmem>>, vector<4x512xf32>
    tpu.vector_store %arg7[%swap3A, %swap3A_69], %dot_general3A_68 {strides = array<i32>} : memref<4x512xf32, #tpu.memory_space<vmem>>, vector<4x512xf32>,
    return
  }
  func.func @transform_0(%arg0: i32) -> (i32, i32) {
    %c0_i32 = arith.constant 0 : i32
    %c0_i32_0 = arith.constant 0 : i32
    return %c0_i32, %arg0 : i32, i32
  }
  func.func @transform_1(%arg0: i32) -> (i32, i32) {
    %c0_i32 = arith.constant 0 : i32
    %c0_i32_0 = arith.constant 0 : i32
    %c0_i32_1 = arith.constant 0 : i32
    return %c0_i32, %c0_i32_0 : i32, i32
  }
  func.func @transform_2(%arg0: i32) -> (i32, i32) {
    %c0_i32 = arith.constant 0 : i32
    %c0_i32_0 = arith.constant 0 : i32
    %c0_i32_1 = arith.constant 0 : i32
    return %c0_i32, %c0_i32_0 : i32, i32
  }
  func.func @transform_3(%arg0: i32) -> (i32, i32) {
    %c0_i32 = arith.constant 0 : i32
    %c0_i32_0 = arith.constant 0 : i32
    %c0_i32_1 = arith.constant 0 : i32
    return %c0_i32, %c0_i32_0 : i32, i32
  }
  func.func @transform_4(%arg0: i32) -> (i32, i32) {
    %c0_i32 = arith.constant 0 : i32
    %c0_i32_0 = arith.constant 0 : i32
    %c0_i32_1 = arith.constant 0 : i32
    return %c0_i32, %c0_i32_0 : i32, i32
  }
  func.func @transform_5(%arg0: i32) -> (i32, i32) {
    %c0_i32 = arith.constant 0 : i32
    %c0_i32_0 = arith.constant 0 : i32
    %c0_i32_1 = arith.constant 0 : i32
    return %c0_i32, %c0_i32_0 : i32, i32
  }
  func.func @transform_6(%arg0: i32) -> (i32, i32) {
    %c0_i32 = arith.constant 0 : i32
    %c0_i32_0 = arith.constant 0 : i32
    return %c0_i32, %arg0 : i32, i32
  }
}

</mosaic_0001>

<sc_bundles>
// kernel: kernel.4.cloned.1.call-start
scs
__scs_entry_jumppad:
0x0: {  	(pc) =	sbr.rel $0x88, $3  }
0x1: {  	(tag) =	ssettag $0x0;
	lr =	simm.s32 $0x1  }
0x2: {  	[smem:$0x3F99] =	sst lr;
	_ =	strace $0xD0000000  }
0x3: {  	_ = 	snop  }
0x4: {  	_ = 	snop  }
0x5: {  	_ = 	snop  }
0x6: {  	_ = 	snop  }
0x7: {  	_ = 	snop  }
__scs_overlays_trampoline_lowered:
0x8: {  	[smem:$0x3FA8] =	sst s0  }
0x9: {  	[smem:$0x3FA9] =	sst s1  }
0xa: {  	[smem:$0x3FAA] =	sst s2  }
0xb: {  	[smem:$0x3FAB] =	sst s3  }
0xc: {  	[smem:$0x3FAC] =	sst s4  }
0xd: {  	[smem:$0x3FAD] =	sst s5  }
0xe: {  	[smem:$0x3FAE] =	sst s6  }
0xf: {  	[smem:$0x3FAF] =	sst s7  }
0x10: {  	[smem:$0x3FB0] =	sst s8  }
0x11: {  	[smem:$0x3FB1] =	sst s9;
	s0 =	simm.s32 @!p0 $0x0  }
0x12: {  	s1 =	sld [smem:$0x3F97];
	s0 =	simm.s32 @p0 $0x1  }
0x13: {  	[smem:$0x3FB2] =	sst s0;
	s0 =	simm.s32 @!p1 $0x0  }
0x14: {  	s2 =	sld [smem:$0x3F96];
	s0 =	simm.s32 @p1 $0x1  }
0x15: {  	[smem:$0x3FB3] =	sst s0;
	s0 =	simm.s32 @!p2 $0x0  }
0x16: {  	s3 =	sld [smem:$0x3FDB];
	s0 =	simm.s32 @p2 $0x1  }
0x17: {  	s4 =	simm.s32 $0x1BF5;
	[smem:$0x3FB5] =	sst s0  }
0x18: {  	s0 =	sld [smem:$0x3F98];
	_ =	swait.ge [sflag:s4], $0x0  }
0x19: {  	s7 =	sld [smem:$0x3F99]  }
0x1a: {  	s8 =	sadd.s32 $0xFFFFE003, lr  }
0x1b: {  	s9 =	sadd.s32 $0xFFFFFEF7, lr;
	s5 =	simm.s32 $0xFFFFFFFF;
	p2 =	slt.u32 s8, $0xFFFFF086  }
0x1c: {  	p1 =	slt.u32 s9, $0xF7A;
	s5 =	simm.s32 @!p2 $0x0  }
0x1d: {  	s5 =	simm.s32 @p1 $0x1;
	p0 =	seq.s32 s7, s2  }
0x1e: {  	s7 =	smul.u32 @!p0 $0xF7A, s2;
	p2 =	seq.s32 @!p0 s5, $0x0  }
0x1f: {  	s9 =	smul.u32 $0xF7A, s1;
	s8 =	simm.s32 @!p0 $0x1BF5;
	p2 =	por !p2, p0  }
0x20: {  	[sflag:s8] =	ssyncset.s32 @!p0 $0xFFFFF086;
	s6 =	sadd.s32 @!p0 s3, s7;
	s7 =	simm.s32 @!p0 $0x108  }
0x21: {  	s3 =	sadd.s32 s3, s9;
	s6 =	sadd.s32 @!p0 $0x88, s6;
	s7 =	simm.s32 @p2 $0x1082  }
0x22: {  	[simem:s7], [sflag:s8] =	dma.local @!p0 [hbm:s6], $0xF7A  }
0x23: {  	s9 =	sor.u32 $0xD0000000, s2;
	s6 =	simm.s32 $0x108;
	_ =	swait.ge @!p0 [sflag:s8], $0x0  }
0x24: {  	s3 =	sadd.s32 $0x88, s3;
	s6 =	simm.s32 @!p1 $0x1082;
	[sflag:s4] =	ssyncset.s32 $0xFFFFF086  }
0x25: {  	[simem:s6], [sflag:s4] =	dma.local [hbm:s3], $0xF7A  }
0x26: {  	[smem:$0x3F99] =	sst s1;
	(tag) =	ssettag s2;
	_ =	strace s9  }
0x27: {  	s1 =	sld [smem:$0x3FA9]  }
0x28: {  	s2 =	sld [smem:$0x3FAA]  }
0x29: {  	s4 =	sld [smem:$0x3FAC]  }
0x2a: {  	p0 =	seq.s32 s5, $0x0;
	s5 =	sld [smem:$0x3FAD]  }
0x2b: {  	s6 =	sld [smem:$0x3FAE]  }
0x2c: {  	s7 =	sld [smem:$0x3FAF]  }
0x2d: {  	s3 =	simm.s32 $0x108;
	s8 =	sld [smem:$0x3FB0]  }
0x2e: {  	s3 =	simm.s32 @!p0 $0x1082;
	s9 =	sld [smem:$0x3FB1]  }
0x2f: {  	lr =	sadd.s32 s0, s3;
	s0 =	sld [smem:$0x3FA8]  }
0x30: {  	s3 =	sld [smem:$0x3FAB]  }
0x31: {  	[smem:$0x3FB4] =	sst s10  }
0x32: {  	s10 =	sld [smem:$0x3FB2];
	_ =	sdelay $0x3  }
0x33: {  	p0 =	seq.s32 s10, $0x1;
	s10 =	sld [smem:$0x3FB4];
	_ =	sdelay $0x3  }
0x34: {  	[smem:$0x3FB4] =	sst s10  }
0x35: {  	s10 =	sld [smem:$0x3FB3];
	_ =	sdelay $0x3  }
0x36: {  	p1 =	seq.s32 s10, $0x1;
	s10 =	sld [smem:$0x3FB4];
	_ =	sdelay $0x3  }
0x37: {  	[smem:$0x3FB4] =	sst s10  }
0x38: {  	s10 =	sld [smem:$0x3FB5]  }
0x39: {  	_ = 	snop;
	(pc) =	sbr.ind lr, $3  }
0x3a: {  	_ = 	snop  }
0x3b: {  	_ = 	snop  }
0x3c: {  	p2 =	seq.s32 s10, $0x1;
	s10 =	sld [smem:$0x3FB4]  }
0x3d: {  	_ =	shalt  }
0x3e: {  	_ =	shalt  }
0x3f: {  	_ =	shalt  }
0x40: {  	_ =	shalt  }
0x41: {  	_ =	shalt  }
0x42: {  	_ =	shalt  }
0x43: {  	_ =	shalt  }
0x44: {  	_ =	shalt  }
0x45: {  	_ =	shalt  }
0x46: {  	_ =	shalt  }
0x47: {  	_ =	shalt  }
0x48: {  	_ =	shalt  }
0x49: {  	_ =	shalt  }
0x4a: {  	_ =	shalt  }
0x4b: {  	_ =	shalt  }
0x4c: {  	_ =	shalt  }
0x4d: {  	_ =	shalt  }
0x4e: {  	_ =	shalt  }
0x4f: {  	_ =	shalt  }
0x50: {  	_ =	shalt  }
0x51: {  	_ =	shalt  }
0x52: {  	_ =	shalt  }
0x53: {  	_ =	shalt  }
0x54: {  	_ =	shalt  }
0x55: {  	_ =	shalt  }
0x56: {  	_ =	shalt  }
0x57: {  	_ =	shalt  }
0x58: {  	_ =	shalt  }
0x59: {  	_ =	shalt  }
0x5a: {  	_ =	shalt  }
0x5b: {  	_ =	shalt  }
0x5c: {  	_ =	shalt  }
0x5d: {  	_ =	shalt  }
0x5e: {  	_ =	shalt  }
0x5f: {  	_ =	shalt  }
0x60: {  	_ =	shalt  }
0x61: {  	_ =	shalt  }
0x62: {  	_ =	shalt  }
0x63: {  	_ =	shalt  }
0x64: {  	_ =	shalt  }
0x65: {  	_ =	shalt  }
0x66: {  	_ =	shalt  }
0x67: {  	_ =	shalt  }
0x68: {  	_ =	shalt  }
0x69: {  	_ =	shalt  }
0x6a: {  	_ =	shalt  }
0x6b: {  	_ =	shalt  }
0x6c: {  	_ =	shalt  }
0x6d: {  	_ =	shalt  }
0x6e: {  	_ =	shalt  }
0x6f: {  	_ =	shalt  }
0x70: {  	_ =	shalt  }
0x71: {  	_ =	shalt  }
0x72: {  	_ =	shalt  }
0x73: {  	_ =	shalt  }
0x74: {  	_ =	shalt  }
0x75: {  	_ =	shalt  }
0x76: {  	_ =	shalt  }
0x77: {  	_ =	shalt  }
0x78: {  	_ =	shalt  }
0x79: {  	_ =	shalt  }
0x7a: {  	_ =	shalt  }
0x7b: {  	_ =	shalt  }
0x7c: {  	_ =	shalt  }
0x7d: {  	_ =	shalt  }
0x7e: {  	_ =	shalt  }
0x7f: {  	_ =	shalt  }
0x80: {  	_ =	shalt  }
0x81: {  	_ =	shalt  }
0x82: {  	_ =	shalt  }
0x83: {  	_ =	shalt  }
0x84: {  	_ =	shalt  }
0x85: {  	_ =	shalt  }
0x86: {  	_ =	shalt  }
0x87: {  	_ =	shalt  }
.Lfunc_end0:
.L_simem_size_0:
called_computation_lowered:
.L_overlay_start_0:
0x88: {  	s2 =	sld [smem:$0x3FD9]  }
0x89: {  	s3 =	sld [smem:$0x3FFE];
	_ =	sdelay $0x1  }
0x8a: {  	s1 =	srdreg.scid  }
0x8b: {  	s0 =	sand.u32 $0x1, s1  }
0x8c: {  	s17 =	sshll.u32 s0, $0xA;
	s2 =	sadd.s32 s3, s2  }
0x8d: {  	s2 =	sadd.s32 s2, s17  }
0x8e: {  	[smem:$0x3FC0] =	sst s2  }
0x8f: {  	_ = 	snop  }
0x90: {  	s2 =	sld [smem:$0x3FC8];
	(tm) =	ssettm $0x1  }
0x91: {  	s18 =	sld [smem:$0x3FFB];
	_ =	sdelay $0x3  }
0x92: {  	_ =	strace s18  }
0x93: {  	s3 =	sld [smem:$0x3FFC];
	_ =	sdelay $0x3  }
0x94: {  	_ =	strace s3  }
0x95: {  	s3 =	sld [smem:$0x3FFD];
	_ =	sdelay $0x3  }
0x96: {  	_ =	strace s3  }
0x97: {  	_ =	strace $0x8FFFFFFF  }
0x98: {  	s19 =	sld [smem:$0x3FDB];
	_ =	sdelay $0x1  }
0x99: {  	s4 =	simm.s32 $_scs_section_size  }
0x9a: {  	s5 =	simm.s32 $_size__tile_overlayer_lowered;
	s6 =	simm.s32 $_tile_overlayer_lowered  }
0x9b: {  	s22 =	simm.s32 $0x1BFF;
	s21 =	sshll.u32 s6, $0x1;
	s3 =	sadd.s32 s4, s19  }
0x9c: {  	s7 =	simm.s32 $0x0;
	s20 =	sshll.u32 s5, $0x1;
	s5 =	sadd.s32 s21, s3  }
0x9d: {  	[timem:s7], [sflag:s22] =	dma.local [hbm:s5], s20  }
0x9e: {  	_ =	swait.ge [sflag:s22], s20  }
0x9f: {  	s4 =	ssub.s32 $0x0, s20;
	[sflag:s22] =	ssyncset.done $0x0  }
0xa0: {  	[sflag:s22] =	ssyncadd.s32 s4;
	_ =	sdelay $0x1  }
0xa1: {  	s23 =	simm.s32 $0x1B8B  }
0xa2: {  	_ =	swait.ge [sflag:s23], $0x1  }
0xa3: {  	[sflag:s23] =	ssyncset.done $0x0  }
0xa4: {  	s25 =	simm.s32 $0x1B8E;
	s24 =	sld [smem:$0x3FFE];
	[sflag:s23] =	ssyncadd.s32 $0xFFFFFFFF  }
0xa5: {  	s26 =	simm.s32 $execute0_lowered;
	[smem:$0x3FD2] =	sst s25  }
0xa6: {  	s5 =	sshll.u32 s26, $0x1;
	_ =	strace $0x80000046;
	[dreg:$0x1] =	wrdreg $0xFFFFFFFF  }
0xa7: {  	s28 =	simm.s32 $_size_execute0_lowered;
	s3 =	sadd.s32 s3, s5;
	[dreg:$0x0] =	wrdreg $0x0  }
0xa8: {  	s5 =	sshll.u32 s28, $0x1;
	[dreg:$0x2] =	wrdreg s3  }
0xa9: {  	[dreg:$0x3] =	wrdreg s5  }
0xaa: {  	[dreg:$0x4] =	wrdreg $0xC0  }
0xab: {  	_ =	task [dreg:s7], $0x5FFFF  }
0xac: {  	[dreg:$0x1] =	wrdreg $0xFFFFFFFF  }
0xad: {  	[dreg:$0x0] =	wrdreg $0x60  }
0xae: {  	[dreg:$0x2] =	wrdreg s2  }
0xaf: {  	[dreg:$0x3] =	wrdreg s24  }
0xb0: {  	[dreg:$0x4] =	wrdreg $0x0  }
0xb1: {  	[dreg:$0x5] =	wrdreg $0x9  }
0xb2: {  	_ =	task.clear_ibuf [dreg:s7], $0x6FFFF;
	_ =	strace $0x90000046  }
0xb3: {  	s29 =	simm.s32 $0x9;
	_ =	strace $0x80000048  }
0xb4: {  	_ =	swait.ge [sflag:s29], $0x1  }
0xb5: {  	[sflag:s29] =	ssyncadd.s32 $0xFFFFFFFF  }
0xb6: {  	_ =	strace $0x90000048  }
0xb7: {  	_ =	sfence  }
0xb8: {  	s30 =	sld [smem:$0x0];
	_ =	sdelay $0x2  }
0xb9: {  	s31 =	sshll.u32 s1, $0xD;
	s1 =	sshrl.u32 s1, $0x2  }
0xba: {  	s3 =	sand.u32 $0x4000, s31;
	s1 =	sadd.s32 s1, s30  }
0xbb: {  	s0 =	sor.u32 s3, s0;
	s1 =	sshll.u32 s1, $0x11  }
0xbc: {  	s0 =	sor.u32 s1, s0  }
0xbd: {  	s0 =	sadd.s32 $0x8F2B, s0  }
0xbe: {  	[sflag:s0] =	ssyncadd.remote.s32 $0x1  }
0xbf: {  	_ =	sfence.sel $0xFFFF  }
0xc0: {  	[dreg:$0x0] =	wrdreg $0xFFFFFFFF;
	(pc) =	sbr.abs _section_cstart, $3  }
0xc1: {  	[dreg:$0x1] =	wrdreg $0xFFFFFFFF  }
0xc2: {  	_ =	task.clear_ibuf [dreg:s7], $0x2FFFF;
	_ =	strace $0x9FFFFFFF  }
0xc3: {  	(tm) =	ssettm $0x7FFFFFFF  }
tec
execute0_lowered:
.L_overlay_start_1:
0x0: {  	(tag) =	ssettag $0x1  }
0x1: {  	s0 =	stileid.u32  }
0x2: {  	s12 =	rddreg [dreg:$0x0];
	s5 =	srdreg.scid;
	s2 =	sshrl.u32 s0, $0x3  }
0x3: {  	s11 =	rddreg [dreg:$0x1];
	s4 =	smul.u32 $0x32000, s2;
	s2 =	sand.u32 $0x1, s5  }
0x4: {  	s1 =	rddreg [dreg:$0x2];
	s3 =	simm.s32 $0x0;
	s7 =	smul.u32 $0x3D0A00, s2  }
0x5: {  	s29 =	sshll.u32 s0, $0x7;
	s31 =	smul.u32 $0x32000, s0;
	[smem:$0x7FF] =	sst s3  }
0x6: {  	s6 =	sand.u32 $0x380, s29;
	_ =	strace $0x80000047;
	s16 =	sadd.s32 s12, s7  }
0x7: {  	s9 =	smul.u32 $0xC80000, s2;
	s8 =	sor.u32 s6, s4;
	s15 =	sadd.s32 $0x10, s16  }
0x8: {  	s3 =	sshrl.u32 s8, $0x3;
	s7 =	sadd.s32 $0x20, s16;
	[dreg:$0x6] =	wrdreg s15  }
0x9: {  	s4 =	sadd.s32 s31, s9;
	s8 =	sadd.s32 $0x30, s16;
	[dreg:$0x8] =	wrdreg s7  }
0xa: {  	s10 =	sadd.s32 s3, s11;
	s9 =	sadd.s32 $0x40, s16;
	[dreg:$0xa] =	wrdreg s8  }
0xb: {  	s3 =	sadd.s32 $0xDA00, s11;
	s23 =	sadd.s32 $0x70, s16;
	[dreg:$0xc] =	wrdreg s9  }
0xc: {  	s4 =	sshrl.u32 s4, $0x3;
	s13 =	sadd.s32 $0x1200, s10;
	[dreg:$0x12] =	wrdreg s23  }
0xd: {  	s5 =	sadd.s32 $0xDA10, s11;
	s14 =	sadd.s32 s3, s4;
	[dreg:$0x4] =	wrdreg s13  }
0xe: {  	s6 =	sadd.s32 $0xDA20, s11;
	s17 =	sadd.s32 s4, s5;
	[dreg:$0x5] =	wrdreg s14  }
0xf: {  	s18 =	sadd.s32 s4, s6;
	s7 =	sadd.s32 $0xDA30, s11;
	[dreg:$0x7] =	wrdreg s17  }
0x10: {  	s8 =	sadd.s32 $0xDA40, s11;
	s10 =	sadd.s32 $0x50, s16;
	[dreg:$0x9] =	wrdreg s18  }
0x11: {  	s9 =	sadd.s32 $0xDA50, s11;
	s19 =	sadd.s32 s4, s7;
	[dreg:$0xe] =	wrdreg s10  }
0x12: {  	s20 =	sadd.s32 s4, s8;
	s21 =	sadd.s32 s4, s9;
	[dreg:$0xb] =	wrdreg s19  }
0x13: {  	s13 =	sadd.s32 $0x60, s16;
	s14 =	smul.u32 $0x1E85000, s2;
	[dreg:$0xd] =	wrdreg s20  }
0x14: {  	s10 =	sadd.s32 $0xDA60, s11;
	s11 =	sadd.s32 $0xDA70, s11;
	[dreg:$0xf] =	wrdreg s21  }
0x15: {  	[dreg:$0x10] =	wrdreg s13;
	s22 =	sadd.s32 s4, s10;
	s14 =	sshrl.u32 s14, $0x3  }
0x16: {  	s24 =	sadd.s32 s4, s11;
	[dreg:$0x11] =	wrdreg s22;
	s12 =	sadd.s32 s12, s14  }
0x17: {  	[dreg:$0x13] =	wrdreg s24;
	s14 =	sadd.s32 $0x64000, s4;
	s25 =	sadd.s32 $0xF4280, s12  }
0x18: {  	s26 =	sadd.s32 s3, s14;
	[dreg:$0x14] =	wrdreg s25  }
0x19: {  	s28 =	sadd.s32 $0xF4290, s12;
	[dreg:$0x15] =	wrdreg s26  }
0x1a: {  	s29 =	sadd.s32 s14, s5;
	[dreg:$0x16] =	wrdreg s28  }
0x1b: {  	s31 =	sadd.s32 $0xF42A0, s12;
	[dreg:$0x17] =	wrdreg s29  }
0x1c: {  	s15 =	sadd.s32 s14, s6;
	[dreg:$0x18] =	wrdreg s31  }
0x1d: {  	s17 =	sadd.s32 $0xF42B0, s12;
	[dreg:$0x19] =	wrdreg s15  }
0x1e: {  	s18 =	sadd.s32 s14, s7;
	[dreg:$0x1a] =	wrdreg s17  }
0x1f: {  	s19 =	sadd.s32 $0xF42C0, s12;
	[dreg:$0x1b] =	wrdreg s18  }
0x20: {  	s20 =	sadd.s32 s14, s8;
	[dreg:$0x1c] =	wrdreg s19  }
0x21: {  	s21 =	sadd.s32 $0xF42D0, s12;
	[dreg:$0x1d] =	wrdreg s20  }
0x22: {  	s22 =	sadd.s32 s14, s9;
	[dreg:$0x1e] =	wrdreg s21  }
0x23: {  	s23 =	sadd.s32 $0xF42E0, s12;
	[dreg:$0x1f] =	wrdreg s22  }
0x24: {  	s24 =	sadd.s32 s14, s10;
	[smem:$0x7BB] =	sst s23  }
0x25: {  	s13 =	sadd.s32 $0x2DC790, s12;
	[smem:$0x7BC] =	sst s24  }
0x26: {  	s25 =	sadd.s32 $0xF42F0, s12;
	[smem:$0x7D1] =	sst s13  }
0x27: {  	s26 =	sadd.s32 s14, s11;
	[smem:$0x7BD] =	sst s25  }
0x28: {  	s28 =	sadd.s32 $0x1E8500, s12;
	[smem:$0x7BE] =	sst s26  }
0x29: {  	s31 =	sadd.s32 $0x1E8510, s12;
	[smem:$0x7BF] =	sst s28  }
0x2a: {  	s17 =	sadd.s32 $0x1E8520, s12;
	[smem:$0x7C1] =	sst s31  }
0x2b: {  	s19 =	sadd.s32 $0x1E8530, s12;
	[smem:$0x7C3] =	sst s17  }
0x2c: {  	s21 =	sadd.s32 $0x1E8540, s12;
	[smem:$0x7C5] =	sst s19  }
0x2d: {  	p1 =	sne.s32 s0, $0x1;
	s23 =	sadd.s32 $0x1E8550, s12;
	[smem:$0x7C7] =	sst s21  }
0x2e: {  	s14 =	sadd.s32 $0xC8000, s4;
	s13 =	sshrl.u32 @!p1 s1, $0x3;
	[smem:$0x7C9] =	sst s23  }
0x2f: {  	s29 =	sadd.s32 s3, s14;
	[smem:$0x7F4] =	sst s13  }
0x30: {  	s15 =	sadd.s32 s14, s5;
	[smem:$0x7C0] =	sst s29  }
0x31: {  	s18 =	sadd.s32 s14, s6;
	[smem:$0x7C2] =	sst s15  }
0x32: {  	s20 =	sadd.s32 s14, s7;
	[smem:$0x7C4] =	sst s18  }
0x33: {  	s22 =	sadd.s32 s14, s8;
	[smem:$0x7C6] =	sst s20  }
0x34: {  	s24 =	sadd.s32 s14, s9;
	[smem:$0x7C8] =	sst s22  }
0x35: {  	s25 =	sadd.s32 $0x1E8560, s12;
	[smem:$0x7CA] =	sst s24  }
0x36: {  	s26 =	sadd.s32 s14, s10;
	[smem:$0x7CB] =	sst s25  }
0x37: {  	s28 =	sadd.s32 $0x1E8570, s12;
	[smem:$0x7CC] =	sst s26  }
0x38: {  	s4 =	sadd.s32 $0x12C000, s4;
	s31 =	sadd.s32 $0x2DC780, s12;
	[smem:$0x7CD] =	sst s28  }
0x39: {  	s3 =	sadd.s32 s3, s4;
	[smem:$0x7CF] =	sst s31  }
0x3a: {  	s17 =	sadd.s32 s4, s6;
	[smem:$0x7D0] =	sst s3  }
0x3b: {  	s19 =	sadd.s32 s4, s7;
	[smem:$0x7D4] =	sst s17  }
0x3c: {  	s21 =	sadd.s32 s4, s8;
	[smem:$0x7D6] =	sst s19  }
0x3d: {  	s23 =	sadd.s32 s4, s9;
	[smem:$0x7D8] =	sst s21  }
0x3e: {  	p0 =	sne.s32 s0, $0x0;
	[smem:$0x7DA] =	sst s23  }
0x3f: {  	s9 =	sshrl.u32 @!p0 s1, $0x3;
	s19 =	rddreg [dreg:$0x4]  }
0x40: {  	s29 =	sadd.s32 s14, s11;
	[smem:$0x7F0] =	sst s9  }
0x41: {  	s14 =	sadd.s32 s4, s5;
	[smem:$0x7CE] =	sst s29  }
0x42: {  	s15 =	sadd.s32 $0x2DC7A0, s12;
	[smem:$0x7D2] =	sst s14  }
0x43: {  	s18 =	sadd.s32 $0x2DC7B0, s12;
	[smem:$0x7D3] =	sst s15  }
0x44: {  	s30 =	simm.s32 $0x15828;
	s20 =	sadd.s32 $0x2DC7C0, s12;
	[smem:$0x7D5] =	sst s18  }
0x45: {  	p6 =	sne.s32 s0, $0x2;
	s22 =	sadd.s32 $0x2DC7D0, s12;
	[smem:$0x7D7] =	sst s20  }
0x46: {  	p5 =	sne.s32 s0, $0x3;
	s24 =	sadd.s32 $0x2DC7E0, s12;
	[smem:$0x7D9] =	sst s22  }
0x47: {  	p4 =	sne.s32 s0, $0x4;
	s25 =	sadd.s32 s4, s10;
	[smem:$0x7DB] =	sst s24  }
0x48: {  	s26 =	sadd.s32 $0x2DC7F0, s12;
	s10 =	sshrl.u32 @!p4 s1, $0x3;
	[smem:$0x7DC] =	sst s25  }
0x49: {  	[smem:$0x7DD] =	sst s26;
	s29 =	sadd.s32 s4, s11;
	s4 =	simm.s32 @!p0 $0x0  }
0x4a: {  	p2 =	sne.s32 s0, $0x5;
	[smem:$0x7F1] =	sst s10;
	s4 =	simm.s32 @p0 $0x1  }
0x4b: {  	s12 =	sshrl.u32 @!p6 s1, $0x3;
	[smem:$0x7DF] =	sst s4;
	s4 =	simm.s32 @!p1 $0x0  }
0x4c: {  	p3 =	sne.s32 s0, $0x6;
	[smem:$0x7F3] =	sst s12;
	s4 =	simm.s32 @p1 $0x1  }
0x4d: {  	s2 =	ssub.s32 $0x2, s2;
	[smem:$0x7E0] =	sst s4;
	s4 =	simm.s32 @!p6 $0x0  }
0x4e: {  	s6 =	simm.s32 $0xF428;
	[smem:$0x7DE] =	sst s29;
	s4 =	simm.s32 @p6 $0x1  }
0x4f: {  	s11 =	sshrl.u32 @!p5 s1, $0x3;
	[smem:$0x7E1] =	sst s4;
	s4 =	simm.s32 @!p5 $0x0  }
0x50: {  	s8 =	simm.s32 $0x6400;
	[smem:$0x7F2] =	sst s11;
	s4 =	simm.s32 @p5 $0x1  }
0x51: {  	s18 =	sshrl.u32 @!p2 s1, $0x3;
	[smem:$0x7E2] =	sst s4;
	s4 =	simm.s32 @!p4 $0x0  }
0x52: {  	s7 =	simm.s32 $0x1;
	[smem:$0x7F6] =	sst s18;
	s4 =	simm.s32 @p4 $0x1  }
0x53: {  	s15 =	sshrl.u32 @!p3 s1, $0x3;
	[smem:$0x7E3] =	sst s4;
	s4 =	simm.s32 @!p2 $0x0  }
0x54: {  	p0 =	sne.s32 s0, $0x7;
	[smem:$0x7F9] =	sst s15;
	s4 =	simm.s32 @p2 $0x1  }
0x55: {  	s21 =	sshrl.u32 @!p0 s1, $0x3;
	[smem:$0x7E4] =	sst s4;
	s4 =	simm.s32 @!p3 $0x0  }
0x56: {  	p1 =	sne.s32 s0, $0x8;
	[smem:$0x7FD] =	sst s21;
	s4 =	simm.s32 @p3 $0x1  }
0x57: {  	s20 =	sshrl.u32 @!p1 s1, $0x3;
	[smem:$0x7E5] =	sst s4;
	s4 =	simm.s32 @!p0 $0x0  }
0x58: {  	s28 =	sshrl.u32 s2, $0x1;
	[smem:$0x7FC] =	sst s20;
	s4 =	simm.s32 @p0 $0x1  }
0x59: {  	s2 =	ssub.s32 s2, s28;
	[smem:$0x7E6] =	sst s4;
	s4 =	simm.s32 @!p1 $0x0  }
0x5a: {  	p2 =	sne.s32 s0, $0xD;
	p0 =	sne.s32 s0, $0x9;
	s4 =	simm.s32 @p1 $0x1  }
0x5b: {  	s29 =	sshrl.u32 @!p2 s1, $0x3;
	[smem:$0x7E7] =	sst s4;
	s4 =	simm.s32 @!p0 $0x0  }
0x5c: {  	s26 =	sshrl.u32 @!p0 s1, $0x3;
	p1 =	sne.s32 s0, $0xA;
	s4 =	simm.s32 @p0 $0x1  }
0x5d: {  	p0 =	sne.s32 s0, $0xB;
	[smem:$0x7E8] =	sst s4;
	s4 =	simm.s32 @!p1 $0x0  }
0x5e: {  	[smem:$0x7F8] =	sst s29;
	s22 =	simm.s32 @!p0 $0x0;
	s4 =	simm.s32 @p1 $0x1  }
0x5f: {  	p3 =	sne.s32 s0, $0xC;
	s22 =	simm.s32 @p0 $0x1;
	[smem:$0x7E9] =	sst s4  }
0x60: {  	s4 =	sshrl.u32 @!p1 s1, $0x3;
	[smem:$0x7EA] =	sst s22;
	s22 =	sshrl.u32 @!p0 s1, $0x3  }
0x61: {  	p1 =	sne.s32 s0, $0xE;
	p0 =	sne.s32 s0, $0xF;
	s0 =	simm.s32 @!p3 $0x0  }
0x62: {  	s31 =	smax.u32 s2, $0x1;
	[smem:$0x7FB] =	sst s26;
	s0 =	simm.s32 @p3 $0x1  }
0x63: {  	s14 =	sadd.s32 $0xFFFFFFFF, s31;
	[smem:$0x7EB] =	sst s0;
	s0 =	sshrl.u32 @!p3 s1, $0x3  }
0x64: {  	s28 =	sshrl.u32 @!p0 s1, $0x3;
	[smem:$0x7EC] =	sst s0;
	s0 =	simm.s32 @!p2 $0x0  }
0x65: {  	[smem:$0x7FA] =	sst s4;
	p3 =	sne.s32 s14, $0x0;
	s0 =	simm.s32 @p2 $0x1  }
.Ltmp0:
0x66: {  	[smem:$0x7ED] =	sst s0;
	s0 =	simm.s32 @!p1 $0x0;
	(pc) =	sbr.rel @!p3 .LBB2_1-.Ltmp0, $4  }
0x67: {  	s3 =	simm.s32 $0x400;
	[smem:$0x7F5] =	sst s28;
	s0 =	simm.s32 @p1 $0x1  }
0x68: {  	s24 =	sshrl.u32 @!p1 s1, $0x3;
	[smem:$0x7EE] =	sst s0;
	s0 =	simm.s32 @!p0 $0x0  }
0x69: {  	s17 =	simm.s32 $0x3;
	[smem:$0x7F7] =	sst s24;
	s0 =	simm.s32 @p0 $0x1  }
0x6a: {  	s5 =	simm.s32 $0x2;
	s2 =	simm.s32 $0x80;
	[smem:$0x7EF] =	sst s0  }
0x6b: {  	[tilespmem:s6], [sflag:$0x3] =	stream.strided.gather [hbm4b:s19+s2], $0x6400, s3, s2, $0x38;
	[tilespmem:$0x1BC28] =	vst v63  }
0x6c: {  	_ =	swait.ge [sflag:s17], $0x6400  }
0x6d: {  	s0 =	sld [smem:$0x7DF];
	_ =	sdelay $0x2  }
0x6e: {  	[sflag:s17] =	ssyncset.done $0x0;
	p0 =	seq.s32 s0, $0x1  }
0x6f: {  	[sflag:s17] =	ssyncadd.s32 $0xFFFF9C00;
	s0 =	simm.s32 @!p0 $0x1C03  }
0x70: {  	s19 =	simm.s32 @!p0 $0x10;
	s23 =	simm.s32 @!p0 $0x80;
	s17 =	simm.s32 @!p0 $0x1  }
0x71: {  	[spmem:s9@s19], [sflag:s0] =	dma.strided @!p0 [hbm:s16@s23], $0x1E850, s17, $0x10   }
0x72: {  	s0 =	simm.s32 @!p0 $0x1  }
0x73: {  	[smem:$0x76B] =	sst s0;
	s0 =	simm.s32 @!p0 $0x80  }
0x74: {  	[smem:$0x769] =	sst s0;
	s0 =	simm.s32 @!p0 $0x10  }
0x75: {  	[smem:$0x76A] =	sst s0;
	s0 =	simm.s32 @!p0 $0x1C03  }
0x76: {  	[smem:$0x768] =	sst s0;
	s0 =	simm.s32 @!p0 $0x3  }
0x77: {  	_ =	swait.ge @!p0 [sflag:s0], $0x1E850  }
0x78: {  	[sflag:s0] =	ssyncset.done @!p0 $0x0  }
0x79: {  	[sflag:s0] =	ssyncadd.s32 @!p0 $0xFFFE17B0;
	s0 =	simm.s32 @!p0 $0x3  }
0x7a: {  	[smem:$0x76C] =	sst s0  }
0x7b: {  	[bflag:$0x0] =	sbarrier.arrive $0xFFFF  }
0x7c: {  	[tilespmem:s30], [sflag:$0x1] =	stream.indirect.gather [spmem:s1], $0x1, s6, s8, $0xb8;
	[tilespmem:$0x1BC28] =	vst v63  }
0x7d: {  	_ =	swait.ge [sflag:s7], $0x6400  }
0x7e: {  	[sflag:s7] =	ssyncset.done $0x0  }
0x7f: {  	[sflag:s7] =	ssyncadd.s32 $0xFFFF9C00  }
0x80: {  	[bflag:$0x0] =	sbarrier.arrive $0xFFFF  }
0x81: {  	s19 =	sld [smem:$0x7E0]  }
0x82: {  	s23 =	rddreg [dreg:$0x5]  }
0x83: {  	[hbm4b:s23+s2] =	stream.strided.scatter [tilespmem:s30], [sflag:$0x2], $0x6400, s3, s2, $0x38;
	[tilespmem:$0x1BC28] =	vst v63  }
0x84: {  	p0 =	seq.s32 s19, $0x1  }
0x85: {  	s9 =	rddreg [dreg:$0x6];
	s17 =	simm.s32 @!p0 $0x80;
	s25 =	simm.s32 @!p0 $0x1C43  }
0x86: {  	s29 =	simm.s32 @!p0 $0x1;
	s31 =	simm.s32 @!p0 $0x10;
	s0 =	simm.s32 @!p0 $0x10  }
0x87: {  	[spmem:s13@s31], [sflag:s25] =	dma.strided @!p0 [hbm:s9@s17], $0x1E850, s29, $0x10   }
0x88: {  	[smem:$0x770] =	sst s0;
	s0 =	simm.s32 @!p0 $0x1  }
0x89: {  	[smem:$0x76E] =	sst s0;
	s0 =	simm.s32 @!p0 $0x1C43  }
0x8a: {  	[smem:$0x76F] =	sst s0;
	s0 =	simm.s32 @!p0 $0x80  }
0x8b: {  	s28 =	simm.s32 @!p0 $0x3;
	[smem:$0x76D] =	sst s0  }
0x8c: {  	_ =	swait.ge @!p0 [sflag:s28], $0x1E850  }
0x8d: {  	[sflag:s28] =	ssyncset.done @!p0 $0x0  }
0x8e: {  	[sflag:s28] =	ssyncadd.s32 @!p0 $0xFFFE17B0  }
0x8f: {  	[bflag:$0x0] =	sbarrier.arrive $0xFFFF  }
0x90: {  	_ =	swait.ge [sflag:s5], $0x6400  }
0x91: {  	[sflag:s5] =	ssyncset.done $0x0  }
0x92: {  	[sflag:s5] =	ssyncadd.s32 $0xFFFF9C00  }
0x93: {  	[tilespmem:s30], [sflag:$0x1] =	stream.indirect.gather [spmem:s1], $0x1, s6, s8, $0xb8;
	[tilespmem:$0x1BC28] =	vst v63  }
0x94: {  	_ =	swait.ge [sflag:s7], $0x6400  }
0x95: {  	[sflag:s7] =	ssyncset.done $0x0  }
0x96: {  	[sflag:s7] =	ssyncadd.s32 $0xFFFF9C00  }
0x97: {  	[bflag:$0x0] =	sbarrier.arrive $0xFFFF  }
0x98: {  	s17 =	sld [smem:$0x7E1]  }
0x99: {  	s19 =	smov.u32 s20;
	s20 =	rddreg [dreg:$0x7]  }
0x9a: {  	[hbm4b:s20+s2] =	stream.strided.scatter [tilespmem:s30], [sflag:$0x2], $0x6400, s3, s2, $0x38;
	[tilespmem:$0x1BC28] =	vst v63  }
0x9b: {  	p0 =	seq.s32 s17, $0x1  }
0x9c: {  	s9 =	rddreg [dreg:$0x8];
	s25 =	simm.s32 @!p0 $0x80;
	s29 =	simm.s32 @!p0 $0x1C83  }
0x9d: {  	s23 =	simm.s32 @!p0 $0x1;
	s31 =	simm.s32 @!p0 $0x10;
	s0 =	simm.s32 @!p0 $0x1  }
0x9e: {  	[spmem:s12@s31], [sflag:s29] =	dma.strided @!p0 [hbm:s9@s25], $0x1E850, s23, $0x10   }
0x9f: {  	[smem:$0x773] =	sst s0;
	s0 =	simm.s32 @!p0 $0x10  }
0xa0: {  	[smem:$0x775] =	sst s0;
	s0 =	simm.s32 @!p0 $0x1C83  }
0xa1: {  	[smem:$0x772] =	sst s0;
	s0 =	simm.s32 @!p0 $0x80  }
0xa2: {  	s17 =	simm.s32 @!p0 $0x3;
	[smem:$0x774] =	sst s0  }
0xa3: {  	_ =	swait.ge @!p0 [sflag:s17], $0x1E850  }
0xa4: {  	[sflag:s17] =	ssyncset.done @!p0 $0x0  }
0xa5: {  	[sflag:s17] =	ssyncadd.s32 @!p0 $0xFFFE17B0  }
0xa6: {  	[bflag:$0x0] =	sbarrier.arrive $0xFFFF  }
0xa7: {  	_ =	swait.ge [sflag:s5], $0x6400  }
0xa8: {  	[sflag:s5] =	ssyncset.done $0x0  }
0xa9: {  	[sflag:s5] =	ssyncadd.s32 $0xFFFF9C00  }
0xaa: {  	[tilespmem:s30], [sflag:$0x1] =	stream.indirect.gather [spmem:s1], $0x1, s6, s8, $0xb8;
	[tilespmem:$0x1BC28] =	vst v63  }
0xab: {  	_ =	swait.ge [sflag:s7], $0x6400  }
0xac: {  	[sflag:s7] =	ssyncset.done $0x0  }
0xad: {  	[sflag:s7] =	ssyncadd.s32 $0xFFFF9C00  }
0xae: {  	[bflag:$0x0] =	sbarrier.arrive $0xFFFF  }
0xaf: {  	s31 =	sld [smem:$0x7E2]  }
0xb0: {  	s20 =	rddreg [dreg:$0x9]  }
0xb1: {  	[hbm4b:s20+s2] =	stream.strided.scatter [tilespmem:s30], [sflag:$0x2], $0x6400, s3, s2, $0x38;
	[tilespmem:$0x1BC28] =	vst v63  }
0xb2: {  	p0 =	seq.s32 s31, $0x1  }
0xb3: {  	s9 =	rddreg [dreg:$0xa];
	s23 =	simm.s32 @!p0 $0x80;
	s29 =	simm.s32 @!p0 $0x1CC3  }
0xb4: {  	s25 =	simm.s32 @!p0 $0x1;
	s31 =	simm.s32 @!p0 $0x10;
	s0 =	simm.s32 @!p0 $0x10  }
0xb5: {  	[spmem:s11@s31], [sflag:s29] =	dma.strided @!p0 [hbm:s9@s23], $0x1E850, s25, $0x10   }
0xb6: {  	[smem:$0x778] =	sst s0;
	s0 =	simm.s32 @!p0 $0x1CC3  }
0xb7: {  	[smem:$0x77A] =	sst s0;
	s0 =	simm.s32 @!p0 $0x1  }
0xb8: {  	[smem:$0x777] =	sst s0;
	s0 =	simm.s32 @!p0 $0x80  }
0xb9: {  	s17 =	simm.s32 @!p0 $0x3;
	[smem:$0x779] =	sst s0  }
0xba: {  	_ =	swait.ge @!p0 [sflag:s17], $0x1E850  }
0xbb: {  	[sflag:s17] =	ssyncset.done @!p0 $0x0  }
0xbc: {  	[sflag:s17] =	ssyncadd.s32 @!p0 $0xFFFE17B0  }
0xbd: {  	[bflag:$0x0] =	sbarrier.arrive $0xFFFF  }
0xbe: {  	_ =	swait.ge [sflag:s5], $0x6400  }
0xbf: {  	[sflag:s5] =	ssyncset.done $0x0  }
0xc0: {  	[sflag:s5] =	ssyncadd.s32 $0xFFFF9C00  }
0xc1: {  	[tilespmem:s30], [sflag:$0x1] =	stream.indirect.gather [spmem:s1], $0x1, s6, s8, $0xb8;
	[tilespmem:$0x1BC28] =	vst v63  }
0xc2: {  	_ =	swait.ge [sflag:s7], $0x6400  }
0xc3: {  	[sflag:s7] =	ssyncset.done $0x0  }
0xc4: {  	[sflag:s7] =	ssyncadd.s32 $0xFFFF9C00  }
0xc5: {  	[bflag:$0x0] =	sbarrier.arrive $0xFFFF  }
0xc6: {  	s20 =	sld [smem:$0x7E3]  }
0xc7: {  	s17 =	rddreg [dreg:$0xb]  }
0xc8: {  	[hbm4b:s17+s2] =	stream.strided.scatter [tilespmem:s30], [sflag:$0x2], $0x6400, s3, s2, $0x38;
	[tilespmem:$0x1BC28] =	vst v63  }
0xc9: {  	p0 =	seq.s32 s20, $0x1  }
0xca: {  	s9 =	rddreg [dreg:$0xc];
	s8 =	simm.s32 @!p0 $0x80  }
0xcb: {  	s0 =	simm.s32 @!p0 $0x1D03;
	s23 =	simm.s32 @!p0 $0x1;
	s17 =	simm.s32 @!p0 $0x10  }
0xcc: {  	[spmem:s10@s17], [sflag:s0] =	dma.strided @!p0 [hbm:s9@s8], $0x1E850, s23, $0x10   }
0xcd: {  	s0 =	simm.s32 @!p0 $0x1  }
0xce: {  	[smem:$0x77E] =	sst s0;
	s0 =	simm.s32 @!p0 $0x10  }
0xcf: {  	[smem:$0x77D] =	sst s0;
	s0 =	simm.s32 @!p0 $0x1D03  }
0xd0: {  	[smem:$0x77C] =	sst s0;
	s0 =	simm.s32 @!p0 $0x80  }
0xd1: {  	s29 =	simm.s32 @!p0 $0x3;
	[smem:$0x77F] =	sst s0  }
0xd2: {  	_ =	swait.ge @!p0 [sflag:s29], $0x1E850  }
0xd3: {  	[sflag:s29] =	ssyncset.done @!p0 $0x0  }
0xd4: {  	[sflag:s29] =	ssyncadd.s32 @!p0 $0xFFFE17B0  }
0xd5: {  	[bflag:$0x0] =	sbarrier.arrive $0xFFFF  }
0xd6: {  	_ =	swait.ge [sflag:s5], $0x6400  }
0xd7: {  	[sflag:s5] =	ssyncset.done $0x0  }
0xd8: {  	[sflag:s5] =	ssyncadd.s32 $0xFFFF9C00  }
0xd9: {  	s1 =	simm.s32 $0xF428;
	s2 =	simm.s32 $0x6400;
	s23 =	rddreg [dreg:$0x2]  }
0xda: {  	[tilespmem:s30], [sflag:$0x1] =	stream.indirect.gather [spmem:s23], $0x1, s1, s2, $0xb8;
	[tilespmem:$0x1BC28] =	vst v63  }
0xdb: {  	_ =	swait.ge [sflag:s7], $0x6400  }
0xdc: {  	[sflag:s7] =	ssyncset.done $0x0  }
0xdd: {  	[sflag:s7] =	ssyncadd.s32 $0xFFFF9C00  }
0xde: {  	[bflag:$0x0] =	sbarrier.arrive $0xFFFF  }
0xdf: {  	s6 =	simm.s32 $0x400;
	s25 =	sld [smem:$0x7E4]  }
0xe0: {  	s3 =	simm.s32 $0x80;
	s17 =	smov.u32 s24;
	s24 =	rddreg [dreg:$0xd]  }
0xe1: {  	[hbm4b:s24+s3] =	stream.strided.scatter [tilespmem:s30], [sflag:$0x2], $0x6400, s6, s3, $0x38;
	[tilespmem:$0x1BC28] =	vst v63  }
0xe2: {  	p0 =	seq.s32 s25, $0x1  }
0xe3: {  	s9 =	rddreg [dreg:$0xe];
	s0 =	simm.s32 @!p0 $0x80  }
0xe4: {  	s8 =	simm.s32 @!p0 $0x1D43;
	s23 =	simm.s32 @!p0 $0x1;
	s24 =	simm.s32 @!p0 $0x10  }
0xe5: {  	[spmem:s18@s24], [sflag:s8] =	dma.strided @!p0 [hbm:s9@s0], $0x1E850, s23, $0x10   }
0xe6: {  	s0 =	simm.s32 @!p0 $0x10  }
0xe7: {  	[smem:$0x784] =	sst s0;
	s0 =	simm.s32 @!p0 $0x1  }
0xe8: {  	[smem:$0x783] =	sst s0;
	s0 =	simm.s32 @!p0 $0x1D43  }
0xe9: {  	[smem:$0x782] =	sst s0;
	s0 =	simm.s32 @!p0 $0x80  }
0xea: {  	s25 =	simm.s32 @!p0 $0x3;
	[smem:$0x781] =	sst s0  }
0xeb: {  	_ =	swait.ge @!p0 [sflag:s25], $0x1E850  }
0xec: {  	[sflag:s25] =	ssyncset.done @!p0 $0x0  }
0xed: {  	[sflag:s25] =	ssyncadd.s32 @!p0 $0xFFFE17B0  }
0xee: {  	[bflag:$0x0] =	sbarrier.arrive $0xFFFF  }
0xef: {  	_ =	swait.ge [sflag:s5], $0x6400  }
0xf0: {  	[sflag:s5] =	ssyncset.done $0x0  }
0xf1: {  	[sflag:s5] =	ssyncadd.s32 $0xFFFF9C00  }
0xf2: {  	s31 =	rddreg [dreg:$0x2]  }
0xf3: {  	[tilespmem:s30], [sflag:$0x1] =	stream.indirect.gather [spmem:s31], $0x1, s1, s2, $0xb8;
	[tilespmem:$0x1BC28] =	vst v63  }
0xf4: {  	_ =	swait.ge [sflag:s7], $0x6400  }
0xf5: {  	[sflag:s7] =	ssyncset.done $0x0  }
0xf6: {  	[sflag:s7] =	ssyncadd.s32 $0xFFFF9C00  }
0xf7: {  	[bflag:$0x0] =	sbarrier.arrive $0xFFFF  }
0xf8: {  	s8 =	sld [smem:$0x7E5]  }
0xf9: {  	s0 =	rddreg [dreg:$0xf]  }
0xfa: {  	[hbm4b:s0+s3] =	stream.strided.scatter [tilespmem:s30], [sflag:$0x2], $0x6400, s6, s3, $0x38;
	[tilespmem:$0x1BC28] =	vst v63  }
0xfb: {  	p0 =	seq.s32 s8, $0x1  }
0xfc: {  	s9 =	rddreg [dreg:$0x10];
	s0 =	simm.s32 @!p0 $0x80  }
0xfd: {  	s8 =	simm.s32 @!p0 $0x1D83;
	s23 =	simm.s32 @!p0 $0x1;
	s24 =	simm.s32 @!p0 $0x10  }
0xfe: {  	[spmem:s15@s24], [sflag:s8] =	dma.strided @!p0 [hbm:s9@s0], $0x1E850, s23, $0x10   }
0xff: {  	s0 =	simm.s32 @!p0 $0x10;
	[smem:$0x7A3] =	sst s22  }
0x100: {  	[smem:$0x789] =	sst s0;
	s0 =	simm.s32 @!p0 $0x1  }
0x101: {  	[smem:$0x788] =	sst s0;
	s0 =	simm.s32 @!p0 $0x1D83  }
0x102: {  	[smem:$0x787] =	sst s0;
	s0 =	simm.s32 @!p0 $0x80  }
0x103: {  	s24 =	simm.s32 @!p0 $0x3;
	[smem:$0x786] =	sst s0  }
0x104: {  	_ =	swait.ge @!p0 [sflag:s24], $0x1E850  }
0x105: {  	[sflag:s24] =	ssyncset.done @!p0 $0x0  }
0x106: {  	[sflag:s24] =	ssyncadd.s32 @!p0 $0xFFFE17B0  }
0x107: {  	[bflag:$0x0] =	sbarrier.arrive $0xFFFF  }
0x108: {  	_ =	swait.ge [sflag:s5], $0x6400  }
0x109: {  	[sflag:s5] =	ssyncset.done $0x0  }
0x10a: {  	[sflag:s5] =	ssyncadd.s32 $0xFFFF9C00  }
0x10b: {  	s18 =	rddreg [dreg:$0x2]  }
0x10c: {  	[tilespmem:s30], [sflag:$0x1] =	stream.indirect.gather [spmem:s18], $0x1, s1, s2, $0xb8;
	[tilespmem:$0x1BC28] =	vst v63  }
0x10d: {  	_ =	swait.ge [sflag:s7], $0x6400  }
0x10e: {  	[sflag:s7] =	ssyncset.done $0x0  }
0x10f: {  	[sflag:s7] =	ssyncadd.s32 $0xFFFF9C00  }
0x110: {  	[bflag:$0x0] =	sbarrier.arrive $0xFFFF  }
0x111: {  	s23 =	sld [smem:$0x7E6]  }
0x112: {  	s20 =	rddreg [dreg:$0x11]  }
0x113: {  	[hbm4b:s20+s3] =	stream.strided.scatter [tilespmem:s30], [sflag:$0x2], $0x6400, s6, s3, $0x38;
	[tilespmem:$0x1BC28] =	vst v63  }
0x114: {  	p0 =	seq.s32 s23, $0x1  }
0x115: {  	s9 =	rddreg [dreg:$0x12];
	s0 =	simm.s32 @!p0 $0x80  }
0x116: {  	s8 =	simm.s32 @!p0 $0x1DC3;
	s20 =	simm.s32 @!p0 $0x1;
	s23 =	simm.s32 @!p0 $0x10  }
0x117: {  	[spmem:s21@s23], [sflag:s8] =	dma.strided @!p0 [hbm:s9@s0], $0x1E850, s20, $0x10   }
0x118: {  	s0 =	simm.s32 @!p0 $0x10  }
0x119: {  	[smem:$0x78E] =	sst s0;
	s0 =	simm.s32 @!p0 $0x1  }
0x11a: {  	[smem:$0x78C] =	sst s0;
	s0 =	simm.s32 @!p0 $0x1DC3  }
0x11b: {  	[smem:$0x78D] =	sst s0;
	s0 =	simm.s32 @!p0 $0x80  }
0x11c: {  	s21 =	simm.s32 @!p0 $0x3;
	[smem:$0x78B] =	sst s0  }
0x11d: {  	_ =	swait.ge @!p0 [sflag:s21], $0x1E850  }
0x11e: {  	[sflag:s21] =	ssyncset.done @!p0 $0x0  }
0x11f: {  	[sflag:s21] =	ssyncadd.s32 @!p0 $0xFFFE17B0  }
0x120: {  	[bflag:$0x0] =	sbarrier.arrive $0xFFFF  }
0x121: {  	_ =	swait.ge [sflag:s5], $0x6400  }
0x122: {  	[sflag:s5] =	ssyncset.done $0x0  }
0x123: {  	[sflag:s5] =	ssyncadd.s32 $0xFFFF9C00  }
0x124: {  	s31 =	rddreg [dreg:$0x2]  }
0x125: {  	[tilespmem:s30], [sflag:$0x1] =	stream.indirect.gather [spmem:s31], $0x1, s1, s2, $0xb8;
	[tilespmem:$0x1BC28] =	vst v63  }
0x126: {  	_ =	swait.ge [sflag:s7], $0x6400  }
0x127: {  	[sflag:s7] =	ssyncset.done $0x0  }
0x128: {  	[sflag:s7] =	ssyncadd.s32 $0xFFFF9C00  }
0x129: {  	[bflag:$0x0] =	sbarrier.arrive $0xFFFF  }
0x12a: {  	s9 =	sld [smem:$0x7E7]  }
0x12b: {  	s8 =	rddreg [dreg:$0x13]  }
0x12c: {  	[hbm4b:s8+s3] =	stream.strided.scatter [tilespmem:s30], [sflag:$0x2], $0x6400, s6, s3, $0x38;
	[tilespmem:$0x1BC28] =	vst v63  }
0x12d: {  	p0 =	seq.s32 s9, $0x1  }
0x12e: {  	s31 =	smov.u32 s10;
	s10 =	rddreg [dreg:$0x14];
	s0 =	simm.s32 @!p0 $0x80  }
0x12f: {  	s8 =	simm.s32 @!p0 $0x1E03;
	s9 =	simm.s32 @!p0 $0x1;
	s20 =	simm.s32 @!p0 $0x10  }
0x130: {  	[spmem:s19@s20], [sflag:s8] =	dma.strided @!p0 [hbm:s10@s0], $0x1E850, s9, $0x10   }
0x131: {  	s0 =	simm.s32 @!p0 $0x10  }
0x132: {  	[smem:$0x793] =	sst s0;
	s0 =	simm.s32 @!p0 $0x1  }
0x133: {  	[smem:$0x791] =	sst s0;
	s0 =	simm.s32 @!p0 $0x1E03  }
0x134: {  	[smem:$0x792] =	sst s0;
	s0 =	simm.s32 @!p0 $0x80  }
0x135: {  	s10 =	simm.s32 @!p0 $0x3;
	[smem:$0x790] =	sst s0  }
0x136: {  	_ =	swait.ge @!p0 [sflag:s10], $0x1E850  }
0x137: {  	[sflag:s10] =	ssyncset.done @!p0 $0x0  }
0x138: {  	[sflag:s10] =	ssyncadd.s32 @!p0 $0xFFFE17B0  }
0x139: {  	[bflag:$0x0] =	sbarrier.arrive $0xFFFF  }
0x13a: {  	_ =	swait.ge [sflag:s5], $0x6400  }
0x13b: {  	[sflag:s5] =	ssyncset.done $0x0  }
0x13c: {  	[sflag:s5] =	ssyncadd.s32 $0xFFFF9C00  }
0x13d: {  	s15 =	rddreg [dreg:$0x2]  }
0x13e: {  	[tilespmem:s30], [sflag:$0x1] =	stream.indirect.gather [spmem:s15], $0x1, s1, s2, $0xb8;
	[tilespmem:$0x1BC28] =	vst v63  }
0x13f: {  	_ =	swait.ge [sflag:s7], $0x6400  }
0x140: {  	[sflag:s7] =	ssyncset.done $0x0  }
0x141: {  	[sflag:s7] =	ssyncadd.s32 $0xFFFF9C00  }
0x142: {  	[bflag:$0x0] =	sbarrier.arrive $0xFFFF  }
0x143: {  	s19 =	sld [smem:$0x7E8]  }
0x144: {  	s18 =	rddreg [dreg:$0x15]  }
0x145: {  	[hbm4b:s18+s3] =	stream.strided.scatter [tilespmem:s30], [sflag:$0x2], $0x6400, s6, s3, $0x38;
	[tilespmem:$0x1BC28] =	vst v63  }
0x146: {  	p0 =	seq.s32 s19, $0x1  }
0x147: {  	s8 =	smov.u32 s11;
	s11 =	rddreg [dreg:$0x16];
	s0 =	simm.s32 @!p0 $0x80  }
0x148: {  	s9 =	simm.s32 @!p0 $0x1E43;
	s18 =	simm.s32 @!p0 $0x1;
	s19 =	simm.s32 @!p0 $0x10  }
0x149: {  	[spmem:s26@s19], [sflag:s9] =	dma.strided @!p0 [hbm:s11@s0], $0x1E850, s18, $0x10   }
0x14a: {  	s0 =	simm.s32 @!p0 $0x10  }
0x14b: {  	[smem:$0x798] =	sst s0;
	s0 =	simm.s32 @!p0 $0x1  }
0x14c: {  	[smem:$0x796] =	sst s0;
	s0 =	simm.s32 @!p0 $0x1E43  }
0x14d: {  	[smem:$0x797] =	sst s0;
	s0 =	simm.s32 @!p0 $0x80  }
0x14e: {  	s11 =	simm.s32 @!p0 $0x3;
	[smem:$0x795] =	sst s0  }
0x14f: {  	_ =	swait.ge @!p0 [sflag:s11], $0x1E850  }
0x150: {  	[sflag:s11] =	ssyncset.done @!p0 $0x0  }
0x151: {  	[sflag:s11] =	ssyncadd.s32 @!p0 $0xFFFE17B0  }
0x152: {  	[bflag:$0x0] =	sbarrier.arrive $0xFFFF  }
0x153: {  	_ =	swait.ge [sflag:s5], $0x6400  }
0x154: {  	[sflag:s5] =	ssyncset.done $0x0  }
0x155: {  	[sflag:s5] =	ssyncadd.s32 $0xFFFF9C00  }
0x156: {  	s20 =	rddreg [dreg:$0x2]  }
0x157: {  	[tilespmem:s30], [sflag:$0x1] =	stream.indirect.gather [spmem:s20], $0x1, s1, s2, $0xb8;
	[tilespmem:$0x1BC28] =	vst v63  }
0x158: {  	_ =	swait.ge [sflag:s7], $0x6400  }
0x159: {  	[sflag:s7] =	ssyncset.done $0x0  }
0x15a: {  	[sflag:s7] =	ssyncadd.s32 $0xFFFF9C00  }
0x15b: {  	[bflag:$0x0] =	sbarrier.arrive $0xFFFF  }
0x15c: {  	s26 =	sld [smem:$0x7E9]  }
0x15d: {  	s23 =	rddreg [dreg:$0x17]  }
0x15e: {  	[hbm4b:s23+s3] =	stream.strided.scatter [tilespmem:s30], [sflag:$0x2], $0x6400, s6, s3, $0x38;
	[tilespmem:$0x1BC28] =	vst v63  }
0x15f: {  	s9 =	sld [smem:$0x7EC];
	p5 =	seq.s32 s26, $0x1  }
0x160: {  	s20 =	smov.u32 s12;
	s12 =	rddreg [dreg:$0x18];
	s0 =	simm.s32 @!p5 $0x80  }
0x161: {  	s18 =	simm.s32 @!p5 $0x1E83;
	s19 =	simm.s32 @!p5 $0x1;
	s23 =	simm.s32 @!p5 $0x10  }
0x162: {  	[spmem:s4@s23], [sflag:s18] =	dma.strided @!p5 [hbm:s12@s0], $0x1E850, s19, $0x10   }
0x163: {  	s12 =	simm.s32 @!p5 $0x3  }
0x164: {  	_ =	swait.ge @!p5 [sflag:s12], $0x1E850  }
0x165: {  	[sflag:s12] =	ssyncset.done @!p5 $0x0  }
0x166: {  	[sflag:s12] =	ssyncadd.s32 @!p5 $0xFFFE17B0  }
0x167: {  	[bflag:$0x0] =	sbarrier.arrive $0xFFFF  }
0x168: {  	_ =	swait.ge [sflag:s5], $0x6400  }
0x169: {  	[sflag:s5] =	ssyncset.done $0x0  }
0x16a: {  	[sflag:s5] =	ssyncadd.s32 $0xFFFF9C00  }
0x16b: {  	s15 =	rddreg [dreg:$0x2]  }
0x16c: {  	[tilespmem:s30], [sflag:$0x1] =	stream.indirect.gather [spmem:s15], $0x1, s1, s2, $0xb8;
	[tilespmem:$0x1BC28] =	vst v63  }
0x16d: {  	_ =	swait.ge [sflag:s7], $0x6400  }
0x16e: {  	[sflag:s7] =	ssyncset.done $0x0  }
0x16f: {  	[sflag:s7] =	ssyncadd.s32 $0xFFFF9C00  }
0x170: {  	[bflag:$0x0] =	sbarrier.arrive $0xFFFF  }
0x171: {  	s19 =	sld [smem:$0x7EA]  }
0x172: {  	s18 =	rddreg [dreg:$0x19]  }
0x173: {  	[hbm4b:s18+s3] =	stream.strided.scatter [tilespmem:s30], [sflag:$0x2], $0x6400, s6, s3, $0x38;
	[tilespmem:$0x1BC28] =	vst v63  }
0x174: {  	s4 =	sld [smem:$0x7F8];
	p6 =	seq.s32 s19, $0x1  }
0x175: {  	s23 =	smov.u32 s13;
	s13 =	rddreg [dreg:$0x1a];
	s0 =	simm.s32 @!p6 $0x80  }
0x176: {  	s18 =	simm.s32 @!p6 $0x1EC3;
	s19 =	simm.s32 @!p6 $0x1;
	s26 =	simm.s32 @!p6 $0x10  }
0x177: {  	[spmem:s22@s26], [sflag:s18] =	dma.strided @!p6 [hbm:s13@s0], $0x1E850, s19, $0x10   }
0x178: {  	s13 =	simm.s32 @!p6 $0x3  }
0x179: {  	_ =	swait.ge @!p6 [sflag:s13], $0x1E850  }
0x17a: {  	[sflag:s13] =	ssyncset.done @!p6 $0x0  }
0x17b: {  	[sflag:s13] =	ssyncadd.s32 @!p6 $0xFFFE17B0  }
0x17c: {  	[bflag:$0x0] =	sbarrier.arrive $0xFFFF  }
0x17d: {  	_ =	swait.ge [sflag:s5], $0x6400  }
0x17e: {  	[sflag:s5] =	ssyncset.done $0x0  }
0x17f: {  	[sflag:s5] =	ssyncadd.s32 $0xFFFF9C00  }
0x180: {  	s26 =	rddreg [dreg:$0x2]  }
0x181: {  	[tilespmem:s30], [sflag:$0x1] =	stream.indirect.gather [spmem:s26], $0x1, s1, s2, $0xb8;
	[tilespmem:$0x1BC28] =	vst v63  }
0x182: {  	_ =	swait.ge [sflag:s7], $0x6400  }
0x183: {  	[sflag:s7] =	ssyncset.done $0x0  }
0x184: {  	[sflag:s7] =	ssyncadd.s32 $0xFFFF9C00  }
0x185: {  	[bflag:$0x0] =	sbarrier.arrive $0xFFFF  }
0x186: {  	s15 =	sld [smem:$0x7EB]  }
0x187: {  	s0 =	rddreg [dreg:$0x1b]  }
0x188: {  	[hbm4b:s0+s3] =	stream.strided.scatter [tilespmem:s30], [sflag:$0x2], $0x6400, s6, s3, $0x38;
	[tilespmem:$0x1BC28] =	vst v63  }
0x189: {  	[smem:$0x7B9] =	sst s14;
	p4 =	seq.s32 s15, $0x1  }
0x18a: {  	s14 =	rddreg [dreg:$0x1c];
	s0 =	simm.s32 @!p4 $0x80  }
0x18b: {  	s18 =	simm.s32 @!p4 $0x1F03;
	s19 =	simm.s32 @!p4 $0x1;
	s22 =	simm.s32 @!p4 $0x10  }
0x18c: {  	[spmem:s9@s22], [sflag:s18] =	dma.strided @!p4 [hbm:s14@s0], $0x1E850, s19, $0x10   }
0x18d: {  	s14 =	simm.s32 @!p4 $0x3  }
0x18e: {  	_ =	swait.ge @!p4 [sflag:s14], $0x1E850  }
0x18f: {  	[sflag:s14] =	ssyncset.done @!p4 $0x0  }
0x190: {  	[sflag:s14] =	ssyncadd.s32 @!p4 $0xFFFE17B0  }
0x191: {  	[bflag:$0x0] =	sbarrier.arrive $0xFFFF  }
0x192: {  	_ =	swait.ge [sflag:s5], $0x6400  }
0x193: {  	[sflag:s5] =	ssyncset.done $0x0  }
0x194: {  	[sflag:s5] =	ssyncadd.s32 $0xFFFF9C00  }
0x195: {  	s18 =	rddreg [dreg:$0x2]  }
0x196: {  	[tilespmem:s30], [sflag:$0x1] =	stream.indirect.gather [spmem:s18], $0x1, s1, s2, $0xb8;
	[tilespmem:$0x1BC28] =	vst v63  }
0x197: {  	_ =	swait.ge [sflag:s7], $0x6400  }
0x198: {  	[sflag:s7] =	ssyncset.done $0x0  }
0x199: {  	[sflag:s7] =	ssyncadd.s32 $0xFFFF9C00  }
0x19a: {  	[bflag:$0x0] =	sbarrier.arrive $0xFFFF  }
0x19b: {  	s22 =	sld [smem:$0x7ED]  }
0x19c: {  	s19 =	rddreg [dreg:$0x1d]  }
0x19d: {  	[hbm4b:s19+s3] =	stream.strided.scatter [tilespmem:s30], [sflag:$0x2], $0x6400, s6, s3, $0x38;
	[tilespmem:$0x1BC28] =	vst v63  }
0x19e: {  	p2 =	seq.s32 s22, $0x1  }
0x19f: {  	s15 =	rddreg [dreg:$0x1e];
	s0 =	simm.s32 @!p2 $0x80  }
0x1a0: {  	s9 =	simm.s32 @!p2 $0x1F43;
	s18 =	simm.s32 @!p2 $0x1;
	s19 =	simm.s32 @!p2 $0x10  }
0x1a1: {  	[spmem:s4@s19], [sflag:s9] =	dma.strided @!p2 [hbm:s15@s0], $0x1E850, s18, $0x10   }
0x1a2: {  	s15 =	simm.s32 @!p2 $0x3  }
0x1a3: {  	_ =	swait.ge @!p2 [sflag:s15], $0x1E850  }
0x1a4: {  	[sflag:s15] =	ssyncset.done @!p2 $0x0  }
0x1a5: {  	[sflag:s15] =	ssyncadd.s32 @!p2 $0xFFFE17B0  }
0x1a6: {  	[bflag:$0x0] =	sbarrier.arrive $0xFFFF  }
0x1a7: {  	_ =	swait.ge [sflag:s5], $0x6400  }
0x1a8: {  	[sflag:s5] =	ssyncset.done $0x0  }
0x1a9: {  	[sflag:s5] =	ssyncadd.s32 $0xFFFF9C00  }
0x1aa: {  	s26 =	rddreg [dreg:$0x2]  }
0x1ab: {  	[tilespmem:s30], [sflag:$0x1] =	stream.indirect.gather [spmem:s26], $0x1, s1, s2, $0xb8;
	[tilespmem:$0x1BC28] =	vst v63  }
0x1ac: {  	_ =	swait.ge [sflag:s7], $0x6400  }
0x1ad: {  	[sflag:s7] =	ssyncset.done $0x0  }
0x1ae: {  	[sflag:s7] =	ssyncadd.s32 $0xFFFF9C00  }
0x1af: {  	[bflag:$0x0] =	sbarrier.arrive $0xFFFF  }
0x1b0: {  	[smem:$0x767] =	sst s16  }
0x1b1: {  	s9 =	sld [smem:$0x7EE]  }
0x1b2: {  	s4 =	rddreg [dreg:$0x1f]  }
0x1b3: {  	[hbm4b:s4+s3] =	stream.strided.scatter [tilespmem:s30], [sflag:$0x2], $0x6400, s6, s3, $0x38;
	[tilespmem:$0x1BC28] =	vst v63  }
0x1b4: {  	s16 =	sld [smem:$0x7BB];
	p1 =	seq.s32 s9, $0x1  }
0x1b5: {  	s0 =	simm.s32 @!p1 $0x80  }
0x1b6: {  	s4 =	simm.s32 @!p1 $0x1F83;
	s9 =	simm.s32 @!p1 $0x1;
	s18 =	simm.s32 @!p1 $0x10  }
0x1b7: {  	[spmem:s17@s18], [sflag:s4] =	dma.strided @!p1 [hbm:s16@s0], $0x1E850, s9, $0x10   }
0x1b8: {  	s16 =	simm.s32 @!p1 $0x3  }
0x1b9: {  	_ =	swait.ge @!p1 [sflag:s16], $0x1E850  }
0x1ba: {  	[sflag:s16] =	ssyncset.done @!p1 $0x0  }
0x1bb: {  	[sflag:s16] =	ssyncadd.s32 @!p1 $0xFFFE17B0  }
0x1bc: {  	[bflag:$0x0] =	sbarrier.arrive $0xFFFF  }
0x1bd: {  	_ =	swait.ge [sflag:s5], $0x6400  }
0x1be: {  	[sflag:s5] =	ssyncset.done $0x0  }
0x1bf: {  	[sflag:s5] =	ssyncadd.s32 $0xFFFF9C00  }
0x1c0: {  	s18 =	rddreg [dreg:$0x2]  }
0x1c1: {  	[tilespmem:s30], [sflag:$0x1] =	stream.indirect.gather [spmem:s18], $0x1, s1, s2, $0xb8;
	[tilespmem:$0x1BC28] =	vst v63  }
0x1c2: {  	_ =	swait.ge [sflag:s7], $0x6400  }
0x1c3: {  	[sflag:s7] =	ssyncset.done $0x0  }
0x1c4: {  	[sflag:s7] =	ssyncadd.s32 $0xFFFF9C00  }
0x1c5: {  	[bflag:$0x0] =	sbarrier.arrive $0xFFFF  }
0x1c6: {  	s19 =	sld [smem:$0x7BC]  }
0x1c7: {  	s22 =	sld [smem:$0x7EF]  }
0x1c8: {  	s17 =	sld [smem:$0x7BD]  }
0x1c9: {  	[hbm4b:s19+s3] =	stream.strided.scatter [tilespmem:s30], [sflag:$0x2], $0x6400, s6, s3, $0x38;
	[tilespmem:$0x1BC28] =	vst v63  }
0x1ca: {  	s4 =	sld [smem:$0x7F5];
	p3 =	seq.s32 s22, $0x1  }
0x1cb: {  	s0 =	simm.s32 @!p3 $0x80  }
0x1cc: {  	s9 =	simm.s32 @!p3 $0x1FC3;
	s18 =	simm.s32 @!p3 $0x1;
	s19 =	simm.s32 @!p3 $0x10  }
0x1cd: {  	[spmem:s4@s19], [sflag:s9] =	dma.strided @!p3 [hbm:s17@s0], $0x1E850, s18, $0x10   }
0x1ce: {  	s9 =	simm.s32 @!p3 $0x3  }
0x1cf: {  	_ =	swait.ge @!p3 [sflag:s9], $0x1E850  }
0x1d0: {  	[sflag:s9] =	ssyncset.done @!p3 $0x0  }
0x1d1: {  	[sflag:s9] =	ssyncadd.s32 @!p3 $0xFFFE17B0  }
0x1d2: {  	[bflag:$0x0] =	sbarrier.arrive $0xFFFF  }
0x1d3: {  	_ =	swait.ge [sflag:s5], $0x6400  }
0x1d4: {  	[sflag:s5] =	ssyncset.done $0x0  }
0x1d5: {  	[sflag:s5] =	ssyncadd.s32 $0xFFFF9C00  }
0x1d6: {  	s26 =	rddreg [dreg:$0x2]  }
0x1d7: {  	[tilespmem:s30], [sflag:$0x1] =	stream.indirect.gather [spmem:s26], $0x1, s1, s2, $0xb8;
	[tilespmem:$0x1BC28] =	vst v63  }
0x1d8: {  	_ =	swait.ge [sflag:s7], $0x6400  }
0x1d9: {  	[sflag:s7] =	ssyncset.done $0x0  }
0x1da: {  	[sflag:s7] =	ssyncadd.s32 $0xFFFF9C00  }
0x1db: {  	[bflag:$0x0] =	sbarrier.arrive $0xFFFF  }
0x1dc: {  	s0 =	sld [smem:$0x7BE]  }
0x1dd: {  	s18 =	sld [smem:$0x7BF]  }
0x1de: {  	s22 =	sld [smem:$0x7DF]  }
0x1df: {  	s17 =	smov.u32 s4;
	s4 =	sld [smem:$0x768]  }
0x1e0: {  	s19 =	sld [smem:$0x769]  }
0x1e1: {  	s26 =	sld [smem:$0x76A]  }
0x1e2: {  	[hbm4b:s0+s3] =	stream.strided.scatter [tilespmem:s30], [sflag:$0x2], $0x6400, s6, s3, $0x38;
	[tilespmem:$0x1BC28] =	vst v63  }
0x1e3: {  	s0 =	sld [smem:$0x7F0]  }
0x1e4: {  	p0 =	seq.s32 s22, $0x1;
	s22 =	sld [smem:$0x76B];
	_ =	sdelay $0x2  }
0x1e5: {  	[spmem:s0@s26], [sflag:s4] =	dma.strided @!p0 [hbm:s18@s19], $0x1E850, s22, $0x10   }
0x1e6: {  	s0 =	sld [smem:$0x76C];
	_ =	sdelay $0x2  }
0x1e7: {  	_ =	swait.ge @!p0 [sflag:s0], $0x1E850  }
0x1e8: {  	[sflag:s0] =	ssyncset.done @!p0 $0x0  }
0x1e9: {  	[sflag:s0] =	ssyncadd.s32 @!p0 $0xFFFE17B0  }
0x1ea: {  	[bflag:$0x0] =	sbarrier.arrive $0xFFFF  }
0x1eb: {  	_ =	swait.ge [sflag:s5], $0x6400  }
0x1ec: {  	[sflag:s5] =	ssyncset.done $0x0  }
0x1ed: {  	[sflag:s5] =	ssyncadd.s32 $0xFFFF9C00  }
0x1ee: {  	s26 =	rddreg [dreg:$0x2]  }
0x1ef: {  	[tilespmem:s30], [sflag:$0x1] =	stream.indirect.gather [spmem:s26], $0x1, s1, s2, $0xb8;
	[tilespmem:$0x1BC28] =	vst v63  }
0x1f0: {  	_ =	swait.ge [sflag:s7], $0x6400  }
0x1f1: {  	[sflag:s7] =	ssyncset.done $0x0  }
0x1f2: {  	[sflag:s7] =	ssyncadd.s32 $0xFFFF9C00  }
0x1f3: {  	[bflag:$0x0] =	sbarrier.arrive $0xFFFF  }
0x1f4: {  	s4 =	sld [smem:$0x7C0]  }
0x1f5: {  	s19 =	sld [smem:$0x7C1]  }
0x1f6: {  	s18 =	sld [smem:$0x7E0]  }
0x1f7: {  	s0 =	sld [smem:$0x76D]  }
0x1f8: {  	s26 =	sld [smem:$0x770]  }
0x1f9: {  	[hbm4b:s4+s3] =	stream.strided.scatter [tilespmem:s30], [sflag:$0x2], $0x6400, s6, s3, $0x38;
	[tilespmem:$0x1BC28] =	vst v63  }
0x1fa: {  	p0 =	seq.s32 s18, $0x1;
	s18 =	sld [smem:$0x76E]  }
0x1fb: {  	s4 =	sld [smem:$0x76F];
	_ =	sdelay $0x2  }
0x1fc: {  	[spmem:s23@s26], [sflag:s4] =	dma.strided @!p0 [hbm:s19@s0], $0x1E850, s18, $0x10   }
0x1fd: {  	_ =	swait.ge @!p0 [sflag:s28], $0x1E850  }
0x1fe: {  	[sflag:s28] =	ssyncset.done @!p0 $0x0  }
0x1ff: {  	[smem:$0x771] =	sst s28;
	[sflag:s28] =	ssyncadd.s32 @!p0 $0xFFFE17B0  }
0x200: {  	[bflag:$0x0] =	sbarrier.arrive $0xFFFF  }
0x201: {  	_ =	swait.ge [sflag:s5], $0x6400  }
0x202: {  	[sflag:s5] =	ssyncset.done $0x0  }
0x203: {  	[sflag:s5] =	ssyncadd.s32 $0xFFFF9C00  }
0x204: {  	s22 =	rddreg [dreg:$0x2]  }
0x205: {  	[tilespmem:s30], [sflag:$0x1] =	stream.indirect.gather [spmem:s22], $0x1, s1, s2, $0xb8;
	[tilespmem:$0x1BC28] =	vst v63  }
0x206: {  	_ =	swait.ge [sflag:s7], $0x6400  }
0x207: {  	[sflag:s7] =	ssyncset.done $0x0  }
0x208: {  	[sflag:s7] =	ssyncadd.s32 $0xFFFF9C00  }
0x209: {  	[bflag:$0x0] =	sbarrier.arrive $0xFFFF  }
0x20a: {  	s23 =	sld [smem:$0x7C2]  }
0x20b: {  	s19 =	sld [smem:$0x7C3]  }
0x20c: {  	s26 =	sld [smem:$0x7E1]  }
0x20d: {  	s0 =	sld [smem:$0x772]  }
0x20e: {  	s18 =	sld [smem:$0x773]  }
0x20f: {  	s28 =	sld [smem:$0x775]  }
0x210: {  	[hbm4b:s23+s3] =	stream.strided.scatter [tilespmem:s30], [sflag:$0x2], $0x6400, s6, s3, $0x38;
	[tilespmem:$0x1BC28] =	vst v63  }
0x211: {  	s23 =	sld [smem:$0x774];
	_ =	sdelay $0x1  }
0x212: {  	p0 =	seq.s32 s26, $0x1  }
0x213: {  	[spmem:s20@s28], [sflag:s0] =	dma.strided @!p0 [hbm:s19@s23], $0x1E850, s18, $0x10   }
0x214: {  	s0 =	simm.s32 @!p0 $0x3  }
0x215: {  	_ =	swait.ge @!p0 [sflag:s0], $0x1E850  }
0x216: {  	[sflag:s0] =	ssyncset.done @!p0 $0x0  }
0x217: {  	[smem:$0x776] =	sst s0;
	[sflag:s0] =	ssyncadd.s32 @!p0 $0xFFFE17B0  }
0x218: {  	[bflag:$0x0] =	sbarrier.arrive $0xFFFF  }
0x219: {  	_ =	swait.ge [sflag:s5], $0x6400  }
0x21a: {  	[sflag:s5] =	ssyncset.done $0x0  }
0x21b: {  	[sflag:s5] =	ssyncadd.s32 $0xFFFF9C00  }
0x21c: {  	s28 =	rddreg [dreg:$0x2]  }
0x21d: {  	[tilespmem:s30], [sflag:$0x1] =	stream.indirect.gather [spmem:s28], $0x1, s1, s2, $0xb8;
	[tilespmem:$0x1BC28] =	vst v63  }
0x21e: {  	_ =	swait.ge [sflag:s7], $0x6400  }
0x21f: {  	[sflag:s7] =	ssyncset.done $0x0  }
0x220: {  	[sflag:s7] =	ssyncadd.s32 $0xFFFF9C00  }
0x221: {  	[bflag:$0x0] =	sbarrier.arrive $0xFFFF  }
0x222: {  	s0 =	sld [smem:$0x7C4]  }
0x223: {  	s19 =	sld [smem:$0x7C5]  }
0x224: {  	s1 =	sld [smem:$0x7E2]  }
0x225: {  	s4 =	sld [smem:$0x779]  }
0x226: {  	s18 =	sld [smem:$0x77A]  }
0x227: {  	[hbm4b:s0+s3] =	stream.strided.scatter [tilespmem:s30], [sflag:$0x2], $0x6400, s6, s3, $0x38;
	[tilespmem:$0x1BC28] =	vst v63  }
0x228: {  	s0 =	sld [smem:$0x777]  }
0x229: {  	p0 =	seq.s32 s1, $0x1;
	s1 =	sld [smem:$0x778];
	_ =	sdelay $0x2  }
0x22a: {  	[spmem:s8@s1], [sflag:s18] =	dma.strided @!p0 [hbm:s19@s4], $0x1E850, s0, $0x10   }
0x22b: {  	s0 =	simm.s32 @!p0 $0x3  }
0x22c: {  	_ =	swait.ge @!p0 [sflag:s0], $0x1E850  }
0x22d: {  	[sflag:s0] =	ssyncset.done @!p0 $0x0  }
0x22e: {  	[smem:$0x77B] =	sst s0;
	[sflag:s0] =	ssyncadd.s32 @!p0 $0xFFFE17B0  }
0x22f: {  	[bflag:$0x0] =	sbarrier.arrive $0xFFFF  }
0x230: {  	_ =	swait.ge [sflag:s5], $0x6400  }
0x231: {  	[sflag:s5] =	ssyncset.done $0x0  }
0x232: {  	[sflag:s5] =	ssyncadd.s32 $0xFFFF9C00  }
0x233: {  	s6 =	simm.s32 $0xF428;
	s4 =	rddreg [dreg:$0x2]  }
0x234: {  	[tilespmem:s30], [sflag:$0x1] =	stream.indirect.gather [spmem:s4], $0x1, s6, s2, $0xb8;
	[tilespmem:$0x1BC28] =	vst v63  }
0x235: {  	_ =	swait.ge [sflag:s7], $0x6400  }
0x236: {  	[sflag:s7] =	ssyncset.done $0x0  }
0x237: {  	[sflag:s7] =	ssyncadd.s32 $0xFFFF9C00  }
0x238: {  	[bflag:$0x0] =	sbarrier.arrive $0xFFFF  }
0x239: {  	s8 =	sld [smem:$0x7C6]  }
0x23a: {  	s19 =	sld [smem:$0x7C7]  }
0x23b: {  	s20 =	sld [smem:$0x7E3]  }
0x23c: {  	s0 =	sld [smem:$0x77C]  }
0x23d: {  	s1 =	sld [smem:$0x77D]  }
0x23e: {  	s3 =	simm.s32 $0x400;
	s2 =	simm.s32 $0x80;
	s4 =	sld [smem:$0x77E]  }
0x23f: {  	[hbm4b:s8+s2] =	stream.strided.scatter [tilespmem:s30], [sflag:$0x2], $0x6400, s3, s2, $0x38;
	[tilespmem:$0x1BC28] =	vst v63  }
0x240: {  	s8 =	sld [smem:$0x77F];
	_ =	sdelay $0x1  }
0x241: {  	p0 =	seq.s32 s20, $0x1  }
0x242: {  	[spmem:s31@s1], [sflag:s0] =	dma.strided @!p0 [hbm:s19@s8], $0x1E850, s4, $0x10   }
0x243: {  	s1 =	rddreg [dreg:$0x2];
	_ =	swait.ge @!p0 [sflag:s29], $0x1E850  }
0x244: {  	[sflag:s29] =	ssyncset.done @!p0 $0x0  }
0x245: {  	[smem:$0x780] =	sst s29;
	[sflag:s29] =	ssyncadd.s32 @!p0 $0xFFFE17B0  }
0x246: {  	[bflag:$0x0] =	sbarrier.arrive $0xFFFF  }
0x247: {  	_ =	swait.ge [sflag:s5], $0x6400  }
0x248: {  	[sflag:s5] =	ssyncset.done $0x0  }
0x249: {  	s8 =	simm.s32 $0x6400;
	[sflag:s5] =	ssyncadd.s32 $0xFFFF9C00  }
0x24a: {  	[tilespmem:s30], [sflag:$0x1] =	stream.indirect.gather [spmem:s1], $0x1, s6, s8, $0xb8;
	[tilespmem:$0x1BC28] =	vst v63  }
0x24b: {  	_ =	swait.ge [sflag:s7], $0x6400  }
0x24c: {  	[sflag:s7] =	ssyncset.done $0x0  }
0x24d: {  	[sflag:s7] =	ssyncadd.s32 $0xFFFF9C00  }
0x24e: {  	[bflag:$0x0] =	sbarrier.arrive $0xFFFF  }
0x24f: {  	s22 =	sld [smem:$0x7C8]  }
0x250: {  	s19 =	sld [smem:$0x7C9]  }
0x251: {  	s23 =	sld [smem:$0x7E4]  }
0x252: {  	s0 =	sld [smem:$0x781]  }
0x253: {  	s4 =	sld [smem:$0x782]  }
0x254: {  	s18 =	sld [smem:$0x783]  }
0x255: {  	s20 =	sld [smem:$0x784]  }
0x256: {  	p0 =	seq.s32 s23, $0x1;
	s23 =	sld [smem:$0x7F6];
	_ =	sdelay $0x1  }
0x257: {  	[hbm4b:s22+s2] =	stream.strided.scatter [tilespmem:s30], [sflag:$0x2], $0x6400, s3, s2, $0x38;
	[tilespmem:$0x1BC28] =	vst v63  }
0x258: {  	[spmem:s23@s20], [sflag:s4] =	dma.strided @!p0 [hbm:s19@s0], $0x1E850, s18, $0x10   }
0x259: {  	_ =	swait.ge @!p0 [sflag:s25], $0x1E850  }
0x25a: {  	[sflag:s25] =	ssyncset.done @!p0 $0x0  }
0x25b: {  	[smem:$0x785] =	sst s25;
	[sflag:s25] =	ssyncadd.s32 @!p0 $0xFFFE17B0  }
0x25c: {  	[bflag:$0x0] =	sbarrier.arrive $0xFFFF  }
0x25d: {  	_ =	swait.ge [sflag:s5], $0x6400  }
0x25e: {  	[sflag:s5] =	ssyncset.done $0x0  }
0x25f: {  	[sflag:s5] =	ssyncadd.s32 $0xFFFF9C00  }
0x260: {  	[tilespmem:s30], [sflag:$0x1] =	stream.indirect.gather [spmem:s1], $0x1, s6, s8, $0xb8;
	[tilespmem:$0x1BC28] =	vst v63  }
0x261: {  	_ =	swait.ge [sflag:s7], $0x6400  }
0x262: {  	[sflag:s7] =	ssyncset.done $0x0  }
0x263: {  	[sflag:s7] =	ssyncadd.s32 $0xFFFF9C00  }
0x264: {  	[bflag:$0x0] =	sbarrier.arrive $0xFFFF  }
0x265: {  	s26 =	sld [smem:$0x7CA]  }
0x266: {  	s19 =	sld [smem:$0x7CB]  }
0x267: {  	s28 =	sld [smem:$0x7E5]  }
0x268: {  	s25 =	sld [smem:$0x7F9]  }
0x269: {  	s0 =	sld [smem:$0x786]  }
0x26a: {  	s4 =	sld [smem:$0x787]  }
0x26b: {  	s18 =	sld [smem:$0x788]  }
0x26c: {  	s20 =	sld [smem:$0x789]  }
0x26d: {  	[hbm4b:s26+s2] =	stream.strided.scatter [tilespmem:s30], [sflag:$0x2], $0x6400, s3, s2, $0x38;
	[tilespmem:$0x1BC28] =	vst v63  }
0x26e: {  	p0 =	seq.s32 s28, $0x1  }
0x26f: {  	[spmem:s25@s20], [sflag:s4] =	dma.strided @!p0 [hbm:s19@s0], $0x1E850, s18, $0x10   }
0x270: {  	_ =	swait.ge @!p0 [sflag:s24], $0x1E850  }
0x271: {  	[sflag:s24] =	ssyncset.done @!p0 $0x0  }
0x272: {  	[smem:$0x78A] =	sst s24;
	[sflag:s24] =	ssyncadd.s32 @!p0 $0xFFFE17B0  }
0x273: {  	[bflag:$0x0] =	sbarrier.arrive $0xFFFF  }
0x274: {  	_ =	swait.ge [sflag:s5], $0x6400  }
0x275: {  	[sflag:s5] =	ssyncset.done $0x0  }
0x276: {  	[sflag:s5] =	ssyncadd.s32 $0xFFFF9C00  }
0x277: {  	[tilespmem:s30], [sflag:$0x1] =	stream.indirect.gather [spmem:s1], $0x1, s6, s8, $0xb8;
	[tilespmem:$0x1BC28] =	vst v63  }
0x278: {  	_ =	swait.ge [sflag:s7], $0x6400  }
0x279: {  	[sflag:s7] =	ssyncset.done $0x0  }
0x27a: {  	[sflag:s7] =	ssyncadd.s32 $0xFFFF9C00  }
0x27b: {  	[bflag:$0x0] =	sbarrier.arrive $0xFFFF  }
0x27c: {  	s29 =	sld [smem:$0x7CC]  }
0x27d: {  	s19 =	sld [smem:$0x7CD]  }
0x27e: {  	s31 =	sld [smem:$0x7E6]  }
0x27f: {  	s22 =	sld [smem:$0x7FD]  }
0x280: {  	s0 =	sld [smem:$0x78B]  }
0x281: {  	s4 =	sld [smem:$0x78C]  }
0x282: {  	s18 =	sld [smem:$0x78D]  }
0x283: {  	s20 =	sld [smem:$0x78E]  }
0x284: {  	[hbm4b:s29+s2] =	stream.strided.scatter [tilespmem:s30], [sflag:$0x2], $0x6400, s3, s2, $0x38;
	[tilespmem:$0x1BC28] =	vst v63  }
0x285: {  	p0 =	seq.s32 s31, $0x1  }
0x286: {  	[spmem:s22@s20], [sflag:s18] =	dma.strided @!p0 [hbm:s19@s0], $0x1E850, s4, $0x10   }
0x287: {  	_ =	swait.ge @!p0 [sflag:s21], $0x1E850  }
0x288: {  	[sflag:s21] =	ssyncset.done @!p0 $0x0  }
0x289: {  	[smem:$0x78F] =	sst s21;
	[sflag:s21] =	ssyncadd.s32 @!p0 $0xFFFE17B0  }
0x28a: {  	[bflag:$0x0] =	sbarrier.arrive $0xFFFF  }
0x28b: {  	_ =	swait.ge [sflag:s5], $0x6400  }
0x28c: {  	[sflag:s5] =	ssyncset.done $0x0  }
0x28d: {  	[sflag:s5] =	ssyncadd.s32 $0xFFFF9C00  }
0x28e: {  	[tilespmem:s30], [sflag:$0x1] =	stream.indirect.gather [spmem:s1], $0x1, s6, s8, $0xb8;
	[tilespmem:$0x1BC28] =	vst v63  }
0x28f: {  	_ =	swait.ge [sflag:s7], $0x6400  }
0x290: {  	[sflag:s7] =	ssyncset.done $0x0  }
0x291: {  	[sflag:s7] =	ssyncadd.s32 $0xFFFF9C00  }
0x292: {  	[bflag:$0x0] =	sbarrier.arrive $0xFFFF  }
0x293: {  	s4 =	sld [smem:$0x7CE]  }
0x294: {  	s19 =	sld [smem:$0x7CF]  }
0x295: {  	s18 =	sld [smem:$0x7E7]  }
0x296: {  	s20 =	sld [smem:$0x7FC]  }
0x297: {  	s0 =	sld [smem:$0x790]  }
0x298: {  	s21 =	sld [smem:$0x793]  }
0x299: {  	[hbm4b:s4+s2] =	stream.strided.scatter [tilespmem:s30], [sflag:$0x2], $0x6400, s3, s2, $0x38;
	[tilespmem:$0x1BC28] =	vst v63  }
0x29a: {  	s4 =	sld [smem:$0x791]  }
0x29b: {  	p0 =	seq.s32 s18, $0x1;
	s18 =	sld [smem:$0x792];
	_ =	sdelay $0x2  }
0x29c: {  	[spmem:s20@s21], [sflag:s18] =	dma.strided @!p0 [hbm:s19@s0], $0x1E850, s4, $0x10   }
0x29d: {  	_ =	swait.ge @!p0 [sflag:s10], $0x1E850  }
0x29e: {  	[sflag:s10] =	ssyncset.done @!p0 $0x0  }
0x29f: {  	[smem:$0x794] =	sst s10;
	[sflag:s10] =	ssyncadd.s32 @!p0 $0xFFFE17B0  }
0x2a0: {  	[bflag:$0x0] =	sbarrier.arrive $0xFFFF  }
0x2a1: {  	_ =	swait.ge [sflag:s5], $0x6400  }
0x2a2: {  	[sflag:s5] =	ssyncset.done $0x0  }
0x2a3: {  	[sflag:s5] =	ssyncadd.s32 $0xFFFF9C00  }
0x2a4: {  	[tilespmem:s30], [sflag:$0x1] =	stream.indirect.gather [spmem:s1], $0x1, s6, s8, $0xb8;
	[tilespmem:$0x1BC28] =	vst v63  }
0x2a5: {  	_ =	swait.ge [sflag:s7], $0x6400  }
0x2a6: {  	[sflag:s7] =	ssyncset.done $0x0  }
0x2a7: {  	[sflag:s7] =	ssyncadd.s32 $0xFFFF9C00  }
0x2a8: {  	[bflag:$0x0] =	sbarrier.arrive $0xFFFF  }
0x2a9: {  	s20 =	sld [smem:$0x7D0]  }
0x2aa: {  	s19 =	sld [smem:$0x7D1]  }
0x2ab: {  	s21 =	sld [smem:$0x7E8]  }
0x2ac: {  	s10 =	sld [smem:$0x7FB]  }
0x2ad: {  	s0 =	sld [smem:$0x795]  }
0x2ae: {  	s4 =	sld [smem:$0x796]  }
0x2af: {  	s18 =	sld [smem:$0x797]  }
0x2b0: {  	p0 =	seq.s32 s21, $0x1;
	s21 =	sld [smem:$0x798];
	_ =	sdelay $0x1  }
0x2b1: {  	[hbm4b:s20+s2] =	stream.strided.scatter [tilespmem:s30], [sflag:$0x2], $0x6400, s3, s2, $0x38;
	[tilespmem:$0x1BC28] =	vst v63  }
0x2b2: {  	[spmem:s10@s21], [sflag:s18] =	dma.strided @!p0 [hbm:s19@s0], $0x1E850, s4, $0x10   }
0x2b3: {  	_ =	swait.ge @!p0 [sflag:s11], $0x1E850  }
0x2b4: {  	[sflag:s11] =	ssyncset.done @!p0 $0x0  }
0x2b5: {  	[smem:$0x799] =	sst s11;
	[sflag:s11] =	ssyncadd.s32 @!p0 $0xFFFE17B0  }
0x2b6: {  	[bflag:$0x0] =	sbarrier.arrive $0xFFFF  }
0x2b7: {  	_ =	swait.ge [sflag:s5], $0x6400  }
0x2b8: {  	[sflag:s5] =	ssyncset.done $0x0  }
0x2b9: {  	[sflag:s5] =	ssyncadd.s32 $0xFFFF9C00  }
0x2ba: {  	[tilespmem:s30], [sflag:$0x1] =	stream.indirect.gather [spmem:s1], $0x1, s6, s8, $0xb8;
	[tilespmem:$0x1BC28] =	vst v63  }
0x2bb: {  	_ =	swait.ge [sflag:s7], $0x6400  }
0x2bc: {  	[sflag:s7] =	ssyncset.done $0x0  }
0x2bd: {  	[sflag:s7] =	ssyncadd.s32 $0xFFFF9C00  }
0x2be: {  	[bflag:$0x0] =	sbarrier.arrive $0xFFFF  }
0x2bf: {  	s22 =	sld [smem:$0x7D2]  }
0x2c0: {  	s0 =	simm.s32 @!p5 $0x80;
	s19 =	sld [smem:$0x7D3]  }
0x2c1: {  	[smem:$0x79A] =	sst s0  }
0x2c2: {  	s0 =	simm.s32 @!p5 $0x1E83;
	s11 =	sld [smem:$0x7FA]  }
0x2c3: {  	s4 =	simm.s32 @!p5 $0x1;
	[smem:$0x79B] =	sst s0;
	s0 =	simm.s32 @!p5 $0x1  }
0x2c4: {  	s18 =	simm.s32 @!p5 $0x1E83;
	[smem:$0x79C] =	sst s0;
	s0 =	simm.s32 @!p5 $0x10  }
0x2c5: {  	[hbm4b:s22+s2] =	stream.strided.scatter [tilespmem:s30], [sflag:$0x2], $0x6400, s3, s2, $0x38;
	[tilespmem:$0x1BC28] =	vst v63  }
0x2c6: {  	s21 =	simm.s32 @!p5 $0x10;
	[smem:$0x79D] =	sst s0;
	s0 =	simm.s32 @!p5 $0x80  }
0x2c7: {  	[spmem:s11@s21], [sflag:s18] =	dma.strided @!p5 [hbm:s19@s0], $0x1E850, s4, $0x10   }
0x2c8: {  	_ =	swait.ge @!p5 [sflag:s12], $0x1E850  }
0x2c9: {  	[sflag:s12] =	ssyncset.done @!p5 $0x0  }
0x2ca: {  	[smem:$0x79E] =	sst s12;
	[sflag:s12] =	ssyncadd.s32 @!p5 $0xFFFE17B0  }
0x2cb: {  	[bflag:$0x0] =	sbarrier.arrive $0xFFFF  }
0x2cc: {  	_ =	swait.ge [sflag:s5], $0x6400  }
0x2cd: {  	[sflag:s5] =	ssyncset.done $0x0  }
0x2ce: {  	[sflag:s5] =	ssyncadd.s32 $0xFFFF9C00  }
0x2cf: {  	[tilespmem:s30], [sflag:$0x1] =	stream.indirect.gather [spmem:s1], $0x1, s6, s8, $0xb8;
	[tilespmem:$0x1BC28] =	vst v63  }
0x2d0: {  	_ =	swait.ge [sflag:s7], $0x6400  }
0x2d1: {  	[sflag:s7] =	ssyncset.done $0x0  }
0x2d2: {  	[sflag:s7] =	ssyncadd.s32 $0xFFFF9C00  }
0x2d3: {  	[bflag:$0x0] =	sbarrier.arrive $0xFFFF  }
0x2d4: {  	s23 =	sld [smem:$0x7D4]  }
0x2d5: {  	s0 =	simm.s32 @!p6 $0x80;
	s19 =	sld [smem:$0x7D5]  }
0x2d6: {  	[smem:$0x79F] =	sst s0  }
0x2d7: {  	s0 =	simm.s32 @!p6 $0x1EC3;
	s12 =	sld [smem:$0x7A3]  }
0x2d8: {  	s4 =	simm.s32 @!p6 $0x1;
	[smem:$0x7A0] =	sst s0;
	s0 =	simm.s32 @!p6 $0x1  }
0x2d9: {  	s18 =	simm.s32 @!p6 $0x1EC3;
	[smem:$0x7A1] =	sst s0;
	s0 =	simm.s32 @!p6 $0x10  }
0x2da: {  	[hbm4b:s23+s2] =	stream.strided.scatter [tilespmem:s30], [sflag:$0x2], $0x6400, s3, s2, $0x38;
	[tilespmem:$0x1BC28] =	vst v63  }
0x2db: {  	s21 =	simm.s32 @!p6 $0x10;
	[smem:$0x7A2] =	sst s0;
	s0 =	simm.s32 @!p6 $0x80  }
0x2dc: {  	[spmem:s12@s21], [sflag:s18] =	dma.strided @!p6 [hbm:s19@s0], $0x1E850, s4, $0x10   }
0x2dd: {  	_ =	swait.ge @!p6 [sflag:s13], $0x1E850  }
0x2de: {  	[sflag:s13] =	ssyncset.done @!p6 $0x0  }
0x2df: {  	[smem:$0x7A4] =	sst s13;
	[sflag:s13] =	ssyncadd.s32 @!p6 $0xFFFE17B0  }
0x2e0: {  	[bflag:$0x0] =	sbarrier.arrive $0xFFFF  }
0x2e1: {  	_ =	swait.ge [sflag:s5], $0x6400  }
0x2e2: {  	[sflag:s5] =	ssyncset.done $0x0  }
0x2e3: {  	[sflag:s5] =	ssyncadd.s32 $0xFFFF9C00  }
0x2e4: {  	[tilespmem:s30], [sflag:$0x1] =	stream.indirect.gather [spmem:s1], $0x1, s6, s8, $0xb8;
	[tilespmem:$0x1BC28] =	vst v63  }
0x2e5: {  	_ =	swait.ge [sflag:s7], $0x6400  }
0x2e6: {  	[sflag:s7] =	ssyncset.done $0x0  }
0x2e7: {  	[sflag:s7] =	ssyncadd.s32 $0xFFFF9C00  }
0x2e8: {  	[bflag:$0x0] =	sbarrier.arrive $0xFFFF  }
0x2e9: {  	s24 =	sld [smem:$0x7D6]  }
0x2ea: {  	s0 =	simm.s32 @!p4 $0x80;
	s19 =	sld [smem:$0x7D7]  }
0x2eb: {  	[smem:$0x7A5] =	sst s0  }
0x2ec: {  	s0 =	simm.s32 @!p4 $0x1F03;
	s21 =	sld [smem:$0x7EC]  }
0x2ed: {  	s4 =	simm.s32 @!p4 $0x1;
	[smem:$0x7A6] =	sst s0;
	s0 =	simm.s32 @!p4 $0x1  }
0x2ee: {  	s18 =	simm.s32 @!p4 $0x10;
	[smem:$0x7A7] =	sst s0;
	s0 =	simm.s32 @!p4 $0x10  }
0x2ef: {  	[hbm4b:s24+s2] =	stream.strided.scatter [tilespmem:s30], [sflag:$0x2], $0x6400, s3, s2, $0x38;
	[tilespmem:$0x1BC28] =	vst v63  }
0x2f0: {  	s13 =	simm.s32 @!p4 $0x1F03;
	[smem:$0x7A8] =	sst s0;
	s0 =	simm.s32 @!p4 $0x80  }
0x2f1: {  	[spmem:s21@s18], [sflag:s13] =	dma.strided @!p4 [hbm:s19@s0], $0x1E850, s4, $0x10   }
0x2f2: {  	_ =	swait.ge @!p4 [sflag:s14], $0x1E850  }
0x2f3: {  	[sflag:s14] =	ssyncset.done @!p4 $0x0  }
0x2f4: {  	[smem:$0x7A9] =	sst s14;
	[sflag:s14] =	ssyncadd.s32 @!p4 $0xFFFE17B0  }
0x2f5: {  	[bflag:$0x0] =	sbarrier.arrive $0xFFFF  }
0x2f6: {  	_ =	swait.ge [sflag:s5], $0x6400  }
0x2f7: {  	[sflag:s5] =	ssyncset.done $0x0  }
0x2f8: {  	[sflag:s5] =	ssyncadd.s32 $0xFFFF9C00  }
0x2f9: {  	[tilespmem:s30], [sflag:$0x1] =	stream.indirect.gather [spmem:s1], $0x1, s6, s8, $0xb8;
	[tilespmem:$0x1BC28] =	vst v63  }
0x2fa: {  	_ =	swait.ge [sflag:s7], $0x6400  }
0x2fb: {  	[sflag:s7] =	ssyncset.done $0x0  }
0x2fc: {  	[sflag:s7] =	ssyncadd.s32 $0xFFFF9C00  }
0x2fd: {  	[bflag:$0x0] =	sbarrier.arrive $0xFFFF  }
0x2fe: {  	s25 =	sld [smem:$0x7D8]  }
0x2ff: {  	s0 =	simm.s32 @!p2 $0x80;
	s19 =	sld [smem:$0x7D9]  }
0x300: {  	[smem:$0x7AA] =	sst s0  }
0x301: {  	s0 =	simm.s32 @!p2 $0x1F43;
	s13 =	sld [smem:$0x7F8]  }
0x302: {  	s4 =	simm.s32 @!p2 $0x1;
	[smem:$0x7AB] =	sst s0;
	s0 =	simm.s32 @!p2 $0x1  }
0x303: {  	s18 =	simm.s32 @!p2 $0x10;
	[smem:$0x7AC] =	sst s0;
	s0 =	simm.s32 @!p2 $0x10  }
0x304: {  	[hbm4b:s25+s2] =	stream.strided.scatter [tilespmem:s30], [sflag:$0x2], $0x6400, s3, s2, $0x38;
	[tilespmem:$0x1BC28] =	vst v63  }
0x305: {  	s14 =	simm.s32 @!p2 $0x1F43;
	[smem:$0x7AD] =	sst s0;
	s0 =	simm.s32 @!p2 $0x80  }
0x306: {  	[spmem:s13@s18], [sflag:s14] =	dma.strided @!p2 [hbm:s19@s0], $0x1E850, s4, $0x10   }
0x307: {  	_ =	swait.ge @!p2 [sflag:s15], $0x1E850  }
0x308: {  	[sflag:s15] =	ssyncset.done @!p2 $0x0  }
0x309: {  	[smem:$0x7AE] =	sst s15;
	[sflag:s15] =	ssyncadd.s32 @!p2 $0xFFFE17B0  }
0x30a: {  	[bflag:$0x0] =	sbarrier.arrive $0xFFFF  }
0x30b: {  	_ =	swait.ge [sflag:s5], $0x6400  }
0x30c: {  	[sflag:s5] =	ssyncset.done $0x0  }
0x30d: {  	[sflag:s5] =	ssyncadd.s32 $0xFFFF9C00  }
0x30e: {  	[tilespmem:s30], [sflag:$0x1] =	stream.indirect.gather [spmem:s1], $0x1, s6, s8, $0xb8;
	[tilespmem:$0x1BC28] =	vst v63  }
0x30f: {  	_ =	swait.ge [sflag:s7], $0x6400  }
0x310: {  	[sflag:s7] =	ssyncset.done $0x0  }
0x311: {  	[sflag:s7] =	ssyncadd.s32 $0xFFFF9C00  }
0x312: {  	[bflag:$0x0] =	sbarrier.arrive $0xFFFF  }
0x313: {  	s26 =	sld [smem:$0x7DA]  }
0x314: {  	s0 =	simm.s32 @!p1 $0x80;
	s19 =	sld [smem:$0x7DB]  }
0x315: {  	[smem:$0x7AF] =	sst s0  }
0x316: {  	s0 =	simm.s32 @!p1 $0x1F83;
	s4 =	sld [smem:$0x7F7]  }
0x317: {  	s14 =	simm.s32 @!p1 $0x1;
	[smem:$0x7B0] =	sst s0;
	s0 =	simm.s32 @!p1 $0x1  }
0x318: {  	s18 =	simm.s32 @!p1 $0x10;
	[smem:$0x7B1] =	sst s0;
	s0 =	simm.s32 @!p1 $0x10  }
0x319: {  	[hbm4b:s26+s2] =	stream.strided.scatter [tilespmem:s30], [sflag:$0x2], $0x6400, s3, s2, $0x38;
	[tilespmem:$0x1BC28] =	vst v63  }
0x31a: {  	s15 =	simm.s32 @!p1 $0x1F83;
	[smem:$0x7B2] =	sst s0;
	s0 =	simm.s32 @!p1 $0x80  }
0x31b: {  	[spmem:s4@s18], [sflag:s15] =	dma.strided @!p1 [hbm:s19@s0], $0x1E850, s14, $0x10   }
0x31c: {  	_ =	swait.ge @!p1 [sflag:s16], $0x1E850  }
0x31d: {  	[sflag:s16] =	ssyncset.done @!p1 $0x0  }
0x31e: {  	[smem:$0x7B3] =	sst s16;
	[sflag:s16] =	ssyncadd.s32 @!p1 $0xFFFE17B0  }
0x31f: {  	[bflag:$0x0] =	sbarrier.arrive $0xFFFF  }
0x320: {  	_ =	swait.ge [sflag:s5], $0x6400  }
0x321: {  	[sflag:s5] =	ssyncset.done $0x0  }
0x322: {  	[sflag:s5] =	ssyncadd.s32 $0xFFFF9C00  }
0x323: {  	[tilespmem:s30], [sflag:$0x1] =	stream.indirect.gather [spmem:s1], $0x1, s6, s8, $0xb8;
	[tilespmem:$0x1BC28] =	vst v63  }
0x324: {  	_ =	swait.ge [sflag:s7], $0x6400  }
0x325: {  	[sflag:s7] =	ssyncset.done $0x0  }
0x326: {  	[sflag:s7] =	ssyncadd.s32 $0xFFFF9C00  }
0x327: {  	[bflag:$0x0] =	sbarrier.arrive $0xFFFF  }
0x328: {  	s28 =	sld [smem:$0x7DC]  }
0x329: {  	s0 =	simm.s32 @!p3 $0x80;
	s19 =	sld [smem:$0x7DD]  }
0x32a: {  	[smem:$0x7B4] =	sst s0;
	s0 =	simm.s32 @!p3 $0x1FC3  }
0x32b: {  	s14 =	simm.s32 @!p3 $0x10;
	[smem:$0x7B5] =	sst s0;
	s0 =	simm.s32 @!p3 $0x1  }
0x32c: {  	s15 =	simm.s32 @!p3 $0x80;
	[smem:$0x7B6] =	sst s0;
	s0 =	simm.s32 @!p3 $0x10  }
0x32d: {  	[hbm4b:s28+s2] =	stream.strided.scatter [tilespmem:s30], [sflag:$0x2], $0x6400, s3, s2, $0x38;
	[tilespmem:$0x1BC28] =	vst v63  }
0x32e: {  	s16 =	simm.s32 @!p3 $0x1;
	[smem:$0x7B7] =	sst s0;
	s0 =	simm.s32 @!p3 $0x1FC3  }
0x32f: {  	[spmem:s17@s14], [sflag:s0] =	dma.strided @!p3 [hbm:s19@s15], $0x1E850, s16, $0x10   }
0x330: {  	_ =	swait.ge @!p3 [sflag:s9], $0x1E850  }
0x331: {  	[sflag:s9] =	ssyncset.done @!p3 $0x0  }
0x332: {  	[smem:$0x7B8] =	sst s9;
	[sflag:s9] =	ssyncadd.s32 @!p3 $0xFFFE17B0  }
0x333: {  	[bflag:$0x0] =	sbarrier.arrive $0xFFFF  }
0x334: {  	_ =	swait.ge [sflag:s5], $0x6400  }
0x335: {  	[sflag:s5] =	ssyncset.done $0x0  }
0x336: {  	[sflag:s5] =	ssyncadd.s32 $0xFFFF9C00  }
0x337: {  	[tilespmem:s30], [sflag:$0x1] =	stream.indirect.gather [spmem:s1], $0x1, s6, s8, $0xb8;
	[tilespmem:$0x1BC28] =	vst v63  }
0x338: {  	_ =	swait.ge [sflag:s7], $0x6400  }
0x339: {  	[sflag:s7] =	ssyncset.done $0x0  }
0x33a: {  	[sflag:s7] =	ssyncadd.s32 $0xFFFF9C00  }
0x33b: {  	[bflag:$0x0] =	sbarrier.arrive $0xFFFF  }
0x33c: {  	s31 =	sld [smem:$0x7B9];
	_ =	sdelay $0x2  }
0x33d: {  	s29 =	sld [smem:$0x7DE];
	s0 =	sadd.s32 $0xFFFFFFFF, s31  }
0x33e: {  	p0 =	por $0x1, $0x1;
	p1 =	sne.s32 s0, $0x0  }
.Ltmp1:
0x33f: {  	s4 =	simm.s32 @!p0 $0x0;
	(pc) =	sbr.rel @!p1 .LBB2_3-.Ltmp1, $4  }
0x340: {  	[hbm4b:s29+s2] =	stream.strided.scatter [tilespmem:s30], [sflag:$0x2], $0x6400, s3, s2, $0x38;
	[tilespmem:$0x1BC28] =	vst v63  }
0x341: {  	s4 =	simm.s32 @p0 $0x1;
	_ =	swait.ge [sflag:s5], $0x6400  }
0x342: {  	[smem:$0x7BA] =	sst s4  }
0x343: {  	[sflag:s5] =	ssyncset.done $0x0;
	s19 =	rddreg [dreg:$0x4]  }
.LBB2_4:
0x344: {  	s0 =	sadd.s32 $0xFFFFFFFF, s0  }
0x345: {  	[sflag:s5] =	ssyncadd.s32 $0xFFFF9C00;
	p0 =	sne.s32 s0, $0x0  }
0x346: {  	[tilespmem:s6], [sflag:$0x3] =	stream.strided.gather [hbm4b:s19+s2], $0x6400, s3, s2, $0x38;
	[tilespmem:$0x1BC28] =	vst v63  }
0x347: {  	[smem:$0x765] =	sst s0;
	s0 =	simm.s32 @!p0 $0x0  }
0x348: {  	s0 =	simm.s32 @p0 $0x1  }
0x349: {  	s16 =	simm.s32 $0x3;
	[smem:$0x766] =	sst s0  }
0x34a: {  	_ =	swait.ge [sflag:s16], $0x6400  }
0x34b: {  	s17 =	sld [smem:$0x7DF]  }
0x34c: {  	s4 =	sld [smem:$0x768]  }
0x34d: {  	s31 =	sld [smem:$0x76A]  }
0x34e: {  	s10 =	sld [smem:$0x769]  }
0x34f: {  	s28 =	sld [smem:$0x76B]  }
0x350: {  	s0 =	sld [smem:$0x7F0]  }
0x351: {  	s9 =	sld [smem:$0x767]  }
0x352: {  	[sflag:s16] =	ssyncset.done $0x0  }
0x353: {  	[sflag:s16] =	ssyncadd.s32 $0xFFFF9C00;
	p2 =	seq.s32 s17, $0x1  }
0x354: {  	[spmem:s0@s31], [sflag:s4] =	dma.strided @!p2 [hbm:s9@s10], $0x1E850, s28, $0x10   }
0x355: {  	s21 =	sld [smem:$0x76C];
	_ =	sdelay $0x2  }
0x356: {  	_ =	swait.ge @!p2 [sflag:s21], $0x1E850  }
0x357: {  	[sflag:s21] =	ssyncset.done @!p2 $0x0  }
0x358: {  	[sflag:s21] =	ssyncadd.s32 @!p2 $0xFFFE17B0  }
0x359: {  	[bflag:$0x0] =	sbarrier.arrive $0xFFFF  }
0x35a: {  	[tilespmem:s30], [sflag:$0x1] =	stream.indirect.gather [spmem:s1], $0x1, s6, s8, $0xb8;
	[tilespmem:$0x1BC28] =	vst v63  }
0x35b: {  	_ =	swait.ge [sflag:s7], $0x6400  }
0x35c: {  	[sflag:s7] =	ssyncset.done $0x0  }
0x35d: {  	[sflag:s7] =	ssyncadd.s32 $0xFFFF9C00  }
0x35e: {  	[bflag:$0x0] =	sbarrier.arrive $0xFFFF  }
0x35f: {  	s18 =	rddreg [dreg:$0x5]  }
0x360: {  	s19 =	sld [smem:$0x7E0]  }
0x361: {  	s11 =	sld [smem:$0x76D]  }
0x362: {  	s10 =	sld [smem:$0x76F]  }
0x363: {  	s4 =	sld [smem:$0x76E]  }
0x364: {  	s9 =	sld [smem:$0x770]  }
0x365: {  	s0 =	sld [smem:$0x7F4]  }
0x366: {  	[hbm4b:s18+s2] =	stream.strided.scatter [tilespmem:s30], [sflag:$0x2], $0x6400, s3, s2, $0x38;
	[tilespmem:$0x1BC28] =	vst v63  }
0x367: {  	s20 =	rddreg [dreg:$0x6];
	p0 =	seq.s32 s19, $0x1  }
0x368: {  	[spmem:s0@s9], [sflag:s10] =	dma.strided @!p0 [hbm:s20@s11], $0x1E850, s4, $0x10   }
0x369: {  	s15 =	sld [smem:$0x771];
	_ =	sdelay $0x2  }
0x36a: {  	_ =	swait.ge @!p0 [sflag:s15], $0x1E850  }
0x36b: {  	[sflag:s15] =	ssyncset.done @!p0 $0x0  }
0x36c: {  	[sflag:s15] =	ssyncadd.s32 @!p0 $0xFFFE17B0  }
0x36d: {  	[bflag:$0x0] =	sbarrier.arrive $0xFFFF  }
0x36e: {  	_ =	swait.ge [sflag:s5], $0x6400  }
0x36f: {  	[sflag:s5] =	ssyncset.done $0x0  }
0x370: {  	[sflag:s5] =	ssyncadd.s32 $0xFFFF9C00  }
0x371: {  	[tilespmem:s30], [sflag:$0x1] =	stream.indirect.gather [spmem:s1], $0x1, s6, s8, $0xb8;
	[tilespmem:$0x1BC28] =	vst v63  }
0x372: {  	_ =	swait.ge [sflag:s7], $0x6400  }
0x373: {  	[sflag:s7] =	ssyncset.done $0x0  }
0x374: {  	[sflag:s7] =	ssyncadd.s32 $0xFFFF9C00  }
0x375: {  	[bflag:$0x0] =	sbarrier.arrive $0xFFFF  }
0x376: {  	s22 =	rddreg [dreg:$0x7]  }
0x377: {  	s20 =	rddreg [dreg:$0x8]  }
0x378: {  	s23 =	sld [smem:$0x7E1]  }
0x379: {  	s9 =	sld [smem:$0x774]  }
0x37a: {  	s11 =	sld [smem:$0x772]  }
0x37b: {  	[hbm4b:s22+s2] =	stream.strided.scatter [tilespmem:s30], [sflag:$0x2], $0x6400, s3, s2, $0x38;
	[tilespmem:$0x1BC28] =	vst v63  }
0x37c: {  	s4 =	sld [smem:$0x773]  }
0x37d: {  	s0 =	sld [smem:$0x775]  }
0x37e: {  	s10 =	sld [smem:$0x7F3];
	_ =	sdelay $0x1  }
0x37f: {  	p1 =	seq.s32 s23, $0x1  }
0x380: {  	[spmem:s10@s0], [sflag:s11] =	dma.strided @!p1 [hbm:s20@s9], $0x1E850, s4, $0x10   }
0x381: {  	s14 =	sld [smem:$0x776];
	_ =	sdelay $0x2  }
0x382: {  	_ =	swait.ge @!p1 [sflag:s14], $0x1E850  }
0x383: {  	[sflag:s14] =	ssyncset.done @!p1 $0x0  }
0x384: {  	[sflag:s14] =	ssyncadd.s32 @!p1 $0xFFFE17B0  }
0x385: {  	[bflag:$0x0] =	sbarrier.arrive $0xFFFF  }
0x386: {  	_ =	swait.ge [sflag:s5], $0x6400  }
0x387: {  	[sflag:s5] =	ssyncset.done $0x0  }
0x388: {  	[sflag:s5] =	ssyncadd.s32 $0xFFFF9C00  }
0x389: {  	[tilespmem:s30], [sflag:$0x1] =	stream.indirect.gather [spmem:s1], $0x1, s6, s8, $0xb8;
	[tilespmem:$0x1BC28] =	vst v63  }
0x38a: {  	_ =	swait.ge [sflag:s7], $0x6400  }
0x38b: {  	[sflag:s7] =	ssyncset.done $0x0  }
0x38c: {  	[sflag:s7] =	ssyncadd.s32 $0xFFFF9C00  }
0x38d: {  	[bflag:$0x0] =	sbarrier.arrive $0xFFFF  }
0x38e: {  	s24 =	rddreg [dreg:$0x9]  }
0x38f: {  	s25 =	sld [smem:$0x7E2]  }
0x390: {  	s9 =	sld [smem:$0x779]  }
0x391: {  	s11 =	sld [smem:$0x77A]  }
0x392: {  	s4 =	sld [smem:$0x777]  }
0x393: {  	s0 =	sld [smem:$0x778]  }
0x394: {  	s10 =	sld [smem:$0x7F2]  }
0x395: {  	[hbm4b:s24+s2] =	stream.strided.scatter [tilespmem:s30], [sflag:$0x2], $0x6400, s3, s2, $0x38;
	[tilespmem:$0x1BC28] =	vst v63  }
0x396: {  	s20 =	rddreg [dreg:$0xa];
	p1 =	seq.s32 s25, $0x1  }
0x397: {  	[spmem:s10@s0], [sflag:s11] =	dma.strided @!p1 [hbm:s20@s9], $0x1E850, s4, $0x10   }
0x398: {  	s18 =	sld [smem:$0x77B];
	_ =	sdelay $0x2  }
0x399: {  	_ =	swait.ge @!p1 [sflag:s18], $0x1E850  }
0x39a: {  	[sflag:s18] =	ssyncset.done @!p1 $0x0  }
0x39b: {  	[sflag:s18] =	ssyncadd.s32 @!p1 $0xFFFE17B0  }
0x39c: {  	[bflag:$0x0] =	sbarrier.arrive $0xFFFF  }
0x39d: {  	_ =	swait.ge [sflag:s5], $0x6400  }
0x39e: {  	[sflag:s5] =	ssyncset.done $0x0  }
0x39f: {  	[sflag:s5] =	ssyncadd.s32 $0xFFFF9C00  }
0x3a0: {  	[tilespmem:s30], [sflag:$0x1] =	stream.indirect.gather [spmem:s1], $0x1, s6, s8, $0xb8;
	[tilespmem:$0x1BC28] =	vst v63  }
0x3a1: {  	_ =	swait.ge [sflag:s7], $0x6400  }
0x3a2: {  	[sflag:s7] =	ssyncset.done $0x0  }
0x3a3: {  	[sflag:s7] =	ssyncadd.s32 $0xFFFF9C00  }
0x3a4: {  	[bflag:$0x0] =	sbarrier.arrive $0xFFFF  }
0x3a5: {  	s26 =	rddreg [dreg:$0xb]  }
0x3a6: {  	s29 =	sld [smem:$0x7E3]  }
0x3a7: {  	s0 =	sld [smem:$0x77F]  }
0x3a8: {  	s9 =	sld [smem:$0x77C]  }
0x3a9: {  	s10 =	sld [smem:$0x77E]  }
0x3aa: {  	s8 =	sld [smem:$0x77D]  }
0x3ab: {  	s4 =	sld [smem:$0x7F1]  }
0x3ac: {  	[hbm4b:s26+s2] =	stream.strided.scatter [tilespmem:s30], [sflag:$0x2], $0x6400, s3, s2, $0x38;
	[tilespmem:$0x1BC28] =	vst v63  }
0x3ad: {  	s20 =	rddreg [dreg:$0xc];
	p5 =	seq.s32 s29, $0x1  }
0x3ae: {  	[spmem:s4@s8], [sflag:s9] =	dma.strided @!p5 [hbm:s20@s0], $0x1E850, s10, $0x10   }
0x3af: {  	s9 =	sld [smem:$0x780];
	_ =	sdelay $0x2  }
0x3b0: {  	_ =	swait.ge @!p5 [sflag:s9], $0x1E850  }
0x3b1: {  	[sflag:s9] =	ssyncset.done @!p5 $0x0  }
0x3b2: {  	[sflag:s9] =	ssyncadd.s32 @!p5 $0xFFFE17B0  }
0x3b3: {  	[bflag:$0x0] =	sbarrier.arrive $0xFFFF  }
0x3b4: {  	_ =	swait.ge [sflag:s5], $0x6400  }
0x3b5: {  	[sflag:s5] =	ssyncset.done $0x0  }
0x3b6: {  	[sflag:s5] =	ssyncadd.s32 $0xFFFF9C00  }
0x3b7: {  	s1 =	simm.s32 $0xF428;
	s2 =	simm.s32 $0x6400;
	s0 =	rddreg [dreg:$0x2]  }
0x3b8: {  	[tilespmem:s30], [sflag:$0x1] =	stream.indirect.gather [spmem:s0], $0x1, s1, s2, $0xb8;
	[tilespmem:$0x1BC28] =	vst v63  }
0x3b9: {  	_ =	swait.ge [sflag:s7], $0x6400  }
0x3ba: {  	[sflag:s7] =	ssyncset.done $0x0  }
0x3bb: {  	[sflag:s7] =	ssyncadd.s32 $0xFFFF9C00  }
0x3bc: {  	[bflag:$0x0] =	sbarrier.arrive $0xFFFF  }
0x3bd: {  	s4 =	rddreg [dreg:$0xd]  }
0x3be: {  	s10 =	sld [smem:$0x7E4]  }
0x3bf: {  	s12 =	sld [smem:$0x782]  }
0x3c0: {  	s0 =	sld [smem:$0x784]  }
0x3c1: {  	s6 =	simm.s32 $0x400;
	s3 =	simm.s32 $0x80;
	s11 =	sld [smem:$0x7F6]  }
0x3c2: {  	[hbm4b:s4+s3] =	stream.strided.scatter [tilespmem:s30], [sflag:$0x2], $0x6400, s6, s3, $0x38;
	[tilespmem:$0x1BC28] =	vst v63  }
0x3c3: {  	s4 =	sld [smem:$0x783]  }
0x3c4: {  	p4 =	seq.s32 s10, $0x1;
	s10 =	sld [smem:$0x781];
	_ =	sdelay $0x1  }
0x3c5: {  	s20 =	rddreg [dreg:$0xe]  }
0x3c6: {  	[spmem:s11@s0], [sflag:s12] =	dma.strided @!p4 [hbm:s20@s10], $0x1E850, s4, $0x10   }
0x3c7: {  	s10 =	sld [smem:$0x785];
	_ =	sdelay $0x2  }
0x3c8: {  	_ =	swait.ge @!p4 [sflag:s10], $0x1E850  }
0x3c9: {  	[sflag:s10] =	ssyncset.done @!p4 $0x0  }
0x3ca: {  	[sflag:s10] =	ssyncadd.s32 @!p4 $0xFFFE17B0  }
0x3cb: {  	[bflag:$0x0] =	sbarrier.arrive $0xFFFF  }
0x3cc: {  	_ =	swait.ge [sflag:s5], $0x6400  }
0x3cd: {  	[sflag:s5] =	ssyncset.done $0x0  }
0x3ce: {  	[sflag:s5] =	ssyncadd.s32 $0xFFFF9C00  }
0x3cf: {  	s11 =	rddreg [dreg:$0x2]  }
0x3d0: {  	[tilespmem:s30], [sflag:$0x1] =	stream.indirect.gather [spmem:s11], $0x1, s1, s2, $0xb8;
	[tilespmem:$0x1BC28] =	vst v63  }
0x3d1: {  	_ =	swait.ge [sflag:s7], $0x6400  }
0x3d2: {  	[sflag:s7] =	ssyncset.done $0x0  }
0x3d3: {  	[sflag:s7] =	ssyncadd.s32 $0xFFFF9C00  }
0x3d4: {  	[bflag:$0x0] =	sbarrier.arrive $0xFFFF  }
0x3d5: {  	s12 =	rddreg [dreg:$0xf]  }
0x3d6: {  	s13 =	sld [smem:$0x7E5]  }
0x3d7: {  	s11 =	sld [smem:$0x786]  }
0x3d8: {  	s4 =	sld [smem:$0x788]  }
0x3d9: {  	s0 =	sld [smem:$0x789]  }
0x3da: {  	[hbm4b:s12+s3] =	stream.strided.scatter [tilespmem:s30], [sflag:$0x2], $0x6400, s6, s3, $0x38;
	[tilespmem:$0x1BC28] =	vst v63  }
0x3db: {  	s12 =	sld [smem:$0x7F9]  }
0x3dc: {  	p1 =	seq.s32 s13, $0x1;
	s13 =	sld [smem:$0x787];
	_ =	sdelay $0x1  }
0x3dd: {  	s20 =	rddreg [dreg:$0x10]  }
0x3de: {  	[spmem:s12@s0], [sflag:s13] =	dma.strided @!p1 [hbm:s20@s11], $0x1E850, s4, $0x10   }
0x3df: {  	s11 =	sld [smem:$0x78A];
	_ =	sdelay $0x2  }
0x3e0: {  	_ =	swait.ge @!p1 [sflag:s11], $0x1E850  }
0x3e1: {  	[sflag:s11] =	ssyncset.done @!p1 $0x0  }
0x3e2: {  	[sflag:s11] =	ssyncadd.s32 @!p1 $0xFFFE17B0  }
0x3e3: {  	[bflag:$0x0] =	sbarrier.arrive $0xFFFF  }
0x3e4: {  	_ =	swait.ge [sflag:s5], $0x6400  }
0x3e5: {  	[sflag:s5] =	ssyncset.done $0x0  }
0x3e6: {  	[sflag:s5] =	ssyncadd.s32 $0xFFFF9C00  }
0x3e7: {  	s16 =	rddreg [dreg:$0x2]  }
0x3e8: {  	[tilespmem:s30], [sflag:$0x1] =	stream.indirect.gather [spmem:s16], $0x1, s1, s2, $0xb8;
	[tilespmem:$0x1BC28] =	vst v63  }
0x3e9: {  	_ =	swait.ge [sflag:s7], $0x6400  }
0x3ea: {  	[sflag:s7] =	ssyncset.done $0x0  }
0x3eb: {  	[sflag:s7] =	ssyncadd.s32 $0xFFFF9C00  }
0x3ec: {  	[bflag:$0x0] =	sbarrier.arrive $0xFFFF  }
0x3ed: {  	s17 =	rddreg [dreg:$0x11]  }
0x3ee: {  	s19 =	sld [smem:$0x7E6]  }
0x3ef: {  	s0 =	sld [smem:$0x78B]  }
0x3f0: {  	s4 =	sld [smem:$0x78D]  }
0x3f1: {  	s16 =	sld [smem:$0x78C]  }
0x3f2: {  	s13 =	sld [smem:$0x78E]  }
0x3f3: {  	s12 =	sld [smem:$0x7FD]  }
0x3f4: {  	[hbm4b:s17+s3] =	stream.strided.scatter [tilespmem:s30], [sflag:$0x2], $0x6400, s6, s3, $0x38;
	[tilespmem:$0x1BC28] =	vst v63  }
0x3f5: {  	s20 =	rddreg [dreg:$0x12];
	p3 =	seq.s32 s19, $0x1  }
0x3f6: {  	[spmem:s12@s13], [sflag:s4] =	dma.strided @!p3 [hbm:s20@s0], $0x1E850, s16, $0x10   }
0x3f7: {  	s12 =	sld [smem:$0x78F];
	_ =	sdelay $0x2  }
0x3f8: {  	_ =	swait.ge @!p3 [sflag:s12], $0x1E850  }
0x3f9: {  	[sflag:s12] =	ssyncset.done @!p3 $0x0  }
0x3fa: {  	[sflag:s12] =	ssyncadd.s32 @!p3 $0xFFFE17B0  }
0x3fb: {  	[bflag:$0x0] =	sbarrier.arrive $0xFFFF  }
0x3fc: {  	_ =	swait.ge [sflag:s5], $0x6400  }
0x3fd: {  	[sflag:s5] =	ssyncset.done $0x0  }
0x3fe: {  	[sflag:s5] =	ssyncadd.s32 $0xFFFF9C00  }
0x3ff: {  	s22 =	rddreg [dreg:$0x2]  }
0x400: {  	[tilespmem:s30], [sflag:$0x1] =	stream.indirect.gather [spmem:s22], $0x1, s1, s2, $0xb8;
	[tilespmem:$0x1BC28] =	vst v63  }
0x401: {  	_ =	swait.ge [sflag:s7], $0x6400  }
0x402: {  	[sflag:s7] =	ssyncset.done $0x0  }
0x403: {  	[sflag:s7] =	ssyncadd.s32 $0xFFFF9C00  }
0x404: {  	[bflag:$0x0] =	sbarrier.arrive $0xFFFF  }
0x405: {  	s23 =	rddreg [dreg:$0x13]  }
0x406: {  	s24 =	sld [smem:$0x7E7]  }
0x407: {  	s0 =	sld [smem:$0x790]  }
0x408: {  	s4 =	sld [smem:$0x792]  }
0x409: {  	s17 =	sld [smem:$0x791]  }
0x40a: {  	s16 =	sld [smem:$0x793]  }
0x40b: {  	s13 =	sld [smem:$0x7FC]  }
0x40c: {  	[hbm4b:s23+s3] =	stream.strided.scatter [tilespmem:s30], [sflag:$0x2], $0x6400, s6, s3, $0x38;
	[tilespmem:$0x1BC28] =	vst v63  }
0x40d: {  	s20 =	rddreg [dreg:$0x14];
	p3 =	seq.s32 s24, $0x1  }
0x40e: {  	[spmem:s13@s16], [sflag:s4] =	dma.strided @!p3 [hbm:s20@s0], $0x1E850, s17, $0x10   }
0x40f: {  	s13 =	sld [smem:$0x794];
	_ =	sdelay $0x2  }
0x410: {  	_ =	swait.ge @!p3 [sflag:s13], $0x1E850  }
0x411: {  	[sflag:s13] =	ssyncset.done @!p3 $0x0  }
0x412: {  	[sflag:s13] =	ssyncadd.s32 @!p3 $0xFFFE17B0  }
0x413: {  	[bflag:$0x0] =	sbarrier.arrive $0xFFFF  }
0x414: {  	_ =	swait.ge [sflag:s5], $0x6400  }
0x415: {  	[sflag:s5] =	ssyncset.done $0x0  }
0x416: {  	[sflag:s5] =	ssyncadd.s32 $0xFFFF9C00  }
0x417: {  	s25 =	rddreg [dreg:$0x2]  }
0x418: {  	[tilespmem:s30], [sflag:$0x1] =	stream.indirect.gather [spmem:s25], $0x1, s1, s2, $0xb8;
	[tilespmem:$0x1BC28] =	vst v63  }
0x419: {  	_ =	swait.ge [sflag:s7], $0x6400  }
0x41a: {  	[sflag:s7] =	ssyncset.done $0x0  }
0x41b: {  	[sflag:s7] =	ssyncadd.s32 $0xFFFF9C00  }
0x41c: {  	[bflag:$0x0] =	sbarrier.arrive $0xFFFF  }
0x41d: {  	s26 =	rddreg [dreg:$0x15]  }
0x41e: {  	s29 =	sld [smem:$0x7E8]  }
0x41f: {  	s0 =	sld [smem:$0x795]  }
0x420: {  	s4 =	sld [smem:$0x797]  }
0x421: {  	s19 =	sld [smem:$0x796]  }
0x422: {  	s17 =	sld [smem:$0x798]  }
0x423: {  	s16 =	sld [smem:$0x7FB]  }
0x424: {  	[hbm4b:s26+s3] =	stream.strided.scatter [tilespmem:s30], [sflag:$0x2], $0x6400, s6, s3, $0x38;
	[tilespmem:$0x1BC28] =	vst v63  }
0x425: {  	s20 =	rddreg [dreg:$0x16];
	p3 =	seq.s32 s29, $0x1  }
0x426: {  	[spmem:s16@s17], [sflag:s4] =	dma.strided @!p3 [hbm:s20@s0], $0x1E850, s19, $0x10   }
0x427: {  	s16 =	sld [smem:$0x799];
	_ =	sdelay $0x2  }
0x428: {  	_ =	swait.ge @!p3 [sflag:s16], $0x1E850  }
0x429: {  	[sflag:s16] =	ssyncset.done @!p3 $0x0  }
0x42a: {  	[sflag:s16] =	ssyncadd.s32 @!p3 $0xFFFE17B0  }
0x42b: {  	[bflag:$0x0] =	sbarrier.arrive $0xFFFF  }
0x42c: {  	_ =	swait.ge [sflag:s5], $0x6400  }
0x42d: {  	[sflag:s5] =	ssyncset.done $0x0  }
0x42e: {  	[sflag:s5] =	ssyncadd.s32 $0xFFFF9C00  }
0x42f: {  	s4 =	rddreg [dreg:$0x2]  }
0x430: {  	[tilespmem:s30], [sflag:$0x1] =	stream.indirect.gather [spmem:s4], $0x1, s1, s2, $0xb8;
	[tilespmem:$0x1BC28] =	vst v63  }
0x431: {  	_ =	swait.ge [sflag:s7], $0x6400  }
0x432: {  	[sflag:s7] =	ssyncset.done $0x0  }
0x433: {  	[sflag:s7] =	ssyncadd.s32 $0xFFFF9C00  }
0x434: {  	[bflag:$0x0] =	sbarrier.arrive $0xFFFF  }
0x435: {  	s17 =	rddreg [dreg:$0x17]  }
0x436: {  	s19 =	sld [smem:$0x7E9]  }
0x437: {  	s0 =	sld [smem:$0x79A]  }
0x438: {  	s4 =	sld [smem:$0x79B]  }
0x439: {  	s22 =	sld [smem:$0x79C]  }
0x43a: {  	[hbm4b:s17+s3] =	stream.strided.scatter [tilespmem:s30], [sflag:$0x2], $0x6400, s6, s3, $0x38;
	[tilespmem:$0x1BC28] =	vst v63  }
0x43b: {  	s17 =	sld [smem:$0x7FA]  }
0x43c: {  	p3 =	seq.s32 s19, $0x1;
	s19 =	sld [smem:$0x79D];
	_ =	sdelay $0x1  }
0x43d: {  	s20 =	rddreg [dreg:$0x18]  }
0x43e: {  	[spmem:s17@s19], [sflag:s4] =	dma.strided @!p3 [hbm:s20@s0], $0x1E850, s22, $0x10   }
0x43f: {  	s17 =	sld [smem:$0x79E];
	_ =	sdelay $0x2  }
0x440: {  	_ =	swait.ge @!p3 [sflag:s17], $0x1E850  }
0x441: {  	[sflag:s17] =	ssyncset.done @!p3 $0x0  }
0x442: {  	[sflag:s17] =	ssyncadd.s32 @!p3 $0xFFFE17B0  }
0x443: {  	[bflag:$0x0] =	sbarrier.arrive $0xFFFF  }
0x444: {  	_ =	swait.ge [sflag:s5], $0x6400  }
0x445: {  	[sflag:s5] =	ssyncset.done $0x0  }
0x446: {  	[sflag:s5] =	ssyncadd.s32 $0xFFFF9C00  }
0x447: {  	s22 =	rddreg [dreg:$0x2]  }
0x448: {  	[tilespmem:s30], [sflag:$0x1] =	stream.indirect.gather [spmem:s22], $0x1, s1, s2, $0xb8;
	[tilespmem:$0x1BC28] =	vst v63  }
0x449: {  	_ =	swait.ge [sflag:s7], $0x6400  }
0x44a: {  	[sflag:s7] =	ssyncset.done $0x0  }
0x44b: {  	[sflag:s7] =	ssyncadd.s32 $0xFFFF9C00  }
0x44c: {  	[bflag:$0x0] =	sbarrier.arrive $0xFFFF  }
0x44d: {  	s23 =	rddreg [dreg:$0x19]  }
0x44e: {  	s24 =	sld [smem:$0x7EA]  }
0x44f: {  	s0 =	sld [smem:$0x79F]  }
0x450: {  	s4 =	sld [smem:$0x7A0]  }
0x451: {  	s22 =	sld [smem:$0x7A2]  }
0x452: {  	s19 =	sld [smem:$0x7A3]  }
0x453: {  	[hbm4b:s23+s3] =	stream.strided.scatter [tilespmem:s30], [sflag:$0x2], $0x6400, s6, s3, $0x38;
	[tilespmem:$0x1BC28] =	vst v63  }
0x454: {  	s23 =	sld [smem:$0x7A1];
	_ =	sdelay $0x1  }
0x455: {  	s20 =	rddreg [dreg:$0x1a];
	p6 =	seq.s32 s24, $0x1  }
0x456: {  	[spmem:s19@s22], [sflag:s4] =	dma.strided @!p6 [hbm:s20@s0], $0x1E850, s23, $0x10   }
0x457: {  	s22 =	sld [smem:$0x7A4];
	_ =	sdelay $0x2  }
0x458: {  	_ =	swait.ge @!p6 [sflag:s22], $0x1E850  }
0x459: {  	[sflag:s22] =	ssyncset.done @!p6 $0x0  }
0x45a: {  	[sflag:s22] =	ssyncadd.s32 @!p6 $0xFFFE17B0  }
0x45b: {  	[bflag:$0x0] =	sbarrier.arrive $0xFFFF  }
0x45c: {  	_ =	swait.ge [sflag:s5], $0x6400  }
0x45d: {  	[sflag:s5] =	ssyncset.done $0x0  }
0x45e: {  	[sflag:s5] =	ssyncadd.s32 $0xFFFF9C00  }
0x45f: {  	s25 =	rddreg [dreg:$0x2]  }
0x460: {  	[tilespmem:s30], [sflag:$0x1] =	stream.indirect.gather [spmem:s25], $0x1, s1, s2, $0xb8;
	[tilespmem:$0x1BC28] =	vst v63  }
0x461: {  	_ =	swait.ge [sflag:s7], $0x6400  }
0x462: {  	[sflag:s7] =	ssyncset.done $0x0  }
0x463: {  	[sflag:s7] =	ssyncadd.s32 $0xFFFF9C00  }
0x464: {  	[bflag:$0x0] =	sbarrier.arrive $0xFFFF  }
0x465: {  	s26 =	rddreg [dreg:$0x1b]  }
0x466: {  	s29 =	sld [smem:$0x7EB]  }
0x467: {  	s0 =	sld [smem:$0x7A5]  }
0x468: {  	s4 =	sld [smem:$0x7A6]  }
0x469: {  	s24 =	sld [smem:$0x7A7]  }
0x46a: {  	s23 =	sld [smem:$0x7A8]  }
0x46b: {  	s19 =	sld [smem:$0x7EC]  }
0x46c: {  	[hbm4b:s26+s3] =	stream.strided.scatter [tilespmem:s30], [sflag:$0x2], $0x6400, s6, s3, $0x38;
	[tilespmem:$0x1BC28] =	vst v63  }
0x46d: {  	s20 =	rddreg [dreg:$0x1c];
	p3 =	seq.s32 s29, $0x1  }
0x46e: {  	[spmem:s19@s23], [sflag:s4] =	dma.strided @!p3 [hbm:s20@s0], $0x1E850, s24, $0x10   }
0x46f: {  	s23 =	sld [smem:$0x7A9];
	_ =	sdelay $0x2  }
0x470: {  	_ =	swait.ge @!p3 [sflag:s23], $0x1E850  }
0x471: {  	[sflag:s23] =	ssyncset.done @!p3 $0x0  }
0x472: {  	[sflag:s23] =	ssyncadd.s32 @!p3 $0xFFFE17B0  }
0x473: {  	[bflag:$0x0] =	sbarrier.arrive $0xFFFF  }
0x474: {  	_ =	swait.ge [sflag:s5], $0x6400  }
0x475: {  	[sflag:s5] =	ssyncset.done $0x0  }
0x476: {  	[sflag:s5] =	ssyncadd.s32 $0xFFFF9C00  }
0x477: {  	s0 =	rddreg [dreg:$0x2]  }
0x478: {  	[tilespmem:s30], [sflag:$0x1] =	stream.indirect.gather [spmem:s0], $0x1, s1, s2, $0xb8;
	[tilespmem:$0x1BC28] =	vst v63  }
0x479: {  	_ =	swait.ge [sflag:s7], $0x6400  }
0x47a: {  	[sflag:s7] =	ssyncset.done $0x0  }
0x47b: {  	[sflag:s7] =	ssyncadd.s32 $0xFFFF9C00  }
0x47c: {  	[bflag:$0x0] =	sbarrier.arrive $0xFFFF  }
0x47d: {  	s4 =	rddreg [dreg:$0x1d]  }
0x47e: {  	s24 =	sld [smem:$0x7ED]  }
0x47f: {  	s0 =	sld [smem:$0x7AA]  }
0x480: {  	s25 =	sld [smem:$0x7AC]  }
0x481: {  	s19 =	sld [smem:$0x7F8]  }
0x482: {  	[hbm4b:s4+s3] =	stream.strided.scatter [tilespmem:s30], [sflag:$0x2], $0x6400, s6, s3, $0x38;
	[tilespmem:$0x1BC28] =	vst v63  }
0x483: {  	s4 =	sld [smem:$0x7AB]  }
0x484: {  	p3 =	seq.s32 s24, $0x1;
	s24 =	sld [smem:$0x7AD];
	_ =	sdelay $0x1  }
0x485: {  	s20 =	rddreg [dreg:$0x1e]  }
0x486: {  	[spmem:s19@s24], [sflag:s4] =	dma.strided @!p3 [hbm:s20@s0], $0x1E850, s25, $0x10   }
0x487: {  	s24 =	sld [smem:$0x7AE];
	_ =	sdelay $0x2  }
0x488: {  	_ =	swait.ge @!p3 [sflag:s24], $0x1E850  }
0x489: {  	[sflag:s24] =	ssyncset.done @!p3 $0x0  }
0x48a: {  	[sflag:s24] =	ssyncadd.s32 @!p3 $0xFFFE17B0  }
0x48b: {  	[bflag:$0x0] =	sbarrier.arrive $0xFFFF  }
0x48c: {  	_ =	swait.ge [sflag:s5], $0x6400  }
0x48d: {  	[sflag:s5] =	ssyncset.done $0x0  }
0x48e: {  	[sflag:s5] =	ssyncadd.s32 $0xFFFF9C00  }
0x48f: {  	s25 =	rddreg [dreg:$0x2]  }
0x490: {  	[tilespmem:s30], [sflag:$0x1] =	stream.indirect.gather [spmem:s25], $0x1, s1, s2, $0xb8;
	[tilespmem:$0x1BC28] =	vst v63  }
0x491: {  	_ =	swait.ge [sflag:s7], $0x6400  }
0x492: {  	[sflag:s7] =	ssyncset.done $0x0  }
0x493: {  	[sflag:s7] =	ssyncadd.s32 $0xFFFF9C00  }
0x494: {  	[bflag:$0x0] =	sbarrier.arrive $0xFFFF  }
0x495: {  	s26 =	rddreg [dreg:$0x1f]  }
0x496: {  	s20 =	sld [smem:$0x7BB]  }
0x497: {  	s29 =	sld [smem:$0x7EE]  }
0x498: {  	s0 =	sld [smem:$0x7AF]  }
0x499: {  	s4 =	sld [smem:$0x7B1]  }
0x49a: {  	s25 =	sld [smem:$0x7B2]  }
0x49b: {  	s19 =	sld [smem:$0x7F7]  }
0x49c: {  	[hbm4b:s26+s3] =	stream.strided.scatter [tilespmem:s30], [sflag:$0x2], $0x6400, s6, s3, $0x38;
	[tilespmem:$0x1BC28] =	vst v63  }
0x49d: {  	s26 =	sld [smem:$0x7B0];
	_ =	sdelay $0x1  }
0x49e: {  	p3 =	seq.s32 s29, $0x1  }
0x49f: {  	[spmem:s19@s25], [sflag:s26] =	dma.strided @!p3 [hbm:s20@s0], $0x1E850, s4, $0x10   }
0x4a0: {  	s25 =	sld [smem:$0x7B3];
	_ =	sdelay $0x2  }
0x4a1: {  	_ =	swait.ge @!p3 [sflag:s25], $0x1E850  }
0x4a2: {  	[sflag:s25] =	ssyncset.done @!p3 $0x0  }
0x4a3: {  	[sflag:s25] =	ssyncadd.s32 @!p3 $0xFFFE17B0  }
0x4a4: {  	[bflag:$0x0] =	sbarrier.arrive $0xFFFF  }
0x4a5: {  	_ =	swait.ge [sflag:s5], $0x6400  }
0x4a6: {  	[sflag:s5] =	ssyncset.done $0x0  }
0x4a7: {  	[sflag:s5] =	ssyncadd.s32 $0xFFFF9C00  }
0x4a8: {  	s0 =	rddreg [dreg:$0x2]  }
0x4a9: {  	[tilespmem:s30], [sflag:$0x1] =	stream.indirect.gather [spmem:s0], $0x1, s1, s2, $0xb8;
	[tilespmem:$0x1BC28] =	vst v63  }
0x4aa: {  	_ =	swait.ge [sflag:s7], $0x6400  }
0x4ab: {  	[sflag:s7] =	ssyncset.done $0x0  }
0x4ac: {  	[sflag:s7] =	ssyncadd.s32 $0xFFFF9C00  }
0x4ad: {  	[bflag:$0x0] =	sbarrier.arrive $0xFFFF  }
0x4ae: {  	s4 =	sld [smem:$0x7BC]  }
0x4af: {  	s20 =	sld [smem:$0x7BD]  }
0x4b0: {  	s26 =	sld [smem:$0x7EF]  }
0x4b1: {  	s0 =	sld [smem:$0x7B5]  }
0x4b2: {  	s29 =	sld [smem:$0x7B6]  }
0x4b3: {  	s19 =	sld [smem:$0x7F5]  }
0x4b4: {  	[hbm4b:s4+s3] =	stream.strided.scatter [tilespmem:s30], [sflag:$0x2], $0x6400, s6, s3, $0x38;
	[tilespmem:$0x1BC28] =	vst v63  }
0x4b5: {  	s4 =	sld [smem:$0x7B4]  }
0x4b6: {  	p3 =	seq.s32 s26, $0x1;
	s26 =	sld [smem:$0x7B7];
	_ =	sdelay $0x2  }
0x4b7: {  	[spmem:s19@s26], [sflag:s0] =	dma.strided @!p3 [hbm:s20@s4], $0x1E850, s29, $0x10   }
0x4b8: {  	s26 =	sld [smem:$0x7B8];
	_ =	sdelay $0x2  }
0x4b9: {  	_ =	swait.ge @!p3 [sflag:s26], $0x1E850  }
0x4ba: {  	[sflag:s26] =	ssyncset.done @!p3 $0x0  }
0x4bb: {  	[sflag:s26] =	ssyncadd.s32 @!p3 $0xFFFE17B0  }
0x4bc: {  	[bflag:$0x0] =	sbarrier.arrive $0xFFFF  }
0x4bd: {  	_ =	swait.ge [sflag:s5], $0x6400  }
0x4be: {  	[sflag:s5] =	ssyncset.done $0x0  }
0x4bf: {  	[sflag:s5] =	ssyncadd.s32 $0xFFFF9C00  }
0x4c0: {  	s29 =	rddreg [dreg:$0x2]  }
0x4c1: {  	[tilespmem:s30], [sflag:$0x1] =	stream.indirect.gather [spmem:s29], $0x1, s1, s2, $0xb8;
	[tilespmem:$0x1BC28] =	vst v63  }
0x4c2: {  	_ =	swait.ge [sflag:s7], $0x6400  }
0x4c3: {  	[sflag:s7] =	ssyncset.done $0x0  }
0x4c4: {  	[sflag:s7] =	ssyncadd.s32 $0xFFFF9C00  }
0x4c5: {  	[bflag:$0x0] =	sbarrier.arrive $0xFFFF  }
0x4c6: {  	s0 =	sld [smem:$0x7BE]  }
0x4c7: {  	s20 =	sld [smem:$0x7BF]  }
0x4c8: {  	s19 =	sld [smem:$0x769]  }
0x4c9: {  	s29 =	sld [smem:$0x7F0]  }
0x4ca: {  	[hbm4b:s0+s3] =	stream.strided.scatter [tilespmem:s30], [sflag:$0x2], $0x6400, s6, s3, $0x38;
	[tilespmem:$0x1BC28] =	vst v63  }
0x4cb: {  	s0 =	sld [smem:$0x768];
	_ =	sdelay $0x2  }
0x4cc: {  	[spmem:s29@s31], [sflag:s0] =	dma.strided @!p2 [hbm:s20@s19], $0x1E850, s28, $0x10   }
0x4cd: {  	_ =	swait.ge @!p2 [sflag:s21], $0x1E850  }
0x4ce: {  	[sflag:s21] =	ssyncset.done @!p2 $0x0  }
0x4cf: {  	[sflag:s21] =	ssyncadd.s32 @!p2 $0xFFFE17B0  }
0x4d0: {  	[bflag:$0x0] =	sbarrier.arrive $0xFFFF  }
0x4d1: {  	_ =	swait.ge [sflag:s5], $0x6400  }
0x4d2: {  	[sflag:s5] =	ssyncset.done $0x0  }
0x4d3: {  	[sflag:s5] =	ssyncadd.s32 $0xFFFF9C00  }
0x4d4: {  	s20 =	rddreg [dreg:$0x2]  }
0x4d5: {  	[tilespmem:s30], [sflag:$0x1] =	stream.indirect.gather [spmem:s20], $0x1, s1, s2, $0xb8;
	[tilespmem:$0x1BC28] =	vst v63  }
0x4d6: {  	_ =	swait.ge [sflag:s7], $0x6400  }
0x4d7: {  	[sflag:s7] =	ssyncset.done $0x0  }
0x4d8: {  	[sflag:s7] =	ssyncadd.s32 $0xFFFF9C00  }
0x4d9: {  	[bflag:$0x0] =	sbarrier.arrive $0xFFFF  }
0x4da: {  	s21 =	sld [smem:$0x7C0]  }
0x4db: {  	s20 =	sld [smem:$0x7C1]  }
0x4dc: {  	s0 =	sld [smem:$0x76D]  }
0x4dd: {  	s19 =	sld [smem:$0x76F]  }
0x4de: {  	s28 =	sld [smem:$0x770]  }
0x4df: {  	s31 =	sld [smem:$0x7F4]  }
0x4e0: {  	[hbm4b:s21+s3] =	stream.strided.scatter [tilespmem:s30], [sflag:$0x2], $0x6400, s6, s3, $0x38;
	[tilespmem:$0x1BC28] =	vst v63  }
0x4e1: {  	s21 =	sld [smem:$0x76E];
	_ =	sdelay $0x2  }
0x4e2: {  	[spmem:s31@s28], [sflag:s19] =	dma.strided @!p0 [hbm:s20@s0], $0x1E850, s21, $0x10   }
0x4e3: {  	_ =	swait.ge @!p0 [sflag:s15], $0x1E850  }
0x4e4: {  	[sflag:s15] =	ssyncset.done @!p0 $0x0  }
0x4e5: {  	[sflag:s15] =	ssyncadd.s32 @!p0 $0xFFFE17B0  }
0x4e6: {  	[bflag:$0x0] =	sbarrier.arrive $0xFFFF  }
0x4e7: {  	_ =	swait.ge [sflag:s5], $0x6400  }
0x4e8: {  	[sflag:s5] =	ssyncset.done $0x0  }
0x4e9: {  	[sflag:s5] =	ssyncadd.s32 $0xFFFF9C00  }
0x4ea: {  	s28 =	rddreg [dreg:$0x2]  }
0x4eb: {  	[tilespmem:s30], [sflag:$0x1] =	stream.indirect.gather [spmem:s28], $0x1, s1, s2, $0xb8;
	[tilespmem:$0x1BC28] =	vst v63  }
0x4ec: {  	_ =	swait.ge [sflag:s7], $0x6400  }
0x4ed: {  	[sflag:s7] =	ssyncset.done $0x0  }
0x4ee: {  	[sflag:s7] =	ssyncadd.s32 $0xFFFF9C00  }
0x4ef: {  	[bflag:$0x0] =	sbarrier.arrive $0xFFFF  }
0x4f0: {  	s29 =	sld [smem:$0x7C2]  }
0x4f1: {  	s20 =	sld [smem:$0x7C3]  }
0x4f2: {  	s15 =	sld [smem:$0x774]  }
0x4f3: {  	s0 =	sld [smem:$0x772]  }
0x4f4: {  	s21 =	sld [smem:$0x773]  }
0x4f5: {  	s19 =	sld [smem:$0x775]  }
0x4f6: {  	s31 =	sld [smem:$0x7E1]  }
0x4f7: {  	s28 =	sld [smem:$0x7F3]  }
0x4f8: {  	[hbm4b:s29+s3] =	stream.strided.scatter [tilespmem:s30], [sflag:$0x2], $0x6400, s6, s3, $0x38;
	[tilespmem:$0x1BC28] =	vst v63  }
0x4f9: {  	p0 =	seq.s32 s31, $0x1  }
0x4fa: {  	[spmem:s28@s19], [sflag:s0] =	dma.strided @!p0 [hbm:s20@s15], $0x1E850, s21, $0x10   }
0x4fb: {  	_ =	swait.ge @!p0 [sflag:s14], $0x1E850  }
0x4fc: {  	[sflag:s14] =	ssyncset.done @!p0 $0x0  }
0x4fd: {  	[sflag:s14] =	ssyncadd.s32 @!p0 $0xFFFE17B0  }
0x4fe: {  	[bflag:$0x0] =	sbarrier.arrive $0xFFFF  }
0x4ff: {  	_ =	swait.ge [sflag:s5], $0x6400  }
0x500: {  	[sflag:s5] =	ssyncset.done $0x0  }
0x501: {  	[sflag:s5] =	ssyncadd.s32 $0xFFFF9C00  }
0x502: {  	s21 =	rddreg [dreg:$0x2]  }
0x503: {  	[tilespmem:s30], [sflag:$0x1] =	stream.indirect.gather [spmem:s21], $0x1, s1, s2, $0xb8;
	[tilespmem:$0x1BC28] =	vst v63  }
0x504: {  	_ =	swait.ge [sflag:s7], $0x6400  }
0x505: {  	[sflag:s7] =	ssyncset.done $0x0  }
0x506: {  	[sflag:s7] =	ssyncadd.s32 $0xFFFF9C00  }
0x507: {  	[bflag:$0x0] =	sbarrier.arrive $0xFFFF  }
0x508: {  	s28 =	sld [smem:$0x7C4]  }
0x509: {  	s20 =	sld [smem:$0x7C5]  }
0x50a: {  	s1 =	sld [smem:$0x779]  }
0x50b: {  	s0 =	sld [smem:$0x77A]  }
0x50c: {  	s15 =	sld [smem:$0x777]  }
0x50d: {  	s14 =	sld [smem:$0x778]  }
0x50e: {  	s29 =	sld [smem:$0x7E2]  }
0x50f: {  	s19 =	sld [smem:$0x7F2]  }
0x510: {  	[hbm4b:s28+s3] =	stream.strided.scatter [tilespmem:s30], [sflag:$0x2], $0x6400, s6, s3, $0x38;
	[tilespmem:$0x1BC28] =	vst v63  }
0x511: {  	p0 =	seq.s32 s29, $0x1  }
0x512: {  	[spmem:s19@s14], [sflag:s0] =	dma.strided @!p0 [hbm:s20@s1], $0x1E850, s15, $0x10   }
0x513: {  	_ =	swait.ge @!p0 [sflag:s18], $0x1E850  }
0x514: {  	[sflag:s18] =	ssyncset.done @!p0 $0x0  }
0x515: {  	[sflag:s18] =	ssyncadd.s32 @!p0 $0xFFFE17B0  }
0x516: {  	[bflag:$0x0] =	sbarrier.arrive $0xFFFF  }
0x517: {  	_ =	swait.ge [sflag:s5], $0x6400  }
0x518: {  	[sflag:s5] =	ssyncset.done $0x0  }
0x519: {  	[sflag:s5] =	ssyncadd.s32 $0xFFFF9C00  }
0x51a: {  	s6 =	simm.s32 $0xF428;
	s31 =	rddreg [dreg:$0x2]  }
0x51b: {  	[tilespmem:s30], [sflag:$0x1] =	stream.indirect.gather [spmem:s31], $0x1, s6, s2, $0xb8;
	[tilespmem:$0x1BC28] =	vst v63  }
0x51c: {  	s0 =	sld [smem:$0x765];
	_ =	swait.ge [sflag:s7], $0x6400  }
0x51d: {  	[sflag:s7] =	ssyncset.done $0x0  }
0x51e: {  	[sflag:s7] =	ssyncadd.s32 $0xFFFF9C00  }
0x51f: {  	[bflag:$0x0] =	sbarrier.arrive $0xFFFF  }
0x520: {  	s1 =	sld [smem:$0x7C6]  }
0x521: {  	s20 =	sld [smem:$0x7C7]  }
0x522: {  	s14 =	sld [smem:$0x77C]  }
0x523: {  	s15 =	sld [smem:$0x77E]  }
0x524: {  	s3 =	simm.s32 $0x400;
	s2 =	simm.s32 $0x80;
	s18 =	sld [smem:$0x7F1]  }
0x525: {  	[hbm4b:s1+s2] =	stream.strided.scatter [tilespmem:s30], [sflag:$0x2], $0x6400, s3, s2, $0x38;
	[tilespmem:$0x1BC28] =	vst v63  }
0x526: {  	s1 =	sld [smem:$0x77F];
	_ =	sdelay $0x2  }
0x527: {  	[spmem:s18@s8], [sflag:s14] =	dma.strided @!p5 [hbm:s20@s1], $0x1E850, s15, $0x10   }
0x528: {  	s1 =	rddreg [dreg:$0x2];
	_ =	swait.ge @!p5 [sflag:s9], $0x1E850  }
0x529: {  	[sflag:s9] =	ssyncset.done @!p5 $0x0  }
0x52a: {  	[sflag:s9] =	ssyncadd.s32 @!p5 $0xFFFE17B0  }
0x52b: {  	[bflag:$0x0] =	sbarrier.arrive $0xFFFF  }
0x52c: {  	_ =	swait.ge [sflag:s5], $0x6400  }
0x52d: {  	[sflag:s5] =	ssyncset.done $0x0  }
0x52e: {  	s8 =	simm.s32 $0x6400;
	[sflag:s5] =	ssyncadd.s32 $0xFFFF9C00  }
0x52f: {  	[tilespmem:s30], [sflag:$0x1] =	stream.indirect.gather [spmem:s1], $0x1, s6, s8, $0xb8;
	[tilespmem:$0x1BC28] =	vst v63  }
0x530: {  	_ =	swait.ge [sflag:s7], $0x6400  }
0x531: {  	[sflag:s7] =	ssyncset.done $0x0  }
0x532: {  	[sflag:s7] =	ssyncadd.s32 $0xFFFF9C00  }
0x533: {  	[bflag:$0x0] =	sbarrier.arrive $0xFFFF  }
0x534: {  	s14 =	sld [smem:$0x7C8]  }
0x535: {  	s20 =	sld [smem:$0x7C9]  }
0x536: {  	s9 =	sld [smem:$0x782]  }
0x537: {  	s15 =	sld [smem:$0x783]  }
0x538: {  	s19 =	sld [smem:$0x784]  }
0x539: {  	s18 =	sld [smem:$0x7F6]  }
0x53a: {  	[hbm4b:s14+s2] =	stream.strided.scatter [tilespmem:s30], [sflag:$0x2], $0x6400, s3, s2, $0x38;
	[tilespmem:$0x1BC28] =	vst v63  }
0x53b: {  	s14 =	sld [smem:$0x781];
	_ =	sdelay $0x2  }
0x53c: {  	[spmem:s18@s19], [sflag:s9] =	dma.strided @!p4 [hbm:s20@s14], $0x1E850, s15, $0x10   }
0x53d: {  	_ =	swait.ge @!p4 [sflag:s10], $0x1E850  }
0x53e: {  	[sflag:s10] =	ssyncset.done @!p4 $0x0  }
0x53f: {  	[sflag:s10] =	ssyncadd.s32 @!p4 $0xFFFE17B0  }
0x540: {  	[bflag:$0x0] =	sbarrier.arrive $0xFFFF  }
0x541: {  	_ =	swait.ge [sflag:s5], $0x6400  }
0x542: {  	[sflag:s5] =	ssyncset.done $0x0  }
0x543: {  	[sflag:s5] =	ssyncadd.s32 $0xFFFF9C00  }
0x544: {  	[tilespmem:s30], [sflag:$0x1] =	stream.indirect.gather [spmem:s1], $0x1, s6, s8, $0xb8;
	[tilespmem:$0x1BC28] =	vst v63  }
0x545: {  	_ =	swait.ge [sflag:s7], $0x6400  }
0x546: {  	[sflag:s7] =	ssyncset.done $0x0  }
0x547: {  	[sflag:s7] =	ssyncadd.s32 $0xFFFF9C00  }
0x548: {  	[bflag:$0x0] =	sbarrier.arrive $0xFFFF  }
0x549: {  	s15 =	sld [smem:$0x7CA]  }
0x54a: {  	s20 =	sld [smem:$0x7CB]  }
0x54b: {  	s10 =	sld [smem:$0x786]  }
0x54c: {  	s9 =	sld [smem:$0x787]  }
0x54d: {  	s14 =	sld [smem:$0x788]  }
0x54e: {  	s18 =	sld [smem:$0x789]  }
0x54f: {  	[hbm4b:s15+s2] =	stream.strided.scatter [tilespmem:s30], [sflag:$0x2], $0x6400, s3, s2, $0x38;
	[tilespmem:$0x1BC28] =	vst v63  }
0x550: {  	s15 =	sld [smem:$0x7F9];
	_ =	sdelay $0x2  }
0x551: {  	[spmem:s15@s18], [sflag:s9] =	dma.strided @!p1 [hbm:s20@s10], $0x1E850, s14, $0x10   }
0x552: {  	_ =	swait.ge @!p1 [sflag:s11], $0x1E850  }
0x553: {  	[sflag:s11] =	ssyncset.done @!p1 $0x0  }
0x554: {  	[sflag:s11] =	ssyncadd.s32 @!p1 $0xFFFE17B0  }
0x555: {  	[bflag:$0x0] =	sbarrier.arrive $0xFFFF  }
0x556: {  	_ =	swait.ge [sflag:s5], $0x6400  }
0x557: {  	[sflag:s5] =	ssyncset.done $0x0  }
0x558: {  	[sflag:s5] =	ssyncadd.s32 $0xFFFF9C00  }
0x559: {  	[tilespmem:s30], [sflag:$0x1] =	stream.indirect.gather [spmem:s1], $0x1, s6, s8, $0xb8;
	[tilespmem:$0x1BC28] =	vst v63  }
0x55a: {  	_ =	swait.ge [sflag:s7], $0x6400  }
0x55b: {  	[sflag:s7] =	ssyncset.done $0x0  }
0x55c: {  	[sflag:s7] =	ssyncadd.s32 $0xFFFF9C00  }
0x55d: {  	[bflag:$0x0] =	sbarrier.arrive $0xFFFF  }
0x55e: {  	s18 =	sld [smem:$0x7CC]  }
0x55f: {  	s20 =	sld [smem:$0x7CD]  }
0x560: {  	s9 =	sld [smem:$0x78B]  }
0x561: {  	s11 =	sld [smem:$0x78D]  }
0x562: {  	s10 =	sld [smem:$0x78C]  }
0x563: {  	s14 =	sld [smem:$0x78E]  }
0x564: {  	s19 =	sld [smem:$0x7E6]  }
0x565: {  	s15 =	sld [smem:$0x7FD]  }
0x566: {  	[hbm4b:s18+s2] =	stream.strided.scatter [tilespmem:s30], [sflag:$0x2], $0x6400, s3, s2, $0x38;
	[tilespmem:$0x1BC28] =	vst v63  }
0x567: {  	p0 =	seq.s32 s19, $0x1  }
0x568: {  	[spmem:s15@s14], [sflag:s11] =	dma.strided @!p0 [hbm:s20@s9], $0x1E850, s10, $0x10   }
0x569: {  	_ =	swait.ge @!p0 [sflag:s12], $0x1E850  }
0x56a: {  	[sflag:s12] =	ssyncset.done @!p0 $0x0  }
0x56b: {  	[sflag:s12] =	ssyncadd.s32 @!p0 $0xFFFE17B0  }
0x56c: {  	[bflag:$0x0] =	sbarrier.arrive $0xFFFF  }
0x56d: {  	_ =	swait.ge [sflag:s5], $0x6400  }
0x56e: {  	[sflag:s5] =	ssyncset.done $0x0  }
0x56f: {  	[sflag:s5] =	ssyncadd.s32 $0xFFFF9C00  }
0x570: {  	[tilespmem:s30], [sflag:$0x1] =	stream.indirect.gather [spmem:s1], $0x1, s6, s8, $0xb8;
	[tilespmem:$0x1BC28] =	vst v63  }
0x571: {  	_ =	swait.ge [sflag:s7], $0x6400  }
0x572: {  	[sflag:s7] =	ssyncset.done $0x0  }
0x573: {  	[sflag:s7] =	ssyncadd.s32 $0xFFFF9C00  }
0x574: {  	[bflag:$0x0] =	sbarrier.arrive $0xFFFF  }
0x575: {  	s21 =	sld [smem:$0x7CE]  }
0x576: {  	s20 =	sld [smem:$0x7CF]  }
0x577: {  	s9 =	sld [smem:$0x790]  }
0x578: {  	s11 =	sld [smem:$0x792]  }
0x579: {  	s10 =	sld [smem:$0x791]  }
0x57a: {  	s12 =	sld [smem:$0x793]  }
0x57b: {  	s28 =	sld [smem:$0x7E7]  }
0x57c: {  	s14 =	sld [smem:$0x7FC]  }
0x57d: {  	[hbm4b:s21+s2] =	stream.strided.scatter [tilespmem:s30], [sflag:$0x2], $0x6400, s3, s2, $0x38;
	[tilespmem:$0x1BC28] =	vst v63  }
0x57e: {  	p0 =	seq.s32 s28, $0x1  }
0x57f: {  	[spmem:s14@s12], [sflag:s11] =	dma.strided @!p0 [hbm:s20@s9], $0x1E850, s10, $0x10   }
0x580: {  	_ =	swait.ge @!p0 [sflag:s13], $0x1E850  }
0x581: {  	[sflag:s13] =	ssyncset.done @!p0 $0x0  }
0x582: {  	[sflag:s13] =	ssyncadd.s32 @!p0 $0xFFFE17B0  }
0x583: {  	[bflag:$0x0] =	sbarrier.arrive $0xFFFF  }
0x584: {  	_ =	swait.ge [sflag:s5], $0x6400  }
0x585: {  	[sflag:s5] =	ssyncset.done $0x0  }
0x586: {  	[sflag:s5] =	ssyncadd.s32 $0xFFFF9C00  }
0x587: {  	[tilespmem:s30], [sflag:$0x1] =	stream.indirect.gather [spmem:s1], $0x1, s6, s8, $0xb8;
	[tilespmem:$0x1BC28] =	vst v63  }
0x588: {  	_ =	swait.ge [sflag:s7], $0x6400  }
0x589: {  	[sflag:s7] =	ssyncset.done $0x0  }
0x58a: {  	[sflag:s7] =	ssyncadd.s32 $0xFFFF9C00  }
0x58b: {  	[bflag:$0x0] =	sbarrier.arrive $0xFFFF  }
0x58c: {  	s29 =	sld [smem:$0x7D0]  }
0x58d: {  	s20 =	sld [smem:$0x7D1]  }
0x58e: {  	s9 =	sld [smem:$0x795]  }
0x58f: {  	s11 =	sld [smem:$0x797]  }
0x590: {  	s10 =	sld [smem:$0x796]  }
0x591: {  	s12 =	sld [smem:$0x798]  }
0x592: {  	s31 =	sld [smem:$0x7E8]  }
0x593: {  	s13 =	sld [smem:$0x7FB]  }
0x594: {  	[hbm4b:s29+s2] =	stream.strided.scatter [tilespmem:s30], [sflag:$0x2], $0x6400, s3, s2, $0x38;
	[tilespmem:$0x1BC28] =	vst v63  }
0x595: {  	p0 =	seq.s32 s31, $0x1  }
0x596: {  	[spmem:s13@s12], [sflag:s11] =	dma.strided @!p0 [hbm:s20@s9], $0x1E850, s10, $0x10   }
0x597: {  	_ =	swait.ge @!p0 [sflag:s16], $0x1E850  }
0x598: {  	[sflag:s16] =	ssyncset.done @!p0 $0x0  }
0x599: {  	[sflag:s16] =	ssyncadd.s32 @!p0 $0xFFFE17B0  }
0x59a: {  	[bflag:$0x0] =	sbarrier.arrive $0xFFFF  }
0x59b: {  	_ =	swait.ge [sflag:s5], $0x6400  }
0x59c: {  	[sflag:s5] =	ssyncset.done $0x0  }
0x59d: {  	[sflag:s5] =	ssyncadd.s32 $0xFFFF9C00  }
0x59e: {  	[tilespmem:s30], [sflag:$0x1] =	stream.indirect.gather [spmem:s1], $0x1, s6, s8, $0xb8;
	[tilespmem:$0x1BC28] =	vst v63  }
0x59f: {  	_ =	swait.ge [sflag:s7], $0x6400  }
0x5a0: {  	[sflag:s7] =	ssyncset.done $0x0  }
0x5a1: {  	[sflag:s7] =	ssyncadd.s32 $0xFFFF9C00  }
0x5a2: {  	[bflag:$0x0] =	sbarrier.arrive $0xFFFF  }
0x5a3: {  	s15 =	sld [smem:$0x7D2]  }
0x5a4: {  	s20 =	sld [smem:$0x7D3]  }
0x5a5: {  	s9 =	sld [smem:$0x79A]  }
0x5a6: {  	s11 =	sld [smem:$0x79B]  }
0x5a7: {  	s10 =	sld [smem:$0x79C]  }
0x5a8: {  	s12 =	sld [smem:$0x79D]  }
0x5a9: {  	s16 =	sld [smem:$0x7E9]  }
0x5aa: {  	s13 =	sld [smem:$0x7FA]  }
0x5ab: {  	[hbm4b:s15+s2] =	stream.strided.scatter [tilespmem:s30], [sflag:$0x2], $0x6400, s3, s2, $0x38;
	[tilespmem:$0x1BC28] =	vst v63  }
0x5ac: {  	p0 =	seq.s32 s16, $0x1  }
0x5ad: {  	[spmem:s13@s12], [sflag:s11] =	dma.strided @!p0 [hbm:s20@s9], $0x1E850, s10, $0x10   }
0x5ae: {  	_ =	swait.ge @!p0 [sflag:s17], $0x1E850  }
0x5af: {  	[sflag:s17] =	ssyncset.done @!p0 $0x0  }
0x5b0: {  	[sflag:s17] =	ssyncadd.s32 @!p0 $0xFFFE17B0  }
0x5b1: {  	[bflag:$0x0] =	sbarrier.arrive $0xFFFF  }
0x5b2: {  	_ =	swait.ge [sflag:s5], $0x6400  }
0x5b3: {  	[sflag:s5] =	ssyncset.done $0x0  }
0x5b4: {  	[sflag:s5] =	ssyncadd.s32 $0xFFFF9C00  }
0x5b5: {  	[tilespmem:s30], [sflag:$0x1] =	stream.indirect.gather [spmem:s1], $0x1, s6, s8, $0xb8;
	[tilespmem:$0x1BC28] =	vst v63  }
0x5b6: {  	_ =	swait.ge [sflag:s7], $0x6400  }
0x5b7: {  	[sflag:s7] =	ssyncset.done $0x0  }
0x5b8: {  	[sflag:s7] =	ssyncadd.s32 $0xFFFF9C00  }
0x5b9: {  	[bflag:$0x0] =	sbarrier.arrive $0xFFFF  }
0x5ba: {  	s17 =	sld [smem:$0x7D4]  }
0x5bb: {  	s20 =	sld [smem:$0x7D5]  }
0x5bc: {  	s9 =	sld [smem:$0x79F]  }
0x5bd: {  	s11 =	sld [smem:$0x7A0]  }
0x5be: {  	s10 =	sld [smem:$0x7A1]  }
0x5bf: {  	s12 =	sld [smem:$0x7A2]  }
0x5c0: {  	s13 =	sld [smem:$0x7A3];
	_ =	sdelay $0x1  }
0x5c1: {  	[hbm4b:s17+s2] =	stream.strided.scatter [tilespmem:s30], [sflag:$0x2], $0x6400, s3, s2, $0x38;
	[tilespmem:$0x1BC28] =	vst v63  }
0x5c2: {  	[spmem:s13@s12], [sflag:s11] =	dma.strided @!p6 [hbm:s20@s9], $0x1E850, s10, $0x10   }
0x5c3: {  	_ =	swait.ge @!p6 [sflag:s22], $0x1E850  }
0x5c4: {  	[sflag:s22] =	ssyncset.done @!p6 $0x0  }
0x5c5: {  	[sflag:s22] =	ssyncadd.s32 @!p6 $0xFFFE17B0  }
0x5c6: {  	[bflag:$0x0] =	sbarrier.arrive $0xFFFF  }
0x5c7: {  	_ =	swait.ge [sflag:s5], $0x6400  }
0x5c8: {  	[sflag:s5] =	ssyncset.done $0x0  }
0x5c9: {  	[sflag:s5] =	ssyncadd.s32 $0xFFFF9C00  }
0x5ca: {  	[tilespmem:s30], [sflag:$0x1] =	stream.indirect.gather [spmem:s1], $0x1, s6, s8, $0xb8;
	[tilespmem:$0x1BC28] =	vst v63  }
0x5cb: {  	_ =	swait.ge [sflag:s7], $0x6400  }
0x5cc: {  	[sflag:s7] =	ssyncset.done $0x0  }
0x5cd: {  	[sflag:s7] =	ssyncadd.s32 $0xFFFF9C00  }
0x5ce: {  	[bflag:$0x0] =	sbarrier.arrive $0xFFFF  }
0x5cf: {  	s18 =	sld [smem:$0x7D6]  }
0x5d0: {  	s20 =	sld [smem:$0x7D7]  }
0x5d1: {  	s9 =	sld [smem:$0x7A5]  }
0x5d2: {  	s11 =	sld [smem:$0x7A6]  }
0x5d3: {  	s10 =	sld [smem:$0x7A7]  }
0x5d4: {  	s12 =	sld [smem:$0x7A8]  }
0x5d5: {  	s19 =	sld [smem:$0x7EB]  }
0x5d6: {  	s13 =	sld [smem:$0x7EC]  }
0x5d7: {  	[hbm4b:s18+s2] =	stream.strided.scatter [tilespmem:s30], [sflag:$0x2], $0x6400, s3, s2, $0x38;
	[tilespmem:$0x1BC28] =	vst v63  }
0x5d8: {  	p0 =	seq.s32 s19, $0x1  }
0x5d9: {  	[spmem:s13@s12], [sflag:s11] =	dma.strided @!p0 [hbm:s20@s9], $0x1E850, s10, $0x10   }
0x5da: {  	_ =	swait.ge @!p0 [sflag:s23], $0x1E850  }
0x5db: {  	[sflag:s23] =	ssyncset.done @!p0 $0x0  }
0x5dc: {  	[sflag:s23] =	ssyncadd.s32 @!p0 $0xFFFE17B0  }
0x5dd: {  	[bflag:$0x0] =	sbarrier.arrive $0xFFFF  }
0x5de: {  	_ =	swait.ge [sflag:s5], $0x6400  }
0x5df: {  	[sflag:s5] =	ssyncset.done $0x0  }
0x5e0: {  	[sflag:s5] =	ssyncadd.s32 $0xFFFF9C00  }
0x5e1: {  	[tilespmem:s30], [sflag:$0x1] =	stream.indirect.gather [spmem:s1], $0x1, s6, s8, $0xb8;
	[tilespmem:$0x1BC28] =	vst v63  }
0x5e2: {  	_ =	swait.ge [sflag:s7], $0x6400  }
0x5e3: {  	[sflag:s7] =	ssyncset.done $0x0  }
0x5e4: {  	[sflag:s7] =	ssyncadd.s32 $0xFFFF9C00  }
0x5e5: {  	[bflag:$0x0] =	sbarrier.arrive $0xFFFF  }
0x5e6: {  	s21 =	sld [smem:$0x7D8]  }
0x5e7: {  	s20 =	sld [smem:$0x7D9]  }
0x5e8: {  	s9 =	sld [smem:$0x7AA]  }
0x5e9: {  	s11 =	sld [smem:$0x7AB]  }
0x5ea: {  	s10 =	sld [smem:$0x7AC]  }
0x5eb: {  	s12 =	sld [smem:$0x7AD]  }
0x5ec: {  	s22 =	sld [smem:$0x7ED]  }
0x5ed: {  	s13 =	sld [smem:$0x7F8]  }
0x5ee: {  	[hbm4b:s21+s2] =	stream.strided.scatter [tilespmem:s30], [sflag:$0x2], $0x6400, s3, s2, $0x38;
	[tilespmem:$0x1BC28] =	vst v63  }
0x5ef: {  	p0 =	seq.s32 s22, $0x1  }
0x5f0: {  	[spmem:s13@s12], [sflag:s11] =	dma.strided @!p0 [hbm:s20@s9], $0x1E850, s10, $0x10   }
0x5f1: {  	_ =	swait.ge @!p0 [sflag:s24], $0x1E850  }
0x5f2: {  	[sflag:s24] =	ssyncset.done @!p0 $0x0  }
0x5f3: {  	[sflag:s24] =	ssyncadd.s32 @!p0 $0xFFFE17B0  }
0x5f4: {  	[bflag:$0x0] =	sbarrier.arrive $0xFFFF  }
0x5f5: {  	_ =	swait.ge [sflag:s5], $0x6400  }
0x5f6: {  	[sflag:s5] =	ssyncset.done $0x0  }
0x5f7: {  	[sflag:s5] =	ssyncadd.s32 $0xFFFF9C00  }
0x5f8: {  	[tilespmem:s30], [sflag:$0x1] =	stream.indirect.gather [spmem:s1], $0x1, s6, s8, $0xb8;
	[tilespmem:$0x1BC28] =	vst v63  }
0x5f9: {  	_ =	swait.ge [sflag:s7], $0x6400  }
0x5fa: {  	[sflag:s7] =	ssyncset.done $0x0  }
0x5fb: {  	[sflag:s7] =	ssyncadd.s32 $0xFFFF9C00  }
0x5fc: {  	[bflag:$0x0] =	sbarrier.arrive $0xFFFF  }
0x5fd: {  	s23 =	sld [smem:$0x7DA]  }
0x5fe: {  	s20 =	sld [smem:$0x7DB]  }
0x5ff: {  	s9 =	sld [smem:$0x7AF]  }
0x600: {  	s11 =	sld [smem:$0x7B0]  }
0x601: {  	s10 =	sld [smem:$0x7B1]  }
0x602: {  	s12 =	sld [smem:$0x7B2]  }
0x603: {  	s24 =	sld [smem:$0x7EE]  }
0x604: {  	s13 =	sld [smem:$0x7F7]  }
0x605: {  	[hbm4b:s23+s2] =	stream.strided.scatter [tilespmem:s30], [sflag:$0x2], $0x6400, s3, s2, $0x38;
	[tilespmem:$0x1BC28] =	vst v63  }
0x606: {  	p0 =	seq.s32 s24, $0x1  }
0x607: {  	[spmem:s13@s12], [sflag:s11] =	dma.strided @!p0 [hbm:s20@s9], $0x1E850, s10, $0x10   }
0x608: {  	_ =	swait.ge @!p0 [sflag:s25], $0x1E850  }
0x609: {  	[sflag:s25] =	ssyncset.done @!p0 $0x0  }
0x60a: {  	[sflag:s25] =	ssyncadd.s32 @!p0 $0xFFFE17B0  }
0x60b: {  	[bflag:$0x0] =	sbarrier.arrive $0xFFFF  }
0x60c: {  	_ =	swait.ge [sflag:s5], $0x6400  }
0x60d: {  	[sflag:s5] =	ssyncset.done $0x0  }
0x60e: {  	[sflag:s5] =	ssyncadd.s32 $0xFFFF9C00  }
0x60f: {  	[tilespmem:s30], [sflag:$0x1] =	stream.indirect.gather [spmem:s1], $0x1, s6, s8, $0xb8;
	[tilespmem:$0x1BC28] =	vst v63  }
0x610: {  	_ =	swait.ge [sflag:s7], $0x6400  }
0x611: {  	[sflag:s7] =	ssyncset.done $0x0  }
0x612: {  	[sflag:s7] =	ssyncadd.s32 $0xFFFF9C00  }
0x613: {  	[bflag:$0x0] =	sbarrier.arrive $0xFFFF  }
0x614: {  	s28 =	sld [smem:$0x7DC]  }
0x615: {  	s20 =	sld [smem:$0x7DD]  }
0x616: {  	s11 =	sld [smem:$0x7B5]  }
0x617: {  	s10 =	sld [smem:$0x7B6]  }
0x618: {  	s12 =	sld [smem:$0x7B7]  }
0x619: {  	s13 =	sld [smem:$0x7F5];
	_ =	sdelay $0x1  }
0x61a: {  	[hbm4b:s28+s2] =	stream.strided.scatter [tilespmem:s30], [sflag:$0x2], $0x6400, s3, s2, $0x38;
	[tilespmem:$0x1BC28] =	vst v63  }
0x61b: {  	[spmem:s13@s12], [sflag:s11] =	dma.strided @!p3 [hbm:s20@s4], $0x1E850, s10, $0x10   }
0x61c: {  	_ =	swait.ge @!p3 [sflag:s26], $0x1E850  }
0x61d: {  	[sflag:s26] =	ssyncset.done @!p3 $0x0  }
0x61e: {  	[sflag:s26] =	ssyncadd.s32 @!p3 $0xFFFE17B0  }
0x61f: {  	[bflag:$0x0] =	sbarrier.arrive $0xFFFF  }
0x620: {  	_ =	swait.ge [sflag:s5], $0x6400  }
0x621: {  	[sflag:s5] =	ssyncset.done $0x0  }
0x622: {  	[sflag:s5] =	ssyncadd.s32 $0xFFFF9C00  }
0x623: {  	[tilespmem:s30], [sflag:$0x1] =	stream.indirect.gather [spmem:s1], $0x1, s6, s8, $0xb8;
	[tilespmem:$0x1BC28] =	vst v63  }
0x624: {  	_ =	swait.ge [sflag:s7], $0x6400  }
0x625: {  	[sflag:s7] =	ssyncset.done $0x0  }
0x626: {  	[sflag:s7] =	ssyncadd.s32 $0xFFFF9C00  }
0x627: {  	[bflag:$0x0] =	sbarrier.arrive $0xFFFF  }
0x628: {  	s29 =	sld [smem:$0x7DE];
	_ =	sdelay $0x2  }
0x629: {  	[hbm4b:s29+s2] =	stream.strided.scatter [tilespmem:s30], [sflag:$0x2], $0x6400, s3, s2, $0x38;
	[tilespmem:$0x1BC28] =	vst v63  }
0x62a: {  	_ =	swait.ge [sflag:s5], $0x6400  }
0x62b: {  	s31 =	sld [smem:$0x766];
	_ =	sdelay $0x2  }
0x62c: {  	p0 =	seq.s32 s31, $0x1  }
.Ltmp2:
0x62d: {  	_ = 	snop;
	(pc) =	sbr.rel @p0 .LBB2_4-.Ltmp2, $2  }
0x62e: {  	_ =	sdelay $0x2  }
0x62f: {  	s19 =	rddreg [dreg:$0x4];
	[sflag:s5] =	ssyncset.done $0x0  }
0x630: {  	s0 =	sld [smem:$0x7F0]  }
0x631: {  	s15 =	sld [smem:$0x7F4]  }
0x632: {  	s14 =	sld [smem:$0x7F3]  }
0x633: {  	s13 =	sld [smem:$0x7F2]  }
0x634: {  	s12 =	sld [smem:$0x7F1]  }
0x635: {  	s21 =	sld [smem:$0x7FD]  }
0x636: {  	s4 =	sld [smem:$0x7E6]  }
0x637: {  	s20 =	sld [smem:$0x7FC]  }
0x638: {  	s31 =	sld [smem:$0x7FB]  }
0x639: {  	s25 =	sld [smem:$0x7FA]  }
0x63a: {  	s23 =	sld [smem:$0x7EA]  }
0x63b: {  	s24 =	sld [smem:$0x7EB]  }
0x63c: {  	s26 =	sld [smem:$0x7ED]  }
0x63d: {  	s28 =	sld [smem:$0x7EE]  }
0x63e: {  	s29 =	sld [smem:$0x7DF]  }
0x63f: {  	s22 =	sld [smem:$0x7A3]  }
0x640: {  	s9 =	sld [smem:$0x7F6]  }
0x641: {  	s16 =	sld [smem:$0x767];
	s17 =	simm.s32 $0x3;
	p3 =	seq.s32 s4, $0x1  }
0x642: {  	p0 =	seq.s32 s23, $0x1;
	p6 =	seq.s32 s24, $0x1;
	p5 =	seq.s32 s26, $0x1  }
0x643: {  	p4 =	seq.s32 s28, $0x1;
	p2 =	seq.s32 s29, $0x1;
	s23 =	sld [smem:$0x7F9]  }
.LBB2_6:
0x644: {  	s4 =	sld [smem:$0x7BA];
	_ =	sdelay $0x2  }
0x645: {  	p1 =	seq.s32 s4, $0x1  }
0x646: {  	[sflag:s5] =	ssyncadd.s32 @p1 $0xFFFF9C00  }
0x647: {  	[tilespmem:s6], [sflag:$0x3] =	stream.strided.gather [hbm4b:s19+s2], $0x6400, s3, s2, $0x38;
	[tilespmem:$0x1BC28] =	vst v63  }
0x648: {  	_ =	swait.ge [sflag:s17], $0x6400  }
0x649: {  	s18 =	simm.s32 @!p2 $0x80;
	s4 =	simm.s32 @!p2 $0x1C03;
	[sflag:s17] =	ssyncset.done $0x0  }
0x64a: {  	s19 =	simm.s32 @!p2 $0x1;
	[sflag:s17] =	ssyncadd.s32 $0xFFFF9C00;
	s17 =	simm.s32 @!p2 $0x10  }
0x64b: {  	[spmem:s0@s17], [sflag:s4] =	dma.strided @!p2 [hbm:s16@s18], $0x1E850, s19, $0x10   }
0x64c: {  	s0 =	simm.s32 @!p2 $0x1  }
0x64d: {  	[smem:$0x73F] =	sst s0;
	s0 =	simm.s32 @!p2 $0x80  }
0x64e: {  	[smem:$0x73D] =	sst s0;
	s0 =	simm.s32 @!p2 $0x10  }
0x64f: {  	[smem:$0x73E] =	sst s0;
	s0 =	simm.s32 @!p2 $0x1C03  }
0x650: {  	[smem:$0x73C] =	sst s0;
	s0 =	simm.s32 @!p2 $0x3  }
0x651: {  	_ =	swait.ge @!p2 [sflag:s0], $0x1E850  }
0x652: {  	[sflag:s0] =	ssyncset.done @!p2 $0x0  }
0x653: {  	[sflag:s0] =	ssyncadd.s32 @!p2 $0xFFFE17B0;
	s0 =	simm.s32 @!p2 $0x3  }
0x654: {  	[smem:$0x740] =	sst s0  }
0x655: {  	[bflag:$0x0] =	sbarrier.arrive $0xFFFF  }
0x656: {  	[tilespmem:s30], [sflag:$0x1] =	stream.indirect.gather [spmem:s1], $0x1, s6, s8, $0xb8;
	[tilespmem:$0x1BC28] =	vst v63  }
0x657: {  	_ =	swait.ge [sflag:s7], $0x6400  }
0x658: {  	[sflag:s7] =	ssyncset.done $0x0  }
0x659: {  	[sflag:s7] =	ssyncadd.s32 $0xFFFF9C00  }
0x65a: {  	[bflag:$0x0] =	sbarrier.arrive $0xFFFF  }
0x65b: {  	s16 =	sld [smem:$0x7E0]  }
0x65c: {  	s11 =	rddreg [dreg:$0x5]  }
0x65d: {  	[hbm4b:s11+s2] =	stream.strided.scatter [tilespmem:s30], [sflag:$0x2], $0x6400, s3, s2, $0x38;
	[tilespmem:$0x1BC28] =	vst v63  }
0x65e: {  	p1 =	seq.s32 s16, $0x1  }
0x65f: {  	s0 =	rddreg [dreg:$0x6];
	s4 =	simm.s32 @!p1 $0x80  }
0x660: {  	s16 =	simm.s32 @!p1 $0x1C43;
	s17 =	simm.s32 @!p1 $0x1;
	s18 =	simm.s32 @!p1 $0x10  }
0x661: {  	[spmem:s15@s18], [sflag:s16] =	dma.strided @!p1 [hbm:s0@s4], $0x1E850, s17, $0x10   }
0x662: {  	s0 =	simm.s32 @!p1 $0x10  }
0x663: {  	[smem:$0x743] =	sst s0;
	s0 =	simm.s32 @!p1 $0x1  }
0x664: {  	[smem:$0x744] =	sst s0;
	s0 =	simm.s32 @!p1 $0x1C43  }
0x665: {  	[smem:$0x742] =	sst s0;
	s0 =	simm.s32 @!p1 $0x80  }
0x666: {  	s29 =	simm.s32 @!p1 $0x3;
	[smem:$0x741] =	sst s0  }
0x667: {  	_ =	swait.ge @!p1 [sflag:s29], $0x1E850  }
0x668: {  	[sflag:s29] =	ssyncset.done @!p1 $0x0  }
0x669: {  	[sflag:s29] =	ssyncadd.s32 @!p1 $0xFFFE17B0  }
0x66a: {  	[bflag:$0x0] =	sbarrier.arrive $0xFFFF  }
0x66b: {  	_ =	swait.ge [sflag:s5], $0x6400  }
0x66c: {  	[sflag:s5] =	ssyncset.done $0x0  }
0x66d: {  	[sflag:s5] =	ssyncadd.s32 $0xFFFF9C00  }
0x66e: {  	[tilespmem:s30], [sflag:$0x1] =	stream.indirect.gather [spmem:s1], $0x1, s6, s8, $0xb8;
	[tilespmem:$0x1BC28] =	vst v63  }
0x66f: {  	_ =	swait.ge [sflag:s7], $0x6400  }
0x670: {  	[sflag:s7] =	ssyncset.done $0x0  }
0x671: {  	[sflag:s7] =	ssyncadd.s32 $0xFFFF9C00  }
0x672: {  	[bflag:$0x0] =	sbarrier.arrive $0xFFFF  }
0x673: {  	s18 =	sld [smem:$0x7E1]  }
0x674: {  	s17 =	rddreg [dreg:$0x7]  }
0x675: {  	[hbm4b:s17+s2] =	stream.strided.scatter [tilespmem:s30], [sflag:$0x2], $0x6400, s3, s2, $0x38;
	[tilespmem:$0x1BC28] =	vst v63  }
0x676: {  	p1 =	seq.s32 s18, $0x1  }
0x677: {  	s0 =	rddreg [dreg:$0x8];
	s4 =	simm.s32 @!p1 $0x80  }
0x678: {  	s15 =	simm.s32 @!p1 $0x1C83;
	s16 =	simm.s32 @!p1 $0x1;
	s17 =	simm.s32 @!p1 $0x10  }
0x679: {  	[spmem:s14@s17], [sflag:s15] =	dma.strided @!p1 [hbm:s0@s4], $0x1E850, s16, $0x10   }
0x67a: {  	s0 =	simm.s32 @!p1 $0x10  }
0x67b: {  	[smem:$0x746] =	sst s0;
	s0 =	simm.s32 @!p1 $0x1  }
0x67c: {  	[smem:$0x748] =	sst s0;
	s0 =	simm.s32 @!p1 $0x1C83  }
0x67d: {  	[smem:$0x745] =	sst s0;
	s0 =	simm.s32 @!p1 $0x80  }
0x67e: {  	s17 =	simm.s32 @!p1 $0x3;
	[smem:$0x747] =	sst s0  }
0x67f: {  	_ =	swait.ge @!p1 [sflag:s17], $0x1E850  }
0x680: {  	[sflag:s17] =	ssyncset.done @!p1 $0x0  }
0x681: {  	[sflag:s17] =	ssyncadd.s32 @!p1 $0xFFFE17B0  }
0x682: {  	[bflag:$0x0] =	sbarrier.arrive $0xFFFF  }
0x683: {  	_ =	swait.ge [sflag:s5], $0x6400  }
0x684: {  	[sflag:s5] =	ssyncset.done $0x0  }
0x685: {  	[sflag:s5] =	ssyncadd.s32 $0xFFFF9C00  }
0x686: {  	[tilespmem:s30], [sflag:$0x1] =	stream.indirect.gather [spmem:s1], $0x1, s6, s8, $0xb8;
	[tilespmem:$0x1BC28] =	vst v63  }
0x687: {  	_ =	swait.ge [sflag:s7], $0x6400  }
0x688: {  	[sflag:s7] =	ssyncset.done $0x0  }
0x689: {  	[sflag:s7] =	ssyncadd.s32 $0xFFFF9C00  }
0x68a: {  	[bflag:$0x0] =	sbarrier.arrive $0xFFFF  }
0x68b: {  	s24 =	sld [smem:$0x7E2]  }
0x68c: {  	s19 =	rddreg [dreg:$0x9]  }
0x68d: {  	[hbm4b:s19+s2] =	stream.strided.scatter [tilespmem:s30], [sflag:$0x2], $0x6400, s3, s2, $0x38;
	[tilespmem:$0x1BC28] =	vst v63  }
0x68e: {  	p1 =	seq.s32 s24, $0x1  }
0x68f: {  	s0 =	rddreg [dreg:$0xa];
	s4 =	simm.s32 @!p1 $0x80  }
0x690: {  	s14 =	simm.s32 @!p1 $0x1CC3;
	s15 =	simm.s32 @!p1 $0x1;
	s16 =	simm.s32 @!p1 $0x10  }
0x691: {  	[spmem:s13@s16], [sflag:s14] =	dma.strided @!p1 [hbm:s0@s4], $0x1E850, s15, $0x10   }
0x692: {  	s0 =	simm.s32 @!p1 $0x10  }
0x693: {  	[smem:$0x74A] =	sst s0;
	s0 =	simm.s32 @!p1 $0x1  }
0x694: {  	[smem:$0x74C] =	sst s0;
	s0 =	simm.s32 @!p1 $0x1CC3  }
0x695: {  	[smem:$0x749] =	sst s0;
	s0 =	simm.s32 @!p1 $0x80  }
0x696: {  	[smem:$0x74B] =	sst s0;
	s0 =	simm.s32 @!p1 $0x3  }
0x697: {  	_ =	swait.ge @!p1 [sflag:s0], $0x1E850  }
0x698: {  	[sflag:s0] =	ssyncset.done @!p1 $0x0  }
0x699: {  	[sflag:s0] =	ssyncadd.s32 @!p1 $0xFFFE17B0  }
0x69a: {  	[bflag:$0x0] =	sbarrier.arrive $0xFFFF  }
0x69b: {  	_ =	swait.ge [sflag:s5], $0x6400  }
0x69c: {  	[sflag:s5] =	ssyncset.done $0x0  }
0x69d: {  	[sflag:s5] =	ssyncadd.s32 $0xFFFF9C00  }
0x69e: {  	[tilespmem:s30], [sflag:$0x1] =	stream.indirect.gather [spmem:s1], $0x1, s6, s8, $0xb8;
	[tilespmem:$0x1BC28] =	vst v63  }
0x69f: {  	_ =	swait.ge [sflag:s7], $0x6400  }
0x6a0: {  	[sflag:s7] =	ssyncset.done $0x0  }
0x6a1: {  	[sflag:s7] =	ssyncadd.s32 $0xFFFF9C00  }
0x6a2: {  	[bflag:$0x0] =	sbarrier.arrive $0xFFFF  }
0x6a3: {  	s28 =	sld [smem:$0x7E3]  }
0x6a4: {  	s26 =	rddreg [dreg:$0xb]  }
0x6a5: {  	[hbm4b:s26+s2] =	stream.strided.scatter [tilespmem:s30], [sflag:$0x2], $0x6400, s3, s2, $0x38;
	[tilespmem:$0x1BC28] =	vst v63  }
0x6a6: {  	s11 =	simm.s32 @!p1 $0x3;
	p1 =	seq.s32 s28, $0x1  }
0x6a7: {  	s0 =	rddreg [dreg:$0xc];
	s4 =	simm.s32 @!p1 $0x80  }
0x6a8: {  	s13 =	simm.s32 @!p1 $0x1D03;
	s10 =	simm.s32 @!p1 $0x1;
	s14 =	simm.s32 @!p1 $0x10  }
0x6a9: {  	[spmem:s12@s14], [sflag:s13] =	dma.strided @!p1 [hbm:s0@s4], $0x1E850, s10, $0x10   }
0x6aa: {  	s0 =	simm.s32 @!p1 $0x10  }
0x6ab: {  	[smem:$0x74E] =	sst s0;
	s0 =	simm.s32 @!p1 $0x1  }
0x6ac: {  	[smem:$0x750] =	sst s0;
	s0 =	simm.s32 @!p1 $0x1D03  }
0x6ad: {  	[smem:$0x74D] =	sst s0;
	s0 =	simm.s32 @!p1 $0x80  }
0x6ae: {  	[smem:$0x74F] =	sst s0;
	s0 =	simm.s32 @!p1 $0x3  }
0x6af: {  	_ =	swait.ge @!p1 [sflag:s0], $0x1E850  }
0x6b0: {  	[sflag:s0] =	ssyncset.done @!p1 $0x0  }
0x6b1: {  	[sflag:s0] =	ssyncadd.s32 @!p1 $0xFFFE17B0  }
0x6b2: {  	[bflag:$0x0] =	sbarrier.arrive $0xFFFF  }
0x6b3: {  	_ =	swait.ge [sflag:s5], $0x6400  }
0x6b4: {  	[sflag:s5] =	ssyncset.done $0x0  }
0x6b5: {  	[sflag:s5] =	ssyncadd.s32 $0xFFFF9C00  }
0x6b6: {  	[tilespmem:s30], [sflag:$0x1] =	stream.indirect.gather [spmem:s1], $0x1, s6, s8, $0xb8;
	[tilespmem:$0x1BC28] =	vst v63  }
0x6b7: {  	_ =	swait.ge [sflag:s7], $0x6400  }
0x6b8: {  	[sflag:s7] =	ssyncset.done $0x0  }
0x6b9: {  	[sflag:s7] =	ssyncadd.s32 $0xFFFF9C00  }
0x6ba: {  	[bflag:$0x0] =	sbarrier.arrive $0xFFFF  }
0x6bb: {  	s10 =	sld [smem:$0x7E4]  }
0x6bc: {  	s4 =	rddreg [dreg:$0xd]  }
0x6bd: {  	[hbm4b:s4+s2] =	stream.strided.scatter [tilespmem:s30], [sflag:$0x2], $0x6400, s3, s2, $0x38;
	[tilespmem:$0x1BC28] =	vst v63  }
0x6be: {  	s28 =	simm.s32 @!p1 $0x3;
	p1 =	seq.s32 s10, $0x1  }
0x6bf: {  	s0 =	rddreg [dreg:$0xe];
	s4 =	simm.s32 @!p1 $0x80  }
0x6c0: {  	s12 =	simm.s32 @!p1 $0x1D43;
	s13 =	simm.s32 @!p1 $0x1;
	s14 =	simm.s32 @!p1 $0x10  }
0x6c1: {  	[spmem:s9@s14], [sflag:s12] =	dma.strided @!p1 [hbm:s0@s4], $0x1E850, s13, $0x10   }
0x6c2: {  	s0 =	simm.s32 @!p1 $0x10  }
0x6c3: {  	[smem:$0x752] =	sst s0;
	s0 =	simm.s32 @!p1 $0x1  }
0x6c4: {  	[smem:$0x754] =	sst s0;
	s0 =	simm.s32 @!p1 $0x1D43  }
0x6c5: {  	[smem:$0x751] =	sst s0;
	s0 =	simm.s32 @!p1 $0x80  }
0x6c6: {  	s18 =	simm.s32 @!p1 $0x3;
	[smem:$0x753] =	sst s0  }
0x6c7: {  	_ =	swait.ge @!p1 [sflag:s18], $0x1E850  }
0x6c8: {  	[sflag:s18] =	ssyncset.done @!p1 $0x0  }
0x6c9: {  	[sflag:s18] =	ssyncadd.s32 @!p1 $0xFFFE17B0  }
0x6ca: {  	[bflag:$0x0] =	sbarrier.arrive $0xFFFF  }
0x6cb: {  	_ =	swait.ge [sflag:s5], $0x6400  }
0x6cc: {  	[sflag:s5] =	ssyncset.done $0x0  }
0x6cd: {  	[sflag:s5] =	ssyncadd.s32 $0xFFFF9C00  }
0x6ce: {  	[tilespmem:s30], [sflag:$0x1] =	stream.indirect.gather [spmem:s1], $0x1, s6, s8, $0xb8;
	[tilespmem:$0x1BC28] =	vst v63  }
0x6cf: {  	_ =	swait.ge [sflag:s7], $0x6400  }
0x6d0: {  	[sflag:s7] =	ssyncset.done $0x0  }
0x6d1: {  	[sflag:s7] =	ssyncadd.s32 $0xFFFF9C00  }
0x6d2: {  	[bflag:$0x0] =	sbarrier.arrive $0xFFFF  }
0x6d3: {  	s13 =	sld [smem:$0x7E5]  }
0x6d4: {  	s12 =	rddreg [dreg:$0xf]  }
0x6d5: {  	[hbm4b:s12+s2] =	stream.strided.scatter [tilespmem:s30], [sflag:$0x2], $0x6400, s3, s2, $0x38;
	[tilespmem:$0x1BC28] =	vst v63  }
0x6d6: {  	p1 =	seq.s32 s13, $0x1  }
0x6d7: {  	s0 =	rddreg [dreg:$0x10];
	s4 =	simm.s32 @!p1 $0x80  }
0x6d8: {  	s12 =	simm.s32 @!p1 $0x1D83;
	s9 =	simm.s32 @!p1 $0x1;
	s13 =	simm.s32 @!p1 $0x10  }
0x6d9: {  	[spmem:s23@s13], [sflag:s12] =	dma.strided @!p1 [hbm:s0@s4], $0x1E850, s9, $0x10   }
0x6da: {  	s0 =	simm.s32 @!p1 $0x10  }
0x6db: {  	[smem:$0x756] =	sst s0;
	s0 =	simm.s32 @!p1 $0x1  }
0x6dc: {  	[smem:$0x758] =	sst s0;
	s0 =	simm.s32 @!p1 $0x1D83  }
0x6dd: {  	[smem:$0x755] =	sst s0;
	s0 =	simm.s32 @!p1 $0x80  }
0x6de: {  	[smem:$0x757] =	sst s0;
	s0 =	simm.s32 @!p1 $0x3  }
0x6df: {  	_ =	swait.ge @!p1 [sflag:s0], $0x1E850  }
0x6e0: {  	[sflag:s0] =	ssyncset.done @!p1 $0x0  }
0x6e1: {  	[sflag:s0] =	ssyncadd.s32 @!p1 $0xFFFE17B0  }
0x6e2: {  	[bflag:$0x0] =	sbarrier.arrive $0xFFFF  }
0x6e3: {  	_ =	swait.ge [sflag:s5], $0x6400  }
0x6e4: {  	[sflag:s5] =	ssyncset.done $0x0  }
0x6e5: {  	[sflag:s5] =	ssyncadd.s32 $0xFFFF9C00  }
0x6e6: {  	[tilespmem:s30], [sflag:$0x1] =	stream.indirect.gather [spmem:s1], $0x1, s6, s8, $0xb8;
	[tilespmem:$0x1BC28] =	vst v63  }
0x6e7: {  	_ =	swait.ge [sflag:s7], $0x6400  }
0x6e8: {  	[sflag:s7] =	ssyncset.done $0x0  }
0x6e9: {  	[sflag:s7] =	ssyncadd.s32 $0xFFFF9C00  }
0x6ea: {  	[bflag:$0x0] =	sbarrier.arrive $0xFFFF  }
0x6eb: {  	s4 =	simm.s32 @!p3 $0x80;
	s12 =	simm.s32 @!p3 $0x1DC3;
	s14 =	rddreg [dreg:$0x11]  }
0x6ec: {  	[hbm4b:s14+s2] =	stream.strided.scatter [tilespmem:s30], [sflag:$0x2], $0x6400, s3, s2, $0x38;
	[tilespmem:$0x1BC28] =	vst v63  }
0x6ed: {  	s13 =	simm.s32 @!p3 $0x1;
	s0 =	rddreg [dreg:$0x12];
	s14 =	simm.s32 @!p3 $0x10  }
0x6ee: {  	[spmem:s21@s14], [sflag:s12] =	dma.strided @!p3 [hbm:s0@s4], $0x1E850, s13, $0x10   }
0x6ef: {  	s0 =	simm.s32 @!p3 $0x10  }
0x6f0: {  	[smem:$0x75A] =	sst s0;
	s0 =	simm.s32 @!p3 $0x1  }
0x6f1: {  	[smem:$0x75C] =	sst s0;
	s0 =	simm.s32 @!p3 $0x1DC3  }
0x6f2: {  	[smem:$0x759] =	sst s0;
	s0 =	simm.s32 @!p3 $0x80  }
0x6f3: {  	s16 =	simm.s32 @!p3 $0x3;
	[smem:$0x75B] =	sst s0  }
0x6f4: {  	_ =	swait.ge @!p3 [sflag:s16], $0x1E850  }
0x6f5: {  	[sflag:s16] =	ssyncset.done @!p3 $0x0  }
0x6f6: {  	[sflag:s16] =	ssyncadd.s32 @!p3 $0xFFFE17B0  }
0x6f7: {  	[bflag:$0x0] =	sbarrier.arrive $0xFFFF  }
0x6f8: {  	_ =	swait.ge [sflag:s5], $0x6400  }
0x6f9: {  	[sflag:s5] =	ssyncset.done $0x0  }
0x6fa: {  	[sflag:s5] =	ssyncadd.s32 $0xFFFF9C00  }
0x6fb: {  	[tilespmem:s30], [sflag:$0x1] =	stream.indirect.gather [spmem:s1], $0x1, s6, s8, $0xb8;
	[tilespmem:$0x1BC28] =	vst v63  }
0x6fc: {  	_ =	swait.ge [sflag:s7], $0x6400  }
0x6fd: {  	[sflag:s7] =	ssyncset.done $0x0  }
0x6fe: {  	[sflag:s7] =	ssyncadd.s32 $0xFFFF9C00  }
0x6ff: {  	[bflag:$0x0] =	sbarrier.arrive $0xFFFF  }
0x700: {  	s19 =	sld [smem:$0x7E7]  }
0x701: {  	s15 =	rddreg [dreg:$0x13]  }
0x702: {  	[hbm4b:s15+s2] =	stream.strided.scatter [tilespmem:s30], [sflag:$0x2], $0x6400, s3, s2, $0x38;
	[tilespmem:$0x1BC28] =	vst v63  }
0x703: {  	s26 =	simm.s32 @!p1 $0x3;
	p1 =	seq.s32 s19, $0x1  }
0x704: {  	s0 =	rddreg [dreg:$0x14];
	s4 =	simm.s32 @!p1 $0x80  }
0x705: {  	s12 =	simm.s32 @!p1 $0x1E03;
	s13 =	simm.s32 @!p1 $0x1;
	s14 =	simm.s32 @!p1 $0x10  }
0x706: {  	[spmem:s20@s14], [sflag:s12] =	dma.strided @!p1 [hbm:s0@s4], $0x1E850, s13, $0x10   }
0x707: {  	s0 =	simm.s32 @!p1 $0x10  }
0x708: {  	[smem:$0x75E] =	sst s0;
	s0 =	simm.s32 @!p1 $0x1  }
0x709: {  	[smem:$0x760] =	sst s0;
	s0 =	simm.s32 @!p1 $0x1E03  }
0x70a: {  	[smem:$0x75D] =	sst s0;
	s0 =	simm.s32 @!p1 $0x80  }
0x70b: {  	s15 =	simm.s32 @!p1 $0x3;
	[smem:$0x75F] =	sst s0  }
0x70c: {  	_ =	swait.ge @!p1 [sflag:s15], $0x1E850  }
0x70d: {  	[sflag:s15] =	ssyncset.done @!p1 $0x0  }
0x70e: {  	[sflag:s15] =	ssyncadd.s32 @!p1 $0xFFFE17B0  }
0x70f: {  	[bflag:$0x0] =	sbarrier.arrive $0xFFFF  }
0x710: {  	_ =	swait.ge [sflag:s5], $0x6400  }
0x711: {  	[sflag:s5] =	ssyncset.done $0x0  }
0x712: {  	[sflag:s5] =	ssyncadd.s32 $0xFFFF9C00  }
0x713: {  	[tilespmem:s30], [sflag:$0x1] =	stream.indirect.gather [spmem:s1], $0x1, s6, s8, $0xb8;
	[tilespmem:$0x1BC28] =	vst v63  }
0x714: {  	_ =	swait.ge [sflag:s7], $0x6400  }
0x715: {  	[sflag:s7] =	ssyncset.done $0x0  }
0x716: {  	[sflag:s7] =	ssyncadd.s32 $0xFFFF9C00  }
0x717: {  	[bflag:$0x0] =	sbarrier.arrive $0xFFFF  }
0x718: {  	s23 =	sld [smem:$0x7E8]  }
0x719: {  	s21 =	rddreg [dreg:$0x15]  }
0x71a: {  	[hbm4b:s21+s2] =	stream.strided.scatter [tilespmem:s30], [sflag:$0x2], $0x6400, s3, s2, $0x38;
	[tilespmem:$0x1BC28] =	vst v63  }
0x71b: {  	p1 =	seq.s32 s23, $0x1  }
0x71c: {  	s0 =	rddreg [dreg:$0x16];
	s4 =	simm.s32 @!p1 $0x80  }
0x71d: {  	s12 =	simm.s32 @!p1 $0x1E43;
	s13 =	simm.s32 @!p1 $0x1;
	s14 =	simm.s32 @!p1 $0x10  }
0x71e: {  	[spmem:s31@s14], [sflag:s12] =	dma.strided @!p1 [hbm:s0@s4], $0x1E850, s13, $0x10   }
0x71f: {  	s0 =	simm.s32 @!p1 $0x10  }
0x720: {  	[smem:$0x762] =	sst s0;
	s0 =	simm.s32 @!p1 $0x1  }
0x721: {  	[smem:$0x764] =	sst s0;
	s0 =	simm.s32 @!p1 $0x1E43  }
0x722: {  	[smem:$0x761] =	sst s0;
	s0 =	simm.s32 @!p1 $0x80  }
0x723: {  	s14 =	simm.s32 @!p1 $0x3;
	[smem:$0x763] =	sst s0  }
0x724: {  	_ =	swait.ge @!p1 [sflag:s14], $0x1E850  }
0x725: {  	[sflag:s14] =	ssyncset.done @!p1 $0x0  }
0x726: {  	[sflag:s14] =	ssyncadd.s32 @!p1 $0xFFFE17B0  }
0x727: {  	[bflag:$0x0] =	sbarrier.arrive $0xFFFF  }
0x728: {  	_ =	swait.ge [sflag:s5], $0x6400  }
0x729: {  	[sflag:s5] =	ssyncset.done $0x0  }
0x72a: {  	[sflag:s5] =	ssyncadd.s32 $0xFFFF9C00  }
0x72b: {  	[tilespmem:s30], [sflag:$0x1] =	stream.indirect.gather [spmem:s1], $0x1, s6, s8, $0xb8;
	[tilespmem:$0x1BC28] =	vst v63  }
0x72c: {  	_ =	swait.ge [sflag:s7], $0x6400  }
0x72d: {  	[sflag:s7] =	ssyncset.done $0x0  }
0x72e: {  	[sflag:s7] =	ssyncadd.s32 $0xFFFF9C00  }
0x72f: {  	[bflag:$0x0] =	sbarrier.arrive $0xFFFF  }
0x730: {  	s31 =	sld [smem:$0x7E9]  }
0x731: {  	s24 =	rddreg [dreg:$0x17]  }
0x732: {  	[hbm4b:s24+s2] =	stream.strided.scatter [tilespmem:s30], [sflag:$0x2], $0x6400, s3, s2, $0x38;
	[tilespmem:$0x1BC28] =	vst v63  }
0x733: {  	p2 =	seq.s32 s31, $0x1  }
0x734: {  	s0 =	rddreg [dreg:$0x18];
	s4 =	simm.s32 @!p2 $0x80  }
0x735: {  	s12 =	simm.s32 @!p2 $0x1E83;
	s13 =	simm.s32 @!p2 $0x1;
	s19 =	simm.s32 @!p2 $0x10  }
0x736: {  	[spmem:s25@s19], [sflag:s12] =	dma.strided @!p2 [hbm:s0@s4], $0x1E850, s13, $0x10   }
0x737: {  	s13 =	simm.s32 @!p2 $0x3  }
0x738: {  	_ =	swait.ge @!p2 [sflag:s13], $0x1E850  }
0x739: {  	[sflag:s13] =	ssyncset.done @!p2 $0x0  }
0x73a: {  	[sflag:s13] =	ssyncadd.s32 @!p2 $0xFFFE17B0  }
0x73b: {  	[bflag:$0x0] =	sbarrier.arrive $0xFFFF  }
0x73c: {  	_ =	swait.ge [sflag:s5], $0x6400  }
0x73d: {  	[sflag:s5] =	ssyncset.done $0x0  }
0x73e: {  	[sflag:s5] =	ssyncadd.s32 $0xFFFF9C00  }
0x73f: {  	[tilespmem:s30], [sflag:$0x1] =	stream.indirect.gather [spmem:s1], $0x1, s6, s8, $0xb8;
	[tilespmem:$0x1BC28] =	vst v63  }
0x740: {  	_ =	swait.ge [sflag:s7], $0x6400  }
0x741: {  	[sflag:s7] =	ssyncset.done $0x0  }
0x742: {  	[sflag:s7] =	ssyncadd.s32 $0xFFFF9C00  }
0x743: {  	[bflag:$0x0] =	sbarrier.arrive $0xFFFF  }
0x744: {  	s20 =	simm.s32 @!p0 $0x10;
	s12 =	simm.s32 @!p0 $0x1EC3;
	s4 =	rddreg [dreg:$0x19]  }
0x745: {  	[hbm4b:s4+s2] =	stream.strided.scatter [tilespmem:s30], [sflag:$0x2], $0x6400, s3, s2, $0x38;
	[tilespmem:$0x1BC28] =	vst v63  }
0x746: {  	s19 =	simm.s32 @!p0 $0x1;
	s0 =	rddreg [dreg:$0x1a];
	s4 =	simm.s32 @!p0 $0x80  }
0x747: {  	[spmem:s22@s20], [sflag:s12] =	dma.strided @!p0 [hbm:s0@s4], $0x1E850, s19, $0x10   }
0x748: {  	s12 =	simm.s32 @!p0 $0x3  }
0x749: {  	_ =	swait.ge @!p0 [sflag:s12], $0x1E850  }
0x74a: {  	[sflag:s12] =	ssyncset.done @!p0 $0x0  }
0x74b: {  	[sflag:s12] =	ssyncadd.s32 @!p0 $0xFFFE17B0  }
0x74c: {  	[bflag:$0x0] =	sbarrier.arrive $0xFFFF  }
0x74d: {  	_ =	swait.ge [sflag:s5], $0x6400  }
0x74e: {  	[sflag:s5] =	ssyncset.done $0x0  }
0x74f: {  	[sflag:s5] =	ssyncadd.s32 $0xFFFF9C00  }
0x750: {  	[tilespmem:s30], [sflag:$0x1] =	stream.indirect.gather [spmem:s1], $0x1, s6, s8, $0xb8;
	[tilespmem:$0x1BC28] =	vst v63  }
0x751: {  	_ =	swait.ge [sflag:s7], $0x6400  }
0x752: {  	[sflag:s7] =	ssyncset.done $0x0  }
0x753: {  	[sflag:s7] =	ssyncadd.s32 $0xFFFF9C00  }
0x754: {  	[bflag:$0x0] =	sbarrier.arrive $0xFFFF  }
0x755: {  	s9 =	rddreg [dreg:$0x1b]  }
0x756: {  	s21 =	simm.s32 @!p6 $0x1;
	s23 =	simm.s32 @!p6 $0x10;
	s4 =	sld [smem:$0x7EC]  }
0x757: {  	s19 =	simm.s32 @!p6 $0x80;
	s20 =	simm.s32 @!p6 $0x1F03;
	s0 =	rddreg [dreg:$0x1c]  }
0x758: {  	[hbm4b:s9+s2] =	stream.strided.scatter [tilespmem:s30], [sflag:$0x2], $0x6400, s3, s2, $0x38;
	[tilespmem:$0x1BC28] =	vst v63  }
0x759: {  	[spmem:s4@s23], [sflag:s20] =	dma.strided @!p6 [hbm:s0@s19], $0x1E850, s21, $0x10   }
0x75a: {  	s0 =	simm.s32 @!p6 $0x3  }
0x75b: {  	_ =	swait.ge @!p6 [sflag:s0], $0x1E850  }
0x75c: {  	[sflag:s0] =	ssyncset.done @!p6 $0x0  }
0x75d: {  	[sflag:s0] =	ssyncadd.s32 @!p6 $0xFFFE17B0  }
0x75e: {  	[bflag:$0x0] =	sbarrier.arrive $0xFFFF  }
0x75f: {  	_ =	swait.ge [sflag:s5], $0x6400  }
0x760: {  	[sflag:s5] =	ssyncset.done $0x0  }
0x761: {  	[sflag:s5] =	ssyncadd.s32 $0xFFFF9C00  }
0x762: {  	[tilespmem:s30], [sflag:$0x1] =	stream.indirect.gather [spmem:s1], $0x1, s6, s8, $0xb8;
	[tilespmem:$0x1BC28] =	vst v63  }
0x763: {  	_ =	swait.ge [sflag:s7], $0x6400  }
0x764: {  	[sflag:s7] =	ssyncset.done $0x0  }
0x765: {  	[sflag:s7] =	ssyncadd.s32 $0xFFFF9C00  }
0x766: {  	[bflag:$0x0] =	sbarrier.arrive $0xFFFF  }
0x767: {  	s24 =	simm.s32 @!p5 $0x10;
	s10 =	rddreg [dreg:$0x1d]  }
0x768: {  	s25 =	simm.s32 @!p5 $0x3;
	s19 =	simm.s32 @!p5 $0x80;
	s4 =	sld [smem:$0x7F8]  }
0x769: {  	s21 =	simm.s32 @!p5 $0x1F43;
	s23 =	simm.s32 @!p5 $0x1;
	s0 =	rddreg [dreg:$0x1e]  }
0x76a: {  	[hbm4b:s10+s2] =	stream.strided.scatter [tilespmem:s30], [sflag:$0x2], $0x6400, s3, s2, $0x38;
	[tilespmem:$0x1BC28] =	vst v63  }
0x76b: {  	[spmem:s4@s24], [sflag:s21] =	dma.strided @!p5 [hbm:s0@s19], $0x1E850, s23, $0x10   }
0x76c: {  	_ =	swait.ge @!p5 [sflag:s25], $0x1E850  }
0x76d: {  	[sflag:s25] =	ssyncset.done @!p5 $0x0  }
0x76e: {  	[sflag:s25] =	ssyncadd.s32 @!p5 $0xFFFE17B0  }
0x76f: {  	[bflag:$0x0] =	sbarrier.arrive $0xFFFF  }
0x770: {  	_ =	swait.ge [sflag:s5], $0x6400  }
0x771: {  	[sflag:s5] =	ssyncset.done $0x0  }
0x772: {  	[sflag:s5] =	ssyncadd.s32 $0xFFFF9C00  }
0x773: {  	[tilespmem:s30], [sflag:$0x1] =	stream.indirect.gather [spmem:s1], $0x1, s6, s8, $0xb8;
	[tilespmem:$0x1BC28] =	vst v63  }
0x774: {  	_ =	swait.ge [sflag:s7], $0x6400  }
0x775: {  	[sflag:s7] =	ssyncset.done $0x0  }
0x776: {  	[sflag:s7] =	ssyncadd.s32 $0xFFFF9C00  }
0x777: {  	[bflag:$0x0] =	sbarrier.arrive $0xFFFF  }
0x778: {  	s19 =	rddreg [dreg:$0x1f]  }
0x779: {  	s0 =	sld [smem:$0x7BB]  }
0x77a: {  	s31 =	simm.s32 @!p4 $0x10;
	s4 =	sld [smem:$0x7F7]  }
0x77b: {  	[hbm4b:s19+s2] =	stream.strided.scatter [tilespmem:s30], [sflag:$0x2], $0x6400, s3, s2, $0x38;
	[tilespmem:$0x1BC28] =	vst v63  }
0x77c: {  	s23 =	simm.s32 @!p4 $0x1F83;
	s24 =	simm.s32 @!p4 $0x1;
	s19 =	simm.s32 @!p4 $0x80  }
0x77d: {  	[spmem:s4@s31], [sflag:s23] =	dma.strided @!p4 [hbm:s0@s19], $0x1E850, s24, $0x10   }
0x77e: {  	s23 =	simm.s32 @!p4 $0x3  }
0x77f: {  	_ =	swait.ge @!p4 [sflag:s23], $0x1E850  }
0x780: {  	[sflag:s23] =	ssyncset.done @!p4 $0x0  }
0x781: {  	[sflag:s23] =	ssyncadd.s32 @!p4 $0xFFFE17B0  }
0x782: {  	[bflag:$0x0] =	sbarrier.arrive $0xFFFF  }
0x783: {  	_ =	swait.ge [sflag:s5], $0x6400  }
0x784: {  	[sflag:s5] =	ssyncset.done $0x0  }
0x785: {  	[sflag:s5] =	ssyncadd.s32 $0xFFFF9C00  }
0x786: {  	[tilespmem:s30], [sflag:$0x1] =	stream.indirect.gather [spmem:s1], $0x1, s6, s8, $0xb8;
	[tilespmem:$0x1BC28] =	vst v63  }
0x787: {  	_ =	swait.ge [sflag:s7], $0x6400  }
0x788: {  	[sflag:s7] =	ssyncset.done $0x0  }
0x789: {  	[sflag:s7] =	ssyncadd.s32 $0xFFFF9C00  }
0x78a: {  	[bflag:$0x0] =	sbarrier.arrive $0xFFFF  }
0x78b: {  	s20 =	sld [smem:$0x7BC]  }
0x78c: {  	s21 =	sld [smem:$0x7EF]  }
0x78d: {  	s4 =	sld [smem:$0x7BD]  }
0x78e: {  	[hbm4b:s20+s2] =	stream.strided.scatter [tilespmem:s30], [sflag:$0x2], $0x6400, s3, s2, $0x38;
	[tilespmem:$0x1BC28] =	vst v63  }
0x78f: {  	s0 =	sld [smem:$0x7F5];
	p3 =	seq.s32 s21, $0x1  }
0x790: {  	s19 =	simm.s32 @!p3 $0x80  }
0x791: {  	s24 =	simm.s32 @!p3 $0x1FC3;
	s31 =	simm.s32 @!p3 $0x1;
	s9 =	simm.s32 @!p3 $0x10  }
0x792: {  	[spmem:s0@s9], [sflag:s24] =	dma.strided @!p3 [hbm:s4@s19], $0x1E850, s31, $0x10   }
0x793: {  	s0 =	simm.s32 @!p3 $0x3  }
0x794: {  	_ =	swait.ge @!p3 [sflag:s0], $0x1E850  }
0x795: {  	[sflag:s0] =	ssyncset.done @!p3 $0x0  }
0x796: {  	[sflag:s0] =	ssyncadd.s32 @!p3 $0xFFFE17B0  }
0x797: {  	[bflag:$0x0] =	sbarrier.arrive $0xFFFF  }
0x798: {  	_ =	swait.ge [sflag:s5], $0x6400  }
0x799: {  	[sflag:s5] =	ssyncset.done $0x0  }
0x79a: {  	[sflag:s5] =	ssyncadd.s32 $0xFFFF9C00  }
0x79b: {  	[tilespmem:s30], [sflag:$0x1] =	stream.indirect.gather [spmem:s1], $0x1, s6, s8, $0xb8;
	[tilespmem:$0x1BC28] =	vst v63  }
0x79c: {  	_ =	swait.ge [sflag:s7], $0x6400  }
0x79d: {  	[sflag:s7] =	ssyncset.done $0x0  }
0x79e: {  	[sflag:s7] =	ssyncadd.s32 $0xFFFF9C00  }
0x79f: {  	[bflag:$0x0] =	sbarrier.arrive $0xFFFF  }
0x7a0: {  	s24 =	sld [smem:$0x7BE]  }
0x7a1: {  	s20 =	sld [smem:$0x7BF]  }
0x7a2: {  	s31 =	sld [smem:$0x7DF]  }
0x7a3: {  	s19 =	sld [smem:$0x73C]  }
0x7a4: {  	s21 =	sld [smem:$0x73D]  }
0x7a5: {  	s4 =	smov.u32 s22;
	s22 =	sld [smem:$0x7F0]  }
0x7a6: {  	[hbm4b:s24+s2] =	stream.strided.scatter [tilespmem:s30], [sflag:$0x2], $0x6400, s3, s2, $0x38;
	[tilespmem:$0x1BC28] =	vst v63  }
0x7a7: {  	s24 =	sld [smem:$0x73E]  }
0x7a8: {  	p1 =	por p0, p0;
	p0 =	seq.s32 s31, $0x1;
	s31 =	sld [smem:$0x73F]  }
0x7a9: {  	_ =	sdelay $0x1  }
0x7aa: {  	[spmem:s22@s24], [sflag:s19] =	dma.strided @!p0 [hbm:s20@s21], $0x1E850, s31, $0x10   }
0x7ab: {  	s9 =	sld [smem:$0x740];
	_ =	sdelay $0x2  }
0x7ac: {  	_ =	swait.ge @!p0 [sflag:s9], $0x1E850  }
0x7ad: {  	[sflag:s9] =	ssyncset.done @!p0 $0x0  }
0x7ae: {  	[sflag:s9] =	ssyncadd.s32 @!p0 $0xFFFE17B0  }
0x7af: {  	[bflag:$0x0] =	sbarrier.arrive $0xFFFF  }
0x7b0: {  	_ =	swait.ge [sflag:s5], $0x6400  }
0x7b1: {  	[sflag:s5] =	ssyncset.done $0x0  }
0x7b2: {  	[sflag:s5] =	ssyncadd.s32 $0xFFFF9C00  }
0x7b3: {  	[tilespmem:s30], [sflag:$0x1] =	stream.indirect.gather [spmem:s1], $0x1, s6, s8, $0xb8;
	[tilespmem:$0x1BC28] =	vst v63  }
0x7b4: {  	_ =	swait.ge [sflag:s7], $0x6400  }
0x7b5: {  	[sflag:s7] =	ssyncset.done $0x0  }
0x7b6: {  	[sflag:s7] =	ssyncadd.s32 $0xFFFF9C00  }
0x7b7: {  	[bflag:$0x0] =	sbarrier.arrive $0xFFFF  }
0x7b8: {  	s10 =	sld [smem:$0x7C0]  }
0x7b9: {  	s20 =	sld [smem:$0x7C1]  }
0x7ba: {  	s21 =	sld [smem:$0x7E0]  }
0x7bb: {  	s19 =	sld [smem:$0x741]  }
0x7bc: {  	s22 =	sld [smem:$0x743]  }
0x7bd: {  	s31 =	sld [smem:$0x744]  }
0x7be: {  	s24 =	sld [smem:$0x7F4]  }
0x7bf: {  	p0 =	seq.s32 s21, $0x1;
	s21 =	sld [smem:$0x742];
	_ =	sdelay $0x1  }
0x7c0: {  	[hbm4b:s10+s2] =	stream.strided.scatter [tilespmem:s30], [sflag:$0x2], $0x6400, s3, s2, $0x38;
	[tilespmem:$0x1BC28] =	vst v63  }
0x7c1: {  	[spmem:s24@s22], [sflag:s21] =	dma.strided @!p0 [hbm:s20@s19], $0x1E850, s31, $0x10   }
0x7c2: {  	_ =	swait.ge @!p0 [sflag:s29], $0x1E850  }
0x7c3: {  	[sflag:s29] =	ssyncset.done @!p0 $0x0  }
0x7c4: {  	[sflag:s29] =	ssyncadd.s32 @!p0 $0xFFFE17B0  }
0x7c5: {  	[bflag:$0x0] =	sbarrier.arrive $0xFFFF  }
0x7c6: {  	_ =	swait.ge [sflag:s5], $0x6400  }
0x7c7: {  	[sflag:s5] =	ssyncset.done $0x0  }
0x7c8: {  	[sflag:s5] =	ssyncadd.s32 $0xFFFF9C00  }
0x7c9: {  	[tilespmem:s30], [sflag:$0x1] =	stream.indirect.gather [spmem:s1], $0x1, s6, s8, $0xb8;
	[tilespmem:$0x1BC28] =	vst v63  }
0x7ca: {  	_ =	swait.ge [sflag:s7], $0x6400  }
0x7cb: {  	[sflag:s7] =	ssyncset.done $0x0  }
0x7cc: {  	[sflag:s7] =	ssyncadd.s32 $0xFFFF9C00  }
0x7cd: {  	[bflag:$0x0] =	sbarrier.arrive $0xFFFF  }
0x7ce: {  	s22 =	sld [smem:$0x7C2]  }
0x7cf: {  	s20 =	sld [smem:$0x7C3]  }
0x7d0: {  	s19 =	sld [smem:$0x745]  }
0x7d1: {  	s21 =	sld [smem:$0x746]  }
0x7d2: {  	s29 =	sld [smem:$0x748]  }
0x7d3: {  	s31 =	sld [smem:$0x7F3]  }
0x7d4: {  	s24 =	sld [smem:$0x7E1]  }
0x7d5: {  	[hbm4b:s22+s2] =	stream.strided.scatter [tilespmem:s30], [sflag:$0x2], $0x6400, s3, s2, $0x38;
	[tilespmem:$0x1BC28] =	vst v63  }
0x7d6: {  	s22 =	sld [smem:$0x747];
	_ =	sdelay $0x1  }
0x7d7: {  	p0 =	seq.s32 s24, $0x1  }
0x7d8: {  	[spmem:s31@s21], [sflag:s19] =	dma.strided @!p0 [hbm:s20@s22], $0x1E850, s29, $0x10   }
0x7d9: {  	_ =	swait.ge @!p0 [sflag:s17], $0x1E850  }
0x7da: {  	[sflag:s17] =	ssyncset.done @!p0 $0x0  }
0x7db: {  	[sflag:s17] =	ssyncadd.s32 @!p0 $0xFFFE17B0  }
0x7dc: {  	[bflag:$0x0] =	sbarrier.arrive $0xFFFF  }
0x7dd: {  	_ =	swait.ge [sflag:s5], $0x6400  }
0x7de: {  	[sflag:s5] =	ssyncset.done $0x0  }
0x7df: {  	[sflag:s5] =	ssyncadd.s32 $0xFFFF9C00  }
0x7e0: {  	[tilespmem:s30], [sflag:$0x1] =	stream.indirect.gather [spmem:s1], $0x1, s6, s8, $0xb8;
	[tilespmem:$0x1BC28] =	vst v63  }
0x7e1: {  	_ =	swait.ge [sflag:s7], $0x6400  }
0x7e2: {  	[sflag:s7] =	ssyncset.done $0x0  }
0x7e3: {  	[sflag:s7] =	ssyncadd.s32 $0xFFFF9C00  }
0x7e4: {  	[bflag:$0x0] =	sbarrier.arrive $0xFFFF  }
0x7e5: {  	s29 =	sld [smem:$0x7C4]  }
0x7e6: {  	s20 =	sld [smem:$0x7C5]  }
0x7e7: {  	s17 =	sld [smem:$0x749]  }
0x7e8: {  	s19 =	sld [smem:$0x74A]  }
0x7e9: {  	s21 =	sld [smem:$0x74B]  }
0x7ea: {  	s22 =	sld [smem:$0x74C]  }
0x7eb: {  	s31 =	sld [smem:$0x7E2]  }
0x7ec: {  	s24 =	sld [smem:$0x7F2]  }
0x7ed: {  	[hbm4b:s29+s2] =	stream.strided.scatter [tilespmem:s30], [sflag:$0x2], $0x6400, s3, s2, $0x38;
	[tilespmem:$0x1BC28] =	vst v63  }
0x7ee: {  	p0 =	seq.s32 s31, $0x1  }
0x7ef: {  	[spmem:s24@s19], [sflag:s17] =	dma.strided @!p0 [hbm:s20@s21], $0x1E850, s22, $0x10   }
0x7f0: {  	_ =	swait.ge @!p0 [sflag:s11], $0x1E850  }
0x7f1: {  	[sflag:s11] =	ssyncset.done @!p0 $0x0  }
0x7f2: {  	[sflag:s11] =	ssyncadd.s32 @!p0 $0xFFFE17B0  }
0x7f3: {  	[bflag:$0x0] =	sbarrier.arrive $0xFFFF  }
0x7f4: {  	_ =	swait.ge [sflag:s5], $0x6400  }
0x7f5: {  	[sflag:s5] =	ssyncset.done $0x0  }
0x7f6: {  	[sflag:s5] =	ssyncadd.s32 $0xFFFF9C00  }
0x7f7: {  	[tilespmem:s30], [sflag:$0x1] =	stream.indirect.gather [spmem:s1], $0x1, s6, s8, $0xb8;
	[tilespmem:$0x1BC28] =	vst v63  }
0x7f8: {  	_ =	swait.ge [sflag:s7], $0x6400  }
0x7f9: {  	[sflag:s7] =	ssyncset.done $0x0  }
0x7fa: {  	[sflag:s7] =	ssyncadd.s32 $0xFFFF9C00  }
0x7fb: {  	[bflag:$0x0] =	sbarrier.arrive $0xFFFF  }
0x7fc: {  	s9 =	sld [smem:$0x7C6]  }
0x7fd: {  	s20 =	sld [smem:$0x7C7]  }
0x7fe: {  	s11 =	sld [smem:$0x74D]  }
0x7ff: {  	s17 =	sld [smem:$0x74E]  }
0x800: {  	s19 =	sld [smem:$0x74F]  }
0x801: {  	s21 =	sld [smem:$0x750]  }
0x802: {  	s10 =	sld [smem:$0x7E3]  }
0x803: {  	s22 =	sld [smem:$0x7F1]  }
0x804: {  	[hbm4b:s9+s2] =	stream.strided.scatter [tilespmem:s30], [sflag:$0x2], $0x6400, s3, s2, $0x38;
	[tilespmem:$0x1BC28] =	vst v63  }
0x805: {  	p0 =	seq.s32 s10, $0x1  }
0x806: {  	[spmem:s22@s17], [sflag:s11] =	dma.strided @!p0 [hbm:s20@s19], $0x1E850, s21, $0x10   }
0x807: {  	_ =	swait.ge @!p0 [sflag:s28], $0x1E850  }
0x808: {  	[sflag:s28] =	ssyncset.done @!p0 $0x0  }
0x809: {  	[sflag:s28] =	ssyncadd.s32 @!p0 $0xFFFE17B0  }
0x80a: {  	[bflag:$0x0] =	sbarrier.arrive $0xFFFF  }
0x80b: {  	_ =	swait.ge [sflag:s5], $0x6400  }
0x80c: {  	[sflag:s5] =	ssyncset.done $0x0  }
0x80d: {  	[sflag:s5] =	ssyncadd.s32 $0xFFFF9C00  }
0x80e: {  	[tilespmem:s30], [sflag:$0x1] =	stream.indirect.gather [spmem:s1], $0x1, s6, s8, $0xb8;
	[tilespmem:$0x1BC28] =	vst v63  }
0x80f: {  	_ =	swait.ge [sflag:s7], $0x6400  }
0x810: {  	[sflag:s7] =	ssyncset.done $0x0  }
0x811: {  	[sflag:s7] =	ssyncadd.s32 $0xFFFF9C00  }
0x812: {  	[bflag:$0x0] =	sbarrier.arrive $0xFFFF  }
0x813: {  	s17 =	sld [smem:$0x7C8]  }
0x814: {  	s20 =	sld [smem:$0x7C9]  }
0x815: {  	s10 =	sld [smem:$0x751]  }
0x816: {  	s11 =	sld [smem:$0x752]  }
0x817: {  	s19 =	sld [smem:$0x754]  }
0x818: {  	s21 =	sld [smem:$0x7E4]  }
0x819: {  	s9 =	sld [smem:$0x7F6]  }
0x81a: {  	[hbm4b:s17+s2] =	stream.strided.scatter [tilespmem:s30], [sflag:$0x2], $0x6400, s3, s2, $0x38;
	[tilespmem:$0x1BC28] =	vst v63  }
0x81b: {  	s17 =	sld [smem:$0x753];
	_ =	sdelay $0x1  }
0x81c: {  	p0 =	seq.s32 s21, $0x1  }
0x81d: {  	[spmem:s9@s11], [sflag:s10] =	dma.strided @!p0 [hbm:s20@s17], $0x1E850, s19, $0x10   }
0x81e: {  	_ =	swait.ge @!p0 [sflag:s18], $0x1E850  }
0x81f: {  	[sflag:s18] =	ssyncset.done @!p0 $0x0  }
0x820: {  	[sflag:s18] =	ssyncadd.s32 @!p0 $0xFFFE17B0  }
0x821: {  	[bflag:$0x0] =	sbarrier.arrive $0xFFFF  }
0x822: {  	_ =	swait.ge [sflag:s5], $0x6400  }
0x823: {  	[sflag:s5] =	ssyncset.done $0x0  }
0x824: {  	[sflag:s5] =	ssyncadd.s32 $0xFFFF9C00  }
0x825: {  	[tilespmem:s30], [sflag:$0x1] =	stream.indirect.gather [spmem:s1], $0x1, s6, s8, $0xb8;
	[tilespmem:$0x1BC28] =	vst v63  }
0x826: {  	_ =	swait.ge [sflag:s7], $0x6400  }
0x827: {  	[sflag:s7] =	ssyncset.done $0x0  }
0x828: {  	[sflag:s7] =	ssyncadd.s32 $0xFFFF9C00  }
0x829: {  	[bflag:$0x0] =	sbarrier.arrive $0xFFFF  }
0x82a: {  	s22 =	sld [smem:$0x7CA]  }
0x82b: {  	s19 =	sld [smem:$0x7CB]  }
0x82c: {  	s10 =	sld [smem:$0x755]  }
0x82d: {  	s11 =	sld [smem:$0x756]  }
0x82e: {  	s17 =	sld [smem:$0x757]  }
0x82f: {  	s18 =	sld [smem:$0x758]  }
0x830: {  	s24 =	sld [smem:$0x7E5]  }
0x831: {  	s9 =	sld [smem:$0x7F9]  }
0x832: {  	[hbm4b:s22+s2] =	stream.strided.scatter [tilespmem:s30], [sflag:$0x2], $0x6400, s3, s2, $0x38;
	[tilespmem:$0x1BC28] =	vst v63  }
0x833: {  	p0 =	seq.s32 s24, $0x1  }
0x834: {  	[spmem:s9@s11], [sflag:s10] =	dma.strided @!p0 [hbm:s19@s17], $0x1E850, s18, $0x10   }
0x835: {  	_ =	swait.ge @!p0 [sflag:s26], $0x1E850  }
0x836: {  	[sflag:s26] =	ssyncset.done @!p0 $0x0  }
0x837: {  	[sflag:s26] =	ssyncadd.s32 @!p0 $0xFFFE17B0  }
0x838: {  	[bflag:$0x0] =	sbarrier.arrive $0xFFFF  }
0x839: {  	_ =	swait.ge [sflag:s5], $0x6400  }
0x83a: {  	[sflag:s5] =	ssyncset.done $0x0  }
0x83b: {  	[sflag:s5] =	ssyncadd.s32 $0xFFFF9C00  }
0x83c: {  	[tilespmem:s30], [sflag:$0x1] =	stream.indirect.gather [spmem:s1], $0x1, s6, s8, $0xb8;
	[tilespmem:$0x1BC28] =	vst v63  }
0x83d: {  	_ =	swait.ge [sflag:s7], $0x6400  }
0x83e: {  	[sflag:s7] =	ssyncset.done $0x0  }
0x83f: {  	[sflag:s7] =	ssyncadd.s32 $0xFFFF9C00  }
0x840: {  	[bflag:$0x0] =	sbarrier.arrive $0xFFFF  }
0x841: {  	s26 =	sld [smem:$0x7CC]  }
0x842: {  	s18 =	sld [smem:$0x7CD]  }
0x843: {  	s9 =	sld [smem:$0x759]  }
0x844: {  	s10 =	sld [smem:$0x75A]  }
0x845: {  	s11 =	sld [smem:$0x75B]  }
0x846: {  	s17 =	sld [smem:$0x75C]  }
0x847: {  	s28 =	sld [smem:$0x7E6]  }
0x848: {  	s19 =	sld [smem:$0x7FD]  }
0x849: {  	[hbm4b:s26+s2] =	stream.strided.scatter [tilespmem:s30], [sflag:$0x2], $0x6400, s3, s2, $0x38;
	[tilespmem:$0x1BC28] =	vst v63  }
0x84a: {  	p0 =	seq.s32 s28, $0x1  }
0x84b: {  	[spmem:s19@s10], [sflag:s9] =	dma.strided @!p0 [hbm:s18@s11], $0x1E850, s17, $0x10   }
0x84c: {  	_ =	swait.ge @!p0 [sflag:s16], $0x1E850  }
0x84d: {  	[sflag:s16] =	ssyncset.done @!p0 $0x0  }
0x84e: {  	[sflag:s16] =	ssyncadd.s32 @!p0 $0xFFFE17B0  }
0x84f: {  	[bflag:$0x0] =	sbarrier.arrive $0xFFFF  }
0x850: {  	_ =	swait.ge [sflag:s5], $0x6400  }
0x851: {  	[sflag:s5] =	ssyncset.done $0x0  }
0x852: {  	[sflag:s5] =	ssyncadd.s32 $0xFFFF9C00  }
0x853: {  	[tilespmem:s30], [sflag:$0x1] =	stream.indirect.gather [spmem:s1], $0x1, s6, s8, $0xb8;
	[tilespmem:$0x1BC28] =	vst v63  }
0x854: {  	_ =	swait.ge [sflag:s7], $0x6400  }
0x855: {  	[sflag:s7] =	ssyncset.done $0x0  }
0x856: {  	[sflag:s7] =	ssyncadd.s32 $0xFFFF9C00  }
0x857: {  	[bflag:$0x0] =	sbarrier.arrive $0xFFFF  }
0x858: {  	s29 =	sld [smem:$0x7CE]  }
0x859: {  	s17 =	sld [smem:$0x7CF]  }
0x85a: {  	s9 =	sld [smem:$0x75D]  }
0x85b: {  	s10 =	sld [smem:$0x75E]  }
0x85c: {  	s11 =	sld [smem:$0x75F]  }
0x85d: {  	s16 =	sld [smem:$0x760]  }
0x85e: {  	s31 =	sld [smem:$0x7E7]  }
0x85f: {  	s18 =	sld [smem:$0x7FC]  }
0x860: {  	[hbm4b:s29+s2] =	stream.strided.scatter [tilespmem:s30], [sflag:$0x2], $0x6400, s3, s2, $0x38;
	[tilespmem:$0x1BC28] =	vst v63  }
0x861: {  	p0 =	seq.s32 s31, $0x1  }
0x862: {  	[spmem:s18@s10], [sflag:s9] =	dma.strided @!p0 [hbm:s17@s11], $0x1E850, s16, $0x10   }
0x863: {  	_ =	swait.ge @!p0 [sflag:s15], $0x1E850  }
0x864: {  	[sflag:s15] =	ssyncset.done @!p0 $0x0  }
0x865: {  	[sflag:s15] =	ssyncadd.s32 @!p0 $0xFFFE17B0  }
0x866: {  	[bflag:$0x0] =	sbarrier.arrive $0xFFFF  }
0x867: {  	_ =	swait.ge [sflag:s5], $0x6400  }
0x868: {  	[sflag:s5] =	ssyncset.done $0x0  }
0x869: {  	[sflag:s5] =	ssyncadd.s32 $0xFFFF9C00  }
0x86a: {  	[tilespmem:s30], [sflag:$0x1] =	stream.indirect.gather [spmem:s1], $0x1, s6, s8, $0xb8;
	[tilespmem:$0x1BC28] =	vst v63  }
0x86b: {  	_ =	swait.ge [sflag:s7], $0x6400  }
0x86c: {  	[sflag:s7] =	ssyncset.done $0x0  }
0x86d: {  	[sflag:s7] =	ssyncadd.s32 $0xFFFF9C00  }
0x86e: {  	[bflag:$0x0] =	sbarrier.arrive $0xFFFF  }
0x86f: {  	s18 =	sld [smem:$0x7D0]  }
0x870: {  	s16 =	sld [smem:$0x7D1]  }
0x871: {  	s9 =	sld [smem:$0x761]  }
0x872: {  	s10 =	sld [smem:$0x762]  }
0x873: {  	s11 =	sld [smem:$0x763]  }
0x874: {  	s15 =	sld [smem:$0x764]  }
0x875: {  	s19 =	sld [smem:$0x7E8]  }
0x876: {  	s17 =	sld [smem:$0x7FB]  }
0x877: {  	[hbm4b:s18+s2] =	stream.strided.scatter [tilespmem:s30], [sflag:$0x2], $0x6400, s3, s2, $0x38;
	[tilespmem:$0x1BC28] =	vst v63  }
0x878: {  	p0 =	seq.s32 s19, $0x1  }
0x879: {  	[spmem:s17@s10], [sflag:s9] =	dma.strided @!p0 [hbm:s16@s11], $0x1E850, s15, $0x10   }
0x87a: {  	_ =	swait.ge @!p0 [sflag:s14], $0x1E850  }
0x87b: {  	[sflag:s14] =	ssyncset.done @!p0 $0x0  }
0x87c: {  	[sflag:s14] =	ssyncadd.s32 @!p0 $0xFFFE17B0  }
0x87d: {  	[bflag:$0x0] =	sbarrier.arrive $0xFFFF  }
0x87e: {  	_ =	swait.ge [sflag:s5], $0x6400  }
0x87f: {  	[sflag:s5] =	ssyncset.done $0x0  }
0x880: {  	[sflag:s5] =	ssyncadd.s32 $0xFFFF9C00  }
0x881: {  	[tilespmem:s30], [sflag:$0x1] =	stream.indirect.gather [spmem:s1], $0x1, s6, s8, $0xb8;
	[tilespmem:$0x1BC28] =	vst v63  }
0x882: {  	_ =	swait.ge [sflag:s7], $0x6400  }
0x883: {  	[sflag:s7] =	ssyncset.done $0x0  }
0x884: {  	[sflag:s7] =	ssyncadd.s32 $0xFFFF9C00  }
0x885: {  	[bflag:$0x0] =	sbarrier.arrive $0xFFFF  }
0x886: {  	s20 =	sld [smem:$0x7D2]  }
0x887: {  	s15 =	sld [smem:$0x7D3]  }
0x888: {  	s9 =	simm.s32 @!p2 $0x1E83;
	s16 =	sld [smem:$0x7FA]  }
0x889: {  	s10 =	simm.s32 @!p2 $0x10;
	s11 =	simm.s32 @!p2 $0x80;
	s14 =	simm.s32 @!p2 $0x1  }
0x88a: {  	[hbm4b:s20+s2] =	stream.strided.scatter [tilespmem:s30], [sflag:$0x2], $0x6400, s3, s2, $0x38;
	[tilespmem:$0x1BC28] =	vst v63  }
0x88b: {  	[spmem:s16@s10], [sflag:s9] =	dma.strided @!p2 [hbm:s15@s11], $0x1E850, s14, $0x10   }
0x88c: {  	_ =	swait.ge @!p2 [sflag:s13], $0x1E850  }
0x88d: {  	[sflag:s13] =	ssyncset.done @!p2 $0x0  }
0x88e: {  	[sflag:s13] =	ssyncadd.s32 @!p2 $0xFFFE17B0  }
0x88f: {  	[bflag:$0x0] =	sbarrier.arrive $0xFFFF  }
0x890: {  	_ =	swait.ge [sflag:s5], $0x6400  }
0x891: {  	[sflag:s5] =	ssyncset.done $0x0  }
0x892: {  	[sflag:s5] =	ssyncadd.s32 $0xFFFF9C00  }
0x893: {  	[tilespmem:s30], [sflag:$0x1] =	stream.indirect.gather [spmem:s1], $0x1, s6, s8, $0xb8;
	[tilespmem:$0x1BC28] =	vst v63  }
0x894: {  	_ =	swait.ge [sflag:s7], $0x6400  }
0x895: {  	[sflag:s7] =	ssyncset.done $0x0  }
0x896: {  	[sflag:s7] =	ssyncadd.s32 $0xFFFF9C00  }
0x897: {  	[bflag:$0x0] =	sbarrier.arrive $0xFFFF  }
0x898: {  	s21 =	sld [smem:$0x7D4]  }
0x899: {  	s9 =	simm.s32 @!p1 $0x1EC3;
	s14 =	sld [smem:$0x7D5]  }
0x89a: {  	s10 =	simm.s32 @!p1 $0x10;
	s11 =	simm.s32 @!p1 $0x80;
	s13 =	simm.s32 @!p1 $0x1  }
0x89b: {  	[hbm4b:s21+s2] =	stream.strided.scatter [tilespmem:s30], [sflag:$0x2], $0x6400, s3, s2, $0x38;
	[tilespmem:$0x1BC28] =	vst v63  }
0x89c: {  	[spmem:s4@s10], [sflag:s9] =	dma.strided @!p1 [hbm:s14@s11], $0x1E850, s13, $0x10   }
0x89d: {  	_ =	swait.ge @!p1 [sflag:s12], $0x1E850  }
0x89e: {  	[sflag:s12] =	ssyncset.done @!p1 $0x0  }
0x89f: {  	[sflag:s12] =	ssyncadd.s32 @!p1 $0xFFFE17B0  }
0x8a0: {  	[bflag:$0x0] =	sbarrier.arrive $0xFFFF  }
0x8a1: {  	_ =	swait.ge [sflag:s5], $0x6400  }
0x8a2: {  	[sflag:s5] =	ssyncset.done $0x0  }
0x8a3: {  	[sflag:s5] =	ssyncadd.s32 $0xFFFF9C00  }
0x8a4: {  	[tilespmem:s30], [sflag:$0x1] =	stream.indirect.gather [spmem:s1], $0x1, s6, s8, $0xb8;
	[tilespmem:$0x1BC28] =	vst v63  }
0x8a5: {  	_ =	swait.ge [sflag:s7], $0x6400  }
0x8a6: {  	[sflag:s7] =	ssyncset.done $0x0  }
0x8a7: {  	[sflag:s7] =	ssyncadd.s32 $0xFFFF9C00  }
0x8a8: {  	[bflag:$0x0] =	sbarrier.arrive $0xFFFF  }
0x8a9: {  	s22 =	sld [smem:$0x7D6]  }
0x8aa: {  	s13 =	sld [smem:$0x7D7]  }
0x8ab: {  	s4 =	simm.s32 @!p6 $0x1F03;
	s12 =	sld [smem:$0x7EC]  }
0x8ac: {  	s9 =	simm.s32 @!p6 $0x10;
	s10 =	simm.s32 @!p6 $0x80;
	s11 =	simm.s32 @!p6 $0x1  }
0x8ad: {  	[hbm4b:s22+s2] =	stream.strided.scatter [tilespmem:s30], [sflag:$0x2], $0x6400, s3, s2, $0x38;
	[tilespmem:$0x1BC28] =	vst v63  }
0x8ae: {  	[spmem:s12@s9], [sflag:s4] =	dma.strided @!p6 [hbm:s13@s10], $0x1E850, s11, $0x10   }
0x8af: {  	s4 =	simm.s32 @!p6 $0x3  }
0x8b0: {  	_ =	swait.ge @!p6 [sflag:s4], $0x1E850  }
0x8b1: {  	[sflag:s4] =	ssyncset.done @!p6 $0x0  }
0x8b2: {  	[sflag:s4] =	ssyncadd.s32 @!p6 $0xFFFE17B0  }
0x8b3: {  	[bflag:$0x0] =	sbarrier.arrive $0xFFFF  }
0x8b4: {  	_ =	swait.ge [sflag:s5], $0x6400  }
0x8b5: {  	[sflag:s5] =	ssyncset.done $0x0  }
0x8b6: {  	[sflag:s5] =	ssyncadd.s32 $0xFFFF9C00  }
0x8b7: {  	[tilespmem:s30], [sflag:$0x1] =	stream.indirect.gather [spmem:s1], $0x1, s6, s8, $0xb8;
	[tilespmem:$0x1BC28] =	vst v63  }
0x8b8: {  	_ =	swait.ge [sflag:s7], $0x6400  }
0x8b9: {  	[sflag:s7] =	ssyncset.done $0x0  }
0x8ba: {  	[sflag:s7] =	ssyncadd.s32 $0xFFFF9C00  }
0x8bb: {  	[bflag:$0x0] =	sbarrier.arrive $0xFFFF  }
0x8bc: {  	s24 =	sld [smem:$0x7D8]  }
0x8bd: {  	s12 =	sld [smem:$0x7D9]  }
0x8be: {  	s9 =	simm.s32 @!p5 $0x10;
	s13 =	sld [smem:$0x7F8]  }
0x8bf: {  	s10 =	simm.s32 @!p5 $0x80;
	s11 =	simm.s32 @!p5 $0x1;
	s4 =	simm.s32 @!p5 $0x1F43  }
0x8c0: {  	[hbm4b:s24+s2] =	stream.strided.scatter [tilespmem:s30], [sflag:$0x2], $0x6400, s3, s2, $0x38;
	[tilespmem:$0x1BC28] =	vst v63  }
0x8c1: {  	[spmem:s13@s9], [sflag:s4] =	dma.strided @!p5 [hbm:s12@s10], $0x1E850, s11, $0x10   }
0x8c2: {  	_ =	swait.ge @!p5 [sflag:s25], $0x1E850  }
0x8c3: {  	[sflag:s25] =	ssyncset.done @!p5 $0x0  }
0x8c4: {  	[sflag:s25] =	ssyncadd.s32 @!p5 $0xFFFE17B0  }
0x8c5: {  	[bflag:$0x0] =	sbarrier.arrive $0xFFFF  }
0x8c6: {  	_ =	swait.ge [sflag:s5], $0x6400  }
0x8c7: {  	[sflag:s5] =	ssyncset.done $0x0  }
0x8c8: {  	[sflag:s5] =	ssyncadd.s32 $0xFFFF9C00  }
0x8c9: {  	[tilespmem:s30], [sflag:$0x1] =	stream.indirect.gather [spmem:s1], $0x1, s6, s8, $0xb8;
	[tilespmem:$0x1BC28] =	vst v63  }
0x8ca: {  	_ =	swait.ge [sflag:s7], $0x6400  }
0x8cb: {  	[sflag:s7] =	ssyncset.done $0x0  }
0x8cc: {  	[sflag:s7] =	ssyncadd.s32 $0xFFFF9C00  }
0x8cd: {  	[bflag:$0x0] =	sbarrier.arrive $0xFFFF  }
0x8ce: {  	s26 =	sld [smem:$0x7DA]  }
0x8cf: {  	s11 =	sld [smem:$0x7DB]  }
0x8d0: {  	s4 =	simm.s32 @!p4 $0x1F83;
	s13 =	sld [smem:$0x7F7]  }
0x8d1: {  	s9 =	simm.s32 @!p4 $0x10;
	s10 =	simm.s32 @!p4 $0x80;
	s12 =	simm.s32 @!p4 $0x1  }
0x8d2: {  	[hbm4b:s26+s2] =	stream.strided.scatter [tilespmem:s30], [sflag:$0x2], $0x6400, s3, s2, $0x38;
	[tilespmem:$0x1BC28] =	vst v63  }
0x8d3: {  	[spmem:s13@s9], [sflag:s4] =	dma.strided @!p4 [hbm:s11@s10], $0x1E850, s12, $0x10   }
0x8d4: {  	_ =	swait.ge @!p4 [sflag:s23], $0x1E850  }
0x8d5: {  	[sflag:s23] =	ssyncset.done @!p4 $0x0  }
0x8d6: {  	[sflag:s23] =	ssyncadd.s32 @!p4 $0xFFFE17B0  }
0x8d7: {  	[bflag:$0x0] =	sbarrier.arrive $0xFFFF  }
0x8d8: {  	_ =	swait.ge [sflag:s5], $0x6400  }
0x8d9: {  	[sflag:s5] =	ssyncset.done $0x0  }
0x8da: {  	[sflag:s5] =	ssyncadd.s32 $0xFFFF9C00  }
0x8db: {  	[tilespmem:s30], [sflag:$0x1] =	stream.indirect.gather [spmem:s1], $0x1, s6, s8, $0xb8;
	[tilespmem:$0x1BC28] =	vst v63  }
0x8dc: {  	_ =	swait.ge [sflag:s7], $0x6400  }
0x8dd: {  	[sflag:s7] =	ssyncset.done $0x0  }
0x8de: {  	[sflag:s7] =	ssyncadd.s32 $0xFFFF9C00  }
0x8df: {  	[bflag:$0x0] =	sbarrier.arrive $0xFFFF  }
0x8e0: {  	s28 =	sld [smem:$0x7DC]  }
0x8e1: {  	s10 =	sld [smem:$0x7DD]  }
0x8e2: {  	s4 =	simm.s32 @!p3 $0x1FC3;
	s13 =	sld [smem:$0x7F5]  }
0x8e3: {  	s9 =	simm.s32 @!p3 $0x10;
	s11 =	simm.s32 @!p3 $0x80;
	s12 =	simm.s32 @!p3 $0x1  }
0x8e4: {  	[hbm4b:s28+s2] =	stream.strided.scatter [tilespmem:s30], [sflag:$0x2], $0x6400, s3, s2, $0x38;
	[tilespmem:$0x1BC28] =	vst v63  }
0x8e5: {  	[spmem:s13@s9], [sflag:s4] =	dma.strided @!p3 [hbm:s10@s11], $0x1E850, s12, $0x10   }
0x8e6: {  	_ =	swait.ge @!p3 [sflag:s0], $0x1E850  }
0x8e7: {  	[sflag:s0] =	ssyncset.done @!p3 $0x0  }
0x8e8: {  	[sflag:s0] =	ssyncadd.s32 @!p3 $0xFFFE17B0  }
0x8e9: {  	[bflag:$0x0] =	sbarrier.arrive $0xFFFF  }
0x8ea: {  	_ =	swait.ge [sflag:s5], $0x6400  }
0x8eb: {  	[sflag:s5] =	ssyncset.done $0x0  }
0x8ec: {  	[sflag:s5] =	ssyncadd.s32 $0xFFFF9C00  }
0x8ed: {  	[tilespmem:s30], [sflag:$0x1] =	stream.indirect.gather [spmem:s1], $0x1, s6, s8, $0xb8;
	[tilespmem:$0x1BC28] =	vst v63  }
0x8ee: {  	_ =	swait.ge [sflag:s7], $0x6400  }
0x8ef: {  	[sflag:s7] =	ssyncset.done $0x0  }
0x8f0: {  	[sflag:s7] =	ssyncadd.s32 $0xFFFF9C00  }
0x8f1: {  	[bflag:$0x0] =	sbarrier.arrive $0xFFFF  }
0x8f2: {  	s29 =	sld [smem:$0x7DE];
	_ =	sdelay $0x2  }
0x8f3: {  	[hbm4b:s29+s2] =	stream.strided.scatter [tilespmem:s30], [sflag:$0x2], $0x6400, s3, s2, $0x38;
	[tilespmem:$0x1BC28] =	vst v63  }
0x8f4: {  	_ =	swait.ge [sflag:s5], $0x6400  }
0x8f5: {  	[sflag:s5] =	ssyncset.done $0x0  }
0x8f6: {  	[sflag:s5] =	ssyncadd.s32 $0xFFFF9C00  }
0x8f7: {  	_ =	sfence.sel $0x180000  }
0x8f8: {  	[bflag:$0x0] =	sbarrier.arrive $0xFFFF  }
0x8f9: {  	_ =	strace $0x90000047  }
0x8fa: {  	[bflag:$0x2] =	sbarrier.arrive $0xFFFF  }
0x8fb: {  	s31 =	sld [smem:$0x7DF];
	_ =	sdelay $0x2  }
0x8fc: {  	s0 =	rddreg [dreg:$0x3];
	p0 =	seq.s32 s31, $0x1  }
0x8fd: {  	s0 =	sadd.s32 @!p0 $0x100000, s0  }
0x8fe: {  	[sflag:s0] =	ssyncadd.tile.s32 @!p0 $0x1;
	_ =	shalt  }
.LBB2_1:
0x8ff: {  	s23 =	smov.u32 s15  }
0x900: {  	s14 =	smov.u32 s12;
	s12 =	smov.u32 s10;
	s10 =	sld [smem:$0x7E6]  }
0x901: {  	s15 =	smov.u32 s13;
	s13 =	smov.u32 s11;
	s11 =	sld [smem:$0x7EA]  }
0x902: {  	s24 =	sld [smem:$0x7EB]  }
0x903: {  	p0 =	por $0x0, $0x0;
	s31 =	smov.u32 s26;
	s26 =	sld [smem:$0x7ED]  }
.Ltmp3:
0x904: {  	s28 =	sld [smem:$0x7EE];
	s0 =	simm.s32 @!p0 $0x0;
	(pc) =	sbr.rel .LBB2_6-.Ltmp3, $4  }
0x905: {  	s25 =	smov.u32 s4;
	s29 =	sld [smem:$0x7DF];
	s0 =	simm.s32 @p0 $0x1  }
0x906: {  	[smem:$0x7BA] =	sst s0;
	s0 =	smov.u32 s9;
	p3 =	seq.s32 s10, $0x1  }
0x907: {  	p0 =	seq.s32 s11, $0x1;
	p6 =	seq.s32 s24, $0x1;
	p5 =	seq.s32 s26, $0x1  }
0x908: {  	p4 =	seq.s32 s28, $0x1;
	p2 =	seq.s32 s29, $0x1;
	s9 =	smov.u32 s18  }
.LBB2_3:
0x909: {  	s0 =	sld [smem:$0x7F0]  }
0x90a: {  	s15 =	sld [smem:$0x7F4]  }
0x90b: {  	s14 =	sld [smem:$0x7F3]  }
0x90c: {  	s13 =	sld [smem:$0x7F2]  }
0x90d: {  	s12 =	sld [smem:$0x7F1]  }
0x90e: {  	s21 =	sld [smem:$0x7FD]  }
0x90f: {  	s4 =	sld [smem:$0x7E6]  }
0x910: {  	s20 =	sld [smem:$0x7FC]  }
0x911: {  	s31 =	sld [smem:$0x7FB]  }
0x912: {  	s25 =	sld [smem:$0x7FA]  }
0x913: {  	s23 =	sld [smem:$0x7EA]  }
0x914: {  	s24 =	sld [smem:$0x7EB]  }
0x915: {  	s26 =	sld [smem:$0x7ED]  }
0x916: {  	s28 =	sld [smem:$0x7EE]  }
0x917: {  	s29 =	sld [smem:$0x7DF]  }
.Ltmp4:
0x918: {  	s22 =	sld [smem:$0x7A3];
	(pc) =	sbr.rel .LBB2_6-.Ltmp4, $4  }
0x919: {  	s9 =	sld [smem:$0x7F6]  }
0x91a: {  	s16 =	sld [smem:$0x767];
	s17 =	simm.s32 $0x3;
	p3 =	seq.s32 s4, $0x1  }
0x91b: {  	p0 =	seq.s32 s23, $0x1;
	p6 =	seq.s32 s24, $0x1;
	p5 =	seq.s32 s26, $0x1  }
0x91c: {  	p4 =	seq.s32 s28, $0x1;
	p2 =	seq.s32 s29, $0x1;
	s23 =	sld [smem:$0x7F9]  }
.Lfunc_end2:
_tile_overlayer_lowered:
.L_overlay_start_2:
0x91d: {  	(tag) =	ssettag $0x2  }
0x91e: {  	s0 =	rddreg [dreg:$0x0];
	s2 =	stileid.u32  }
0x91f: {  	s1 =	rddreg [dreg:$0x1];
	p0 =	sne.s32 s2, $0x0  }
0x920: {  	s3 =	rddreg [dreg:$0x2];
	[bflag:$0x3] =	sbarrier.arrive $0xFFFF;
	s2 =	simm.s32 @!p0 $0x1C03  }
0x921: {  	[timem:s3], [sflag:s2] =	dma.local @!p0 [hbm:s0], s1  }
0x922: {  	s0 =	simm.s32 @!p0 $0x3  }
0x923: {  	_ =	swait.ge @!p0 [sflag:s0], s1  }
0x924: {  	s1 =	ssub.s32 @!p0 $0x0, s1;
	[sflag:s0] =	ssyncset.done @!p0 $0x0  }
0x925: {  	[sflag:s0] =	ssyncadd.s32 @!p0 s1  }
0x926: {  	[bflag:$0x3] =	sbarrier.arrive $0xFFFF  }
0x927: {  	_ =	shalt  }

</sc_bundles>
